<compile_context>
chip_gen: v7x
topology: tpu7x:2x2x1
jax: 0.10.2.dev20260603
libtpu: 0.0.44.dev20260713+nightly
codegen_flags: <defaults>
</compile_context>

<pallas_src>
import functools

import jax
import jax.numpy as jnp
from jax import lax
from jax.experimental import pallas as pl
from jax.experimental.pallas import tpu as pltpu
from jax.experimental.pallas import tpu_sc as plsc

N = 10000
E = 320000
NF = 128
H = 8
OUT = 16
ALPHA = 0.2

NC = 2
NS = 16
NW = NC * NS
EPW = E // NW
B = 80
NCHUNK = EPW // B
RPT = N // NS


def _proj_body(x_ref, wcat_ref, bcat_ref, a1_ref, b1_ref, a2_ref, b2_ref,
               whf_ref, s2_ref):
    xv = x_ref[...]
    wh = jnp.dot(xv, wcat_ref[...], preferred_element_type=jnp.float32,
                 precision=lax.Precision.HIGHEST) + bcat_ref[...]
    s1 = jnp.dot(wh, a1_ref[...], preferred_element_type=jnp.float32,
                 precision=lax.Precision.HIGHEST) + b1_ref[...]
    whf_ref[...] = jnp.concatenate([wh, s1], axis=1)
    s2_ref[...] = jnp.dot(wh, a2_ref[...], preferred_element_type=jnp.float32,
                          precision=lax.Precision.HIGHEST) + b2_ref[...]


def _tc_project(x, wcat, bcat, a1, b1, a2, b2):
    mb = 1000
    return pl.pallas_call(
        _proj_body,
        grid=(N // mb,),
        in_specs=[
            pl.BlockSpec((mb, NF), lambda i: (i, 0)),
            pl.BlockSpec((NF, NF), lambda i: (0, 0)),
            pl.BlockSpec((1, NF), lambda i: (0, 0)),
            pl.BlockSpec((NF, 16), lambda i: (0, 0)),
            pl.BlockSpec((1, 16), lambda i: (0, 0)),
            pl.BlockSpec((NF, 16), lambda i: (0, 0)),
            pl.BlockSpec((1, 16), lambda i: (0, 0)),
        ],
        out_specs=[
            pl.BlockSpec((mb, NF + 16), lambda i: (i, 0)),
            pl.BlockSpec((mb, 16), lambda i: (i, 0)),
        ],
        out_shape=[
            jax.ShapeDtypeStruct((N, NF + 16), jnp.float32),
            jax.ShapeDtypeStruct((N, 16), jnp.float32),
        ],
    )(x, wcat, bcat, a1, b1, a2, b2)


def _dyn_gather(vec, idx):
    return lax.gather(
        vec, idx[:, None],
        lax.GatherDimensionNumbers(offset_dims=(), collapsed_slice_dims=(0,),
                                   start_index_map=(0,)),
        (1,), mode=lax.GatherScatterMode.PROMISE_IN_BOUNDS)


def _sc_edge_pass(ei, s2_tab, whf, z144):
    mesh = plsc.VectorSubcoreMesh(core_axis_name="c", subcore_axis_name="s")

    @functools.partial(
        pl.kernel,
        out_type=jax.ShapeDtypeStruct((NC, N, NF + 16), jnp.float32),
        mesh=mesh,
        compiler_params=pltpu.CompilerParams(use_tc_tiling_on_sc=False,
                                             needs_layout_passes=False),
        scratch_types=[
            pltpu.VMEM((8, B), jnp.int32),
            pltpu.VMEM((2, B, 16), jnp.float32),
            pltpu.VMEM((2, B, NF + 16), jnp.float32),
            pltpu.VMEM_SHARED((N, NF + 16), jnp.float32),
            pltpu.SemaphoreType.DMA,
            pltpu.SemaphoreType.DMA,
            pltpu.SemaphoreType.DMA,
            pltpu.SemaphoreType.DMA,
            pltpu.SemaphoreType.DMA,
            pltpu.SemaphoreType.DMA,
        ],
    )
    def k(ei_h, s2_h, whf_h, z144_h, nump_h,
          idxb, sdstb, whb, nsh,
          gsem0, gsem1, ssem0, ssem1, stsem0, stsem1):
        c = lax.axis_index("c")
        s = lax.axis_index("s")
        wid = c * NS + s
        rbase = s * RPT
        gsems = (gsem0, gsem1)
        ssems = (ssem0, ssem1)
        stsems = (stsem0, stsem1)
        pltpu.sync_copy(z144_h.at[pl.ds(rbase, RPT)], nsh.at[pl.ds(rbase, RPT)])

        def stage_start(j, par):
            r4 = jnp.bitwise_and(j, 3)
            pltpu.async_copy(ei_h.at[wid, j], idxb.at[pl.ds(2 * r4, 2)],
                             stsems[par])

        def stage_wait(j, par):
            r4 = jnp.bitwise_and(j, 3)
            pltpu.make_async_copy(ei_h.at[wid, j], idxb.at[pl.ds(2 * r4, 2)],
                                  stsems[par]).wait()

        stage_start(0, 0)
        stage_start(1, 1)
        stage_start(2, 0)
        stage_start(3, 1)

        plsc.subcore_barrier()
        lane = lax.iota(jnp.int32, 16)
        lo_idx = jnp.bitwise_and(lane, 7)

        def gather_start(j, slot):
            r4 = jnp.bitwise_and(j, 3)
            si = idxb.at[2 * r4]
            di = idxb.at[2 * r4 + 1]
            pltpu.async_copy(s2_h.at[di], sdstb.at[slot], gsems[slot])
            pltpu.async_copy(whf_h.at[si], whb.at[slot], gsems[slot])

        def gather_wait(j, slot):
            r4 = jnp.bitwise_and(j, 3)
            si = idxb.at[2 * r4]
            di = idxb.at[2 * r4 + 1]
            pltpu.make_async_copy(s2_h.at[di], sdstb.at[slot],
                                  gsems[slot]).wait()
            pltpu.make_async_copy(whf_h.at[si], whb.at[slot],
                                  gsems[slot]).wait()

        def scatter_start(j, slot):
            r4 = jnp.bitwise_and(j, 3)
            di = idxb.at[2 * r4 + 1]
            h1 = pltpu.async_copy(whb.at[slot], nsh.at[di], ssems[slot],
                                  add=True)
            return (h1,)

        def compute(slot):
            db = sdstb.at[slot]
            whs = whb.at[slot]

            @pl.loop(0, B, step=4)
            def _edge(e0):
                for u in range(4):
                    e = e0 + u
                    t = whs[e, pl.ds(NF, 16)] + db[e, :]
                    t = jnp.where(t > 0, t, ALPHA * t)
                    w = jnp.exp(t)
                    whs[e, pl.ds(NF, 16)] = w
                    wv = _dyn_gather(w, lo_idx)
                    for h in range(H):
                        v = whs[e, pl.ds(h * OUT, OUT)]
                        whs[e, pl.ds(h * OUT, OUT)] = v * wv

        NPAIR = NCHUNK // 2
        stage_wait(0, 0)
        gather_start(0, 0)
        stage_wait(1, 1)
        gather_start(1, 1)

        @pl.loop(0, NPAIR)
        def _pair(p):
            j0 = 2 * p
            j1 = j0 + 1
            gather_wait(j0, 0)
            compute(0)
            sc0 = scatter_start(j0, 0)
            stage_wait(j0 + 2, 0)
            gather_start(j0 + 2, 0)
            gather_wait(j1, 1)
            compute(1)
            sc1 = scatter_start(j1, 1)

            @pl.when(p < NPAIR - 1)
            def _():
                stage_wait(j1 + 2, 1)
                gather_start(j1 + 2, 1)

            sc0[0].wait()
            sc1[0].wait()

            @pl.when(p < NPAIR - 1)
            def _():
                stage_start(j0 + 4, 0)

            @pl.when(p < NPAIR - 2)
            def _():
                stage_start(j1 + 4, 1)

        gather_wait(NCHUNK - 1, 0)
        compute(0)
        sce = scatter_start(NCHUNK - 1, 0)
        sce[0].wait()

        plsc.subcore_barrier()
        pltpu.sync_copy(nsh.at[pl.ds(rbase, RPT)],
                        nump_h.at[c].at[pl.ds(rbase, RPT)])

    return k(ei, s2_tab, whf, z144)


def _combine_body(np_ref, e_ref, p_ref, o_ref):
    m = np_ref[0] + np_ref[1]
    num = m[:, :NF]
    den = m[:, NF:]
    den = jnp.where(den == 0.0, 1.0, den)
    rec = 1.0 / den
    res = num * jnp.dot(rec, e_ref[...],
                        preferred_element_type=jnp.float32,
                        precision=lax.Precision.HIGHEST)
    o_ref[...] = jnp.dot(res, p_ref[...],
                         preferred_element_type=jnp.float32,
                         precision=lax.Precision.HIGHEST)


def _tc_combine(nump, eexp, pmat):
    mb = 1000
    return pl.pallas_call(
        _combine_body,
        grid=(N // mb,),
        in_specs=[
            pl.BlockSpec((NC, mb, NF + 16), lambda i: (0, i, 0)),
            pl.BlockSpec((16, NF), lambda i: (0, 0)),
            pl.BlockSpec((NF, NF), lambda i: (0, 0)),
        ],
        out_specs=pl.BlockSpec((mb, NF), lambda i: (i, 0)),
        out_shape=jax.ShapeDtypeStruct((N, NF), jnp.float32),
    )(nump, eexp, pmat)


def kernel(x, edge_index, W, W_b, a_w, a_b):
    wcat = jnp.transpose(W, (1, 0, 2)).reshape(NF, NF)
    bcat = W_b.reshape(1, NF)
    kcol = jnp.arange(NF, dtype=jnp.int32)
    perm = (kcol % H) * OUT + kcol // H
    wcat2 = wcat[:, perm]
    bcat2 = bcat[:, perm]
    asrc, adst = a_w[:, :OUT], a_w[:, OUT:]
    eye8 = jnp.eye(H, dtype=jnp.float32)
    a1h = (asrc.T[:, :, None] * eye8[None, :, :]).reshape(NF, H)
    a2h = (adst.T[:, :, None] * eye8[None, :, :]).reshape(NF, H)
    zc = jnp.zeros((NF, H), jnp.float32)
    a1 = jnp.concatenate([a1h, zc], axis=1)
    a2 = jnp.concatenate([a2h, zc], axis=1)
    b1 = jnp.concatenate([a_b, jnp.zeros((H,), jnp.float32)]).reshape(1, 16)
    b2 = jnp.concatenate([jnp.zeros((H,), jnp.float32),
                          jnp.full((H,), -1e30, jnp.float32)]).reshape(1, 16)
    eexp = jnp.concatenate(
        [jnp.tile(eye8, (1, OUT)),
         jnp.zeros((8, NF), jnp.float32)], axis=0)
    pmat = jax.nn.one_hot(perm, NF, dtype=jnp.float32)
    src = edge_index[0].astype(jnp.int32).reshape(NW, NCHUNK, B)
    dst = edge_index[1].astype(jnp.int32).reshape(NW, NCHUNK, B)
    ei = jnp.stack([src, dst], axis=2)
    z144 = jnp.zeros((N, NF + 16), jnp.float32)

    whf, s2_tab = _tc_project(x, wcat2, bcat2, a1, b1, a2, b2)
    nump = _sc_edge_pass(ei, s2_tab, whf, z144)
    return _tc_combine(nump, eexp, pmat)

# --- scband reference (transcript-rebuilt; emitter-appended) ---
"""Pipeline reference for scband-gatconv-42958262894974 (READ-ONLY COPY).

The authoritative reference and input builder live on the scoring server;
editing this copy changes nothing except your own understanding.
"""

import jax, jax.numpy as jnp
import numpy as np

N = 10000
E = 320000
NFEAT = 128
NHID = 128
NHEADS = 8
OUT = NHID // NHEADS  # 16 per head
ALPHA = 0.2  # LeakyReLU negative slope


def setup_inputs(seed: int = 0) -> dict:
    key = jax.random.key(seed)
    k1, k2, k3, k4, k5, k6 = jax.random.split(key, 6)
    x = jax.random.normal(k1, (N, NFEAT), dtype=jnp.float32)
    edge_index = jax.random.randint(k2, (2, E), 0, N)
    # Per-head parameters (FinalGATLayer): W: Linear(nfeat -> nhid//nheads), a: Linear(2*out -> 1)
    W = jax.random.normal(k3, (NHEADS, NFEAT, OUT), dtype=jnp.float32) * (1.414 / np.sqrt(NFEAT + OUT))
    W_b = jnp.zeros((NHEADS, OUT), dtype=jnp.float32)
    a_w = jax.random.normal(k4, (NHEADS, 2 * OUT), dtype=jnp.float32) * (1.414 / np.sqrt(2 * OUT + 1))
    a_b = jnp.zeros((NHEADS,), dtype=jnp.float32)
    return {"x": x, "edge_index": edge_index, "W": W, "W_b": W_b, "a_w": a_w, "a_b": a_b}


def reference(x, edge_index, W, W_b, a_w, a_b):
    # Eval-mode: F.dropout(training=False) is identity.
    src = edge_index[0]
    dst = edge_index[1]
    outs = []
    for h in range(NHEADS):
        Wh = x @ W[h] + W_b[h]                                   # [N, OUT]
        cat = jnp.concatenate([Wh[src], Wh[dst]], axis=1)        # [E, 2*OUT] (gather)
        e = cat @ a_w[h] + a_b[h]                                # [E]
        e = jnp.where(e > 0, e, ALPHA * e)                       # LeakyReLU(alpha)
        # per-destination softmax over incoming edges (DGL pull + softmax over mailbox)
        m = jax.ops.segment_max(e, dst, num_segments=N)
        m = jnp.where(jnp.isfinite(m), m, 0.0)
        m = jax.lax.stop_gradient(m)
        ex = jnp.exp(e - m[dst])
        denom = jax.ops.segment_sum(ex, dst, num_segments=N)
        denom = jnp.where(denom == 0, 1.0, denom)
        att = ex / denom[dst]                                    # [E]
        h_prime = jax.ops.segment_sum(att[:, None] * Wh[src], dst, num_segments=N)  # scatter-add
        outs.append(h_prime)
    return jnp.concatenate(outs, axis=1)                         # [N, NHID]

if __name__ == "__main__":
    import jax
    _d = setup_inputs()
    print(jax.jit(kernel)(*tuple(_d.values())))

</pallas_src>

<mosaic_0001>
#map = affine_map<(d0, d1) -> (0, 0, 0, 0)>
#map1 = affine_map<(d0, d1) -> (0, 0)>
#map2 = affine_map<(d0, d1) -> (0, 0, 0)>
module attributes {stable_mosaic.version = 14 : i64} {
  func.func @k(%arg0: i32, %arg1: i32, %arg2: memref<32x125x2x80xi32, #tpu.memory_space<hbm>>, %arg3: memref<10000x16xf32, #tpu.memory_space<hbm>>, %arg4: memref<10000x144xf32, #tpu.memory_space<hbm>>, %arg5: memref<10000x144xf32, #tpu.memory_space<hbm>>, %arg6: memref<2x10000x144xf32, #tpu.memory_space<hbm>>, %arg7: memref<8x80xi32, #tpu.memory_space<vmem>>, %arg8: memref<2x80x16xf32, #tpu.memory_space<vmem>>, %arg9: memref<2x80x144xf32, #tpu.memory_space<vmem>>, %arg10: memref<10000x144xf32, #tpu.memory_space<vmem_shared>>, %arg11: memref<!tpu.dma_semaphore, #tpu.memory_space<semaphore_mem>>, %arg12: memref<!tpu.dma_semaphore, #tpu.memory_space<semaphore_mem>>, %arg13: memref<!tpu.dma_semaphore, #tpu.memory_space<semaphore_mem>>, %arg14: memref<!tpu.dma_semaphore, #tpu.memory_space<semaphore_mem>>, %arg15: memref<!tpu.dma_semaphore, #tpu.memory_space<semaphore_mem>>, %arg16: memref<!tpu.dma_semaphore, #tpu.memory_space<semaphore_mem>>) attributes {dimension_semantics = [#tpu.dimension_semantics<core_parallel>, #tpu.dimension_semantics<subcore_parallel>], iteration_bounds = array<i64: 2, 16>, scalar_prefetch = 0 : i64, scratch_operands = 10 : i64, tpu.core_type = #tpu.core_type<sc_vector_subcore>, window_params = [{transform_indices = #map}, {transform_indices = #map1}, {transform_indices = #map1}, {transform_indices = #map1}, {transform_indices = #map2}]} {
    %mul3A = arith.constant 16 : i32
    %mul3A_0 = arith.muli %arg0, %mul3A : i32
    %add3A = arith.addi %mul3A_0, %arg1 : i32
    %mul3A_1 = arith.constant 625 : i32
    %mul3A_2 = arith.muli %arg1, %mul3A_1 : i32
    "tpu.region"() ({
      %run_scoped3A = tpu.sem_alloc : memref<!tpu.dma_semaphore, #tpu.memory_space<semaphore_mem>>
      %dma_start3A_245 = arith.constant 0 : i32
      %dma_start3A_246 = tpu.memref_slice %arg10[%mul3A_2, %dma_start3A_245] : memref<10000x144xf32, #tpu.memory_space<vmem_shared>> -> memref<625x144xf32, #tpu.memory_space<vmem_shared>>
      %dma_start3A_247 = arith.constant 0 : i32
      %dma_start3A_248 = tpu.memref_slice %arg5[%mul3A_2, %dma_start3A_247] : memref<10000x144xf32, #tpu.memory_space<hbm>> -> memref<625x144xf32, #tpu.memory_space<hbm>>
      tpu.enqueue_dma source(%dma_start3A_248 : memref<625x144xf32, #tpu.memory_space<hbm>>) target(%dma_start3A_246 : memref<625x144xf32, #tpu.memory_space<vmem_shared>>) target_semaphore(%run_scoped3A : memref<!tpu.dma_semaphore, #tpu.memory_space<semaphore_mem>>)
      %dma_wait3A_249 = arith.constant 0 : i32
      %dma_wait3A_250 = tpu.memref_slice %arg10[%mul3A_2, %dma_wait3A_249] : memref<10000x144xf32, #tpu.memory_space<vmem_shared>> -> memref<625x144xf32, #tpu.memory_space<vmem_shared>>
      %dma_wait3A_251 = arith.constant 0 : i32
      %dma_wait3A_252 = tpu.memref_slice %arg5[%mul3A_2, %dma_wait3A_251] : memref<10000x144xf32, #tpu.memory_space<hbm>> -> memref<625x144xf32, #tpu.memory_space<hbm>>
      tpu.wait_dma2 semaphore(%run_scoped3A : memref<!tpu.dma_semaphore, #tpu.memory_space<semaphore_mem>>) src(%dma_wait3A_252 : memref<625x144xf32, #tpu.memory_space<hbm>>) dst(%dma_wait3A_250 : memref<625x144xf32, #tpu.memory_space<vmem_shared>>)
      tpu.yield
    }) : () -> ()
    %and3A = arith.constant 0 : i32
    %and3A_3 = arith.constant 3 : i32
    %and3A_4 = arith.andi %and3A, %and3A_3 : i32
    %mul3A_5 = arith.constant 2 : i32
    %mul3A_6 = arith.muli %mul3A_5, %and3A_4 : i32
    %dma_start3A = arith.constant 0 : i32
    %dma_start3A_7 = arith.constant 0 : i32
    %dma_start3A_8 = tpu.memref_slice %arg7[%mul3A_6, %dma_start3A_7] : memref<8x80xi32, #tpu.memory_space<vmem>> -> memref<2x80xi32, #tpu.memory_space<vmem>>
    %dma_start3A_9 = arith.constant 0 : i32
    %dma_start3A_10 = arith.constant 0 : i32
    %dma_start3A_11 = tpu.memref_slice %arg2[%add3A, %dma_start3A, %dma_start3A_9, %dma_start3A_10] : memref<32x125x2x80xi32, #tpu.memory_space<hbm>> -> memref<1x1x2x80xi32, #tpu.memory_space<hbm>>
    %dma_start3A_12 = tpu.memref_squeeze %dma_start3A_11 : memref<1x1x2x80xi32, #tpu.memory_space<hbm>> -> memref<2x80xi32, #tpu.memory_space<hbm>>
    %dma_start3A_13 = arith.constant 0 : i32
    %dma_start3A_14 = tpu.memref_slice %arg7[%mul3A_6, %dma_start3A_13] : memref<8x80xi32, #tpu.memory_space<vmem>> -> memref<2x80xi32, #tpu.memory_space<vmem>>
    %dma_start3A_15 = arith.constant 0 : i32
    %dma_start3A_16 = arith.constant 0 : i32
    %dma_start3A_17 = tpu.memref_slice %arg2[%add3A, %dma_start3A, %dma_start3A_15, %dma_start3A_16] : memref<32x125x2x80xi32, #tpu.memory_space<hbm>> -> memref<1x1x2x80xi32, #tpu.memory_space<hbm>>
    %dma_start3A_18 = tpu.memref_squeeze %dma_start3A_17 : memref<1x1x2x80xi32, #tpu.memory_space<hbm>> -> memref<2x80xi32, #tpu.memory_space<hbm>>
    tpu.enqueue_dma source(%dma_start3A_18 : memref<2x80xi32, #tpu.memory_space<hbm>>) target(%dma_start3A_14 : memref<2x80xi32, #tpu.memory_space<vmem>>) target_semaphore(%arg15 : memref<!tpu.dma_semaphore, #tpu.memory_space<semaphore_mem>>)
    %and3A_19 = arith.constant 1 : i32
    %and3A_20 = arith.constant 3 : i32
    %and3A_21 = arith.andi %and3A_19, %and3A_20 : i32
    %mul3A_22 = arith.constant 2 : i32
    %mul3A_23 = arith.muli %mul3A_22, %and3A_21 : i32
    %dma_start3A_24 = arith.constant 1 : i32
    %dma_start3A_25 = arith.constant 0 : i32
    %dma_start3A_26 = tpu.memref_slice %arg7[%mul3A_23, %dma_start3A_25] : memref<8x80xi32, #tpu.memory_space<vmem>> -> memref<2x80xi32, #tpu.memory_space<vmem>>
    %dma_start3A_27 = arith.constant 0 : i32
    %dma_start3A_28 = arith.constant 0 : i32
    %dma_start3A_29 = tpu.memref_slice %arg2[%add3A, %dma_start3A_24, %dma_start3A_27, %dma_start3A_28] : memref<32x125x2x80xi32, #tpu.memory_space<hbm>> -> memref<1x1x2x80xi32, #tpu.memory_space<hbm>>
    %dma_start3A_30 = tpu.memref_squeeze %dma_start3A_29 : memref<1x1x2x80xi32, #tpu.memory_space<hbm>> -> memref<2x80xi32, #tpu.memory_space<hbm>>
    %dma_start3A_31 = arith.constant 0 : i32
    %dma_start3A_32 = tpu.memref_slice %arg7[%mul3A_23, %dma_start3A_31] : memref<8x80xi32, #tpu.memory_space<vmem>> -> memref<2x80xi32, #tpu.memory_space<vmem>>
    %dma_start3A_33 = arith.constant 0 : i32
    %dma_start3A_34 = arith.constant 0 : i32
    %dma_start3A_35 = tpu.memref_slice %arg2[%add3A, %dma_start3A_24, %dma_start3A_33, %dma_start3A_34] : memref<32x125x2x80xi32, #tpu.memory_space<hbm>> -> memref<1x1x2x80xi32, #tpu.memory_space<hbm>>
    %dma_start3A_36 = tpu.memref_squeeze %dma_start3A_35 : memref<1x1x2x80xi32, #tpu.memory_space<hbm>> -> memref<2x80xi32, #tpu.memory_space<hbm>>
    tpu.enqueue_dma source(%dma_start3A_36 : memref<2x80xi32, #tpu.memory_space<hbm>>) target(%dma_start3A_32 : memref<2x80xi32, #tpu.memory_space<vmem>>) target_semaphore(%arg16 : memref<!tpu.dma_semaphore, #tpu.memory_space<semaphore_mem>>)
    %and3A_37 = arith.constant 2 : i32
    %and3A_38 = arith.constant 3 : i32
    %and3A_39 = arith.andi %and3A_37, %and3A_38 : i32
    %mul3A_40 = arith.constant 2 : i32
    %mul3A_41 = arith.muli %mul3A_40, %and3A_39 : i32
    %dma_start3A_42 = arith.constant 2 : i32
    %dma_start3A_43 = arith.constant 0 : i32
    %dma_start3A_44 = tpu.memref_slice %arg7[%mul3A_41, %dma_start3A_43] : memref<8x80xi32, #tpu.memory_space<vmem>> -> memref<2x80xi32, #tpu.memory_space<vmem>>
    %dma_start3A_45 = arith.constant 0 : i32
    %dma_start3A_46 = arith.constant 0 : i32
    %dma_start3A_47 = tpu.memref_slice %arg2[%add3A, %dma_start3A_42, %dma_start3A_45, %dma_start3A_46] : memref<32x125x2x80xi32, #tpu.memory_space<hbm>> -> memref<1x1x2x80xi32, #tpu.memory_space<hbm>>
    %dma_start3A_48 = tpu.memref_squeeze %dma_start3A_47 : memref<1x1x2x80xi32, #tpu.memory_space<hbm>> -> memref<2x80xi32, #tpu.memory_space<hbm>>
    %dma_start3A_49 = arith.constant 0 : i32
    %dma_start3A_50 = tpu.memref_slice %arg7[%mul3A_41, %dma_start3A_49] : memref<8x80xi32, #tpu.memory_space<vmem>> -> memref<2x80xi32, #tpu.memory_space<vmem>>
    %dma_start3A_51 = arith.constant 0 : i32
    %dma_start3A_52 = arith.constant 0 : i32
    %dma_start3A_53 = tpu.memref_slice %arg2[%add3A, %dma_start3A_42, %dma_start3A_51, %dma_start3A_52] : memref<32x125x2x80xi32, #tpu.memory_space<hbm>> -> memref<1x1x2x80xi32, #tpu.memory_space<hbm>>
    %dma_start3A_54 = tpu.memref_squeeze %dma_start3A_53 : memref<1x1x2x80xi32, #tpu.memory_space<hbm>> -> memref<2x80xi32, #tpu.memory_space<hbm>>
    tpu.enqueue_dma source(%dma_start3A_54 : memref<2x80xi32, #tpu.memory_space<hbm>>) target(%dma_start3A_50 : memref<2x80xi32, #tpu.memory_space<vmem>>) target_semaphore(%arg15 : memref<!tpu.dma_semaphore, #tpu.memory_space<semaphore_mem>>)
    %and3A_55 = arith.constant 3 : i32
    %and3A_56 = arith.constant 3 : i32
    %and3A_57 = arith.andi %and3A_55, %and3A_56 : i32
    %mul3A_58 = arith.constant 2 : i32
    %mul3A_59 = arith.muli %mul3A_58, %and3A_57 : i32
    %dma_start3A_60 = arith.constant 3 : i32
    %dma_start3A_61 = arith.constant 0 : i32
    %dma_start3A_62 = tpu.memref_slice %arg7[%mul3A_59, %dma_start3A_61] : memref<8x80xi32, #tpu.memory_space<vmem>> -> memref<2x80xi32, #tpu.memory_space<vmem>>
    %dma_start3A_63 = arith.constant 0 : i32
    %dma_start3A_64 = arith.constant 0 : i32
    %dma_start3A_65 = tpu.memref_slice %arg2[%add3A, %dma_start3A_60, %dma_start3A_63, %dma_start3A_64] : memref<32x125x2x80xi32, #tpu.memory_space<hbm>> -> memref<1x1x2x80xi32, #tpu.memory_space<hbm>>
    %dma_start3A_66 = tpu.memref_squeeze %dma_start3A_65 : memref<1x1x2x80xi32, #tpu.memory_space<hbm>> -> memref<2x80xi32, #tpu.memory_space<hbm>>
    %dma_start3A_67 = arith.constant 0 : i32
    %dma_start3A_68 = tpu.memref_slice %arg7[%mul3A_59, %dma_start3A_67] : memref<8x80xi32, #tpu.memory_space<vmem>> -> memref<2x80xi32, #tpu.memory_space<vmem>>
    %dma_start3A_69 = arith.constant 0 : i32
    %dma_start3A_70 = arith.constant 0 : i32
    %dma_start3A_71 = tpu.memref_slice %arg2[%add3A, %dma_start3A_60, %dma_start3A_69, %dma_start3A_70] : memref<32x125x2x80xi32, #tpu.memory_space<hbm>> -> memref<1x1x2x80xi32, #tpu.memory_space<hbm>>
    %dma_start3A_72 = tpu.memref_squeeze %dma_start3A_71 : memref<1x1x2x80xi32, #tpu.memory_space<hbm>> -> memref<2x80xi32, #tpu.memory_space<hbm>>
    tpu.enqueue_dma source(%dma_start3A_72 : memref<2x80xi32, #tpu.memory_space<hbm>>) target(%dma_start3A_68 : memref<2x80xi32, #tpu.memory_space<vmem>>) target_semaphore(%arg16 : memref<!tpu.dma_semaphore, #tpu.memory_space<semaphore_mem>>)
    %barrier3A = arith.constant 0 : index
    tpu.barrier barrier_id(%barrier3A)
    %iota3A = tpu.iota {dimensions = array<i32: 0>} : vector<16xi32>
    %and3A_73 = arith.constant 7 : i32
    %and3A_74 = vector.broadcast %and3A_73 : i32 to vector<16xi32>
    %and3A_75 = arith.andi %iota3A, %and3A_74 : vector<16xi32>
    %and3A_76 = arith.constant 0 : i32
    %and3A_77 = arith.constant 3 : i32
    %and3A_78 = arith.andi %and3A_76, %and3A_77 : i32
    %mul3A_79 = arith.constant 2 : i32
    %mul3A_80 = arith.muli %mul3A_79, %and3A_78 : i32
    %dma_wait3A = arith.constant 0 : i32
    %dma_wait3A_81 = arith.constant 0 : i32
    %dma_wait3A_82 = tpu.memref_slice %arg7[%mul3A_80, %dma_wait3A_81] : memref<8x80xi32, #tpu.memory_space<vmem>> -> memref<2x80xi32, #tpu.memory_space<vmem>>
    %dma_wait3A_83 = arith.constant 0 : i32
    %dma_wait3A_84 = arith.constant 0 : i32
    %dma_wait3A_85 = tpu.memref_slice %arg2[%add3A, %dma_wait3A, %dma_wait3A_83, %dma_wait3A_84] : memref<32x125x2x80xi32, #tpu.memory_space<hbm>> -> memref<1x1x2x80xi32, #tpu.memory_space<hbm>>
    %dma_wait3A_86 = tpu.memref_squeeze %dma_wait3A_85 : memref<1x1x2x80xi32, #tpu.memory_space<hbm>> -> memref<2x80xi32, #tpu.memory_space<hbm>>
    %dma_wait3A_87 = arith.constant 0 : i32
    %dma_wait3A_88 = tpu.memref_slice %arg7[%mul3A_80, %dma_wait3A_87] : memref<8x80xi32, #tpu.memory_space<vmem>> -> memref<2x80xi32, #tpu.memory_space<vmem>>
    %dma_wait3A_89 = arith.constant 0 : i32
    %dma_wait3A_90 = arith.constant 0 : i32
    %dma_wait3A_91 = tpu.memref_slice %arg2[%add3A, %dma_wait3A, %dma_wait3A_89, %dma_wait3A_90] : memref<32x125x2x80xi32, #tpu.memory_space<hbm>> -> memref<1x1x2x80xi32, #tpu.memory_space<hbm>>
    %dma_wait3A_92 = tpu.memref_squeeze %dma_wait3A_91 : memref<1x1x2x80xi32, #tpu.memory_space<hbm>> -> memref<2x80xi32, #tpu.memory_space<hbm>>
    tpu.wait_dma2 semaphore(%arg15 : memref<!tpu.dma_semaphore, #tpu.memory_space<semaphore_mem>>) src(%dma_wait3A_92 : memref<2x80xi32, #tpu.memory_space<hbm>>) dst(%dma_wait3A_88 : memref<2x80xi32, #tpu.memory_space<vmem>>)
    %and3A_93 = arith.constant 0 : i32
    %and3A_94 = arith.constant 3 : i32
    %and3A_95 = arith.andi %and3A_93, %and3A_94 : i32
    %mul3A_96 = arith.constant 2 : i32
    %mul3A_97 = arith.muli %mul3A_96, %and3A_95 : i32
    %mul3A_98 = arith.constant 2 : i32
    %mul3A_99 = arith.muli %mul3A_98, %and3A_95 : i32
    %add3A_100 = arith.constant 1 : i32
    %add3A_101 = arith.addi %mul3A_99, %add3A_100 : i32
    %dma_start3A_102 = arith.constant 0 : i32
    %dma_start3A_103 = arith.constant 0 : i32
    %dma_start3A_104 = arith.constant 0 : i32
    %dma_start3A_105 = tpu.memref_slice %arg8[%dma_start3A_102, %dma_start3A_103, %dma_start3A_104] : memref<2x80x16xf32, #tpu.memory_space<vmem>> -> memref<1x80x16xf32, #tpu.memory_space<vmem>>
    %dma_start3A_106 = tpu.memref_squeeze %dma_start3A_105 : memref<1x80x16xf32, #tpu.memory_space<vmem>> -> memref<80x16xf32, #tpu.memory_space<vmem>>
    %dma_start3A_107 = arith.constant 0 : i32
    %dma_start3A_108 = tpu.memref_slice %arg7[%add3A_101, %dma_start3A_107] : memref<8x80xi32, #tpu.memory_space<vmem>> -> memref<1x80xi32, #tpu.memory_space<vmem>>
    %dma_start3A_109 = tpu.memref_squeeze %dma_start3A_108 : memref<1x80xi32, #tpu.memory_space<vmem>> -> memref<80xi32, #tpu.memory_space<vmem>>
    %dma_start3A_110 = arith.constant 0 : i32
    %dma_start3A_111 = arith.constant 0 : i32
    %dma_start3A_112 = tpu.memref_slice %arg3[%dma_start3A_110, %dma_start3A_111] : memref<10000x16xf32, #tpu.memory_space<hbm>> -> memref<10000x16xf32, #tpu.memory_space<hbm>>
    tpu.enqueue_indirect_dma source(%dma_start3A_112 : memref<10000x16xf32, #tpu.memory_space<hbm>>) target(%dma_start3A_106 : memref<80x16xf32, #tpu.memory_space<vmem>>) offsets(%dma_start3A_109 : memref<80xi32, #tpu.memory_space<vmem>>) semaphore(%arg11 : memref<!tpu.dma_semaphore, #tpu.memory_space<semaphore_mem>>)
    %dma_start3A_113 = arith.constant 0 : i32
    %dma_start3A_114 = arith.constant 0 : i32
    %dma_start3A_115 = arith.constant 0 : i32
    %dma_start3A_116 = tpu.memref_slice %arg9[%dma_start3A_113, %dma_start3A_114, %dma_start3A_115] : memref<2x80x144xf32, #tpu.memory_space<vmem>> -> memref<1x80x144xf32, #tpu.memory_space<vmem>>
    %dma_start3A_117 = tpu.memref_squeeze %dma_start3A_116 : memref<1x80x144xf32, #tpu.memory_space<vmem>> -> memref<80x144xf32, #tpu.memory_space<vmem>>
    %dma_start3A_118 = arith.constant 0 : i32
    %dma_start3A_119 = tpu.memref_slice %arg7[%mul3A_97, %dma_start3A_118] : memref<8x80xi32, #tpu.memory_space<vmem>> -> memref<1x80xi32, #tpu.memory_space<vmem>>
    %dma_start3A_120 = tpu.memref_squeeze %dma_start3A_119 : memref<1x80xi32, #tpu.memory_space<vmem>> -> memref<80xi32, #tpu.memory_space<vmem>>
    %dma_start3A_121 = arith.constant 0 : i32
    %dma_start3A_122 = arith.constant 0 : i32
    %dma_start3A_123 = tpu.memref_slice %arg4[%dma_start3A_121, %dma_start3A_122] : memref<10000x144xf32, #tpu.memory_space<hbm>> -> memref<10000x144xf32, #tpu.memory_space<hbm>>
    tpu.enqueue_indirect_dma source(%dma_start3A_123 : memref<10000x144xf32, #tpu.memory_space<hbm>>) target(%dma_start3A_117 : memref<80x144xf32, #tpu.memory_space<vmem>>) offsets(%dma_start3A_120 : memref<80xi32, #tpu.memory_space<vmem>>) semaphore(%arg11 : memref<!tpu.dma_semaphore, #tpu.memory_space<semaphore_mem>>)
    %and3A_124 = arith.constant 1 : i32
    %and3A_125 = arith.constant 3 : i32
    %and3A_126 = arith.andi %and3A_124, %and3A_125 : i32
    %mul3A_127 = arith.constant 2 : i32
    %mul3A_128 = arith.muli %mul3A_127, %and3A_126 : i32
    %dma_wait3A_129 = arith.constant 1 : i32
    %dma_wait3A_130 = arith.constant 0 : i32
    %dma_wait3A_131 = tpu.memref_slice %arg7[%mul3A_128, %dma_wait3A_130] : memref<8x80xi32, #tpu.memory_space<vmem>> -> memref<2x80xi32, #tpu.memory_space<vmem>>
    %dma_wait3A_132 = arith.constant 0 : i32
    %dma_wait3A_133 = arith.constant 0 : i32
    %dma_wait3A_134 = tpu.memref_slice %arg2[%add3A, %dma_wait3A_129, %dma_wait3A_132, %dma_wait3A_133] : memref<32x125x2x80xi32, #tpu.memory_space<hbm>> -> memref<1x1x2x80xi32, #tpu.memory_space<hbm>>
    %dma_wait3A_135 = tpu.memref_squeeze %dma_wait3A_134 : memref<1x1x2x80xi32, #tpu.memory_space<hbm>> -> memref<2x80xi32, #tpu.memory_space<hbm>>
    %dma_wait3A_136 = arith.constant 0 : i32
    %dma_wait3A_137 = tpu.memref_slice %arg7[%mul3A_128, %dma_wait3A_136] : memref<8x80xi32, #tpu.memory_space<vmem>> -> memref<2x80xi32, #tpu.memory_space<vmem>>
    %dma_wait3A_138 = arith.constant 0 : i32
    %dma_wait3A_139 = arith.constant 0 : i32
    %dma_wait3A_140 = tpu.memref_slice %arg2[%add3A, %dma_wait3A_129, %dma_wait3A_138, %dma_wait3A_139] : memref<32x125x2x80xi32, #tpu.memory_space<hbm>> -> memref<1x1x2x80xi32, #tpu.memory_space<hbm>>
    %dma_wait3A_141 = tpu.memref_squeeze %dma_wait3A_140 : memref<1x1x2x80xi32, #tpu.memory_space<hbm>> -> memref<2x80xi32, #tpu.memory_space<hbm>>
    tpu.wait_dma2 semaphore(%arg16 : memref<!tpu.dma_semaphore, #tpu.memory_space<semaphore_mem>>) src(%dma_wait3A_141 : memref<2x80xi32, #tpu.memory_space<hbm>>) dst(%dma_wait3A_137 : memref<2x80xi32, #tpu.memory_space<vmem>>)
    %and3A_142 = arith.constant 1 : i32
    %and3A_143 = arith.constant 3 : i32
    %and3A_144 = arith.andi %and3A_142, %and3A_143 : i32
    %mul3A_145 = arith.constant 2 : i32
    %mul3A_146 = arith.muli %mul3A_145, %and3A_144 : i32
    %mul3A_147 = arith.constant 2 : i32
    %mul3A_148 = arith.muli %mul3A_147, %and3A_144 : i32
    %add3A_149 = arith.constant 1 : i32
    %add3A_150 = arith.addi %mul3A_148, %add3A_149 : i32
    %dma_start3A_151 = arith.constant 1 : i32
    %dma_start3A_152 = arith.constant 0 : i32
    %dma_start3A_153 = arith.constant 0 : i32
    %dma_start3A_154 = tpu.memref_slice %arg8[%dma_start3A_151, %dma_start3A_152, %dma_start3A_153] : memref<2x80x16xf32, #tpu.memory_space<vmem>> -> memref<1x80x16xf32, #tpu.memory_space<vmem>>
    %dma_start3A_155 = tpu.memref_squeeze %dma_start3A_154 : memref<1x80x16xf32, #tpu.memory_space<vmem>> -> memref<80x16xf32, #tpu.memory_space<vmem>>
    %dma_start3A_156 = arith.constant 0 : i32
    %dma_start3A_157 = tpu.memref_slice %arg7[%add3A_150, %dma_start3A_156] : memref<8x80xi32, #tpu.memory_space<vmem>> -> memref<1x80xi32, #tpu.memory_space<vmem>>
    %dma_start3A_158 = tpu.memref_squeeze %dma_start3A_157 : memref<1x80xi32, #tpu.memory_space<vmem>> -> memref<80xi32, #tpu.memory_space<vmem>>
    %dma_start3A_159 = arith.constant 0 : i32
    %dma_start3A_160 = arith.constant 0 : i32
    %dma_start3A_161 = tpu.memref_slice %arg3[%dma_start3A_159, %dma_start3A_160] : memref<10000x16xf32, #tpu.memory_space<hbm>> -> memref<10000x16xf32, #tpu.memory_space<hbm>>
    tpu.enqueue_indirect_dma source(%dma_start3A_161 : memref<10000x16xf32, #tpu.memory_space<hbm>>) target(%dma_start3A_155 : memref<80x16xf32, #tpu.memory_space<vmem>>) offsets(%dma_start3A_158 : memref<80xi32, #tpu.memory_space<vmem>>) semaphore(%arg12 : memref<!tpu.dma_semaphore, #tpu.memory_space<semaphore_mem>>)
    %dma_start3A_162 = arith.constant 1 : i32
    %dma_start3A_163 = arith.constant 0 : i32
    %dma_start3A_164 = arith.constant 0 : i32
    %dma_start3A_165 = tpu.memref_slice %arg9[%dma_start3A_162, %dma_start3A_163, %dma_start3A_164] : memref<2x80x144xf32, #tpu.memory_space<vmem>> -> memref<1x80x144xf32, #tpu.memory_space<vmem>>
    %dma_start3A_166 = tpu.memref_squeeze %dma_start3A_165 : memref<1x80x144xf32, #tpu.memory_space<vmem>> -> memref<80x144xf32, #tpu.memory_space<vmem>>
    %dma_start3A_167 = arith.constant 0 : i32
    %dma_start3A_168 = tpu.memref_slice %arg7[%mul3A_146, %dma_start3A_167] : memref<8x80xi32, #tpu.memory_space<vmem>> -> memref<1x80xi32, #tpu.memory_space<vmem>>
    %dma_start3A_169 = tpu.memref_squeeze %dma_start3A_168 : memref<1x80xi32, #tpu.memory_space<vmem>> -> memref<80xi32, #tpu.memory_space<vmem>>
    %dma_start3A_170 = arith.constant 0 : i32
    %dma_start3A_171 = arith.constant 0 : i32
    %dma_start3A_172 = tpu.memref_slice %arg4[%dma_start3A_170, %dma_start3A_171] : memref<10000x144xf32, #tpu.memory_space<hbm>> -> memref<10000x144xf32, #tpu.memory_space<hbm>>
    tpu.enqueue_indirect_dma source(%dma_start3A_172 : memref<10000x144xf32, #tpu.memory_space<hbm>>) target(%dma_start3A_166 : memref<80x144xf32, #tpu.memory_space<vmem>>) offsets(%dma_start3A_169 : memref<80xi32, #tpu.memory_space<vmem>>) semaphore(%arg12 : memref<!tpu.dma_semaphore, #tpu.memory_space<semaphore_mem>>)
    %scan3A = arith.constant 0 : i32
    %scan3A_173 = arith.constant 62 : i32
    %scan3A_174 = arith.addi %scan3A, %scan3A_173 : i32
    %scan3A_175 = arith.constant 1 : i32
    scf.for %scan3A_245 = %scan3A to %scan3A_174 step %scan3A_175  : i32 {
      %mul3A_246 = arith.constant 1 : i32
      %mul3A_247 = arith.muli %scan3A_245, %mul3A_246 : i32
      %add3A_248 = arith.constant 0 : i32
      %add3A_249 = arith.addi %add3A_248, %mul3A_247 : i32
      %mul3A_250 = arith.constant 2 : i32
      %mul3A_251 = arith.muli %mul3A_250, %add3A_249 : i32
      %add3A_252 = arith.constant 1 : i32
      %add3A_253 = arith.addi %mul3A_251, %add3A_252 : i32
      %and3A_254 = arith.constant 3 : i32
      %and3A_255 = arith.andi %mul3A_251, %and3A_254 : i32
      %mul3A_256 = arith.constant 2 : i32
      %mul3A_257 = arith.muli %mul3A_256, %and3A_255 : i32
      %mul3A_258 = arith.constant 2 : i32
      %mul3A_259 = arith.muli %mul3A_258, %and3A_255 : i32
      %add3A_260 = arith.constant 1 : i32
      %add3A_261 = arith.addi %mul3A_259, %add3A_260 : i32
      %dma_wait3A_262 = arith.constant 0 : i32
      %dma_wait3A_263 = arith.constant 0 : i32
      %dma_wait3A_264 = arith.constant 0 : i32
      %dma_wait3A_265 = tpu.memref_slice %arg8[%dma_wait3A_262, %dma_wait3A_263, %dma_wait3A_264] : memref<2x80x16xf32, #tpu.memory_space<vmem>> -> memref<1x80x16xf32, #tpu.memory_space<vmem>>
      %dma_wait3A_266 = tpu.memref_squeeze %dma_wait3A_265 : memref<1x80x16xf32, #tpu.memory_space<vmem>> -> memref<80x16xf32, #tpu.memory_space<vmem>>
      %dma_wait3A_267 = arith.constant 0 : i32
      %dma_wait3A_268 = tpu.memref_slice %arg7[%add3A_261, %dma_wait3A_267] : memref<8x80xi32, #tpu.memory_space<vmem>> -> memref<1x80xi32, #tpu.memory_space<vmem>>
      %dma_wait3A_269 = tpu.memref_squeeze %dma_wait3A_268 : memref<1x80xi32, #tpu.memory_space<vmem>> -> memref<80xi32, #tpu.memory_space<vmem>>
      %dma_wait3A_270 = arith.constant 0 : i32
      %dma_wait3A_271 = arith.constant 0 : i32
      %dma_wait3A_272 = tpu.memref_slice %arg3[%dma_wait3A_270, %dma_wait3A_271] : memref<10000x16xf32, #tpu.memory_space<hbm>> -> memref<10000x16xf32, #tpu.memory_space<hbm>>
      tpu.wait_indirect_dma semaphore(%arg11 : memref<!tpu.dma_semaphore, #tpu.memory_space<semaphore_mem>>) src(%dma_wait3A_272 : memref<10000x16xf32, #tpu.memory_space<hbm>>) dst(%dma_wait3A_266 : memref<80x16xf32, #tpu.memory_space<vmem>>)
      %dma_wait3A_273 = arith.constant 0 : i32
      %dma_wait3A_274 = arith.constant 0 : i32
      %dma_wait3A_275 = arith.constant 0 : i32
      %dma_wait3A_276 = tpu.memref_slice %arg9[%dma_wait3A_273, %dma_wait3A_274, %dma_wait3A_275] : memref<2x80x144xf32, #tpu.memory_space<vmem>> -> memref<1x80x144xf32, #tpu.memory_space<vmem>>
      %dma_wait3A_277 = tpu.memref_squeeze %dma_wait3A_276 : memref<1x80x144xf32, #tpu.memory_space<vmem>> -> memref<80x144xf32, #tpu.memory_space<vmem>>
      %dma_wait3A_278 = arith.constant 0 : i32
      %dma_wait3A_279 = tpu.memref_slice %arg7[%mul3A_257, %dma_wait3A_278] : memref<8x80xi32, #tpu.memory_space<vmem>> -> memref<1x80xi32, #tpu.memory_space<vmem>>
      %dma_wait3A_280 = tpu.memref_squeeze %dma_wait3A_279 : memref<1x80xi32, #tpu.memory_space<vmem>> -> memref<80xi32, #tpu.memory_space<vmem>>
      %dma_wait3A_281 = arith.constant 0 : i32
      %dma_wait3A_282 = arith.constant 0 : i32
      %dma_wait3A_283 = tpu.memref_slice %arg4[%dma_wait3A_281, %dma_wait3A_282] : memref<10000x144xf32, #tpu.memory_space<hbm>> -> memref<10000x144xf32, #tpu.memory_space<hbm>>
      tpu.wait_indirect_dma semaphore(%arg11 : memref<!tpu.dma_semaphore, #tpu.memory_space<semaphore_mem>>) src(%dma_wait3A_283 : memref<10000x144xf32, #tpu.memory_space<hbm>>) dst(%dma_wait3A_277 : memref<80x144xf32, #tpu.memory_space<vmem>>)
      %scan3A_284 = arith.constant 0 : i32
      %scan3A_285 = arith.constant 0 : i32
      %scan3A_286 = arith.constant 0 : i32
      %scan3A_287 = arith.constant 20 : i32
      %scan3A_288 = arith.addi %scan3A_286, %scan3A_287 : i32
      %scan3A_289 = arith.constant 1 : i32
      scf.for %scan3A_446 = %scan3A_286 to %scan3A_288 step %scan3A_289  : i32 {
        %mul3A_447 = arith.constant 4 : i32
        %mul3A_448 = arith.muli %scan3A_446, %mul3A_447 : i32
        %add3A_449 = arith.constant 0 : i32
        %add3A_450 = arith.addi %add3A_449, %mul3A_448 : i32
        %add3A_451 = arith.constant 0 : i32
        %add3A_452 = arith.addi %add3A_450, %add3A_451 : i32
        %get3A = arith.constant 0 : i32
        %get3A_453 = arith.constant 0 : i32
        %get3A_454 = tpu.memref_slice %arg9[%scan3A_284, %get3A, %get3A_453] : memref<2x80x144xf32, #tpu.memory_space<vmem>> -> memref<1x80x144xf32, #tpu.memory_space<vmem>>
        %get3A_455 = tpu.memref_squeeze %get3A_454 : memref<1x80x144xf32, #tpu.memory_space<vmem>> -> memref<80x144xf32, #tpu.memory_space<vmem>>
        %get3A_456 = arith.index_cast %add3A_452 : i32 to index
        %get3A_457 = arith.constant 128 : index
        %get3A_458 = tpu.vector_load %get3A_455[%get3A_456, %get3A_457] {strides = array<i32>} : memref<80x144xf32, #tpu.memory_space<vmem>>, vector<16xf32>,
        %get3A_459 = arith.constant 0 : i32
        %get3A_460 = arith.constant 0 : i32
        %get3A_461 = tpu.memref_slice %arg8[%scan3A_285, %get3A_459, %get3A_460] : memref<2x80x16xf32, #tpu.memory_space<vmem>> -> memref<1x80x16xf32, #tpu.memory_space<vmem>>
        %get3A_462 = tpu.memref_squeeze %get3A_461 : memref<1x80x16xf32, #tpu.memory_space<vmem>> -> memref<80x16xf32, #tpu.memory_space<vmem>>
        %get3A_463 = arith.index_cast %add3A_452 : i32 to index
        %get3A_464 = arith.constant 0 : index
        %get3A_465 = tpu.vector_load %get3A_462[%get3A_463, %get3A_464] {strides = array<i32>} : memref<80x16xf32, #tpu.memory_space<vmem>>, vector<16xf32>,
        %add3A_466 = arith.addf %get3A_458, %get3A_465 : vector<16xf32>
        %gt3A = arith.constant 0.000000e+00 : f32
        %gt3A_467 = vector.broadcast %gt3A : f32 to vector<16xf32>
        %gt3A_468 = arith.cmpf ogt, %add3A_466, %gt3A_467 : vector<16xf32>
        %mul3A_469 = arith.constant 2.000000e-01 : f32
        %mul3A_470 = vector.broadcast %mul3A_469 : f32 to vector<16xf32>
        %mul3A_471 = arith.mulf %mul3A_470, %add3A_466 : vector<16xf32>
        %select_n3A = arith.select %gt3A_468, %add3A_466, %mul3A_471 : vector<16xi1>, vector<16xf32>
        %exp3A = math.exp %select_n3A : vector<16xf32>
        %swap3A = arith.constant 0 : i32
        %swap3A_472 = arith.constant 0 : i32
        %swap3A_473 = tpu.memref_slice %arg9[%scan3A_284, %swap3A, %swap3A_472] : memref<2x80x144xf32, #tpu.memory_space<vmem>> -> memref<1x80x144xf32, #tpu.memory_space<vmem>>
        %swap3A_474 = tpu.memref_squeeze %swap3A_473 : memref<1x80x144xf32, #tpu.memory_space<vmem>> -> memref<80x144xf32, #tpu.memory_space<vmem>>
        %swap3A_475 = arith.index_cast %add3A_452 : i32 to index
        %swap3A_476 = arith.constant 128 : index
        %swap3A_477 = tpu.vector_load %swap3A_474[%swap3A_475, %swap3A_476] {strides = array<i32>} : memref<80x144xf32, #tpu.memory_space<vmem>>, vector<16xf32>,
        tpu.vector_store %swap3A_474[%swap3A_475, %swap3A_476], %exp3A {strides = array<i32>} : memref<80x144xf32, #tpu.memory_space<vmem>>, vector<16xf32>,
        %broadcast_in_dim3A = vector.shape_cast %and3A_75 : vector<16xi32> to vector<16x1xi32>
        %gather3A = vector.shape_cast %broadcast_in_dim3A : vector<16x1xi32> to vector<16xi32>
        %gather3A_478 = tpu.dynamic_gather %exp3A[%gather3A] in [0] : vector<16xf32>, vector<16xi32> -> vector<16xf32>
        %get3A_479 = arith.constant 0 : i32
        %get3A_480 = arith.constant 0 : i32
        %get3A_481 = tpu.memref_slice %arg9[%scan3A_284, %get3A_479, %get3A_480] : memref<2x80x144xf32, #tpu.memory_space<vmem>> -> memref<1x80x144xf32, #tpu.memory_space<vmem>>
        %get3A_482 = tpu.memref_squeeze %get3A_481 : memref<1x80x144xf32, #tpu.memory_space<vmem>> -> memref<80x144xf32, #tpu.memory_space<vmem>>
        %get3A_483 = arith.index_cast %add3A_452 : i32 to index
        %get3A_484 = arith.constant 0 : index
        %get3A_485 = tpu.vector_load %get3A_482[%get3A_483, %get3A_484] {strides = array<i32>} : memref<80x144xf32, #tpu.memory_space<vmem>>, vector<16xf32>,
        %mul3A_486 = arith.mulf %get3A_485, %gather3A_478 : vector<16xf32>
        %swap3A_487 = arith.constant 0 : i32
        %swap3A_488 = arith.constant 0 : i32
        %swap3A_489 = tpu.memref_slice %arg9[%scan3A_284, %swap3A_487, %swap3A_488] : memref<2x80x144xf32, #tpu.memory_space<vmem>> -> memref<1x80x144xf32, #tpu.memory_space<vmem>>
        %swap3A_490 = tpu.memref_squeeze %swap3A_489 : memref<1x80x144xf32, #tpu.memory_space<vmem>> -> memref<80x144xf32, #tpu.memory_space<vmem>>
        %swap3A_491 = arith.index_cast %add3A_452 : i32 to index
        %swap3A_492 = arith.constant 0 : index
        %swap3A_493 = tpu.vector_load %swap3A_490[%swap3A_491, %swap3A_492] {strides = array<i32>} : memref<80x144xf32, #tpu.memory_space<vmem>>, vector<16xf32>,
        tpu.vector_store %swap3A_490[%swap3A_491, %swap3A_492], %mul3A_486 {strides = array<i32>} : memref<80x144xf32, #tpu.memory_space<vmem>>, vector<16xf32>,
        %get3A_494 = arith.constant 0 : i32
        %get3A_495 = arith.constant 0 : i32
        %get3A_496 = tpu.memref_slice %arg9[%scan3A_284, %get3A_494, %get3A_495] : memref<2x80x144xf32, #tpu.memory_space<vmem>> -> memref<1x80x144xf32, #tpu.memory_space<vmem>>
        %get3A_497 = tpu.memref_squeeze %get3A_496 : memref<1x80x144xf32, #tpu.memory_space<vmem>> -> memref<80x144xf32, #tpu.memory_space<vmem>>
        %get3A_498 = arith.index_cast %add3A_452 : i32 to index
        %get3A_499 = arith.constant 16 : index
        %get3A_500 = tpu.vector_load %get3A_497[%get3A_498, %get3A_499] {strides = array<i32>} : memref<80x144xf32, #tpu.memory_space<vmem>>, vector<16xf32>,
        %mul3A_501 = arith.mulf %get3A_500, %gather3A_478 : vector<16xf32>
        %swap3A_502 = arith.constant 0 : i32
        %swap3A_503 = arith.constant 0 : i32
        %swap3A_504 = tpu.memref_slice %arg9[%scan3A_284, %swap3A_502, %swap3A_503] : memref<2x80x144xf32, #tpu.memory_space<vmem>> -> memref<1x80x144xf32, #tpu.memory_space<vmem>>
        %swap3A_505 = tpu.memref_squeeze %swap3A_504 : memref<1x80x144xf32, #tpu.memory_space<vmem>> -> memref<80x144xf32, #tpu.memory_space<vmem>>
        %swap3A_506 = arith.index_cast %add3A_452 : i32 to index
        %swap3A_507 = arith.constant 16 : index
        %swap3A_508 = tpu.vector_load %swap3A_505[%swap3A_506, %swap3A_507] {strides = array<i32>} : memref<80x144xf32, #tpu.memory_space<vmem>>, vector<16xf32>,
        tpu.vector_store %swap3A_505[%swap3A_506, %swap3A_507], %mul3A_501 {strides = array<i32>} : memref<80x144xf32, #tpu.memory_space<vmem>>, vector<16xf32>,
        %get3A_509 = arith.constant 0 : i32
        %get3A_510 = arith.constant 0 : i32
        %get3A_511 = tpu.memref_slice %arg9[%scan3A_284, %get3A_509, %get3A_510] : memref<2x80x144xf32, #tpu.memory_space<vmem>> -> memref<1x80x144xf32, #tpu.memory_space<vmem>>
        %get3A_512 = tpu.memref_squeeze %get3A_511 : memref<1x80x144xf32, #tpu.memory_space<vmem>> -> memref<80x144xf32, #tpu.memory_space<vmem>>
        %get3A_513 = arith.index_cast %add3A_452 : i32 to index
        %get3A_514 = arith.constant 32 : index
        %get3A_515 = tpu.vector_load %get3A_512[%get3A_513, %get3A_514] {strides = array<i32>} : memref<80x144xf32, #tpu.memory_space<vmem>>, vector<16xf32>,
        %mul3A_516 = arith.mulf %get3A_515, %gather3A_478 : vector<16xf32>
        %swap3A_517 = arith.constant 0 : i32
        %swap3A_518 = arith.constant 0 : i32
        %swap3A_519 = tpu.memref_slice %arg9[%scan3A_284, %swap3A_517, %swap3A_518] : memref<2x80x144xf32, #tpu.memory_space<vmem>> -> memref<1x80x144xf32, #tpu.memory_space<vmem>>
        %swap3A_520 = tpu.memref_squeeze %swap3A_519 : memref<1x80x144xf32, #tpu.memory_space<vmem>> -> memref<80x144xf32, #tpu.memory_space<vmem>>
        %swap3A_521 = arith.index_cast %add3A_452 : i32 to index
        %swap3A_522 = arith.constant 32 : index
        %swap3A_523 = tpu.vector_load %swap3A_520[%swap3A_521, %swap3A_522] {strides = array<i32>} : memref<80x144xf32, #tpu.memory_space<vmem>>, vector<16xf32>,
        tpu.vector_store %swap3A_520[%swap3A_521, %swap3A_522], %mul3A_516 {strides = array<i32>} : memref<80x144xf32, #tpu.memory_space<vmem>>, vector<16xf32>,
        %get3A_524 = arith.constant 0 : i32
        %get3A_525 = arith.constant 0 : i32
        %get3A_526 = tpu.memref_slice %arg9[%scan3A_284, %get3A_524, %get3A_525] : memref<2x80x144xf32, #tpu.memory_space<vmem>> -> memref<1x80x144xf32, #tpu.memory_space<vmem>>
        %get3A_527 = tpu.memref_squeeze %get3A_526 : memref<1x80x144xf32, #tpu.memory_space<vmem>> -> memref<80x144xf32, #tpu.memory_space<vmem>>
        %get3A_528 = arith.index_cast %add3A_452 : i32 to index
        %get3A_529 = arith.constant 48 : index
        %get3A_530 = tpu.vector_load %get3A_527[%get3A_528, %get3A_529] {strides = array<i32>} : memref<80x144xf32, #tpu.memory_space<vmem>>, vector<16xf32>,
        %mul3A_531 = arith.mulf %get3A_530, %gather3A_478 : vector<16xf32>
        %swap3A_532 = arith.constant 0 : i32
        %swap3A_533 = arith.constant 0 : i32
        %swap3A_534 = tpu.memref_slice %arg9[%scan3A_284, %swap3A_532, %swap3A_533] : memref<2x80x144xf32, #tpu.memory_space<vmem>> -> memref<1x80x144xf32, #tpu.memory_space<vmem>>
        %swap3A_535 = tpu.memref_squeeze %swap3A_534 : memref<1x80x144xf32, #tpu.memory_space<vmem>> -> memref<80x144xf32, #tpu.memory_space<vmem>>
        %swap3A_536 = arith.index_cast %add3A_452 : i32 to index
        %swap3A_537 = arith.constant 48 : index
        %swap3A_538 = tpu.vector_load %swap3A_535[%swap3A_536, %swap3A_537] {strides = array<i32>} : memref<80x144xf32, #tpu.memory_space<vmem>>, vector<16xf32>,
        tpu.vector_store %swap3A_535[%swap3A_536, %swap3A_537], %mul3A_531 {strides = array<i32>} : memref<80x144xf32, #tpu.memory_space<vmem>>, vector<16xf32>,
        %get3A_539 = arith.constant 0 : i32
        %get3A_540 = arith.constant 0 : i32
        %get3A_541 = tpu.memref_slice %arg9[%scan3A_284, %get3A_539, %get3A_540] : memref<2x80x144xf32, #tpu.memory_space<vmem>> -> memref<1x80x144xf32, #tpu.memory_space<vmem>>
        %get3A_542 = tpu.memref_squeeze %get3A_541 : memref<1x80x144xf32, #tpu.memory_space<vmem>> -> memref<80x144xf32, #tpu.memory_space<vmem>>
        %get3A_543 = arith.index_cast %add3A_452 : i32 to index
        %get3A_544 = arith.constant 64 : index
        %get3A_545 = tpu.vector_load %get3A_542[%get3A_543, %get3A_544] {strides = array<i32>} : memref<80x144xf32, #tpu.memory_space<vmem>>, vector<16xf32>,
        %mul3A_546 = arith.mulf %get3A_545, %gather3A_478 : vector<16xf32>
        %swap3A_547 = arith.constant 0 : i32
        %swap3A_548 = arith.constant 0 : i32
        %swap3A_549 = tpu.memref_slice %arg9[%scan3A_284, %swap3A_547, %swap3A_548] : memref<2x80x144xf32, #tpu.memory_space<vmem>> -> memref<1x80x144xf32, #tpu.memory_space<vmem>>
        %swap3A_550 = tpu.memref_squeeze %swap3A_549 : memref<1x80x144xf32, #tpu.memory_space<vmem>> -> memref<80x144xf32, #tpu.memory_space<vmem>>
        %swap3A_551 = arith.index_cast %add3A_452 : i32 to index
        %swap3A_552 = arith.constant 64 : index
        %swap3A_553 = tpu.vector_load %swap3A_550[%swap3A_551, %swap3A_552] {strides = array<i32>} : memref<80x144xf32, #tpu.memory_space<vmem>>, vector<16xf32>,
        tpu.vector_store %swap3A_550[%swap3A_551, %swap3A_552], %mul3A_546 {strides = array<i32>} : memref<80x144xf32, #tpu.memory_space<vmem>>, vector<16xf32>,
        %get3A_554 = arith.constant 0 : i32
        %get3A_555 = arith.constant 0 : i32
        %get3A_556 = tpu.memref_slice %arg9[%scan3A_284, %get3A_554, %get3A_555] : memref<2x80x144xf32, #tpu.memory_space<vmem>> -> memref<1x80x144xf32, #tpu.memory_space<vmem>>
        %get3A_557 = tpu.memref_squeeze %get3A_556 : memref<1x80x144xf32, #tpu.memory_space<vmem>> -> memref<80x144xf32, #tpu.memory_space<vmem>>
        %get3A_558 = arith.index_cast %add3A_452 : i32 to index
        %get3A_559 = arith.constant 80 : index
        %get3A_560 = tpu.vector_load %get3A_557[%get3A_558, %get3A_559] {strides = array<i32>} : memref<80x144xf32, #tpu.memory_space<vmem>>, vector<16xf32>,
        %mul3A_561 = arith.mulf %get3A_560, %gather3A_478 : vector<16xf32>
        %swap3A_562 = arith.constant 0 : i32
        %swap3A_563 = arith.constant 0 : i32
        %swap3A_564 = tpu.memref_slice %arg9[%scan3A_284, %swap3A_562, %swap3A_563] : memref<2x80x144xf32, #tpu.memory_space<vmem>> -> memref<1x80x144xf32, #tpu.memory_space<vmem>>
        %swap3A_565 = tpu.memref_squeeze %swap3A_564 : memref<1x80x144xf32, #tpu.memory_space<vmem>> -> memref<80x144xf32, #tpu.memory_space<vmem>>
        %swap3A_566 = arith.index_cast %add3A_452 : i32 to index
        %swap3A_567 = arith.constant 80 : index
        %swap3A_568 = tpu.vector_load %swap3A_565[%swap3A_566, %swap3A_567] {strides = array<i32>} : memref<80x144xf32, #tpu.memory_space<vmem>>, vector<16xf32>,
        tpu.vector_store %swap3A_565[%swap3A_566, %swap3A_567], %mul3A_561 {strides = array<i32>} : memref<80x144xf32, #tpu.memory_space<vmem>>, vector<16xf32>,
        %get3A_569 = arith.constant 0 : i32
        %get3A_570 = arith.constant 0 : i32
        %get3A_571 = tpu.memref_slice %arg9[%scan3A_284, %get3A_569, %get3A_570] : memref<2x80x144xf32, #tpu.memory_space<vmem>> -> memref<1x80x144xf32, #tpu.memory_space<vmem>>
        %get3A_572 = tpu.memref_squeeze %get3A_571 : memref<1x80x144xf32, #tpu.memory_space<vmem>> -> memref<80x144xf32, #tpu.memory_space<vmem>>
        %get3A_573 = arith.index_cast %add3A_452 : i32 to index
        %get3A_574 = arith.constant 96 : index
        %get3A_575 = tpu.vector_load %get3A_572[%get3A_573, %get3A_574] {strides = array<i32>} : memref<80x144xf32, #tpu.memory_space<vmem>>, vector<16xf32>,
        %mul3A_576 = arith.mulf %get3A_575, %gather3A_478 : vector<16xf32>
        %swap3A_577 = arith.constant 0 : i32
        %swap3A_578 = arith.constant 0 : i32
        %swap3A_579 = tpu.memref_slice %arg9[%scan3A_284, %swap3A_577, %swap3A_578] : memref<2x80x144xf32, #tpu.memory_space<vmem>> -> memref<1x80x144xf32, #tpu.memory_space<vmem>>
        %swap3A_580 = tpu.memref_squeeze %swap3A_579 : memref<1x80x144xf32, #tpu.memory_space<vmem>> -> memref<80x144xf32, #tpu.memory_space<vmem>>
        %swap3A_581 = arith.index_cast %add3A_452 : i32 to index
        %swap3A_582 = arith.constant 96 : index
        %swap3A_583 = tpu.vector_load %swap3A_580[%swap3A_581, %swap3A_582] {strides = array<i32>} : memref<80x144xf32, #tpu.memory_space<vmem>>, vector<16xf32>,
        tpu.vector_store %swap3A_580[%swap3A_581, %swap3A_582], %mul3A_576 {strides = array<i32>} : memref<80x144xf32, #tpu.memory_space<vmem>>, vector<16xf32>,
        %get3A_584 = arith.constant 0 : i32
        %get3A_585 = arith.constant 0 : i32
        %get3A_586 = tpu.memref_slice %arg9[%scan3A_284, %get3A_584, %get3A_585] : memref<2x80x144xf32, #tpu.memory_space<vmem>> -> memref<1x80x144xf32, #tpu.memory_space<vmem>>
        %get3A_587 = tpu.memref_squeeze %get3A_586 : memref<1x80x144xf32, #tpu.memory_space<vmem>> -> memref<80x144xf32, #tpu.memory_space<vmem>>
        %get3A_588 = arith.index_cast %add3A_452 : i32 to index
        %get3A_589 = arith.constant 112 : index
        %get3A_590 = tpu.vector_load %get3A_587[%get3A_588, %get3A_589] {strides = array<i32>} : memref<80x144xf32, #tpu.memory_space<vmem>>, vector<16xf32>,
        %mul3A_591 = arith.mulf %get3A_590, %gather3A_478 : vector<16xf32>
        %swap3A_592 = arith.constant 0 : i32
        %swap3A_593 = arith.constant 0 : i32
        %swap3A_594 = tpu.memref_slice %arg9[%scan3A_284, %swap3A_592, %swap3A_593] : memref<2x80x144xf32, #tpu.memory_space<vmem>> -> memref<1x80x144xf32, #tpu.memory_space<vmem>>
        %swap3A_595 = tpu.memref_squeeze %swap3A_594 : memref<1x80x144xf32, #tpu.memory_space<vmem>> -> memref<80x144xf32, #tpu.memory_space<vmem>>
        %swap3A_596 = arith.index_cast %add3A_452 : i32 to index
        %swap3A_597 = arith.constant 112 : index
        %swap3A_598 = tpu.vector_load %swap3A_595[%swap3A_596, %swap3A_597] {strides = array<i32>} : memref<80x144xf32, #tpu.memory_space<vmem>>, vector<16xf32>,
        tpu.vector_store %swap3A_595[%swap3A_596, %swap3A_597], %mul3A_591 {strides = array<i32>} : memref<80x144xf32, #tpu.memory_space<vmem>>, vector<16xf32>,
        %add3A_599 = arith.constant 1 : i32
        %add3A_600 = arith.addi %add3A_450, %add3A_599 : i32
        %get3A_601 = arith.constant 0 : i32
        %get3A_602 = arith.constant 0 : i32
        %get3A_603 = tpu.memref_slice %arg9[%scan3A_284, %get3A_601, %get3A_602] : memref<2x80x144xf32, #tpu.memory_space<vmem>> -> memref<1x80x144xf32, #tpu.memory_space<vmem>>
        %get3A_604 = tpu.memref_squeeze %get3A_603 : memref<1x80x144xf32, #tpu.memory_space<vmem>> -> memref<80x144xf32, #tpu.memory_space<vmem>>
        %get3A_605 = arith.index_cast %add3A_600 : i32 to index
        %get3A_606 = arith.constant 128 : index
        %get3A_607 = tpu.vector_load %get3A_604[%get3A_605, %get3A_606] {strides = array<i32>} : memref<80x144xf32, #tpu.memory_space<vmem>>, vector<16xf32>,
        %get3A_608 = arith.constant 0 : i32
        %get3A_609 = arith.constant 0 : i32
        %get3A_610 = tpu.memref_slice %arg8[%scan3A_285, %get3A_608, %get3A_609] : memref<2x80x16xf32, #tpu.memory_space<vmem>> -> memref<1x80x16xf32, #tpu.memory_space<vmem>>
        %get3A_611 = tpu.memref_squeeze %get3A_610 : memref<1x80x16xf32, #tpu.memory_space<vmem>> -> memref<80x16xf32, #tpu.memory_space<vmem>>
        %get3A_612 = arith.index_cast %add3A_600 : i32 to index
        %get3A_613 = arith.constant 0 : index
        %get3A_614 = tpu.vector_load %get3A_611[%get3A_612, %get3A_613] {strides = array<i32>} : memref<80x16xf32, #tpu.memory_space<vmem>>, vector<16xf32>,
        %add3A_615 = arith.addf %get3A_607, %get3A_614 : vector<16xf32>
        %gt3A_616 = arith.constant 0.000000e+00 : f32
        %gt3A_617 = vector.broadcast %gt3A_616 : f32 to vector<16xf32>
        %gt3A_618 = arith.cmpf ogt, %add3A_615, %gt3A_617 : vector<16xf32>
        %mul3A_619 = arith.constant 2.000000e-01 : f32
        %mul3A_620 = vector.broadcast %mul3A_619 : f32 to vector<16xf32>
        %mul3A_621 = arith.mulf %mul3A_620, %add3A_615 : vector<16xf32>
        %select_n3A_622 = arith.select %gt3A_618, %add3A_615, %mul3A_621 : vector<16xi1>, vector<16xf32>
        %exp3A_623 = math.exp %select_n3A_622 : vector<16xf32>
        %swap3A_624 = arith.constant 0 : i32
        %swap3A_625 = arith.constant 0 : i32
        %swap3A_626 = tpu.memref_slice %arg9[%scan3A_284, %swap3A_624, %swap3A_625] : memref<2x80x144xf32, #tpu.memory_space<vmem>> -> memref<1x80x144xf32, #tpu.memory_space<vmem>>
        %swap3A_627 = tpu.memref_squeeze %swap3A_626 : memref<1x80x144xf32, #tpu.memory_space<vmem>> -> memref<80x144xf32, #tpu.memory_space<vmem>>
        %swap3A_628 = arith.index_cast %add3A_600 : i32 to index
        %swap3A_629 = arith.constant 128 : index
        %swap3A_630 = tpu.vector_load %swap3A_627[%swap3A_628, %swap3A_629] {strides = array<i32>} : memref<80x144xf32, #tpu.memory_space<vmem>>, vector<16xf32>,
        tpu.vector_store %swap3A_627[%swap3A_628, %swap3A_629], %exp3A_623 {strides = array<i32>} : memref<80x144xf32, #tpu.memory_space<vmem>>, vector<16xf32>,
        %broadcast_in_dim3A_631 = vector.shape_cast %and3A_75 : vector<16xi32> to vector<16x1xi32>
        %gather3A_632 = vector.shape_cast %broadcast_in_dim3A_631 : vector<16x1xi32> to vector<16xi32>
        %gather3A_633 = tpu.dynamic_gather %exp3A_623[%gather3A_632] in [0] : vector<16xf32>, vector<16xi32> -> vector<16xf32>
        %get3A_634 = arith.constant 0 : i32
        %get3A_635 = arith.constant 0 : i32
        %get3A_636 = tpu.memref_slice %arg9[%scan3A_284, %get3A_634, %get3A_635] : memref<2x80x144xf32, #tpu.memory_space<vmem>> -> memref<1x80x144xf32, #tpu.memory_space<vmem>>
        %get3A_637 = tpu.memref_squeeze %get3A_636 : memref<1x80x144xf32, #tpu.memory_space<vmem>> -> memref<80x144xf32, #tpu.memory_space<vmem>>
        %get3A_638 = arith.index_cast %add3A_600 : i32 to index
        %get3A_639 = arith.constant 0 : index
        %get3A_640 = tpu.vector_load %get3A_637[%get3A_638, %get3A_639] {strides = array<i32>} : memref<80x144xf32, #tpu.memory_space<vmem>>, vector<16xf32>,
        %mul3A_641 = arith.mulf %get3A_640, %gather3A_633 : vector<16xf32>
        %swap3A_642 = arith.constant 0 : i32
        %swap3A_643 = arith.constant 0 : i32
        %swap3A_644 = tpu.memref_slice %arg9[%scan3A_284, %swap3A_642, %swap3A_643] : memref<2x80x144xf32, #tpu.memory_space<vmem>> -> memref<1x80x144xf32, #tpu.memory_space<vmem>>
        %swap3A_645 = tpu.memref_squeeze %swap3A_644 : memref<1x80x144xf32, #tpu.memory_space<vmem>> -> memref<80x144xf32, #tpu.memory_space<vmem>>
        %swap3A_646 = arith.index_cast %add3A_600 : i32 to index
        %swap3A_647 = arith.constant 0 : index
        %swap3A_648 = tpu.vector_load %swap3A_645[%swap3A_646, %swap3A_647] {strides = array<i32>} : memref<80x144xf32, #tpu.memory_space<vmem>>, vector<16xf32>,
        tpu.vector_store %swap3A_645[%swap3A_646, %swap3A_647], %mul3A_641 {strides = array<i32>} : memref<80x144xf32, #tpu.memory_space<vmem>>, vector<16xf32>,
        %get3A_649 = arith.constant 0 : i32
        %get3A_650 = arith.constant 0 : i32
        %get3A_651 = tpu.memref_slice %arg9[%scan3A_284, %get3A_649, %get3A_650] : memref<2x80x144xf32, #tpu.memory_space<vmem>> -> memref<1x80x144xf32, #tpu.memory_space<vmem>>
        %get3A_652 = tpu.memref_squeeze %get3A_651 : memref<1x80x144xf32, #tpu.memory_space<vmem>> -> memref<80x144xf32, #tpu.memory_space<vmem>>
        %get3A_653 = arith.index_cast %add3A_600 : i32 to index
        %get3A_654 = arith.constant 16 : index
        %get3A_655 = tpu.vector_load %get3A_652[%get3A_653, %get3A_654] {strides = array<i32>} : memref<80x144xf32, #tpu.memory_space<vmem>>, vector<16xf32>,
        %mul3A_656 = arith.mulf %get3A_655, %gather3A_633 : vector<16xf32>
        %swap3A_657 = arith.constant 0 : i32
        %swap3A_658 = arith.constant 0 : i32
        %swap3A_659 = tpu.memref_slice %arg9[%scan3A_284, %swap3A_657, %swap3A_658] : memref<2x80x144xf32, #tpu.memory_space<vmem>> -> memref<1x80x144xf32, #tpu.memory_space<vmem>>
        %swap3A_660 = tpu.memref_squeeze %swap3A_659 : memref<1x80x144xf32, #tpu.memory_space<vmem>> -> memref<80x144xf32, #tpu.memory_space<vmem>>
        %swap3A_661 = arith.index_cast %add3A_600 : i32 to index
        %swap3A_662 = arith.constant 16 : index
        %swap3A_663 = tpu.vector_load %swap3A_660[%swap3A_661, %swap3A_662] {strides = array<i32>} : memref<80x144xf32, #tpu.memory_space<vmem>>, vector<16xf32>,
        tpu.vector_store %swap3A_660[%swap3A_661, %swap3A_662], %mul3A_656 {strides = array<i32>} : memref<80x144xf32, #tpu.memory_space<vmem>>, vector<16xf32>,
        %get3A_664 = arith.constant 0 : i32
        %get3A_665 = arith.constant 0 : i32
        %get3A_666 = tpu.memref_slice %arg9[%scan3A_284, %get3A_664, %get3A_665] : memref<2x80x144xf32, #tpu.memory_space<vmem>> -> memref<1x80x144xf32, #tpu.memory_space<vmem>>
        %get3A_667 = tpu.memref_squeeze %get3A_666 : memref<1x80x144xf32, #tpu.memory_space<vmem>> -> memref<80x144xf32, #tpu.memory_space<vmem>>
        %get3A_668 = arith.index_cast %add3A_600 : i32 to index
        %get3A_669 = arith.constant 32 : index
        %get3A_670 = tpu.vector_load %get3A_667[%get3A_668, %get3A_669] {strides = array<i32>} : memref<80x144xf32, #tpu.memory_space<vmem>>, vector<16xf32>,
        %mul3A_671 = arith.mulf %get3A_670, %gather3A_633 : vector<16xf32>
        %swap3A_672 = arith.constant 0 : i32
        %swap3A_673 = arith.constant 0 : i32
        %swap3A_674 = tpu.memref_slice %arg9[%scan3A_284, %swap3A_672, %swap3A_673] : memref<2x80x144xf32, #tpu.memory_space<vmem>> -> memref<1x80x144xf32, #tpu.memory_space<vmem>>
        %swap3A_675 = tpu.memref_squeeze %swap3A_674 : memref<1x80x144xf32, #tpu.memory_space<vmem>> -> memref<80x144xf32, #tpu.memory_space<vmem>>
        %swap3A_676 = arith.index_cast %add3A_600 : i32 to index
        %swap3A_677 = arith.constant 32 : index
        %swap3A_678 = tpu.vector_load %swap3A_675[%swap3A_676, %swap3A_677] {strides = array<i32>} : memref<80x144xf32, #tpu.memory_space<vmem>>, vector<16xf32>,
        tpu.vector_store %swap3A_675[%swap3A_676, %swap3A_677], %mul3A_671 {strides = array<i32>} : memref<80x144xf32, #tpu.memory_space<vmem>>, vector<16xf32>,
        %get3A_679 = arith.constant 0 : i32
        %get3A_680 = arith.constant 0 : i32
        %get3A_681 = tpu.memref_slice %arg9[%scan3A_284, %get3A_679, %get3A_680] : memref<2x80x144xf32, #tpu.memory_space<vmem>> -> memref<1x80x144xf32, #tpu.memory_space<vmem>>
        %get3A_682 = tpu.memref_squeeze %get3A_681 : memref<1x80x144xf32, #tpu.memory_space<vmem>> -> memref<80x144xf32, #tpu.memory_space<vmem>>
        %get3A_683 = arith.index_cast %add3A_600 : i32 to index
        %get3A_684 = arith.constant 48 : index
        %get3A_685 = tpu.vector_load %get3A_682[%get3A_683, %get3A_684] {strides = array<i32>} : memref<80x144xf32, #tpu.memory_space<vmem>>, vector<16xf32>,
        %mul3A_686 = arith.mulf %get3A_685, %gather3A_633 : vector<16xf32>
        %swap3A_687 = arith.constant 0 : i32
        %swap3A_688 = arith.constant 0 : i32
        %swap3A_689 = tpu.memref_slice %arg9[%scan3A_284, %swap3A_687, %swap3A_688] : memref<2x80x144xf32, #tpu.memory_space<vmem>> -> memref<1x80x144xf32, #tpu.memory_space<vmem>>
        %swap3A_690 = tpu.memref_squeeze %swap3A_689 : memref<1x80x144xf32, #tpu.memory_space<vmem>> -> memref<80x144xf32, #tpu.memory_space<vmem>>
        %swap3A_691 = arith.index_cast %add3A_600 : i32 to index
        %swap3A_692 = arith.constant 48 : index
        %swap3A_693 = tpu.vector_load %swap3A_690[%swap3A_691, %swap3A_692] {strides = array<i32>} : memref<80x144xf32, #tpu.memory_space<vmem>>, vector<16xf32>,
        tpu.vector_store %swap3A_690[%swap3A_691, %swap3A_692], %mul3A_686 {strides = array<i32>} : memref<80x144xf32, #tpu.memory_space<vmem>>, vector<16xf32>,
        %get3A_694 = arith.constant 0 : i32
        %get3A_695 = arith.constant 0 : i32
        %get3A_696 = tpu.memref_slice %arg9[%scan3A_284, %get3A_694, %get3A_695] : memref<2x80x144xf32, #tpu.memory_space<vmem>> -> memref<1x80x144xf32, #tpu.memory_space<vmem>>
        %get3A_697 = tpu.memref_squeeze %get3A_696 : memref<1x80x144xf32, #tpu.memory_space<vmem>> -> memref<80x144xf32, #tpu.memory_space<vmem>>
        %get3A_698 = arith.index_cast %add3A_600 : i32 to index
        %get3A_699 = arith.constant 64 : index
        %get3A_700 = tpu.vector_load %get3A_697[%get3A_698, %get3A_699] {strides = array<i32>} : memref<80x144xf32, #tpu.memory_space<vmem>>, vector<16xf32>,
        %mul3A_701 = arith.mulf %get3A_700, %gather3A_633 : vector<16xf32>
        %swap3A_702 = arith.constant 0 : i32
        %swap3A_703 = arith.constant 0 : i32
        %swap3A_704 = tpu.memref_slice %arg9[%scan3A_284, %swap3A_702, %swap3A_703] : memref<2x80x144xf32, #tpu.memory_space<vmem>> -> memref<1x80x144xf32, #tpu.memory_space<vmem>>
        %swap3A_705 = tpu.memref_squeeze %swap3A_704 : memref<1x80x144xf32, #tpu.memory_space<vmem>> -> memref<80x144xf32, #tpu.memory_space<vmem>>
        %swap3A_706 = arith.index_cast %add3A_600 : i32 to index
        %swap3A_707 = arith.constant 64 : index
        %swap3A_708 = tpu.vector_load %swap3A_705[%swap3A_706, %swap3A_707] {strides = array<i32>} : memref<80x144xf32, #tpu.memory_space<vmem>>, vector<16xf32>,
        tpu.vector_store %swap3A_705[%swap3A_706, %swap3A_707], %mul3A_701 {strides = array<i32>} : memref<80x144xf32, #tpu.memory_space<vmem>>, vector<16xf32>,
        %get3A_709 = arith.constant 0 : i32
        %get3A_710 = arith.constant 0 : i32
        %get3A_711 = tpu.memref_slice %arg9[%scan3A_284, %get3A_709, %get3A_710] : memref<2x80x144xf32, #tpu.memory_space<vmem>> -> memref<1x80x144xf32, #tpu.memory_space<vmem>>
        %get3A_712 = tpu.memref_squeeze %get3A_711 : memref<1x80x144xf32, #tpu.memory_space<vmem>> -> memref<80x144xf32, #tpu.memory_space<vmem>>
        %get3A_713 = arith.index_cast %add3A_600 : i32 to index
        %get3A_714 = arith.constant 80 : index
        %get3A_715 = tpu.vector_load %get3A_712[%get3A_713, %get3A_714] {strides = array<i32>} : memref<80x144xf32, #tpu.memory_space<vmem>>, vector<16xf32>,
        %mul3A_716 = arith.mulf %get3A_715, %gather3A_633 : vector<16xf32>
        %swap3A_717 = arith.constant 0 : i32
        %swap3A_718 = arith.constant 0 : i32
        %swap3A_719 = tpu.memref_slice %arg9[%scan3A_284, %swap3A_717, %swap3A_718] : memref<2x80x144xf32, #tpu.memory_space<vmem>> -> memref<1x80x144xf32, #tpu.memory_space<vmem>>
        %swap3A_720 = tpu.memref_squeeze %swap3A_719 : memref<1x80x144xf32, #tpu.memory_space<vmem>> -> memref<80x144xf32, #tpu.memory_space<vmem>>
        %swap3A_721 = arith.index_cast %add3A_600 : i32 to index
        %swap3A_722 = arith.constant 80 : index
        %swap3A_723 = tpu.vector_load %swap3A_720[%swap3A_721, %swap3A_722] {strides = array<i32>} : memref<80x144xf32, #tpu.memory_space<vmem>>, vector<16xf32>,
        tpu.vector_store %swap3A_720[%swap3A_721, %swap3A_722], %mul3A_716 {strides = array<i32>} : memref<80x144xf32, #tpu.memory_space<vmem>>, vector<16xf32>,
        %get3A_724 = arith.constant 0 : i32
        %get3A_725 = arith.constant 0 : i32
        %get3A_726 = tpu.memref_slice %arg9[%scan3A_284, %get3A_724, %get3A_725] : memref<2x80x144xf32, #tpu.memory_space<vmem>> -> memref<1x80x144xf32, #tpu.memory_space<vmem>>
        %get3A_727 = tpu.memref_squeeze %get3A_726 : memref<1x80x144xf32, #tpu.memory_space<vmem>> -> memref<80x144xf32, #tpu.memory_space<vmem>>
        %get3A_728 = arith.index_cast %add3A_600 : i32 to index
        %get3A_729 = arith.constant 96 : index
        %get3A_730 = tpu.vector_load %get3A_727[%get3A_728, %get3A_729] {strides = array<i32>} : memref<80x144xf32, #tpu.memory_space<vmem>>, vector<16xf32>,
        %mul3A_731 = arith.mulf %get3A_730, %gather3A_633 : vector<16xf32>
        %swap3A_732 = arith.constant 0 : i32
        %swap3A_733 = arith.constant 0 : i32
        %swap3A_734 = tpu.memref_slice %arg9[%scan3A_284, %swap3A_732, %swap3A_733] : memref<2x80x144xf32, #tpu.memory_space<vmem>> -> memref<1x80x144xf32, #tpu.memory_space<vmem>>
        %swap3A_735 = tpu.memref_squeeze %swap3A_734 : memref<1x80x144xf32, #tpu.memory_space<vmem>> -> memref<80x144xf32, #tpu.memory_space<vmem>>
        %swap3A_736 = arith.index_cast %add3A_600 : i32 to index
        %swap3A_737 = arith.constant 96 : index
        %swap3A_738 = tpu.vector_load %swap3A_735[%swap3A_736, %swap3A_737] {strides = array<i32>} : memref<80x144xf32, #tpu.memory_space<vmem>>, vector<16xf32>,
        tpu.vector_store %swap3A_735[%swap3A_736, %swap3A_737], %mul3A_731 {strides = array<i32>} : memref<80x144xf32, #tpu.memory_space<vmem>>, vector<16xf32>,
        %get3A_739 = arith.constant 0 : i32
        %get3A_740 = arith.constant 0 : i32
        %get3A_741 = tpu.memref_slice %arg9[%scan3A_284, %get3A_739, %get3A_740] : memref<2x80x144xf32, #tpu.memory_space<vmem>> -> memref<1x80x144xf32, #tpu.memory_space<vmem>>
        %get3A_742 = tpu.memref_squeeze %get3A_741 : memref<1x80x144xf32, #tpu.memory_space<vmem>> -> memref<80x144xf32, #tpu.memory_space<vmem>>
        %get3A_743 = arith.index_cast %add3A_600 : i32 to index
        %get3A_744 = arith.constant 112 : index
        %get3A_745 = tpu.vector_load %get3A_742[%get3A_743, %get3A_744] {strides = array<i32>} : memref<80x144xf32, #tpu.memory_space<vmem>>, vector<16xf32>,
        %mul3A_746 = arith.mulf %get3A_745, %gather3A_633 : vector<16xf32>
        %swap3A_747 = arith.constant 0 : i32
        %swap3A_748 = arith.constant 0 : i32
        %swap3A_749 = tpu.memref_slice %arg9[%scan3A_284, %swap3A_747, %swap3A_748] : memref<2x80x144xf32, #tpu.memory_space<vmem>> -> memref<1x80x144xf32, #tpu.memory_space<vmem>>
        %swap3A_750 = tpu.memref_squeeze %swap3A_749 : memref<1x80x144xf32, #tpu.memory_space<vmem>> -> memref<80x144xf32, #tpu.memory_space<vmem>>
        %swap3A_751 = arith.index_cast %add3A_600 : i32 to index
        %swap3A_752 = arith.constant 112 : index
        %swap3A_753 = tpu.vector_load %swap3A_750[%swap3A_751, %swap3A_752] {strides = array<i32>} : memref<80x144xf32, #tpu.memory_space<vmem>>, vector<16xf32>,
        tpu.vector_store %swap3A_750[%swap3A_751, %swap3A_752], %mul3A_746 {strides = array<i32>} : memref<80x144xf32, #tpu.memory_space<vmem>>, vector<16xf32>,
        %add3A_754 = arith.constant 2 : i32
        %add3A_755 = arith.addi %add3A_450, %add3A_754 : i32
        %get3A_756 = arith.constant 0 : i32
        %get3A_757 = arith.constant 0 : i32
        %get3A_758 = tpu.memref_slice %arg9[%scan3A_284, %get3A_756, %get3A_757] : memref<2x80x144xf32, #tpu.memory_space<vmem>> -> memref<1x80x144xf32, #tpu.memory_space<vmem>>
        %get3A_759 = tpu.memref_squeeze %get3A_758 : memref<1x80x144xf32, #tpu.memory_space<vmem>> -> memref<80x144xf32, #tpu.memory_space<vmem>>
        %get3A_760 = arith.index_cast %add3A_755 : i32 to index
        %get3A_761 = arith.constant 128 : index
        %get3A_762 = tpu.vector_load %get3A_759[%get3A_760, %get3A_761] {strides = array<i32>} : memref<80x144xf32, #tpu.memory_space<vmem>>, vector<16xf32>,
        %get3A_763 = arith.constant 0 : i32
        %get3A_764 = arith.constant 0 : i32
        %get3A_765 = tpu.memref_slice %arg8[%scan3A_285, %get3A_763, %get3A_764] : memref<2x80x16xf32, #tpu.memory_space<vmem>> -> memref<1x80x16xf32, #tpu.memory_space<vmem>>
        %get3A_766 = tpu.memref_squeeze %get3A_765 : memref<1x80x16xf32, #tpu.memory_space<vmem>> -> memref<80x16xf32, #tpu.memory_space<vmem>>
        %get3A_767 = arith.index_cast %add3A_755 : i32 to index
        %get3A_768 = arith.constant 0 : index
        %get3A_769 = tpu.vector_load %get3A_766[%get3A_767, %get3A_768] {strides = array<i32>} : memref<80x16xf32, #tpu.memory_space<vmem>>, vector<16xf32>,
        %add3A_770 = arith.addf %get3A_762, %get3A_769 : vector<16xf32>
        %gt3A_771 = arith.constant 0.000000e+00 : f32
        %gt3A_772 = vector.broadcast %gt3A_771 : f32 to vector<16xf32>
        %gt3A_773 = arith.cmpf ogt, %add3A_770, %gt3A_772 : vector<16xf32>
        %mul3A_774 = arith.constant 2.000000e-01 : f32
        %mul3A_775 = vector.broadcast %mul3A_774 : f32 to vector<16xf32>
        %mul3A_776 = arith.mulf %mul3A_775, %add3A_770 : vector<16xf32>
        %select_n3A_777 = arith.select %gt3A_773, %add3A_770, %mul3A_776 : vector<16xi1>, vector<16xf32>
        %exp3A_778 = math.exp %select_n3A_777 : vector<16xf32>
        %swap3A_779 = arith.constant 0 : i32
        %swap3A_780 = arith.constant 0 : i32
        %swap3A_781 = tpu.memref_slice %arg9[%scan3A_284, %swap3A_779, %swap3A_780] : memref<2x80x144xf32, #tpu.memory_space<vmem>> -> memref<1x80x144xf32, #tpu.memory_space<vmem>>
        %swap3A_782 = tpu.memref_squeeze %swap3A_781 : memref<1x80x144xf32, #tpu.memory_space<vmem>> -> memref<80x144xf32, #tpu.memory_space<vmem>>
        %swap3A_783 = arith.index_cast %add3A_755 : i32 to index
        %swap3A_784 = arith.constant 128 : index
        %swap3A_785 = tpu.vector_load %swap3A_782[%swap3A_783, %swap3A_784] {strides = array<i32>} : memref<80x144xf32, #tpu.memory_space<vmem>>, vector<16xf32>,
        tpu.vector_store %swap3A_782[%swap3A_783, %swap3A_784], %exp3A_778 {strides = array<i32>} : memref<80x144xf32, #tpu.memory_space<vmem>>, vector<16xf32>,
        %broadcast_in_dim3A_786 = vector.shape_cast %and3A_75 : vector<16xi32> to vector<16x1xi32>
        %gather3A_787 = vector.shape_cast %broadcast_in_dim3A_786 : vector<16x1xi32> to vector<16xi32>
        %gather3A_788 = tpu.dynamic_gather %exp3A_778[%gather3A_787] in [0] : vector<16xf32>, vector<16xi32> -> vector<16xf32>
        %get3A_789 = arith.constant 0 : i32
        %get3A_790 = arith.constant 0 : i32
        %get3A_791 = tpu.memref_slice %arg9[%scan3A_284, %get3A_789, %get3A_790] : memref<2x80x144xf32, #tpu.memory_space<vmem>> -> memref<1x80x144xf32, #tpu.memory_space<vmem>>
        %get3A_792 = tpu.memref_squeeze %get3A_791 : memref<1x80x144xf32, #tpu.memory_space<vmem>> -> memref<80x144xf32, #tpu.memory_space<vmem>>
        %get3A_793 = arith.index_cast %add3A_755 : i32 to index
        %get3A_794 = arith.constant 0 : index
        %get3A_795 = tpu.vector_load %get3A_792[%get3A_793, %get3A_794] {strides = array<i32>} : memref<80x144xf32, #tpu.memory_space<vmem>>, vector<16xf32>,
        %mul3A_796 = arith.mulf %get3A_795, %gather3A_788 : vector<16xf32>
        %swap3A_797 = arith.constant 0 : i32
        %swap3A_798 = arith.constant 0 : i32
        %swap3A_799 = tpu.memref_slice %arg9[%scan3A_284, %swap3A_797, %swap3A_798] : memref<2x80x144xf32, #tpu.memory_space<vmem>> -> memref<1x80x144xf32, #tpu.memory_space<vmem>>
        %swap3A_800 = tpu.memref_squeeze %swap3A_799 : memref<1x80x144xf32, #tpu.memory_space<vmem>> -> memref<80x144xf32, #tpu.memory_space<vmem>>
        %swap3A_801 = arith.index_cast %add3A_755 : i32 to index
        %swap3A_802 = arith.constant 0 : index
        %swap3A_803 = tpu.vector_load %swap3A_800[%swap3A_801, %swap3A_802] {strides = array<i32>} : memref<80x144xf32, #tpu.memory_space<vmem>>, vector<16xf32>,
        tpu.vector_store %swap3A_800[%swap3A_801, %swap3A_802], %mul3A_796 {strides = array<i32>} : memref<80x144xf32, #tpu.memory_space<vmem>>, vector<16xf32>,
        %get3A_804 = arith.constant 0 : i32
        %get3A_805 = arith.constant 0 : i32
        %get3A_806 = tpu.memref_slice %arg9[%scan3A_284, %get3A_804, %get3A_805] : memref<2x80x144xf32, #tpu.memory_space<vmem>> -> memref<1x80x144xf32, #tpu.memory_space<vmem>>
        %get3A_807 = tpu.memref_squeeze %get3A_806 : memref<1x80x144xf32, #tpu.memory_space<vmem>> -> memref<80x144xf32, #tpu.memory_space<vmem>>
        %get3A_808 = arith.index_cast %add3A_755 : i32 to index
        %get3A_809 = arith.constant 16 : index
        %get3A_810 = tpu.vector_load %get3A_807[%get3A_808, %get3A_809] {strides = array<i32>} : memref<80x144xf32, #tpu.memory_space<vmem>>, vector<16xf32>,
        %mul3A_811 = arith.mulf %get3A_810, %gather3A_788 : vector<16xf32>
        %swap3A_812 = arith.constant 0 : i32
        %swap3A_813 = arith.constant 0 : i32
        %swap3A_814 = tpu.memref_slice %arg9[%scan3A_284, %swap3A_812, %swap3A_813] : memref<2x80x144xf32, #tpu.memory_space<vmem>> -> memref<1x80x144xf32, #tpu.memory_space<vmem>>
        %swap3A_815 = tpu.memref_squeeze %swap3A_814 : memref<1x80x144xf32, #tpu.memory_space<vmem>> -> memref<80x144xf32, #tpu.memory_space<vmem>>
        %swap3A_816 = arith.index_cast %add3A_755 : i32 to index
        %swap3A_817 = arith.constant 16 : index
        %swap3A_818 = tpu.vector_load %swap3A_815[%swap3A_816, %swap3A_817] {strides = array<i32>} : memref<80x144xf32, #tpu.memory_space<vmem>>, vector<16xf32>,
        tpu.vector_store %swap3A_815[%swap3A_816, %swap3A_817], %mul3A_811 {strides = array<i32>} : memref<80x144xf32, #tpu.memory_space<vmem>>, vector<16xf32>,
        %get3A_819 = arith.constant 0 : i32
        %get3A_820 = arith.constant 0 : i32
        %get3A_821 = tpu.memref_slice %arg9[%scan3A_284, %get3A_819, %get3A_820] : memref<2x80x144xf32, #tpu.memory_space<vmem>> -> memref<1x80x144xf32, #tpu.memory_space<vmem>>
        %get3A_822 = tpu.memref_squeeze %get3A_821 : memref<1x80x144xf32, #tpu.memory_space<vmem>> -> memref<80x144xf32, #tpu.memory_space<vmem>>
        %get3A_823 = arith.index_cast %add3A_755 : i32 to index
        %get3A_824 = arith.constant 32 : index
        %get3A_825 = tpu.vector_load %get3A_822[%get3A_823, %get3A_824] {strides = array<i32>} : memref<80x144xf32, #tpu.memory_space<vmem>>, vector<16xf32>,
        %mul3A_826 = arith.mulf %get3A_825, %gather3A_788 : vector<16xf32>
        %swap3A_827 = arith.constant 0 : i32
        %swap3A_828 = arith.constant 0 : i32
        %swap3A_829 = tpu.memref_slice %arg9[%scan3A_284, %swap3A_827, %swap3A_828] : memref<2x80x144xf32, #tpu.memory_space<vmem>> -> memref<1x80x144xf32, #tpu.memory_space<vmem>>
        %swap3A_830 = tpu.memref_squeeze %swap3A_829 : memref<1x80x144xf32, #tpu.memory_space<vmem>> -> memref<80x144xf32, #tpu.memory_space<vmem>>
        %swap3A_831 = arith.index_cast %add3A_755 : i32 to index
        %swap3A_832 = arith.constant 32 : index
        %swap3A_833 = tpu.vector_load %swap3A_830[%swap3A_831, %swap3A_832] {strides = array<i32>} : memref<80x144xf32, #tpu.memory_space<vmem>>, vector<16xf32>,
        tpu.vector_store %swap3A_830[%swap3A_831, %swap3A_832], %mul3A_826 {strides = array<i32>} : memref<80x144xf32, #tpu.memory_space<vmem>>, vector<16xf32>,
        %get3A_834 = arith.constant 0 : i32
        %get3A_835 = arith.constant 0 : i32
        %get3A_836 = tpu.memref_slice %arg9[%scan3A_284, %get3A_834, %get3A_835] : memref<2x80x144xf32, #tpu.memory_space<vmem>> -> memref<1x80x144xf32, #tpu.memory_space<vmem>>
        %get3A_837 = tpu.memref_squeeze %get3A_836 : memref<1x80x144xf32, #tpu.memory_space<vmem>> -> memref<80x144xf32, #tpu.memory_space<vmem>>
        %get3A_838 = arith.index_cast %add3A_755 : i32 to index
        %get3A_839 = arith.constant 48 : index
        %get3A_840 = tpu.vector_load %get3A_837[%get3A_838, %get3A_839] {strides = array<i32>} : memref<80x144xf32, #tpu.memory_space<vmem>>, vector<16xf32>,
        %mul3A_841 = arith.mulf %get3A_840, %gather3A_788 : vector<16xf32>
        %swap3A_842 = arith.constant 0 : i32
        %swap3A_843 = arith.constant 0 : i32
        %swap3A_844 = tpu.memref_slice %arg9[%scan3A_284, %swap3A_842, %swap3A_843] : memref<2x80x144xf32, #tpu.memory_space<vmem>> -> memref<1x80x144xf32, #tpu.memory_space<vmem>>
        %swap3A_845 = tpu.memref_squeeze %swap3A_844 : memref<1x80x144xf32, #tpu.memory_space<vmem>> -> memref<80x144xf32, #tpu.memory_space<vmem>>
        %swap3A_846 = arith.index_cast %add3A_755 : i32 to index
        %swap3A_847 = arith.constant 48 : index
        %swap3A_848 = tpu.vector_load %swap3A_845[%swap3A_846, %swap3A_847] {strides = array<i32>} : memref<80x144xf32, #tpu.memory_space<vmem>>, vector<16xf32>,
        tpu.vector_store %swap3A_845[%swap3A_846, %swap3A_847], %mul3A_841 {strides = array<i32>} : memref<80x144xf32, #tpu.memory_space<vmem>>, vector<16xf32>,
        %get3A_849 = arith.constant 0 : i32
        %get3A_850 = arith.constant 0 : i32
        %get3A_851 = tpu.memref_slice %arg9[%scan3A_284, %get3A_849, %get3A_850] : memref<2x80x144xf32, #tpu.memory_space<vmem>> -> memref<1x80x144xf32, #tpu.memory_space<vmem>>
        %get3A_852 = tpu.memref_squeeze %get3A_851 : memref<1x80x144xf32, #tpu.memory_space<vmem>> -> memref<80x144xf32, #tpu.memory_space<vmem>>
        %get3A_853 = arith.index_cast %add3A_755 : i32 to index
        %get3A_854 = arith.constant 64 : index
        %get3A_855 = tpu.vector_load %get3A_852[%get3A_853, %get3A_854] {strides = array<i32>} : memref<80x144xf32, #tpu.memory_space<vmem>>, vector<16xf32>,
        %mul3A_856 = arith.mulf %get3A_855, %gather3A_788 : vector<16xf32>
        %swap3A_857 = arith.constant 0 : i32
        %swap3A_858 = arith.constant 0 : i32
        %swap3A_859 = tpu.memref_slice %arg9[%scan3A_284, %swap3A_857, %swap3A_858] : memref<2x80x144xf32, #tpu.memory_space<vmem>> -> memref<1x80x144xf32, #tpu.memory_space<vmem>>
        %swap3A_860 = tpu.memref_squeeze %swap3A_859 : memref<1x80x144xf32, #tpu.memory_space<vmem>> -> memref<80x144xf32, #tpu.memory_space<vmem>>
        %swap3A_861 = arith.index_cast %add3A_755 : i32 to index
        %swap3A_862 = arith.constant 64 : index
        %swap3A_863 = tpu.vector_load %swap3A_860[%swap3A_861, %swap3A_862] {strides = array<i32>} : memref<80x144xf32, #tpu.memory_space<vmem>>, vector<16xf32>,
        tpu.vector_store %swap3A_860[%swap3A_861, %swap3A_862], %mul3A_856 {strides = array<i32>} : memref<80x144xf32, #tpu.memory_space<vmem>>, vector<16xf32>,
        %get3A_864 = arith.constant 0 : i32
        %get3A_865 = arith.constant 0 : i32
        %get3A_866 = tpu.memref_slice %arg9[%scan3A_284, %get3A_864, %get3A_865] : memref<2x80x144xf32, #tpu.memory_space<vmem>> -> memref<1x80x144xf32, #tpu.memory_space<vmem>>
        %get3A_867 = tpu.memref_squeeze %get3A_866 : memref<1x80x144xf32, #tpu.memory_space<vmem>> -> memref<80x144xf32, #tpu.memory_space<vmem>>
        %get3A_868 = arith.index_cast %add3A_755 : i32 to index
        %get3A_869 = arith.constant 80 : index
        %get3A_870 = tpu.vector_load %get3A_867[%get3A_868, %get3A_869] {strides = array<i32>} : memref<80x144xf32, #tpu.memory_space<vmem>>, vector<16xf32>,
        %mul3A_871 = arith.mulf %get3A_870, %gather3A_788 : vector<16xf32>
        %swap3A_872 = arith.constant 0 : i32
        %swap3A_873 = arith.constant 0 : i32
        %swap3A_874 = tpu.memref_slice %arg9[%scan3A_284, %swap3A_872, %swap3A_873] : memref<2x80x144xf32, #tpu.memory_space<vmem>> -> memref<1x80x144xf32, #tpu.memory_space<vmem>>
        %swap3A_875 = tpu.memref_squeeze %swap3A_874 : memref<1x80x144xf32, #tpu.memory_space<vmem>> -> memref<80x144xf32, #tpu.memory_space<vmem>>
        %swap3A_876 = arith.index_cast %add3A_755 : i32 to index
        %swap3A_877 = arith.constant 80 : index
        %swap3A_878 = tpu.vector_load %swap3A_875[%swap3A_876, %swap3A_877] {strides = array<i32>} : memref<80x144xf32, #tpu.memory_space<vmem>>, vector<16xf32>,
        tpu.vector_store %swap3A_875[%swap3A_876, %swap3A_877], %mul3A_871 {strides = array<i32>} : memref<80x144xf32, #tpu.memory_space<vmem>>, vector<16xf32>,
        %get3A_879 = arith.constant 0 : i32
        %get3A_880 = arith.constant 0 : i32
        %get3A_881 = tpu.memref_slice %arg9[%scan3A_284, %get3A_879, %get3A_880] : memref<2x80x144xf32, #tpu.memory_space<vmem>> -> memref<1x80x144xf32, #tpu.memory_space<vmem>>
        %get3A_882 = tpu.memref_squeeze %get3A_881 : memref<1x80x144xf32, #tpu.memory_space<vmem>> -> memref<80x144xf32, #tpu.memory_space<vmem>>
        %get3A_883 = arith.index_cast %add3A_755 : i32 to index
        %get3A_884 = arith.constant 96 : index
        %get3A_885 = tpu.vector_load %get3A_882[%get3A_883, %get3A_884] {strides = array<i32>} : memref<80x144xf32, #tpu.memory_space<vmem>>, vector<16xf32>,
        %mul3A_886 = arith.mulf %get3A_885, %gather3A_788 : vector<16xf32>
        %swap3A_887 = arith.constant 0 : i32
        %swap3A_888 = arith.constant 0 : i32
        %swap3A_889 = tpu.memref_slice %arg9[%scan3A_284, %swap3A_887, %swap3A_888] : memref<2x80x144xf32, #tpu.memory_space<vmem>> -> memref<1x80x144xf32, #tpu.memory_space<vmem>>
        %swap3A_890 = tpu.memref_squeeze %swap3A_889 : memref<1x80x144xf32, #tpu.memory_space<vmem>> -> memref<80x144xf32, #tpu.memory_space<vmem>>
        %swap3A_891 = arith.index_cast %add3A_755 : i32 to index
        %swap3A_892 = arith.constant 96 : index
        %swap3A_893 = tpu.vector_load %swap3A_890[%swap3A_891, %swap3A_892] {strides = array<i32>} : memref<80x144xf32, #tpu.memory_space<vmem>>, vector<16xf32>,
        tpu.vector_store %swap3A_890[%swap3A_891, %swap3A_892], %mul3A_886 {strides = array<i32>} : memref<80x144xf32, #tpu.memory_space<vmem>>, vector<16xf32>,
        %get3A_894 = arith.constant 0 : i32
        %get3A_895 = arith.constant 0 : i32
        %get3A_896 = tpu.memref_slice %arg9[%scan3A_284, %get3A_894, %get3A_895] : memref<2x80x144xf32, #tpu.memory_space<vmem>> -> memref<1x80x144xf32, #tpu.memory_space<vmem>>
        %get3A_897 = tpu.memref_squeeze %get3A_896 : memref<1x80x144xf32, #tpu.memory_space<vmem>> -> memref<80x144xf32, #tpu.memory_space<vmem>>
        %get3A_898 = arith.index_cast %add3A_755 : i32 to index
        %get3A_899 = arith.constant 112 : index
        %get3A_900 = tpu.vector_load %get3A_897[%get3A_898, %get3A_899] {strides = array<i32>} : memref<80x144xf32, #tpu.memory_space<vmem>>, vector<16xf32>,
        %mul3A_901 = arith.mulf %get3A_900, %gather3A_788 : vector<16xf32>
        %swap3A_902 = arith.constant 0 : i32
        %swap3A_903 = arith.constant 0 : i32
        %swap3A_904 = tpu.memref_slice %arg9[%scan3A_284, %swap3A_902, %swap3A_903] : memref<2x80x144xf32, #tpu.memory_space<vmem>> -> memref<1x80x144xf32, #tpu.memory_space<vmem>>
        %swap3A_905 = tpu.memref_squeeze %swap3A_904 : memref<1x80x144xf32, #tpu.memory_space<vmem>> -> memref<80x144xf32, #tpu.memory_space<vmem>>
        %swap3A_906 = arith.index_cast %add3A_755 : i32 to index
        %swap3A_907 = arith.constant 112 : index
        %swap3A_908 = tpu.vector_load %swap3A_905[%swap3A_906, %swap3A_907] {strides = array<i32>} : memref<80x144xf32, #tpu.memory_space<vmem>>, vector<16xf32>,
        tpu.vector_store %swap3A_905[%swap3A_906, %swap3A_907], %mul3A_901 {strides = array<i32>} : memref<80x144xf32, #tpu.memory_space<vmem>>, vector<16xf32>,
        %add3A_909 = arith.constant 3 : i32
        %add3A_910 = arith.addi %add3A_450, %add3A_909 : i32
        %get3A_911 = arith.constant 0 : i32
        %get3A_912 = arith.constant 0 : i32
        %get3A_913 = tpu.memref_slice %arg9[%scan3A_284, %get3A_911, %get3A_912] : memref<2x80x144xf32, #tpu.memory_space<vmem>> -> memref<1x80x144xf32, #tpu.memory_space<vmem>>
        %get3A_914 = tpu.memref_squeeze %get3A_913 : memref<1x80x144xf32, #tpu.memory_space<vmem>> -> memref<80x144xf32, #tpu.memory_space<vmem>>
        %get3A_915 = arith.index_cast %add3A_910 : i32 to index
        %get3A_916 = arith.constant 128 : index
        %get3A_917 = tpu.vector_load %get3A_914[%get3A_915, %get3A_916] {strides = array<i32>} : memref<80x144xf32, #tpu.memory_space<vmem>>, vector<16xf32>,
        %get3A_918 = arith.constant 0 : i32
        %get3A_919 = arith.constant 0 : i32
        %get3A_920 = tpu.memref_slice %arg8[%scan3A_285, %get3A_918, %get3A_919] : memref<2x80x16xf32, #tpu.memory_space<vmem>> -> memref<1x80x16xf32, #tpu.memory_space<vmem>>
        %get3A_921 = tpu.memref_squeeze %get3A_920 : memref<1x80x16xf32, #tpu.memory_space<vmem>> -> memref<80x16xf32, #tpu.memory_space<vmem>>
        %get3A_922 = arith.index_cast %add3A_910 : i32 to index
        %get3A_923 = arith.constant 0 : index
        %get3A_924 = tpu.vector_load %get3A_921[%get3A_922, %get3A_923] {strides = array<i32>} : memref<80x16xf32, #tpu.memory_space<vmem>>, vector<16xf32>,
        %add3A_925 = arith.addf %get3A_917, %get3A_924 : vector<16xf32>
        %gt3A_926 = arith.constant 0.000000e+00 : f32
        %gt3A_927 = vector.broadcast %gt3A_926 : f32 to vector<16xf32>
        %gt3A_928 = arith.cmpf ogt, %add3A_925, %gt3A_927 : vector<16xf32>
        %mul3A_929 = arith.constant 2.000000e-01 : f32
        %mul3A_930 = vector.broadcast %mul3A_929 : f32 to vector<16xf32>
        %mul3A_931 = arith.mulf %mul3A_930, %add3A_925 : vector<16xf32>
        %select_n3A_932 = arith.select %gt3A_928, %add3A_925, %mul3A_931 : vector<16xi1>, vector<16xf32>
        %exp3A_933 = math.exp %select_n3A_932 : vector<16xf32>
        %swap3A_934 = arith.constant 0 : i32
        %swap3A_935 = arith.constant 0 : i32
        %swap3A_936 = tpu.memref_slice %arg9[%scan3A_284, %swap3A_934, %swap3A_935] : memref<2x80x144xf32, #tpu.memory_space<vmem>> -> memref<1x80x144xf32, #tpu.memory_space<vmem>>
        %swap3A_937 = tpu.memref_squeeze %swap3A_936 : memref<1x80x144xf32, #tpu.memory_space<vmem>> -> memref<80x144xf32, #tpu.memory_space<vmem>>
        %swap3A_938 = arith.index_cast %add3A_910 : i32 to index
        %swap3A_939 = arith.constant 128 : index
        %swap3A_940 = tpu.vector_load %swap3A_937[%swap3A_938, %swap3A_939] {strides = array<i32>} : memref<80x144xf32, #tpu.memory_space<vmem>>, vector<16xf32>,
        tpu.vector_store %swap3A_937[%swap3A_938, %swap3A_939], %exp3A_933 {strides = array<i32>} : memref<80x144xf32, #tpu.memory_space<vmem>>, vector<16xf32>,
        %broadcast_in_dim3A_941 = vector.shape_cast %and3A_75 : vector<16xi32> to vector<16x1xi32>
        %gather3A_942 = vector.shape_cast %broadcast_in_dim3A_941 : vector<16x1xi32> to vector<16xi32>
        %gather3A_943 = tpu.dynamic_gather %exp3A_933[%gather3A_942] in [0] : vector<16xf32>, vector<16xi32> -> vector<16xf32>
        %get3A_944 = arith.constant 0 : i32
        %get3A_945 = arith.constant 0 : i32
        %get3A_946 = tpu.memref_slice %arg9[%scan3A_284, %get3A_944, %get3A_945] : memref<2x80x144xf32, #tpu.memory_space<vmem>> -> memref<1x80x144xf32, #tpu.memory_space<vmem>>
        %get3A_947 = tpu.memref_squeeze %get3A_946 : memref<1x80x144xf32, #tpu.memory_space<vmem>> -> memref<80x144xf32, #tpu.memory_space<vmem>>
        %get3A_948 = arith.index_cast %add3A_910 : i32 to index
        %get3A_949 = arith.constant 0 : index
        %get3A_950 = tpu.vector_load %get3A_947[%get3A_948, %get3A_949] {strides = array<i32>} : memref<80x144xf32, #tpu.memory_space<vmem>>, vector<16xf32>,
        %mul3A_951 = arith.mulf %get3A_950, %gather3A_943 : vector<16xf32>
        %swap3A_952 = arith.constant 0 : i32
        %swap3A_953 = arith.constant 0 : i32
        %swap3A_954 = tpu.memref_slice %arg9[%scan3A_284, %swap3A_952, %swap3A_953] : memref<2x80x144xf32, #tpu.memory_space<vmem>> -> memref<1x80x144xf32, #tpu.memory_space<vmem>>
        %swap3A_955 = tpu.memref_squeeze %swap3A_954 : memref<1x80x144xf32, #tpu.memory_space<vmem>> -> memref<80x144xf32, #tpu.memory_space<vmem>>
        %swap3A_956 = arith.index_cast %add3A_910 : i32 to index
        %swap3A_957 = arith.constant 0 : index
        %swap3A_958 = tpu.vector_load %swap3A_955[%swap3A_956, %swap3A_957] {strides = array<i32>} : memref<80x144xf32, #tpu.memory_space<vmem>>, vector<16xf32>,
        tpu.vector_store %swap3A_955[%swap3A_956, %swap3A_957], %mul3A_951 {strides = array<i32>} : memref<80x144xf32, #tpu.memory_space<vmem>>, vector<16xf32>,
        %get3A_959 = arith.constant 0 : i32
        %get3A_960 = arith.constant 0 : i32
        %get3A_961 = tpu.memref_slice %arg9[%scan3A_284, %get3A_959, %get3A_960] : memref<2x80x144xf32, #tpu.memory_space<vmem>> -> memref<1x80x144xf32, #tpu.memory_space<vmem>>
        %get3A_962 = tpu.memref_squeeze %get3A_961 : memref<1x80x144xf32, #tpu.memory_space<vmem>> -> memref<80x144xf32, #tpu.memory_space<vmem>>
        %get3A_963 = arith.index_cast %add3A_910 : i32 to index
        %get3A_964 = arith.constant 16 : index
        %get3A_965 = tpu.vector_load %get3A_962[%get3A_963, %get3A_964] {strides = array<i32>} : memref<80x144xf32, #tpu.memory_space<vmem>>, vector<16xf32>,
        %mul3A_966 = arith.mulf %get3A_965, %gather3A_943 : vector<16xf32>
        %swap3A_967 = arith.constant 0 : i32
        %swap3A_968 = arith.constant 0 : i32
        %swap3A_969 = tpu.memref_slice %arg9[%scan3A_284, %swap3A_967, %swap3A_968] : memref<2x80x144xf32, #tpu.memory_space<vmem>> -> memref<1x80x144xf32, #tpu.memory_space<vmem>>
        %swap3A_970 = tpu.memref_squeeze %swap3A_969 : memref<1x80x144xf32, #tpu.memory_space<vmem>> -> memref<80x144xf32, #tpu.memory_space<vmem>>
        %swap3A_971 = arith.index_cast %add3A_910 : i32 to index
        %swap3A_972 = arith.constant 16 : index
        %swap3A_973 = tpu.vector_load %swap3A_970[%swap3A_971, %swap3A_972] {strides = array<i32>} : memref<80x144xf32, #tpu.memory_space<vmem>>, vector<16xf32>,
        tpu.vector_store %swap3A_970[%swap3A_971, %swap3A_972], %mul3A_966 {strides = array<i32>} : memref<80x144xf32, #tpu.memory_space<vmem>>, vector<16xf32>,
        %get3A_974 = arith.constant 0 : i32
        %get3A_975 = arith.constant 0 : i32
        %get3A_976 = tpu.memref_slice %arg9[%scan3A_284, %get3A_974, %get3A_975] : memref<2x80x144xf32, #tpu.memory_space<vmem>> -> memref<1x80x144xf32, #tpu.memory_space<vmem>>
        %get3A_977 = tpu.memref_squeeze %get3A_976 : memref<1x80x144xf32, #tpu.memory_space<vmem>> -> memref<80x144xf32, #tpu.memory_space<vmem>>
        %get3A_978 = arith.index_cast %add3A_910 : i32 to index
        %get3A_979 = arith.constant 32 : index
        %get3A_980 = tpu.vector_load %get3A_977[%get3A_978, %get3A_979] {strides = array<i32>} : memref<80x144xf32, #tpu.memory_space<vmem>>, vector<16xf32>,
        %mul3A_981 = arith.mulf %get3A_980, %gather3A_943 : vector<16xf32>
        %swap3A_982 = arith.constant 0 : i32
        %swap3A_983 = arith.constant 0 : i32
        %swap3A_984 = tpu.memref_slice %arg9[%scan3A_284, %swap3A_982, %swap3A_983] : memref<2x80x144xf32, #tpu.memory_space<vmem>> -> memref<1x80x144xf32, #tpu.memory_space<vmem>>
        %swap3A_985 = tpu.memref_squeeze %swap3A_984 : memref<1x80x144xf32, #tpu.memory_space<vmem>> -> memref<80x144xf32, #tpu.memory_space<vmem>>
        %swap3A_986 = arith.index_cast %add3A_910 : i32 to index
        %swap3A_987 = arith.constant 32 : index
        %swap3A_988 = tpu.vector_load %swap3A_985[%swap3A_986, %swap3A_987] {strides = array<i32>} : memref<80x144xf32, #tpu.memory_space<vmem>>, vector<16xf32>,
        tpu.vector_store %swap3A_985[%swap3A_986, %swap3A_987], %mul3A_981 {strides = array<i32>} : memref<80x144xf32, #tpu.memory_space<vmem>>, vector<16xf32>,
        %get3A_989 = arith.constant 0 : i32
        %get3A_990 = arith.constant 0 : i32
        %get3A_991 = tpu.memref_slice %arg9[%scan3A_284, %get3A_989, %get3A_990] : memref<2x80x144xf32, #tpu.memory_space<vmem>> -> memref<1x80x144xf32, #tpu.memory_space<vmem>>
        %get3A_992 = tpu.memref_squeeze %get3A_991 : memref<1x80x144xf32, #tpu.memory_space<vmem>> -> memref<80x144xf32, #tpu.memory_space<vmem>>
        %get3A_993 = arith.index_cast %add3A_910 : i32 to index
        %get3A_994 = arith.constant 48 : index
        %get3A_995 = tpu.vector_load %get3A_992[%get3A_993, %get3A_994] {strides = array<i32>} : memref<80x144xf32, #tpu.memory_space<vmem>>, vector<16xf32>,
        %mul3A_996 = arith.mulf %get3A_995, %gather3A_943 : vector<16xf32>
        %swap3A_997 = arith.constant 0 : i32
        %swap3A_998 = arith.constant 0 : i32
        %swap3A_999 = tpu.memref_slice %arg9[%scan3A_284, %swap3A_997, %swap3A_998] : memref<2x80x144xf32, #tpu.memory_space<vmem>> -> memref<1x80x144xf32, #tpu.memory_space<vmem>>
        %swap3A_1000 = tpu.memref_squeeze %swap3A_999 : memref<1x80x144xf32, #tpu.memory_space<vmem>> -> memref<80x144xf32, #tpu.memory_space<vmem>>
        %swap3A_1001 = arith.index_cast %add3A_910 : i32 to index
        %swap3A_1002 = arith.constant 48 : index
        %swap3A_1003 = tpu.vector_load %swap3A_1000[%swap3A_1001, %swap3A_1002] {strides = array<i32>} : memref<80x144xf32, #tpu.memory_space<vmem>>, vector<16xf32>,
        tpu.vector_store %swap3A_1000[%swap3A_1001, %swap3A_1002], %mul3A_996 {strides = array<i32>} : memref<80x144xf32, #tpu.memory_space<vmem>>, vector<16xf32>,
        %get3A_1004 = arith.constant 0 : i32
        %get3A_1005 = arith.constant 0 : i32
        %get3A_1006 = tpu.memref_slice %arg9[%scan3A_284, %get3A_1004, %get3A_1005] : memref<2x80x144xf32, #tpu.memory_space<vmem>> -> memref<1x80x144xf32, #tpu.memory_space<vmem>>
        %get3A_1007 = tpu.memref_squeeze %get3A_1006 : memref<1x80x144xf32, #tpu.memory_space<vmem>> -> memref<80x144xf32, #tpu.memory_space<vmem>>
        %get3A_1008 = arith.index_cast %add3A_910 : i32 to index
        %get3A_1009 = arith.constant 64 : index
        %get3A_1010 = tpu.vector_load %get3A_1007[%get3A_1008, %get3A_1009] {strides = array<i32>} : memref<80x144xf32, #tpu.memory_space<vmem>>, vector<16xf32>,
        %mul3A_1011 = arith.mulf %get3A_1010, %gather3A_943 : vector<16xf32>
        %swap3A_1012 = arith.constant 0 : i32
        %swap3A_1013 = arith.constant 0 : i32
        %swap3A_1014 = tpu.memref_slice %arg9[%scan3A_284, %swap3A_1012, %swap3A_1013] : memref<2x80x144xf32, #tpu.memory_space<vmem>> -> memref<1x80x144xf32, #tpu.memory_space<vmem>>
        %swap3A_1015 = tpu.memref_squeeze %swap3A_1014 : memref<1x80x144xf32, #tpu.memory_space<vmem>> -> memref<80x144xf32, #tpu.memory_space<vmem>>
        %swap3A_1016 = arith.index_cast %add3A_910 : i32 to index
        %swap3A_1017 = arith.constant 64 : index
        %swap3A_1018 = tpu.vector_load %swap3A_1015[%swap3A_1016, %swap3A_1017] {strides = array<i32>} : memref<80x144xf32, #tpu.memory_space<vmem>>, vector<16xf32>,
        tpu.vector_store %swap3A_1015[%swap3A_1016, %swap3A_1017], %mul3A_1011 {strides = array<i32>} : memref<80x144xf32, #tpu.memory_space<vmem>>, vector<16xf32>,
        %get3A_1019 = arith.constant 0 : i32
        %get3A_1020 = arith.constant 0 : i32
        %get3A_1021 = tpu.memref_slice %arg9[%scan3A_284, %get3A_1019, %get3A_1020] : memref<2x80x144xf32, #tpu.memory_space<vmem>> -> memref<1x80x144xf32, #tpu.memory_space<vmem>>
        %get3A_1022 = tpu.memref_squeeze %get3A_1021 : memref<1x80x144xf32, #tpu.memory_space<vmem>> -> memref<80x144xf32, #tpu.memory_space<vmem>>
        %get3A_1023 = arith.index_cast %add3A_910 : i32 to index
        %get3A_1024 = arith.constant 80 : index
        %get3A_1025 = tpu.vector_load %get3A_1022[%get3A_1023, %get3A_1024] {strides = array<i32>} : memref<80x144xf32, #tpu.memory_space<vmem>>, vector<16xf32>,
        %mul3A_1026 = arith.mulf %get3A_1025, %gather3A_943 : vector<16xf32>
        %swap3A_1027 = arith.constant 0 : i32
        %swap3A_1028 = arith.constant 0 : i32
        %swap3A_1029 = tpu.memref_slice %arg9[%scan3A_284, %swap3A_1027, %swap3A_1028] : memref<2x80x144xf32, #tpu.memory_space<vmem>> -> memref<1x80x144xf32, #tpu.memory_space<vmem>>
        %swap3A_1030 = tpu.memref_squeeze %swap3A_1029 : memref<1x80x144xf32, #tpu.memory_space<vmem>> -> memref<80x144xf32, #tpu.memory_space<vmem>>
        %swap3A_1031 = arith.index_cast %add3A_910 : i32 to index
        %swap3A_1032 = arith.constant 80 : index
        %swap3A_1033 = tpu.vector_load %swap3A_1030[%swap3A_1031, %swap3A_1032] {strides = array<i32>} : memref<80x144xf32, #tpu.memory_space<vmem>>, vector<16xf32>,
        tpu.vector_store %swap3A_1030[%swap3A_1031, %swap3A_1032], %mul3A_1026 {strides = array<i32>} : memref<80x144xf32, #tpu.memory_space<vmem>>, vector<16xf32>,
        %get3A_1034 = arith.constant 0 : i32
        %get3A_1035 = arith.constant 0 : i32
        %get3A_1036 = tpu.memref_slice %arg9[%scan3A_284, %get3A_1034, %get3A_1035] : memref<2x80x144xf32, #tpu.memory_space<vmem>> -> memref<1x80x144xf32, #tpu.memory_space<vmem>>
        %get3A_1037 = tpu.memref_squeeze %get3A_1036 : memref<1x80x144xf32, #tpu.memory_space<vmem>> -> memref<80x144xf32, #tpu.memory_space<vmem>>
        %get3A_1038 = arith.index_cast %add3A_910 : i32 to index
        %get3A_1039 = arith.constant 96 : index
        %get3A_1040 = tpu.vector_load %get3A_1037[%get3A_1038, %get3A_1039] {strides = array<i32>} : memref<80x144xf32, #tpu.memory_space<vmem>>, vector<16xf32>,
        %mul3A_1041 = arith.mulf %get3A_1040, %gather3A_943 : vector<16xf32>
        %swap3A_1042 = arith.constant 0 : i32
        %swap3A_1043 = arith.constant 0 : i32
        %swap3A_1044 = tpu.memref_slice %arg9[%scan3A_284, %swap3A_1042, %swap3A_1043] : memref<2x80x144xf32, #tpu.memory_space<vmem>> -> memref<1x80x144xf32, #tpu.memory_space<vmem>>
        %swap3A_1045 = tpu.memref_squeeze %swap3A_1044 : memref<1x80x144xf32, #tpu.memory_space<vmem>> -> memref<80x144xf32, #tpu.memory_space<vmem>>
        %swap3A_1046 = arith.index_cast %add3A_910 : i32 to index
        %swap3A_1047 = arith.constant 96 : index
        %swap3A_1048 = tpu.vector_load %swap3A_1045[%swap3A_1046, %swap3A_1047] {strides = array<i32>} : memref<80x144xf32, #tpu.memory_space<vmem>>, vector<16xf32>,
        tpu.vector_store %swap3A_1045[%swap3A_1046, %swap3A_1047], %mul3A_1041 {strides = array<i32>} : memref<80x144xf32, #tpu.memory_space<vmem>>, vector<16xf32>,
        %get3A_1049 = arith.constant 0 : i32
        %get3A_1050 = arith.constant 0 : i32
        %get3A_1051 = tpu.memref_slice %arg9[%scan3A_284, %get3A_1049, %get3A_1050] : memref<2x80x144xf32, #tpu.memory_space<vmem>> -> memref<1x80x144xf32, #tpu.memory_space<vmem>>
        %get3A_1052 = tpu.memref_squeeze %get3A_1051 : memref<1x80x144xf32, #tpu.memory_space<vmem>> -> memref<80x144xf32, #tpu.memory_space<vmem>>
        %get3A_1053 = arith.index_cast %add3A_910 : i32 to index
        %get3A_1054 = arith.constant 112 : index
        %get3A_1055 = tpu.vector_load %get3A_1052[%get3A_1053, %get3A_1054] {strides = array<i32>} : memref<80x144xf32, #tpu.memory_space<vmem>>, vector<16xf32>,
        %mul3A_1056 = arith.mulf %get3A_1055, %gather3A_943 : vector<16xf32>
        %swap3A_1057 = arith.constant 0 : i32
        %swap3A_1058 = arith.constant 0 : i32
        %swap3A_1059 = tpu.memref_slice %arg9[%scan3A_284, %swap3A_1057, %swap3A_1058] : memref<2x80x144xf32, #tpu.memory_space<vmem>> -> memref<1x80x144xf32, #tpu.memory_space<vmem>>
        %swap3A_1060 = tpu.memref_squeeze %swap3A_1059 : memref<1x80x144xf32, #tpu.memory_space<vmem>> -> memref<80x144xf32, #tpu.memory_space<vmem>>
        %swap3A_1061 = arith.index_cast %add3A_910 : i32 to index
        %swap3A_1062 = arith.constant 112 : index
        %swap3A_1063 = tpu.vector_load %swap3A_1060[%swap3A_1061, %swap3A_1062] {strides = array<i32>} : memref<80x144xf32, #tpu.memory_space<vmem>>, vector<16xf32>,
        tpu.vector_store %swap3A_1060[%swap3A_1061, %swap3A_1062], %mul3A_1056 {strides = array<i32>} : memref<80x144xf32, #tpu.memory_space<vmem>>, vector<16xf32>,
      }
      %scan3A_290 = arith.constant 20 : i32
      %and3A_291 = arith.constant 3 : i32
      %and3A_292 = arith.andi %mul3A_251, %and3A_291 : i32
      %mul3A_293 = arith.constant 2 : i32
      %mul3A_294 = arith.muli %mul3A_293, %and3A_292 : i32
      %add3A_295 = arith.constant 1 : i32
      %add3A_296 = arith.addi %mul3A_294, %add3A_295 : i32
      %dma_start3A_297 = arith.constant 0 : i32
      %dma_start3A_298 = arith.constant 0 : i32
      %dma_start3A_299 = arith.constant 0 : i32
      %dma_start3A_300 = tpu.memref_slice %arg9[%dma_start3A_297, %dma_start3A_298, %dma_start3A_299] : memref<2x80x144xf32, #tpu.memory_space<vmem>> -> memref<1x80x144xf32, #tpu.memory_space<vmem>>
      %dma_start3A_301 = tpu.memref_squeeze %dma_start3A_300 : memref<1x80x144xf32, #tpu.memory_space<vmem>> -> memref<80x144xf32, #tpu.memory_space<vmem>>
      %dma_start3A_302 = arith.constant 0 : i32
      %dma_start3A_303 = tpu.memref_slice %arg7[%add3A_296, %dma_start3A_302] : memref<8x80xi32, #tpu.memory_space<vmem>> -> memref<1x80xi32, #tpu.memory_space<vmem>>
      %dma_start3A_304 = tpu.memref_squeeze %dma_start3A_303 : memref<1x80xi32, #tpu.memory_space<vmem>> -> memref<80xi32, #tpu.memory_space<vmem>>
      %dma_start3A_305 = arith.constant 0 : i32
      %dma_start3A_306 = arith.constant 0 : i32
      %dma_start3A_307 = tpu.memref_slice %arg10[%dma_start3A_305, %dma_start3A_306] : memref<10000x144xf32, #tpu.memory_space<vmem_shared>> -> memref<10000x144xf32, #tpu.memory_space<vmem_shared>>
      tpu.enqueue_indirect_dma source(%dma_start3A_301 : memref<80x144xf32, #tpu.memory_space<vmem>>) target(%dma_start3A_307 : memref<10000x144xf32, #tpu.memory_space<vmem_shared>>) offsets(%dma_start3A_304 : memref<80xi32, #tpu.memory_space<vmem>>) semaphore(%arg13 : memref<!tpu.dma_semaphore, #tpu.memory_space<semaphore_mem>>) {add = true}
      %add3A_308 = arith.constant 2 : i32
      %add3A_309 = arith.addi %mul3A_251, %add3A_308 : i32
      %and3A_310 = arith.constant 3 : i32
      %and3A_311 = arith.andi %add3A_309, %and3A_310 : i32
      %mul3A_312 = arith.constant 2 : i32
      %mul3A_313 = arith.muli %mul3A_312, %and3A_311 : i32
      %dma_wait3A_314 = arith.constant 0 : i32
      %dma_wait3A_315 = tpu.memref_slice %arg7[%mul3A_313, %dma_wait3A_314] : memref<8x80xi32, #tpu.memory_space<vmem>> -> memref<2x80xi32, #tpu.memory_space<vmem>>
      %dma_wait3A_316 = arith.constant 0 : i32
      %dma_wait3A_317 = arith.constant 0 : i32
      %dma_wait3A_318 = tpu.memref_slice %arg2[%add3A, %add3A_309, %dma_wait3A_316, %dma_wait3A_317] : memref<32x125x2x80xi32, #tpu.memory_space<hbm>> -> memref<1x1x2x80xi32, #tpu.memory_space<hbm>>
      %dma_wait3A_319 = tpu.memref_squeeze %dma_wait3A_318 : memref<1x1x2x80xi32, #tpu.memory_space<hbm>> -> memref<2x80xi32, #tpu.memory_space<hbm>>
      %dma_wait3A_320 = arith.constant 0 : i32
      %dma_wait3A_321 = tpu.memref_slice %arg7[%mul3A_313, %dma_wait3A_320] : memref<8x80xi32, #tpu.memory_space<vmem>> -> memref<2x80xi32, #tpu.memory_space<vmem>>
      %dma_wait3A_322 = arith.constant 0 : i32
      %dma_wait3A_323 = arith.constant 0 : i32
      %dma_wait3A_324 = tpu.memref_slice %arg2[%add3A, %add3A_309, %dma_wait3A_322, %dma_wait3A_323] : memref<32x125x2x80xi32, #tpu.memory_space<hbm>> -> memref<1x1x2x80xi32, #tpu.memory_space<hbm>>
      %dma_wait3A_325 = tpu.memref_squeeze %dma_wait3A_324 : memref<1x1x2x80xi32, #tpu.memory_space<hbm>> -> memref<2x80xi32, #tpu.memory_space<hbm>>
      tpu.wait_dma2 semaphore(%arg15 : memref<!tpu.dma_semaphore, #tpu.memory_space<semaphore_mem>>) src(%dma_wait3A_325 : memref<2x80xi32, #tpu.memory_space<hbm>>) dst(%dma_wait3A_321 : memref<2x80xi32, #tpu.memory_space<vmem>>)
      %add3A_326 = arith.constant 2 : i32
      %add3A_327 = arith.addi %mul3A_251, %add3A_326 : i32
      %and3A_328 = arith.constant 3 : i32
      %and3A_329 = arith.andi %add3A_327, %and3A_328 : i32
      %mul3A_330 = arith.constant 2 : i32
      %mul3A_331 = arith.muli %mul3A_330, %and3A_329 : i32
      %mul3A_332 = arith.constant 2 : i32
      %mul3A_333 = arith.muli %mul3A_332, %and3A_329 : i32
      %add3A_334 = arith.constant 1 : i32
      %add3A_335 = arith.addi %mul3A_333, %add3A_334 : i32
      %dma_start3A_336 = arith.constant 0 : i32
      %dma_start3A_337 = arith.constant 0 : i32
      %dma_start3A_338 = arith.constant 0 : i32
      %dma_start3A_339 = tpu.memref_slice %arg8[%dma_start3A_336, %dma_start3A_337, %dma_start3A_338] : memref<2x80x16xf32, #tpu.memory_space<vmem>> -> memref<1x80x16xf32, #tpu.memory_space<vmem>>
      %dma_start3A_340 = tpu.memref_squeeze %dma_start3A_339 : memref<1x80x16xf32, #tpu.memory_space<vmem>> -> memref<80x16xf32, #tpu.memory_space<vmem>>
      %dma_start3A_341 = arith.constant 0 : i32
      %dma_start3A_342 = tpu.memref_slice %arg7[%add3A_335, %dma_start3A_341] : memref<8x80xi32, #tpu.memory_space<vmem>> -> memref<1x80xi32, #tpu.memory_space<vmem>>
      %dma_start3A_343 = tpu.memref_squeeze %dma_start3A_342 : memref<1x80xi32, #tpu.memory_space<vmem>> -> memref<80xi32, #tpu.memory_space<vmem>>
      %dma_start3A_344 = arith.constant 0 : i32
      %dma_start3A_345 = arith.constant 0 : i32
      %dma_start3A_346 = tpu.memref_slice %arg3[%dma_start3A_344, %dma_start3A_345] : memref<10000x16xf32, #tpu.memory_space<hbm>> -> memref<10000x16xf32, #tpu.memory_space<hbm>>
      tpu.enqueue_indirect_dma source(%dma_start3A_346 : memref<10000x16xf32, #tpu.memory_space<hbm>>) target(%dma_start3A_340 : memref<80x16xf32, #tpu.memory_space<vmem>>) offsets(%dma_start3A_343 : memref<80xi32, #tpu.memory_space<vmem>>) semaphore(%arg11 : memref<!tpu.dma_semaphore, #tpu.memory_space<semaphore_mem>>)
      %dma_start3A_347 = arith.constant 0 : i32
      %dma_start3A_348 = arith.constant 0 : i32
      %dma_start3A_349 = arith.constant 0 : i32
      %dma_start3A_350 = tpu.memref_slice %arg9[%dma_start3A_347, %dma_start3A_348, %dma_start3A_349] : memref<2x80x144xf32, #tpu.memory_space<vmem>> -> memref<1x80x144xf32, #tpu.memory_space<vmem>>
      %dma_start3A_351 = tpu.memref_squeeze %dma_start3A_350 : memref<1x80x144xf32, #tpu.memory_space<vmem>> -> memref<80x144xf32, #tpu.memory_space<vmem>>
      %dma_start3A_352 = arith.constant 0 : i32
      %dma_start3A_353 = tpu.memref_slice %arg7[%mul3A_331, %dma_start3A_352] : memref<8x80xi32, #tpu.memory_space<vmem>> -> memref<1x80xi32, #tpu.memory_space<vmem>>
      %dma_start3A_354 = tpu.memref_squeeze %dma_start3A_353 : memref<1x80xi32, #tpu.memory_space<vmem>> -> memref<80xi32, #tpu.memory_space<vmem>>
      %dma_start3A_355 = arith.constant 0 : i32
      %dma_start3A_356 = arith.constant 0 : i32
      %dma_start3A_357 = tpu.memref_slice %arg4[%dma_start3A_355, %dma_start3A_356] : memref<10000x144xf32, #tpu.memory_space<hbm>> -> memref<10000x144xf32, #tpu.memory_space<hbm>>
      tpu.enqueue_indirect_dma source(%dma_start3A_357 : memref<10000x144xf32, #tpu.memory_space<hbm>>) target(%dma_start3A_351 : memref<80x144xf32, #tpu.memory_space<vmem>>) offsets(%dma_start3A_354 : memref<80xi32, #tpu.memory_space<vmem>>) semaphore(%arg11 : memref<!tpu.dma_semaphore, #tpu.memory_space<semaphore_mem>>)
      %and3A_358 = arith.constant 3 : i32
      %and3A_359 = arith.andi %add3A_253, %and3A_358 : i32
      %mul3A_360 = arith.constant 2 : i32
      %mul3A_361 = arith.muli %mul3A_360, %and3A_359 : i32
      %mul3A_362 = arith.constant 2 : i32
      %mul3A_363 = arith.muli %mul3A_362, %and3A_359 : i32
      %add3A_364 = arith.constant 1 : i32
      %add3A_365 = arith.addi %mul3A_363, %add3A_364 : i32
      %dma_wait3A_366 = arith.constant 1 : i32
      %dma_wait3A_367 = arith.constant 0 : i32
      %dma_wait3A_368 = arith.constant 0 : i32
      %dma_wait3A_369 = tpu.memref_slice %arg8[%dma_wait3A_366, %dma_wait3A_367, %dma_wait3A_368] : memref<2x80x16xf32, #tpu.memory_space<vmem>> -> memref<1x80x16xf32, #tpu.memory_space<vmem>>
      %dma_wait3A_370 = tpu.memref_squeeze %dma_wait3A_369 : memref<1x80x16xf32, #tpu.memory_space<vmem>> -> memref<80x16xf32, #tpu.memory_space<vmem>>
      %dma_wait3A_371 = arith.constant 0 : i32
      %dma_wait3A_372 = tpu.memref_slice %arg7[%add3A_365, %dma_wait3A_371] : memref<8x80xi32, #tpu.memory_space<vmem>> -> memref<1x80xi32, #tpu.memory_space<vmem>>
      %dma_wait3A_373 = tpu.memref_squeeze %dma_wait3A_372 : memref<1x80xi32, #tpu.memory_space<vmem>> -> memref<80xi32, #tpu.memory_space<vmem>>
      %dma_wait3A_374 = arith.constant 0 : i32
      %dma_wait3A_375 = arith.constant 0 : i32
      %dma_wait3A_376 = tpu.memref_slice %arg3[%dma_wait3A_374, %dma_wait3A_375] : memref<10000x16xf32, #tpu.memory_space<hbm>> -> memref<10000x16xf32, #tpu.memory_space<hbm>>
      tpu.wait_indirect_dma semaphore(%arg12 : memref<!tpu.dma_semaphore, #tpu.memory_space<semaphore_mem>>) src(%dma_wait3A_376 : memref<10000x16xf32, #tpu.memory_space<hbm>>) dst(%dma_wait3A_370 : memref<80x16xf32, #tpu.memory_space<vmem>>)
      %dma_wait3A_377 = arith.constant 1 : i32
      %dma_wait3A_378 = arith.constant 0 : i32
      %dma_wait3A_379 = arith.constant 0 : i32
      %dma_wait3A_380 = tpu.memref_slice %arg9[%dma_wait3A_377, %dma_wait3A_378, %dma_wait3A_379] : memref<2x80x144xf32, #tpu.memory_space<vmem>> -> memref<1x80x144xf32, #tpu.memory_space<vmem>>
      %dma_wait3A_381 = tpu.memref_squeeze %dma_wait3A_380 : memref<1x80x144xf32, #tpu.memory_space<vmem>> -> memref<80x144xf32, #tpu.memory_space<vmem>>
      %dma_wait3A_382 = arith.constant 0 : i32
      %dma_wait3A_383 = tpu.memref_slice %arg7[%mul3A_361, %dma_wait3A_382] : memref<8x80xi32, #tpu.memory_space<vmem>> -> memref<1x80xi32, #tpu.memory_space<vmem>>
      %dma_wait3A_384 = tpu.memref_squeeze %dma_wait3A_383 : memref<1x80xi32, #tpu.memory_space<vmem>> -> memref<80xi32, #tpu.memory_space<vmem>>
      %dma_wait3A_385 = arith.constant 0 : i32
      %dma_wait3A_386 = arith.constant 0 : i32
      %dma_wait3A_387 = tpu.memref_slice %arg4[%dma_wait3A_385, %dma_wait3A_386] : memref<10000x144xf32, #tpu.memory_space<hbm>> -> memref<10000x144xf32, #tpu.memory_space<hbm>>
      tpu.wait_indirect_dma semaphore(%arg12 : memref<!tpu.dma_semaphore, #tpu.memory_space<semaphore_mem>>) src(%dma_wait3A_387 : memref<10000x144xf32, #tpu.memory_space<hbm>>) dst(%dma_wait3A_381 : memref<80x144xf32, #tpu.memory_space<vmem>>)
      %scan3A_388 = arith.constant 1 : i32
      %scan3A_389 = arith.constant 1 : i32
      %scan3A_390 = arith.constant 0 : i32
      %scan3A_391 = arith.constant 20 : i32
      %scan3A_392 = arith.addi %scan3A_390, %scan3A_391 : i32
      %scan3A_393 = arith.constant 1 : i32
      scf.for %scan3A_446 = %scan3A_390 to %scan3A_392 step %scan3A_393  : i32 {
        %mul3A_447 = arith.constant 4 : i32
        %mul3A_448 = arith.muli %scan3A_446, %mul3A_447 : i32
        %add3A_449 = arith.constant 0 : i32
        %add3A_450 = arith.addi %add3A_449, %mul3A_448 : i32
        %add3A_451 = arith.constant 0 : i32
        %add3A_452 = arith.addi %add3A_450, %add3A_451 : i32
        %get3A = arith.constant 0 : i32
        %get3A_453 = arith.constant 0 : i32
        %get3A_454 = tpu.memref_slice %arg9[%scan3A_388, %get3A, %get3A_453] : memref<2x80x144xf32, #tpu.memory_space<vmem>> -> memref<1x80x144xf32, #tpu.memory_space<vmem>>
        %get3A_455 = tpu.memref_squeeze %get3A_454 : memref<1x80x144xf32, #tpu.memory_space<vmem>> -> memref<80x144xf32, #tpu.memory_space<vmem>>
        %get3A_456 = arith.index_cast %add3A_452 : i32 to index
        %get3A_457 = arith.constant 128 : index
        %get3A_458 = tpu.vector_load %get3A_455[%get3A_456, %get3A_457] {strides = array<i32>} : memref<80x144xf32, #tpu.memory_space<vmem>>, vector<16xf32>,
        %get3A_459 = arith.constant 0 : i32
        %get3A_460 = arith.constant 0 : i32
        %get3A_461 = tpu.memref_slice %arg8[%scan3A_389, %get3A_459, %get3A_460] : memref<2x80x16xf32, #tpu.memory_space<vmem>> -> memref<1x80x16xf32, #tpu.memory_space<vmem>>
        %get3A_462 = tpu.memref_squeeze %get3A_461 : memref<1x80x16xf32, #tpu.memory_space<vmem>> -> memref<80x16xf32, #tpu.memory_space<vmem>>
        %get3A_463 = arith.index_cast %add3A_452 : i32 to index
        %get3A_464 = arith.constant 0 : index
        %get3A_465 = tpu.vector_load %get3A_462[%get3A_463, %get3A_464] {strides = array<i32>} : memref<80x16xf32, #tpu.memory_space<vmem>>, vector<16xf32>,
        %add3A_466 = arith.addf %get3A_458, %get3A_465 : vector<16xf32>
        %gt3A = arith.constant 0.000000e+00 : f32
        %gt3A_467 = vector.broadcast %gt3A : f32 to vector<16xf32>
        %gt3A_468 = arith.cmpf ogt, %add3A_466, %gt3A_467 : vector<16xf32>
        %mul3A_469 = arith.constant 2.000000e-01 : f32
        %mul3A_470 = vector.broadcast %mul3A_469 : f32 to vector<16xf32>
        %mul3A_471 = arith.mulf %mul3A_470, %add3A_466 : vector<16xf32>
        %select_n3A = arith.select %gt3A_468, %add3A_466, %mul3A_471 : vector<16xi1>, vector<16xf32>
        %exp3A = math.exp %select_n3A : vector<16xf32>
        %swap3A = arith.constant 0 : i32
        %swap3A_472 = arith.constant 0 : i32
        %swap3A_473 = tpu.memref_slice %arg9[%scan3A_388, %swap3A, %swap3A_472] : memref<2x80x144xf32, #tpu.memory_space<vmem>> -> memref<1x80x144xf32, #tpu.memory_space<vmem>>
        %swap3A_474 = tpu.memref_squeeze %swap3A_473 : memref<1x80x144xf32, #tpu.memory_space<vmem>> -> memref<80x144xf32, #tpu.memory_space<vmem>>
        %swap3A_475 = arith.index_cast %add3A_452 : i32 to index
        %swap3A_476 = arith.constant 128 : index
        %swap3A_477 = tpu.vector_load %swap3A_474[%swap3A_475, %swap3A_476] {strides = array<i32>} : memref<80x144xf32, #tpu.memory_space<vmem>>, vector<16xf32>,
        tpu.vector_store %swap3A_474[%swap3A_475, %swap3A_476], %exp3A {strides = array<i32>} : memref<80x144xf32, #tpu.memory_space<vmem>>, vector<16xf32>,
        %broadcast_in_dim3A = vector.shape_cast %and3A_75 : vector<16xi32> to vector<16x1xi32>
        %gather3A = vector.shape_cast %broadcast_in_dim3A : vector<16x1xi32> to vector<16xi32>
        %gather3A_478 = tpu.dynamic_gather %exp3A[%gather3A] in [0] : vector<16xf32>, vector<16xi32> -> vector<16xf32>
        %get3A_479 = arith.constant 0 : i32
        %get3A_480 = arith.constant 0 : i32
        %get3A_481 = tpu.memref_slice %arg9[%scan3A_388, %get3A_479, %get3A_480] : memref<2x80x144xf32, #tpu.memory_space<vmem>> -> memref<1x80x144xf32, #tpu.memory_space<vmem>>
        %get3A_482 = tpu.memref_squeeze %get3A_481 : memref<1x80x144xf32, #tpu.memory_space<vmem>> -> memref<80x144xf32, #tpu.memory_space<vmem>>
        %get3A_483 = arith.index_cast %add3A_452 : i32 to index
        %get3A_484 = arith.constant 0 : index
        %get3A_485 = tpu.vector_load %get3A_482[%get3A_483, %get3A_484] {strides = array<i32>} : memref<80x144xf32, #tpu.memory_space<vmem>>, vector<16xf32>,
        %mul3A_486 = arith.mulf %get3A_485, %gather3A_478 : vector<16xf32>
        %swap3A_487 = arith.constant 0 : i32
        %swap3A_488 = arith.constant 0 : i32
        %swap3A_489 = tpu.memref_slice %arg9[%scan3A_388, %swap3A_487, %swap3A_488] : memref<2x80x144xf32, #tpu.memory_space<vmem>> -> memref<1x80x144xf32, #tpu.memory_space<vmem>>
        %swap3A_490 = tpu.memref_squeeze %swap3A_489 : memref<1x80x144xf32, #tpu.memory_space<vmem>> -> memref<80x144xf32, #tpu.memory_space<vmem>>
        %swap3A_491 = arith.index_cast %add3A_452 : i32 to index
        %swap3A_492 = arith.constant 0 : index
        %swap3A_493 = tpu.vector_load %swap3A_490[%swap3A_491, %swap3A_492] {strides = array<i32>} : memref<80x144xf32, #tpu.memory_space<vmem>>, vector<16xf32>,
        tpu.vector_store %swap3A_490[%swap3A_491, %swap3A_492], %mul3A_486 {strides = array<i32>} : memref<80x144xf32, #tpu.memory_space<vmem>>, vector<16xf32>,
        %get3A_494 = arith.constant 0 : i32
        %get3A_495 = arith.constant 0 : i32
        %get3A_496 = tpu.memref_slice %arg9[%scan3A_388, %get3A_494, %get3A_495] : memref<2x80x144xf32, #tpu.memory_space<vmem>> -> memref<1x80x144xf32, #tpu.memory_space<vmem>>
        %get3A_497 = tpu.memref_squeeze %get3A_496 : memref<1x80x144xf32, #tpu.memory_space<vmem>> -> memref<80x144xf32, #tpu.memory_space<vmem>>
        %get3A_498 = arith.index_cast %add3A_452 : i32 to index
        %get3A_499 = arith.constant 16 : index
        %get3A_500 = tpu.vector_load %get3A_497[%get3A_498, %get3A_499] {strides = array<i32>} : memref<80x144xf32, #tpu.memory_space<vmem>>, vector<16xf32>,
        %mul3A_501 = arith.mulf %get3A_500, %gather3A_478 : vector<16xf32>
        %swap3A_502 = arith.constant 0 : i32
        %swap3A_503 = arith.constant 0 : i32
        %swap3A_504 = tpu.memref_slice %arg9[%scan3A_388, %swap3A_502, %swap3A_503] : memref<2x80x144xf32, #tpu.memory_space<vmem>> -> memref<1x80x144xf32, #tpu.memory_space<vmem>>
        %swap3A_505 = tpu.memref_squeeze %swap3A_504 : memref<1x80x144xf32, #tpu.memory_space<vmem>> -> memref<80x144xf32, #tpu.memory_space<vmem>>
        %swap3A_506 = arith.index_cast %add3A_452 : i32 to index
        %swap3A_507 = arith.constant 16 : index
        %swap3A_508 = tpu.vector_load %swap3A_505[%swap3A_506, %swap3A_507] {strides = array<i32>} : memref<80x144xf32, #tpu.memory_space<vmem>>, vector<16xf32>,
        tpu.vector_store %swap3A_505[%swap3A_506, %swap3A_507], %mul3A_501 {strides = array<i32>} : memref<80x144xf32, #tpu.memory_space<vmem>>, vector<16xf32>,
        %get3A_509 = arith.constant 0 : i32
        %get3A_510 = arith.constant 0 : i32
        %get3A_511 = tpu.memref_slice %arg9[%scan3A_388, %get3A_509, %get3A_510] : memref<2x80x144xf32, #tpu.memory_space<vmem>> -> memref<1x80x144xf32, #tpu.memory_space<vmem>>
        %get3A_512 = tpu.memref_squeeze %get3A_511 : memref<1x80x144xf32, #tpu.memory_space<vmem>> -> memref<80x144xf32, #tpu.memory_space<vmem>>
        %get3A_513 = arith.index_cast %add3A_452 : i32 to index
        %get3A_514 = arith.constant 32 : index
        %get3A_515 = tpu.vector_load %get3A_512[%get3A_513, %get3A_514] {strides = array<i32>} : memref<80x144xf32, #tpu.memory_space<vmem>>, vector<16xf32>,
        %mul3A_516 = arith.mulf %get3A_515, %gather3A_478 : vector<16xf32>
        %swap3A_517 = arith.constant 0 : i32
        %swap3A_518 = arith.constant 0 : i32
        %swap3A_519 = tpu.memref_slice %arg9[%scan3A_388, %swap3A_517, %swap3A_518] : memref<2x80x144xf32, #tpu.memory_space<vmem>> -> memref<1x80x144xf32, #tpu.memory_space<vmem>>
        %swap3A_520 = tpu.memref_squeeze %swap3A_519 : memref<1x80x144xf32, #tpu.memory_space<vmem>> -> memref<80x144xf32, #tpu.memory_space<vmem>>
        %swap3A_521 = arith.index_cast %add3A_452 : i32 to index
        %swap3A_522 = arith.constant 32 : index
        %swap3A_523 = tpu.vector_load %swap3A_520[%swap3A_521, %swap3A_522] {strides = array<i32>} : memref<80x144xf32, #tpu.memory_space<vmem>>, vector<16xf32>,
        tpu.vector_store %swap3A_520[%swap3A_521, %swap3A_522], %mul3A_516 {strides = array<i32>} : memref<80x144xf32, #tpu.memory_space<vmem>>, vector<16xf32>,
        %get3A_524 = arith.constant 0 : i32
        %get3A_525 = arith.constant 0 : i32
        %get3A_526 = tpu.memref_slice %arg9[%scan3A_388, %get3A_524, %get3A_525] : memref<2x80x144xf32, #tpu.memory_space<vmem>> -> memref<1x80x144xf32, #tpu.memory_space<vmem>>
        %get3A_527 = tpu.memref_squeeze %get3A_526 : memref<1x80x144xf32, #tpu.memory_space<vmem>> -> memref<80x144xf32, #tpu.memory_space<vmem>>
        %get3A_528 = arith.index_cast %add3A_452 : i32 to index
        %get3A_529 = arith.constant 48 : index
        %get3A_530 = tpu.vector_load %get3A_527[%get3A_528, %get3A_529] {strides = array<i32>} : memref<80x144xf32, #tpu.memory_space<vmem>>, vector<16xf32>,
        %mul3A_531 = arith.mulf %get3A_530, %gather3A_478 : vector<16xf32>
        %swap3A_532 = arith.constant 0 : i32
        %swap3A_533 = arith.constant 0 : i32
        %swap3A_534 = tpu.memref_slice %arg9[%scan3A_388, %swap3A_532, %swap3A_533] : memref<2x80x144xf32, #tpu.memory_space<vmem>> -> memref<1x80x144xf32, #tpu.memory_space<vmem>>
        %swap3A_535 = tpu.memref_squeeze %swap3A_534 : memref<1x80x144xf32, #tpu.memory_space<vmem>> -> memref<80x144xf32, #tpu.memory_space<vmem>>
        %swap3A_536 = arith.index_cast %add3A_452 : i32 to index
        %swap3A_537 = arith.constant 48 : index
        %swap3A_538 = tpu.vector_load %swap3A_535[%swap3A_536, %swap3A_537] {strides = array<i32>} : memref<80x144xf32, #tpu.memory_space<vmem>>, vector<16xf32>,
        tpu.vector_store %swap3A_535[%swap3A_536, %swap3A_537], %mul3A_531 {strides = array<i32>} : memref<80x144xf32, #tpu.memory_space<vmem>>, vector<16xf32>,
        %get3A_539 = arith.constant 0 : i32
        %get3A_540 = arith.constant 0 : i32
        %get3A_541 = tpu.memref_slice %arg9[%scan3A_388, %get3A_539, %get3A_540] : memref<2x80x144xf32, #tpu.memory_space<vmem>> -> memref<1x80x144xf32, #tpu.memory_space<vmem>>
        %get3A_542 = tpu.memref_squeeze %get3A_541 : memref<1x80x144xf32, #tpu.memory_space<vmem>> -> memref<80x144xf32, #tpu.memory_space<vmem>>
        %get3A_543 = arith.index_cast %add3A_452 : i32 to index
        %get3A_544 = arith.constant 64 : index
        %get3A_545 = tpu.vector_load %get3A_542[%get3A_543, %get3A_544] {strides = array<i32>} : memref<80x144xf32, #tpu.memory_space<vmem>>, vector<16xf32>,
        %mul3A_546 = arith.mulf %get3A_545, %gather3A_478 : vector<16xf32>
        %swap3A_547 = arith.constant 0 : i32
        %swap3A_548 = arith.constant 0 : i32
        %swap3A_549 = tpu.memref_slice %arg9[%scan3A_388, %swap3A_547, %swap3A_548] : memref<2x80x144xf32, #tpu.memory_space<vmem>> -> memref<1x80x144xf32, #tpu.memory_space<vmem>>
        %swap3A_550 = tpu.memref_squeeze %swap3A_549 : memref<1x80x144xf32, #tpu.memory_space<vmem>> -> memref<80x144xf32, #tpu.memory_space<vmem>>
        %swap3A_551 = arith.index_cast %add3A_452 : i32 to index
        %swap3A_552 = arith.constant 64 : index
        %swap3A_553 = tpu.vector_load %swap3A_550[%swap3A_551, %swap3A_552] {strides = array<i32>} : memref<80x144xf32, #tpu.memory_space<vmem>>, vector<16xf32>,
        tpu.vector_store %swap3A_550[%swap3A_551, %swap3A_552], %mul3A_546 {strides = array<i32>} : memref<80x144xf32, #tpu.memory_space<vmem>>, vector<16xf32>,
        %get3A_554 = arith.constant 0 : i32
        %get3A_555 = arith.constant 0 : i32
        %get3A_556 = tpu.memref_slice %arg9[%scan3A_388, %get3A_554, %get3A_555] : memref<2x80x144xf32, #tpu.memory_space<vmem>> -> memref<1x80x144xf32, #tpu.memory_space<vmem>>
        %get3A_557 = tpu.memref_squeeze %get3A_556 : memref<1x80x144xf32, #tpu.memory_space<vmem>> -> memref<80x144xf32, #tpu.memory_space<vmem>>
        %get3A_558 = arith.index_cast %add3A_452 : i32 to index
        %get3A_559 = arith.constant 80 : index
        %get3A_560 = tpu.vector_load %get3A_557[%get3A_558, %get3A_559] {strides = array<i32>} : memref<80x144xf32, #tpu.memory_space<vmem>>, vector<16xf32>,
        %mul3A_561 = arith.mulf %get3A_560, %gather3A_478 : vector<16xf32>
        %swap3A_562 = arith.constant 0 : i32
        %swap3A_563 = arith.constant 0 : i32
        %swap3A_564 = tpu.memref_slice %arg9[%scan3A_388, %swap3A_562, %swap3A_563] : memref<2x80x144xf32, #tpu.memory_space<vmem>> -> memref<1x80x144xf32, #tpu.memory_space<vmem>>
        %swap3A_565 = tpu.memref_squeeze %swap3A_564 : memref<1x80x144xf32, #tpu.memory_space<vmem>> -> memref<80x144xf32, #tpu.memory_space<vmem>>
        %swap3A_566 = arith.index_cast %add3A_452 : i32 to index
        %swap3A_567 = arith.constant 80 : index
        %swap3A_568 = tpu.vector_load %swap3A_565[%swap3A_566, %swap3A_567] {strides = array<i32>} : memref<80x144xf32, #tpu.memory_space<vmem>>, vector<16xf32>,
        tpu.vector_store %swap3A_565[%swap3A_566, %swap3A_567], %mul3A_561 {strides = array<i32>} : memref<80x144xf32, #tpu.memory_space<vmem>>, vector<16xf32>,
        %get3A_569 = arith.constant 0 : i32
        %get3A_570 = arith.constant 0 : i32
        %get3A_571 = tpu.memref_slice %arg9[%scan3A_388, %get3A_569, %get3A_570] : memref<2x80x144xf32, #tpu.memory_space<vmem>> -> memref<1x80x144xf32, #tpu.memory_space<vmem>>
        %get3A_572 = tpu.memref_squeeze %get3A_571 : memref<1x80x144xf32, #tpu.memory_space<vmem>> -> memref<80x144xf32, #tpu.memory_space<vmem>>
        %get3A_573 = arith.index_cast %add3A_452 : i32 to index
        %get3A_574 = arith.constant 96 : index
        %get3A_575 = tpu.vector_load %get3A_572[%get3A_573, %get3A_574] {strides = array<i32>} : memref<80x144xf32, #tpu.memory_space<vmem>>, vector<16xf32>,
        %mul3A_576 = arith.mulf %get3A_575, %gather3A_478 : vector<16xf32>
        %swap3A_577 = arith.constant 0 : i32
        %swap3A_578 = arith.constant 0 : i32
        %swap3A_579 = tpu.memref_slice %arg9[%scan3A_388, %swap3A_577, %swap3A_578] : memref<2x80x144xf32, #tpu.memory_space<vmem>> -> memref<1x80x144xf32, #tpu.memory_space<vmem>>
        %swap3A_580 = tpu.memref_squeeze %swap3A_579 : memref<1x80x144xf32, #tpu.memory_space<vmem>> -> memref<80x144xf32, #tpu.memory_space<vmem>>
        %swap3A_581 = arith.index_cast %add3A_452 : i32 to index
        %swap3A_582 = arith.constant 96 : index
        %swap3A_583 = tpu.vector_load %swap3A_580[%swap3A_581, %swap3A_582] {strides = array<i32>} : memref<80x144xf32, #tpu.memory_space<vmem>>, vector<16xf32>,
        tpu.vector_store %swap3A_580[%swap3A_581, %swap3A_582], %mul3A_576 {strides = array<i32>} : memref<80x144xf32, #tpu.memory_space<vmem>>, vector<16xf32>,
        %get3A_584 = arith.constant 0 : i32
        %get3A_585 = arith.constant 0 : i32
        %get3A_586 = tpu.memref_slice %arg9[%scan3A_388, %get3A_584, %get3A_585] : memref<2x80x144xf32, #tpu.memory_space<vmem>> -> memref<1x80x144xf32, #tpu.memory_space<vmem>>
        %get3A_587 = tpu.memref_squeeze %get3A_586 : memref<1x80x144xf32, #tpu.memory_space<vmem>> -> memref<80x144xf32, #tpu.memory_space<vmem>>
        %get3A_588 = arith.index_cast %add3A_452 : i32 to index
        %get3A_589 = arith.constant 112 : index
        %get3A_590 = tpu.vector_load %get3A_587[%get3A_588, %get3A_589] {strides = array<i32>} : memref<80x144xf32, #tpu.memory_space<vmem>>, vector<16xf32>,
        %mul3A_591 = arith.mulf %get3A_590, %gather3A_478 : vector<16xf32>
        %swap3A_592 = arith.constant 0 : i32
        %swap3A_593 = arith.constant 0 : i32
        %swap3A_594 = tpu.memref_slice %arg9[%scan3A_388, %swap3A_592, %swap3A_593] : memref<2x80x144xf32, #tpu.memory_space<vmem>> -> memref<1x80x144xf32, #tpu.memory_space<vmem>>
        %swap3A_595 = tpu.memref_squeeze %swap3A_594 : memref<1x80x144xf32, #tpu.memory_space<vmem>> -> memref<80x144xf32, #tpu.memory_space<vmem>>
        %swap3A_596 = arith.index_cast %add3A_452 : i32 to index
        %swap3A_597 = arith.constant 112 : index
        %swap3A_598 = tpu.vector_load %swap3A_595[%swap3A_596, %swap3A_597] {strides = array<i32>} : memref<80x144xf32, #tpu.memory_space<vmem>>, vector<16xf32>,
        tpu.vector_store %swap3A_595[%swap3A_596, %swap3A_597], %mul3A_591 {strides = array<i32>} : memref<80x144xf32, #tpu.memory_space<vmem>>, vector<16xf32>,
        %add3A_599 = arith.constant 1 : i32
        %add3A_600 = arith.addi %add3A_450, %add3A_599 : i32
        %get3A_601 = arith.constant 0 : i32
        %get3A_602 = arith.constant 0 : i32
        %get3A_603 = tpu.memref_slice %arg9[%scan3A_388, %get3A_601, %get3A_602] : memref<2x80x144xf32, #tpu.memory_space<vmem>> -> memref<1x80x144xf32, #tpu.memory_space<vmem>>
        %get3A_604 = tpu.memref_squeeze %get3A_603 : memref<1x80x144xf32, #tpu.memory_space<vmem>> -> memref<80x144xf32, #tpu.memory_space<vmem>>
        %get3A_605 = arith.index_cast %add3A_600 : i32 to index
        %get3A_606 = arith.constant 128 : index
        %get3A_607 = tpu.vector_load %get3A_604[%get3A_605, %get3A_606] {strides = array<i32>} : memref<80x144xf32, #tpu.memory_space<vmem>>, vector<16xf32>,
        %get3A_608 = arith.constant 0 : i32
        %get3A_609 = arith.constant 0 : i32
        %get3A_610 = tpu.memref_slice %arg8[%scan3A_389, %get3A_608, %get3A_609] : memref<2x80x16xf32, #tpu.memory_space<vmem>> -> memref<1x80x16xf32, #tpu.memory_space<vmem>>
        %get3A_611 = tpu.memref_squeeze %get3A_610 : memref<1x80x16xf32, #tpu.memory_space<vmem>> -> memref<80x16xf32, #tpu.memory_space<vmem>>
        %get3A_612 = arith.index_cast %add3A_600 : i32 to index
        %get3A_613 = arith.constant 0 : index
        %get3A_614 = tpu.vector_load %get3A_611[%get3A_612, %get3A_613] {strides = array<i32>} : memref<80x16xf32, #tpu.memory_space<vmem>>, vector<16xf32>,
        %add3A_615 = arith.addf %get3A_607, %get3A_614 : vector<16xf32>
        %gt3A_616 = arith.constant 0.000000e+00 : f32
        %gt3A_617 = vector.broadcast %gt3A_616 : f32 to vector<16xf32>
        %gt3A_618 = arith.cmpf ogt, %add3A_615, %gt3A_617 : vector<16xf32>
        %mul3A_619 = arith.constant 2.000000e-01 : f32
        %mul3A_620 = vector.broadcast %mul3A_619 : f32 to vector<16xf32>
        %mul3A_621 = arith.mulf %mul3A_620, %add3A_615 : vector<16xf32>
        %select_n3A_622 = arith.select %gt3A_618, %add3A_615, %mul3A_621 : vector<16xi1>, vector<16xf32>
        %exp3A_623 = math.exp %select_n3A_622 : vector<16xf32>
        %swap3A_624 = arith.constant 0 : i32
        %swap3A_625 = arith.constant 0 : i32
        %swap3A_626 = tpu.memref_slice %arg9[%scan3A_388, %swap3A_624, %swap3A_625] : memref<2x80x144xf32, #tpu.memory_space<vmem>> -> memref<1x80x144xf32, #tpu.memory_space<vmem>>
        %swap3A_627 = tpu.memref_squeeze %swap3A_626 : memref<1x80x144xf32, #tpu.memory_space<vmem>> -> memref<80x144xf32, #tpu.memory_space<vmem>>
        %swap3A_628 = arith.index_cast %add3A_600 : i32 to index
        %swap3A_629 = arith.constant 128 : index
        %swap3A_630 = tpu.vector_load %swap3A_627[%swap3A_628, %swap3A_629] {strides = array<i32>} : memref<80x144xf32, #tpu.memory_space<vmem>>, vector<16xf32>,
        tpu.vector_store %swap3A_627[%swap3A_628, %swap3A_629], %exp3A_623 {strides = array<i32>} : memref<80x144xf32, #tpu.memory_space<vmem>>, vector<16xf32>,
        %broadcast_in_dim3A_631 = vector.shape_cast %and3A_75 : vector<16xi32> to vector<16x1xi32>
        %gather3A_632 = vector.shape_cast %broadcast_in_dim3A_631 : vector<16x1xi32> to vector<16xi32>
        %gather3A_633 = tpu.dynamic_gather %exp3A_623[%gather3A_632] in [0] : vector<16xf32>, vector<16xi32> -> vector<16xf32>
        %get3A_634 = arith.constant 0 : i32
        %get3A_635 = arith.constant 0 : i32
        %get3A_636 = tpu.memref_slice %arg9[%scan3A_388, %get3A_634, %get3A_635] : memref<2x80x144xf32, #tpu.memory_space<vmem>> -> memref<1x80x144xf32, #tpu.memory_space<vmem>>
        %get3A_637 = tpu.memref_squeeze %get3A_636 : memref<1x80x144xf32, #tpu.memory_space<vmem>> -> memref<80x144xf32, #tpu.memory_space<vmem>>
        %get3A_638 = arith.index_cast %add3A_600 : i32 to index
        %get3A_639 = arith.constant 0 : index
        %get3A_640 = tpu.vector_load %get3A_637[%get3A_638, %get3A_639] {strides = array<i32>} : memref<80x144xf32, #tpu.memory_space<vmem>>, vector<16xf32>,
        %mul3A_641 = arith.mulf %get3A_640, %gather3A_633 : vector<16xf32>
        %swap3A_642 = arith.constant 0 : i32
        %swap3A_643 = arith.constant 0 : i32
        %swap3A_644 = tpu.memref_slice %arg9[%scan3A_388, %swap3A_642, %swap3A_643] : memref<2x80x144xf32, #tpu.memory_space<vmem>> -> memref<1x80x144xf32, #tpu.memory_space<vmem>>
        %swap3A_645 = tpu.memref_squeeze %swap3A_644 : memref<1x80x144xf32, #tpu.memory_space<vmem>> -> memref<80x144xf32, #tpu.memory_space<vmem>>
        %swap3A_646 = arith.index_cast %add3A_600 : i32 to index
        %swap3A_647 = arith.constant 0 : index
        %swap3A_648 = tpu.vector_load %swap3A_645[%swap3A_646, %swap3A_647] {strides = array<i32>} : memref<80x144xf32, #tpu.memory_space<vmem>>, vector<16xf32>,
        tpu.vector_store %swap3A_645[%swap3A_646, %swap3A_647], %mul3A_641 {strides = array<i32>} : memref<80x144xf32, #tpu.memory_space<vmem>>, vector<16xf32>,
        %get3A_649 = arith.constant 0 : i32
        %get3A_650 = arith.constant 0 : i32
        %get3A_651 = tpu.memref_slice %arg9[%scan3A_388, %get3A_649, %get3A_650] : memref<2x80x144xf32, #tpu.memory_space<vmem>> -> memref<1x80x144xf32, #tpu.memory_space<vmem>>
        %get3A_652 = tpu.memref_squeeze %get3A_651 : memref<1x80x144xf32, #tpu.memory_space<vmem>> -> memref<80x144xf32, #tpu.memory_space<vmem>>
        %get3A_653 = arith.index_cast %add3A_600 : i32 to index
        %get3A_654 = arith.constant 16 : index
        %get3A_655 = tpu.vector_load %get3A_652[%get3A_653, %get3A_654] {strides = array<i32>} : memref<80x144xf32, #tpu.memory_space<vmem>>, vector<16xf32>,
        %mul3A_656 = arith.mulf %get3A_655, %gather3A_633 : vector<16xf32>
        %swap3A_657 = arith.constant 0 : i32
        %swap3A_658 = arith.constant 0 : i32
        %swap3A_659 = tpu.memref_slice %arg9[%scan3A_388, %swap3A_657, %swap3A_658] : memref<2x80x144xf32, #tpu.memory_space<vmem>> -> memref<1x80x144xf32, #tpu.memory_space<vmem>>
        %swap3A_660 = tpu.memref_squeeze %swap3A_659 : memref<1x80x144xf32, #tpu.memory_space<vmem>> -> memref<80x144xf32, #tpu.memory_space<vmem>>
        %swap3A_661 = arith.index_cast %add3A_600 : i32 to index
        %swap3A_662 = arith.constant 16 : index
        %swap3A_663 = tpu.vector_load %swap3A_660[%swap3A_661, %swap3A_662] {strides = array<i32>} : memref<80x144xf32, #tpu.memory_space<vmem>>, vector<16xf32>,
        tpu.vector_store %swap3A_660[%swap3A_661, %swap3A_662], %mul3A_656 {strides = array<i32>} : memref<80x144xf32, #tpu.memory_space<vmem>>, vector<16xf32>,
        %get3A_664 = arith.constant 0 : i32
        %get3A_665 = arith.constant 0 : i32
        %get3A_666 = tpu.memref_slice %arg9[%scan3A_388, %get3A_664, %get3A_665] : memref<2x80x144xf32, #tpu.memory_space<vmem>> -> memref<1x80x144xf32, #tpu.memory_space<vmem>>
        %get3A_667 = tpu.memref_squeeze %get3A_666 : memref<1x80x144xf32, #tpu.memory_space<vmem>> -> memref<80x144xf32, #tpu.memory_space<vmem>>
        %get3A_668 = arith.index_cast %add3A_600 : i32 to index
        %get3A_669 = arith.constant 32 : index
        %get3A_670 = tpu.vector_load %get3A_667[%get3A_668, %get3A_669] {strides = array<i32>} : memref<80x144xf32, #tpu.memory_space<vmem>>, vector<16xf32>,
        %mul3A_671 = arith.mulf %get3A_670, %gather3A_633 : vector<16xf32>
        %swap3A_672 = arith.constant 0 : i32
        %swap3A_673 = arith.constant 0 : i32
        %swap3A_674 = tpu.memref_slice %arg9[%scan3A_388, %swap3A_672, %swap3A_673] : memref<2x80x144xf32, #tpu.memory_space<vmem>> -> memref<1x80x144xf32, #tpu.memory_space<vmem>>
        %swap3A_675 = tpu.memref_squeeze %swap3A_674 : memref<1x80x144xf32, #tpu.memory_space<vmem>> -> memref<80x144xf32, #tpu.memory_space<vmem>>
        %swap3A_676 = arith.index_cast %add3A_600 : i32 to index
        %swap3A_677 = arith.constant 32 : index
        %swap3A_678 = tpu.vector_load %swap3A_675[%swap3A_676, %swap3A_677] {strides = array<i32>} : memref<80x144xf32, #tpu.memory_space<vmem>>, vector<16xf32>,
        tpu.vector_store %swap3A_675[%swap3A_676, %swap3A_677], %mul3A_671 {strides = array<i32>} : memref<80x144xf32, #tpu.memory_space<vmem>>, vector<16xf32>,
        %get3A_679 = arith.constant 0 : i32
        %get3A_680 = arith.constant 0 : i32
        %get3A_681 = tpu.memref_slice %arg9[%scan3A_388, %get3A_679, %get3A_680] : memref<2x80x144xf32, #tpu.memory_space<vmem>> -> memref<1x80x144xf32, #tpu.memory_space<vmem>>
        %get3A_682 = tpu.memref_squeeze %get3A_681 : memref<1x80x144xf32, #tpu.memory_space<vmem>> -> memref<80x144xf32, #tpu.memory_space<vmem>>
        %get3A_683 = arith.index_cast %add3A_600 : i32 to index
        %get3A_684 = arith.constant 48 : index
        %get3A_685 = tpu.vector_load %get3A_682[%get3A_683, %get3A_684] {strides = array<i32>} : memref<80x144xf32, #tpu.memory_space<vmem>>, vector<16xf32>,
        %mul3A_686 = arith.mulf %get3A_685, %gather3A_633 : vector<16xf32>
        %swap3A_687 = arith.constant 0 : i32
        %swap3A_688 = arith.constant 0 : i32
        %swap3A_689 = tpu.memref_slice %arg9[%scan3A_388, %swap3A_687, %swap3A_688] : memref<2x80x144xf32, #tpu.memory_space<vmem>> -> memref<1x80x144xf32, #tpu.memory_space<vmem>>
        %swap3A_690 = tpu.memref_squeeze %swap3A_689 : memref<1x80x144xf32, #tpu.memory_space<vmem>> -> memref<80x144xf32, #tpu.memory_space<vmem>>
        %swap3A_691 = arith.index_cast %add3A_600 : i32 to index
        %swap3A_692 = arith.constant 48 : index
        %swap3A_693 = tpu.vector_load %swap3A_690[%swap3A_691, %swap3A_692] {strides = array<i32>} : memref<80x144xf32, #tpu.memory_space<vmem>>, vector<16xf32>,
        tpu.vector_store %swap3A_690[%swap3A_691, %swap3A_692], %mul3A_686 {strides = array<i32>} : memref<80x144xf32, #tpu.memory_space<vmem>>, vector<16xf32>,
        %get3A_694 = arith.constant 0 : i32
        %get3A_695 = arith.constant 0 : i32
        %get3A_696 = tpu.memref_slice %arg9[%scan3A_388, %get3A_694, %get3A_695] : memref<2x80x144xf32, #tpu.memory_space<vmem>> -> memref<1x80x144xf32, #tpu.memory_space<vmem>>
        %get3A_697 = tpu.memref_squeeze %get3A_696 : memref<1x80x144xf32, #tpu.memory_space<vmem>> -> memref<80x144xf32, #tpu.memory_space<vmem>>
        %get3A_698 = arith.index_cast %add3A_600 : i32 to index
        %get3A_699 = arith.constant 64 : index
        %get3A_700 = tpu.vector_load %get3A_697[%get3A_698, %get3A_699] {strides = array<i32>} : memref<80x144xf32, #tpu.memory_space<vmem>>, vector<16xf32>,
        %mul3A_701 = arith.mulf %get3A_700, %gather3A_633 : vector<16xf32>
        %swap3A_702 = arith.constant 0 : i32
        %swap3A_703 = arith.constant 0 : i32
        %swap3A_704 = tpu.memref_slice %arg9[%scan3A_388, %swap3A_702, %swap3A_703] : memref<2x80x144xf32, #tpu.memory_space<vmem>> -> memref<1x80x144xf32, #tpu.memory_space<vmem>>
        %swap3A_705 = tpu.memref_squeeze %swap3A_704 : memref<1x80x144xf32, #tpu.memory_space<vmem>> -> memref<80x144xf32, #tpu.memory_space<vmem>>
        %swap3A_706 = arith.index_cast %add3A_600 : i32 to index
        %swap3A_707 = arith.constant 64 : index
        %swap3A_708 = tpu.vector_load %swap3A_705[%swap3A_706, %swap3A_707] {strides = array<i32>} : memref<80x144xf32, #tpu.memory_space<vmem>>, vector<16xf32>,
        tpu.vector_store %swap3A_705[%swap3A_706, %swap3A_707], %mul3A_701 {strides = array<i32>} : memref<80x144xf32, #tpu.memory_space<vmem>>, vector<16xf32>,
        %get3A_709 = arith.constant 0 : i32
        %get3A_710 = arith.constant 0 : i32
        %get3A_711 = tpu.memref_slice %arg9[%scan3A_388, %get3A_709, %get3A_710] : memref<2x80x144xf32, #tpu.memory_space<vmem>> -> memref<1x80x144xf32, #tpu.memory_space<vmem>>
        %get3A_712 = tpu.memref_squeeze %get3A_711 : memref<1x80x144xf32, #tpu.memory_space<vmem>> -> memref<80x144xf32, #tpu.memory_space<vmem>>
        %get3A_713 = arith.index_cast %add3A_600 : i32 to index
        %get3A_714 = arith.constant 80 : index
        %get3A_715 = tpu.vector_load %get3A_712[%get3A_713, %get3A_714] {strides = array<i32>} : memref<80x144xf32, #tpu.memory_space<vmem>>, vector<16xf32>,
        %mul3A_716 = arith.mulf %get3A_715, %gather3A_633 : vector<16xf32>
        %swap3A_717 = arith.constant 0 : i32
        %swap3A_718 = arith.constant 0 : i32
        %swap3A_719 = tpu.memref_slice %arg9[%scan3A_388, %swap3A_717, %swap3A_718] : memref<2x80x144xf32, #tpu.memory_space<vmem>> -> memref<1x80x144xf32, #tpu.memory_space<vmem>>
        %swap3A_720 = tpu.memref_squeeze %swap3A_719 : memref<1x80x144xf32, #tpu.memory_space<vmem>> -> memref<80x144xf32, #tpu.memory_space<vmem>>
        %swap3A_721 = arith.index_cast %add3A_600 : i32 to index
        %swap3A_722 = arith.constant 80 : index
        %swap3A_723 = tpu.vector_load %swap3A_720[%swap3A_721, %swap3A_722] {strides = array<i32>} : memref<80x144xf32, #tpu.memory_space<vmem>>, vector<16xf32>,
        tpu.vector_store %swap3A_720[%swap3A_721, %swap3A_722], %mul3A_716 {strides = array<i32>} : memref<80x144xf32, #tpu.memory_space<vmem>>, vector<16xf32>,
        %get3A_724 = arith.constant 0 : i32
        %get3A_725 = arith.constant 0 : i32
        %get3A_726 = tpu.memref_slice %arg9[%scan3A_388, %get3A_724, %get3A_725] : memref<2x80x144xf32, #tpu.memory_space<vmem>> -> memref<1x80x144xf32, #tpu.memory_space<vmem>>
        %get3A_727 = tpu.memref_squeeze %get3A_726 : memref<1x80x144xf32, #tpu.memory_space<vmem>> -> memref<80x144xf32, #tpu.memory_space<vmem>>
        %get3A_728 = arith.index_cast %add3A_600 : i32 to index
        %get3A_729 = arith.constant 96 : index
        %get3A_730 = tpu.vector_load %get3A_727[%get3A_728, %get3A_729] {strides = array<i32>} : memref<80x144xf32, #tpu.memory_space<vmem>>, vector<16xf32>,
        %mul3A_731 = arith.mulf %get3A_730, %gather3A_633 : vector<16xf32>
        %swap3A_732 = arith.constant 0 : i32
        %swap3A_733 = arith.constant 0 : i32
        %swap3A_734 = tpu.memref_slice %arg9[%scan3A_388, %swap3A_732, %swap3A_733] : memref<2x80x144xf32, #tpu.memory_space<vmem>> -> memref<1x80x144xf32, #tpu.memory_space<vmem>>
        %swap3A_735 = tpu.memref_squeeze %swap3A_734 : memref<1x80x144xf32, #tpu.memory_space<vmem>> -> memref<80x144xf32, #tpu.memory_space<vmem>>
        %swap3A_736 = arith.index_cast %add3A_600 : i32 to index
        %swap3A_737 = arith.constant 96 : index
        %swap3A_738 = tpu.vector_load %swap3A_735[%swap3A_736, %swap3A_737] {strides = array<i32>} : memref<80x144xf32, #tpu.memory_space<vmem>>, vector<16xf32>,
        tpu.vector_store %swap3A_735[%swap3A_736, %swap3A_737], %mul3A_731 {strides = array<i32>} : memref<80x144xf32, #tpu.memory_space<vmem>>, vector<16xf32>,
        %get3A_739 = arith.constant 0 : i32
        %get3A_740 = arith.constant 0 : i32
        %get3A_741 = tpu.memref_slice %arg9[%scan3A_388, %get3A_739, %get3A_740] : memref<2x80x144xf32, #tpu.memory_space<vmem>> -> memref<1x80x144xf32, #tpu.memory_space<vmem>>
        %get3A_742 = tpu.memref_squeeze %get3A_741 : memref<1x80x144xf32, #tpu.memory_space<vmem>> -> memref<80x144xf32, #tpu.memory_space<vmem>>
        %get3A_743 = arith.index_cast %add3A_600 : i32 to index
        %get3A_744 = arith.constant 112 : index
        %get3A_745 = tpu.vector_load %get3A_742[%get3A_743, %get3A_744] {strides = array<i32>} : memref<80x144xf32, #tpu.memory_space<vmem>>, vector<16xf32>,
        %mul3A_746 = arith.mulf %get3A_745, %gather3A_633 : vector<16xf32>
        %swap3A_747 = arith.constant 0 : i32
        %swap3A_748 = arith.constant 0 : i32
        %swap3A_749 = tpu.memref_slice %arg9[%scan3A_388, %swap3A_747, %swap3A_748] : memref<2x80x144xf32, #tpu.memory_space<vmem>> -> memref<1x80x144xf32, #tpu.memory_space<vmem>>
        %swap3A_750 = tpu.memref_squeeze %swap3A_749 : memref<1x80x144xf32, #tpu.memory_space<vmem>> -> memref<80x144xf32, #tpu.memory_space<vmem>>
        %swap3A_751 = arith.index_cast %add3A_600 : i32 to index
        %swap3A_752 = arith.constant 112 : index
        %swap3A_753 = tpu.vector_load %swap3A_750[%swap3A_751, %swap3A_752] {strides = array<i32>} : memref<80x144xf32, #tpu.memory_space<vmem>>, vector<16xf32>,
        tpu.vector_store %swap3A_750[%swap3A_751, %swap3A_752], %mul3A_746 {strides = array<i32>} : memref<80x144xf32, #tpu.memory_space<vmem>>, vector<16xf32>,
        %add3A_754 = arith.constant 2 : i32
        %add3A_755 = arith.addi %add3A_450, %add3A_754 : i32
        %get3A_756 = arith.constant 0 : i32
        %get3A_757 = arith.constant 0 : i32
        %get3A_758 = tpu.memref_slice %arg9[%scan3A_388, %get3A_756, %get3A_757] : memref<2x80x144xf32, #tpu.memory_space<vmem>> -> memref<1x80x144xf32, #tpu.memory_space<vmem>>
        %get3A_759 = tpu.memref_squeeze %get3A_758 : memref<1x80x144xf32, #tpu.memory_space<vmem>> -> memref<80x144xf32, #tpu.memory_space<vmem>>
        %get3A_760 = arith.index_cast %add3A_755 : i32 to index
        %get3A_761 = arith.constant 128 : index
        %get3A_762 = tpu.vector_load %get3A_759[%get3A_760, %get3A_761] {strides = array<i32>} : memref<80x144xf32, #tpu.memory_space<vmem>>, vector<16xf32>,
        %get3A_763 = arith.constant 0 : i32
        %get3A_764 = arith.constant 0 : i32
        %get3A_765 = tpu.memref_slice %arg8[%scan3A_389, %get3A_763, %get3A_764] : memref<2x80x16xf32, #tpu.memory_space<vmem>> -> memref<1x80x16xf32, #tpu.memory_space<vmem>>
        %get3A_766 = tpu.memref_squeeze %get3A_765 : memref<1x80x16xf32, #tpu.memory_space<vmem>> -> memref<80x16xf32, #tpu.memory_space<vmem>>
        %get3A_767 = arith.index_cast %add3A_755 : i32 to index
        %get3A_768 = arith.constant 0 : index
        %get3A_769 = tpu.vector_load %get3A_766[%get3A_767, %get3A_768] {strides = array<i32>} : memref<80x16xf32, #tpu.memory_space<vmem>>, vector<16xf32>,
        %add3A_770 = arith.addf %get3A_762, %get3A_769 : vector<16xf32>
        %gt3A_771 = arith.constant 0.000000e+00 : f32
        %gt3A_772 = vector.broadcast %gt3A_771 : f32 to vector<16xf32>
        %gt3A_773 = arith.cmpf ogt, %add3A_770, %gt3A_772 : vector<16xf32>
        %mul3A_774 = arith.constant 2.000000e-01 : f32
        %mul3A_775 = vector.broadcast %mul3A_774 : f32 to vector<16xf32>
        %mul3A_776 = arith.mulf %mul3A_775, %add3A_770 : vector<16xf32>
        %select_n3A_777 = arith.select %gt3A_773, %add3A_770, %mul3A_776 : vector<16xi1>, vector<16xf32>
        %exp3A_778 = math.exp %select_n3A_777 : vector<16xf32>
        %swap3A_779 = arith.constant 0 : i32
        %swap3A_780 = arith.constant 0 : i32
        %swap3A_781 = tpu.memref_slice %arg9[%scan3A_388, %swap3A_779, %swap3A_780] : memref<2x80x144xf32, #tpu.memory_space<vmem>> -> memref<1x80x144xf32, #tpu.memory_space<vmem>>
        %swap3A_782 = tpu.memref_squeeze %swap3A_781 : memref<1x80x144xf32, #tpu.memory_space<vmem>> -> memref<80x144xf32, #tpu.memory_space<vmem>>
        %swap3A_783 = arith.index_cast %add3A_755 : i32 to index
        %swap3A_784 = arith.constant 128 : index
        %swap3A_785 = tpu.vector_load %swap3A_782[%swap3A_783, %swap3A_784] {strides = array<i32>} : memref<80x144xf32, #tpu.memory_space<vmem>>, vector<16xf32>,
        tpu.vector_store %swap3A_782[%swap3A_783, %swap3A_784], %exp3A_778 {strides = array<i32>} : memref<80x144xf32, #tpu.memory_space<vmem>>, vector<16xf32>,
        %broadcast_in_dim3A_786 = vector.shape_cast %and3A_75 : vector<16xi32> to vector<16x1xi32>
        %gather3A_787 = vector.shape_cast %broadcast_in_dim3A_786 : vector<16x1xi32> to vector<16xi32>
        %gather3A_788 = tpu.dynamic_gather %exp3A_778[%gather3A_787] in [0] : vector<16xf32>, vector<16xi32> -> vector<16xf32>
        %get3A_789 = arith.constant 0 : i32
        %get3A_790 = arith.constant 0 : i32
        %get3A_791 = tpu.memref_slice %arg9[%scan3A_388, %get3A_789, %get3A_790] : memref<2x80x144xf32, #tpu.memory_space<vmem>> -> memref<1x80x144xf32, #tpu.memory_space<vmem>>
        %get3A_792 = tpu.memref_squeeze %get3A_791 : memref<1x80x144xf32, #tpu.memory_space<vmem>> -> memref<80x144xf32, #tpu.memory_space<vmem>>
        %get3A_793 = arith.index_cast %add3A_755 : i32 to index
        %get3A_794 = arith.constant 0 : index
        %get3A_795 = tpu.vector_load %get3A_792[%get3A_793, %get3A_794] {strides = array<i32>} : memref<80x144xf32, #tpu.memory_space<vmem>>, vector<16xf32>,
        %mul3A_796 = arith.mulf %get3A_795, %gather3A_788 : vector<16xf32>
        %swap3A_797 = arith.constant 0 : i32
        %swap3A_798 = arith.constant 0 : i32
        %swap3A_799 = tpu.memref_slice %arg9[%scan3A_388, %swap3A_797, %swap3A_798] : memref<2x80x144xf32, #tpu.memory_space<vmem>> -> memref<1x80x144xf32, #tpu.memory_space<vmem>>
        %swap3A_800 = tpu.memref_squeeze %swap3A_799 : memref<1x80x144xf32, #tpu.memory_space<vmem>> -> memref<80x144xf32, #tpu.memory_space<vmem>>
        %swap3A_801 = arith.index_cast %add3A_755 : i32 to index
        %swap3A_802 = arith.constant 0 : index
        %swap3A_803 = tpu.vector_load %swap3A_800[%swap3A_801, %swap3A_802] {strides = array<i32>} : memref<80x144xf32, #tpu.memory_space<vmem>>, vector<16xf32>,
        tpu.vector_store %swap3A_800[%swap3A_801, %swap3A_802], %mul3A_796 {strides = array<i32>} : memref<80x144xf32, #tpu.memory_space<vmem>>, vector<16xf32>,
        %get3A_804 = arith.constant 0 : i32
        %get3A_805 = arith.constant 0 : i32
        %get3A_806 = tpu.memref_slice %arg9[%scan3A_388, %get3A_804, %get3A_805] : memref<2x80x144xf32, #tpu.memory_space<vmem>> -> memref<1x80x144xf32, #tpu.memory_space<vmem>>
        %get3A_807 = tpu.memref_squeeze %get3A_806 : memref<1x80x144xf32, #tpu.memory_space<vmem>> -> memref<80x144xf32, #tpu.memory_space<vmem>>
        %get3A_808 = arith.index_cast %add3A_755 : i32 to index
        %get3A_809 = arith.constant 16 : index
        %get3A_810 = tpu.vector_load %get3A_807[%get3A_808, %get3A_809] {strides = array<i32>} : memref<80x144xf32, #tpu.memory_space<vmem>>, vector<16xf32>,
        %mul3A_811 = arith.mulf %get3A_810, %gather3A_788 : vector<16xf32>
        %swap3A_812 = arith.constant 0 : i32
        %swap3A_813 = arith.constant 0 : i32
        %swap3A_814 = tpu.memref_slice %arg9[%scan3A_388, %swap3A_812, %swap3A_813] : memref<2x80x144xf32, #tpu.memory_space<vmem>> -> memref<1x80x144xf32, #tpu.memory_space<vmem>>
        %swap3A_815 = tpu.memref_squeeze %swap3A_814 : memref<1x80x144xf32, #tpu.memory_space<vmem>> -> memref<80x144xf32, #tpu.memory_space<vmem>>
        %swap3A_816 = arith.index_cast %add3A_755 : i32 to index
        %swap3A_817 = arith.constant 16 : index
        %swap3A_818 = tpu.vector_load %swap3A_815[%swap3A_816, %swap3A_817] {strides = array<i32>} : memref<80x144xf32, #tpu.memory_space<vmem>>, vector<16xf32>,
        tpu.vector_store %swap3A_815[%swap3A_816, %swap3A_817], %mul3A_811 {strides = array<i32>} : memref<80x144xf32, #tpu.memory_space<vmem>>, vector<16xf32>,
        %get3A_819 = arith.constant 0 : i32
        %get3A_820 = arith.constant 0 : i32
        %get3A_821 = tpu.memref_slice %arg9[%scan3A_388, %get3A_819, %get3A_820] : memref<2x80x144xf32, #tpu.memory_space<vmem>> -> memref<1x80x144xf32, #tpu.memory_space<vmem>>
        %get3A_822 = tpu.memref_squeeze %get3A_821 : memref<1x80x144xf32, #tpu.memory_space<vmem>> -> memref<80x144xf32, #tpu.memory_space<vmem>>
        %get3A_823 = arith.index_cast %add3A_755 : i32 to index
        %get3A_824 = arith.constant 32 : index
        %get3A_825 = tpu.vector_load %get3A_822[%get3A_823, %get3A_824] {strides = array<i32>} : memref<80x144xf32, #tpu.memory_space<vmem>>, vector<16xf32>,
        %mul3A_826 = arith.mulf %get3A_825, %gather3A_788 : vector<16xf32>
        %swap3A_827 = arith.constant 0 : i32
        %swap3A_828 = arith.constant 0 : i32
        %swap3A_829 = tpu.memref_slice %arg9[%scan3A_388, %swap3A_827, %swap3A_828] : memref<2x80x144xf32, #tpu.memory_space<vmem>> -> memref<1x80x144xf32, #tpu.memory_space<vmem>>
        %swap3A_830 = tpu.memref_squeeze %swap3A_829 : memref<1x80x144xf32, #tpu.memory_space<vmem>> -> memref<80x144xf32, #tpu.memory_space<vmem>>
        %swap3A_831 = arith.index_cast %add3A_755 : i32 to index
        %swap3A_832 = arith.constant 32 : index
        %swap3A_833 = tpu.vector_load %swap3A_830[%swap3A_831, %swap3A_832] {strides = array<i32>} : memref<80x144xf32, #tpu.memory_space<vmem>>, vector<16xf32>,
        tpu.vector_store %swap3A_830[%swap3A_831, %swap3A_832], %mul3A_826 {strides = array<i32>} : memref<80x144xf32, #tpu.memory_space<vmem>>, vector<16xf32>,
        %get3A_834 = arith.constant 0 : i32
        %get3A_835 = arith.constant 0 : i32
        %get3A_836 = tpu.memref_slice %arg9[%scan3A_388, %get3A_834, %get3A_835] : memref<2x80x144xf32, #tpu.memory_space<vmem>> -> memref<1x80x144xf32, #tpu.memory_space<vmem>>
        %get3A_837 = tpu.memref_squeeze %get3A_836 : memref<1x80x144xf32, #tpu.memory_space<vmem>> -> memref<80x144xf32, #tpu.memory_space<vmem>>
        %get3A_838 = arith.index_cast %add3A_755 : i32 to index
        %get3A_839 = arith.constant 48 : index
        %get3A_840 = tpu.vector_load %get3A_837[%get3A_838, %get3A_839] {strides = array<i32>} : memref<80x144xf32, #tpu.memory_space<vmem>>, vector<16xf32>,
        %mul3A_841 = arith.mulf %get3A_840, %gather3A_788 : vector<16xf32>
        %swap3A_842 = arith.constant 0 : i32
        %swap3A_843 = arith.constant 0 : i32
        %swap3A_844 = tpu.memref_slice %arg9[%scan3A_388, %swap3A_842, %swap3A_843] : memref<2x80x144xf32, #tpu.memory_space<vmem>> -> memref<1x80x144xf32, #tpu.memory_space<vmem>>
        %swap3A_845 = tpu.memref_squeeze %swap3A_844 : memref<1x80x144xf32, #tpu.memory_space<vmem>> -> memref<80x144xf32, #tpu.memory_space<vmem>>
        %swap3A_846 = arith.index_cast %add3A_755 : i32 to index
        %swap3A_847 = arith.constant 48 : index
        %swap3A_848 = tpu.vector_load %swap3A_845[%swap3A_846, %swap3A_847] {strides = array<i32>} : memref<80x144xf32, #tpu.memory_space<vmem>>, vector<16xf32>,
        tpu.vector_store %swap3A_845[%swap3A_846, %swap3A_847], %mul3A_841 {strides = array<i32>} : memref<80x144xf32, #tpu.memory_space<vmem>>, vector<16xf32>,
        %get3A_849 = arith.constant 0 : i32
        %get3A_850 = arith.constant 0 : i32
        %get3A_851 = tpu.memref_slice %arg9[%scan3A_388, %get3A_849, %get3A_850] : memref<2x80x144xf32, #tpu.memory_space<vmem>> -> memref<1x80x144xf32, #tpu.memory_space<vmem>>
        %get3A_852 = tpu.memref_squeeze %get3A_851 : memref<1x80x144xf32, #tpu.memory_space<vmem>> -> memref<80x144xf32, #tpu.memory_space<vmem>>
        %get3A_853 = arith.index_cast %add3A_755 : i32 to index
        %get3A_854 = arith.constant 64 : index
        %get3A_855 = tpu.vector_load %get3A_852[%get3A_853, %get3A_854] {strides = array<i32>} : memref<80x144xf32, #tpu.memory_space<vmem>>, vector<16xf32>,
        %mul3A_856 = arith.mulf %get3A_855, %gather3A_788 : vector<16xf32>
        %swap3A_857 = arith.constant 0 : i32
        %swap3A_858 = arith.constant 0 : i32
        %swap3A_859 = tpu.memref_slice %arg9[%scan3A_388, %swap3A_857, %swap3A_858] : memref<2x80x144xf32, #tpu.memory_space<vmem>> -> memref<1x80x144xf32, #tpu.memory_space<vmem>>
        %swap3A_860 = tpu.memref_squeeze %swap3A_859 : memref<1x80x144xf32, #tpu.memory_space<vmem>> -> memref<80x144xf32, #tpu.memory_space<vmem>>
        %swap3A_861 = arith.index_cast %add3A_755 : i32 to index
        %swap3A_862 = arith.constant 64 : index
        %swap3A_863 = tpu.vector_load %swap3A_860[%swap3A_861, %swap3A_862] {strides = array<i32>} : memref<80x144xf32, #tpu.memory_space<vmem>>, vector<16xf32>,
        tpu.vector_store %swap3A_860[%swap3A_861, %swap3A_862], %mul3A_856 {strides = array<i32>} : memref<80x144xf32, #tpu.memory_space<vmem>>, vector<16xf32>,
        %get3A_864 = arith.constant 0 : i32
        %get3A_865 = arith.constant 0 : i32
        %get3A_866 = tpu.memref_slice %arg9[%scan3A_388, %get3A_864, %get3A_865] : memref<2x80x144xf32, #tpu.memory_space<vmem>> -> memref<1x80x144xf32, #tpu.memory_space<vmem>>
        %get3A_867 = tpu.memref_squeeze %get3A_866 : memref<1x80x144xf32, #tpu.memory_space<vmem>> -> memref<80x144xf32, #tpu.memory_space<vmem>>
        %get3A_868 = arith.index_cast %add3A_755 : i32 to index
        %get3A_869 = arith.constant 80 : index
        %get3A_870 = tpu.vector_load %get3A_867[%get3A_868, %get3A_869] {strides = array<i32>} : memref<80x144xf32, #tpu.memory_space<vmem>>, vector<16xf32>,
        %mul3A_871 = arith.mulf %get3A_870, %gather3A_788 : vector<16xf32>
        %swap3A_872 = arith.constant 0 : i32
        %swap3A_873 = arith.constant 0 : i32
        %swap3A_874 = tpu.memref_slice %arg9[%scan3A_388, %swap3A_872, %swap3A_873] : memref<2x80x144xf32, #tpu.memory_space<vmem>> -> memref<1x80x144xf32, #tpu.memory_space<vmem>>
        %swap3A_875 = tpu.memref_squeeze %swap3A_874 : memref<1x80x144xf32, #tpu.memory_space<vmem>> -> memref<80x144xf32, #tpu.memory_space<vmem>>
        %swap3A_876 = arith.index_cast %add3A_755 : i32 to index
        %swap3A_877 = arith.constant 80 : index
        %swap3A_878 = tpu.vector_load %swap3A_875[%swap3A_876, %swap3A_877] {strides = array<i32>} : memref<80x144xf32, #tpu.memory_space<vmem>>, vector<16xf32>,
        tpu.vector_store %swap3A_875[%swap3A_876, %swap3A_877], %mul3A_871 {strides = array<i32>} : memref<80x144xf32, #tpu.memory_space<vmem>>, vector<16xf32>,
        %get3A_879 = arith.constant 0 : i32
        %get3A_880 = arith.constant 0 : i32
        %get3A_881 = tpu.memref_slice %arg9[%scan3A_388, %get3A_879, %get3A_880] : memref<2x80x144xf32, #tpu.memory_space<vmem>> -> memref<1x80x144xf32, #tpu.memory_space<vmem>>
        %get3A_882 = tpu.memref_squeeze %get3A_881 : memref<1x80x144xf32, #tpu.memory_space<vmem>> -> memref<80x144xf32, #tpu.memory_space<vmem>>
        %get3A_883 = arith.index_cast %add3A_755 : i32 to index
        %get3A_884 = arith.constant 96 : index
        %get3A_885 = tpu.vector_load %get3A_882[%get3A_883, %get3A_884] {strides = array<i32>} : memref<80x144xf32, #tpu.memory_space<vmem>>, vector<16xf32>,
        %mul3A_886 = arith.mulf %get3A_885, %gather3A_788 : vector<16xf32>
        %swap3A_887 = arith.constant 0 : i32
        %swap3A_888 = arith.constant 0 : i32
        %swap3A_889 = tpu.memref_slice %arg9[%scan3A_388, %swap3A_887, %swap3A_888] : memref<2x80x144xf32, #tpu.memory_space<vmem>> -> memref<1x80x144xf32, #tpu.memory_space<vmem>>
        %swap3A_890 = tpu.memref_squeeze %swap3A_889 : memref<1x80x144xf32, #tpu.memory_space<vmem>> -> memref<80x144xf32, #tpu.memory_space<vmem>>
        %swap3A_891 = arith.index_cast %add3A_755 : i32 to index
        %swap3A_892 = arith.constant 96 : index
        %swap3A_893 = tpu.vector_load %swap3A_890[%swap3A_891, %swap3A_892] {strides = array<i32>} : memref<80x144xf32, #tpu.memory_space<vmem>>, vector<16xf32>,
        tpu.vector_store %swap3A_890[%swap3A_891, %swap3A_892], %mul3A_886 {strides = array<i32>} : memref<80x144xf32, #tpu.memory_space<vmem>>, vector<16xf32>,
        %get3A_894 = arith.constant 0 : i32
        %get3A_895 = arith.constant 0 : i32
        %get3A_896 = tpu.memref_slice %arg9[%scan3A_388, %get3A_894, %get3A_895] : memref<2x80x144xf32, #tpu.memory_space<vmem>> -> memref<1x80x144xf32, #tpu.memory_space<vmem>>
        %get3A_897 = tpu.memref_squeeze %get3A_896 : memref<1x80x144xf32, #tpu.memory_space<vmem>> -> memref<80x144xf32, #tpu.memory_space<vmem>>
        %get3A_898 = arith.index_cast %add3A_755 : i32 to index
        %get3A_899 = arith.constant 112 : index
        %get3A_900 = tpu.vector_load %get3A_897[%get3A_898, %get3A_899] {strides = array<i32>} : memref<80x144xf32, #tpu.memory_space<vmem>>, vector<16xf32>,
        %mul3A_901 = arith.mulf %get3A_900, %gather3A_788 : vector<16xf32>
        %swap3A_902 = arith.constant 0 : i32
        %swap3A_903 = arith.constant 0 : i32
        %swap3A_904 = tpu.memref_slice %arg9[%scan3A_388, %swap3A_902, %swap3A_903] : memref<2x80x144xf32, #tpu.memory_space<vmem>> -> memref<1x80x144xf32, #tpu.memory_space<vmem>>
        %swap3A_905 = tpu.memref_squeeze %swap3A_904 : memref<1x80x144xf32, #tpu.memory_space<vmem>> -> memref<80x144xf32, #tpu.memory_space<vmem>>
        %swap3A_906 = arith.index_cast %add3A_755 : i32 to index
        %swap3A_907 = arith.constant 112 : index
        %swap3A_908 = tpu.vector_load %swap3A_905[%swap3A_906, %swap3A_907] {strides = array<i32>} : memref<80x144xf32, #tpu.memory_space<vmem>>, vector<16xf32>,
        tpu.vector_store %swap3A_905[%swap3A_906, %swap3A_907], %mul3A_901 {strides = array<i32>} : memref<80x144xf32, #tpu.memory_space<vmem>>, vector<16xf32>,
        %add3A_909 = arith.constant 3 : i32
        %add3A_910 = arith.addi %add3A_450, %add3A_909 : i32
        %get3A_911 = arith.constant 0 : i32
        %get3A_912 = arith.constant 0 : i32
        %get3A_913 = tpu.memref_slice %arg9[%scan3A_388, %get3A_911, %get3A_912] : memref<2x80x144xf32, #tpu.memory_space<vmem>> -> memref<1x80x144xf32, #tpu.memory_space<vmem>>
        %get3A_914 = tpu.memref_squeeze %get3A_913 : memref<1x80x144xf32, #tpu.memory_space<vmem>> -> memref<80x144xf32, #tpu.memory_space<vmem>>
        %get3A_915 = arith.index_cast %add3A_910 : i32 to index
        %get3A_916 = arith.constant 128 : index
        %get3A_917 = tpu.vector_load %get3A_914[%get3A_915, %get3A_916] {strides = array<i32>} : memref<80x144xf32, #tpu.memory_space<vmem>>, vector<16xf32>,
        %get3A_918 = arith.constant 0 : i32
        %get3A_919 = arith.constant 0 : i32
        %get3A_920 = tpu.memref_slice %arg8[%scan3A_389, %get3A_918, %get3A_919] : memref<2x80x16xf32, #tpu.memory_space<vmem>> -> memref<1x80x16xf32, #tpu.memory_space<vmem>>
        %get3A_921 = tpu.memref_squeeze %get3A_920 : memref<1x80x16xf32, #tpu.memory_space<vmem>> -> memref<80x16xf32, #tpu.memory_space<vmem>>
        %get3A_922 = arith.index_cast %add3A_910 : i32 to index
        %get3A_923 = arith.constant 0 : index
        %get3A_924 = tpu.vector_load %get3A_921[%get3A_922, %get3A_923] {strides = array<i32>} : memref<80x16xf32, #tpu.memory_space<vmem>>, vector<16xf32>,
        %add3A_925 = arith.addf %get3A_917, %get3A_924 : vector<16xf32>
        %gt3A_926 = arith.constant 0.000000e+00 : f32
        %gt3A_927 = vector.broadcast %gt3A_926 : f32 to vector<16xf32>
        %gt3A_928 = arith.cmpf ogt, %add3A_925, %gt3A_927 : vector<16xf32>
        %mul3A_929 = arith.constant 2.000000e-01 : f32
        %mul3A_930 = vector.broadcast %mul3A_929 : f32 to vector<16xf32>
        %mul3A_931 = arith.mulf %mul3A_930, %add3A_925 : vector<16xf32>
        %select_n3A_932 = arith.select %gt3A_928, %add3A_925, %mul3A_931 : vector<16xi1>, vector<16xf32>
        %exp3A_933 = math.exp %select_n3A_932 : vector<16xf32>
        %swap3A_934 = arith.constant 0 : i32
        %swap3A_935 = arith.constant 0 : i32
        %swap3A_936 = tpu.memref_slice %arg9[%scan3A_388, %swap3A_934, %swap3A_935] : memref<2x80x144xf32, #tpu.memory_space<vmem>> -> memref<1x80x144xf32, #tpu.memory_space<vmem>>
        %swap3A_937 = tpu.memref_squeeze %swap3A_936 : memref<1x80x144xf32, #tpu.memory_space<vmem>> -> memref<80x144xf32, #tpu.memory_space<vmem>>
        %swap3A_938 = arith.index_cast %add3A_910 : i32 to index
        %swap3A_939 = arith.constant 128 : index
        %swap3A_940 = tpu.vector_load %swap3A_937[%swap3A_938, %swap3A_939] {strides = array<i32>} : memref<80x144xf32, #tpu.memory_space<vmem>>, vector<16xf32>,
        tpu.vector_store %swap3A_937[%swap3A_938, %swap3A_939], %exp3A_933 {strides = array<i32>} : memref<80x144xf32, #tpu.memory_space<vmem>>, vector<16xf32>,
        %broadcast_in_dim3A_941 = vector.shape_cast %and3A_75 : vector<16xi32> to vector<16x1xi32>
        %gather3A_942 = vector.shape_cast %broadcast_in_dim3A_941 : vector<16x1xi32> to vector<16xi32>
        %gather3A_943 = tpu.dynamic_gather %exp3A_933[%gather3A_942] in [0] : vector<16xf32>, vector<16xi32> -> vector<16xf32>
        %get3A_944 = arith.constant 0 : i32
        %get3A_945 = arith.constant 0 : i32
        %get3A_946 = tpu.memref_slice %arg9[%scan3A_388, %get3A_944, %get3A_945] : memref<2x80x144xf32, #tpu.memory_space<vmem>> -> memref<1x80x144xf32, #tpu.memory_space<vmem>>
        %get3A_947 = tpu.memref_squeeze %get3A_946 : memref<1x80x144xf32, #tpu.memory_space<vmem>> -> memref<80x144xf32, #tpu.memory_space<vmem>>
        %get3A_948 = arith.index_cast %add3A_910 : i32 to index
        %get3A_949 = arith.constant 0 : index
        %get3A_950 = tpu.vector_load %get3A_947[%get3A_948, %get3A_949] {strides = array<i32>} : memref<80x144xf32, #tpu.memory_space<vmem>>, vector<16xf32>,
        %mul3A_951 = arith.mulf %get3A_950, %gather3A_943 : vector<16xf32>
        %swap3A_952 = arith.constant 0 : i32
        %swap3A_953 = arith.constant 0 : i32
        %swap3A_954 = tpu.memref_slice %arg9[%scan3A_388, %swap3A_952, %swap3A_953] : memref<2x80x144xf32, #tpu.memory_space<vmem>> -> memref<1x80x144xf32, #tpu.memory_space<vmem>>
        %swap3A_955 = tpu.memref_squeeze %swap3A_954 : memref<1x80x144xf32, #tpu.memory_space<vmem>> -> memref<80x144xf32, #tpu.memory_space<vmem>>
        %swap3A_956 = arith.index_cast %add3A_910 : i32 to index
        %swap3A_957 = arith.constant 0 : index
        %swap3A_958 = tpu.vector_load %swap3A_955[%swap3A_956, %swap3A_957] {strides = array<i32>} : memref<80x144xf32, #tpu.memory_space<vmem>>, vector<16xf32>,
        tpu.vector_store %swap3A_955[%swap3A_956, %swap3A_957], %mul3A_951 {strides = array<i32>} : memref<80x144xf32, #tpu.memory_space<vmem>>, vector<16xf32>,
        %get3A_959 = arith.constant 0 : i32
        %get3A_960 = arith.constant 0 : i32
        %get3A_961 = tpu.memref_slice %arg9[%scan3A_388, %get3A_959, %get3A_960] : memref<2x80x144xf32, #tpu.memory_space<vmem>> -> memref<1x80x144xf32, #tpu.memory_space<vmem>>
        %get3A_962 = tpu.memref_squeeze %get3A_961 : memref<1x80x144xf32, #tpu.memory_space<vmem>> -> memref<80x144xf32, #tpu.memory_space<vmem>>
        %get3A_963 = arith.index_cast %add3A_910 : i32 to index
        %get3A_964 = arith.constant 16 : index
        %get3A_965 = tpu.vector_load %get3A_962[%get3A_963, %get3A_964] {strides = array<i32>} : memref<80x144xf32, #tpu.memory_space<vmem>>, vector<16xf32>,
        %mul3A_966 = arith.mulf %get3A_965, %gather3A_943 : vector<16xf32>
        %swap3A_967 = arith.constant 0 : i32
        %swap3A_968 = arith.constant 0 : i32
        %swap3A_969 = tpu.memref_slice %arg9[%scan3A_388, %swap3A_967, %swap3A_968] : memref<2x80x144xf32, #tpu.memory_space<vmem>> -> memref<1x80x144xf32, #tpu.memory_space<vmem>>
        %swap3A_970 = tpu.memref_squeeze %swap3A_969 : memref<1x80x144xf32, #tpu.memory_space<vmem>> -> memref<80x144xf32, #tpu.memory_space<vmem>>
        %swap3A_971 = arith.index_cast %add3A_910 : i32 to index
        %swap3A_972 = arith.constant 16 : index
        %swap3A_973 = tpu.vector_load %swap3A_970[%swap3A_971, %swap3A_972] {strides = array<i32>} : memref<80x144xf32, #tpu.memory_space<vmem>>, vector<16xf32>,
        tpu.vector_store %swap3A_970[%swap3A_971, %swap3A_972], %mul3A_966 {strides = array<i32>} : memref<80x144xf32, #tpu.memory_space<vmem>>, vector<16xf32>,
        %get3A_974 = arith.constant 0 : i32
        %get3A_975 = arith.constant 0 : i32
        %get3A_976 = tpu.memref_slice %arg9[%scan3A_388, %get3A_974, %get3A_975] : memref<2x80x144xf32, #tpu.memory_space<vmem>> -> memref<1x80x144xf32, #tpu.memory_space<vmem>>
        %get3A_977 = tpu.memref_squeeze %get3A_976 : memref<1x80x144xf32, #tpu.memory_space<vmem>> -> memref<80x144xf32, #tpu.memory_space<vmem>>
        %get3A_978 = arith.index_cast %add3A_910 : i32 to index
        %get3A_979 = arith.constant 32 : index
        %get3A_980 = tpu.vector_load %get3A_977[%get3A_978, %get3A_979] {strides = array<i32>} : memref<80x144xf32, #tpu.memory_space<vmem>>, vector<16xf32>,
        %mul3A_981 = arith.mulf %get3A_980, %gather3A_943 : vector<16xf32>
        %swap3A_982 = arith.constant 0 : i32
        %swap3A_983 = arith.constant 0 : i32
        %swap3A_984 = tpu.memref_slice %arg9[%scan3A_388, %swap3A_982, %swap3A_983] : memref<2x80x144xf32, #tpu.memory_space<vmem>> -> memref<1x80x144xf32, #tpu.memory_space<vmem>>
        %swap3A_985 = tpu.memref_squeeze %swap3A_984 : memref<1x80x144xf32, #tpu.memory_space<vmem>> -> memref<80x144xf32, #tpu.memory_space<vmem>>
        %swap3A_986 = arith.index_cast %add3A_910 : i32 to index
        %swap3A_987 = arith.constant 32 : index
        %swap3A_988 = tpu.vector_load %swap3A_985[%swap3A_986, %swap3A_987] {strides = array<i32>} : memref<80x144xf32, #tpu.memory_space<vmem>>, vector<16xf32>,
        tpu.vector_store %swap3A_985[%swap3A_986, %swap3A_987], %mul3A_981 {strides = array<i32>} : memref<80x144xf32, #tpu.memory_space<vmem>>, vector<16xf32>,
        %get3A_989 = arith.constant 0 : i32
        %get3A_990 = arith.constant 0 : i32
        %get3A_991 = tpu.memref_slice %arg9[%scan3A_388, %get3A_989, %get3A_990] : memref<2x80x144xf32, #tpu.memory_space<vmem>> -> memref<1x80x144xf32, #tpu.memory_space<vmem>>
        %get3A_992 = tpu.memref_squeeze %get3A_991 : memref<1x80x144xf32, #tpu.memory_space<vmem>> -> memref<80x144xf32, #tpu.memory_space<vmem>>
        %get3A_993 = arith.index_cast %add3A_910 : i32 to index
        %get3A_994 = arith.constant 48 : index
        %get3A_995 = tpu.vector_load %get3A_992[%get3A_993, %get3A_994] {strides = array<i32>} : memref<80x144xf32, #tpu.memory_space<vmem>>, vector<16xf32>,
        %mul3A_996 = arith.mulf %get3A_995, %gather3A_943 : vector<16xf32>
        %swap3A_997 = arith.constant 0 : i32
        %swap3A_998 = arith.constant 0 : i32
        %swap3A_999 = tpu.memref_slice %arg9[%scan3A_388, %swap3A_997, %swap3A_998] : memref<2x80x144xf32, #tpu.memory_space<vmem>> -> memref<1x80x144xf32, #tpu.memory_space<vmem>>
        %swap3A_1000 = tpu.memref_squeeze %swap3A_999 : memref<1x80x144xf32, #tpu.memory_space<vmem>> -> memref<80x144xf32, #tpu.memory_space<vmem>>
        %swap3A_1001 = arith.index_cast %add3A_910 : i32 to index
        %swap3A_1002 = arith.constant 48 : index
        %swap3A_1003 = tpu.vector_load %swap3A_1000[%swap3A_1001, %swap3A_1002] {strides = array<i32>} : memref<80x144xf32, #tpu.memory_space<vmem>>, vector<16xf32>,
        tpu.vector_store %swap3A_1000[%swap3A_1001, %swap3A_1002], %mul3A_996 {strides = array<i32>} : memref<80x144xf32, #tpu.memory_space<vmem>>, vector<16xf32>,
        %get3A_1004 = arith.constant 0 : i32
        %get3A_1005 = arith.constant 0 : i32
        %get3A_1006 = tpu.memref_slice %arg9[%scan3A_388, %get3A_1004, %get3A_1005] : memref<2x80x144xf32, #tpu.memory_space<vmem>> -> memref<1x80x144xf32, #tpu.memory_space<vmem>>
        %get3A_1007 = tpu.memref_squeeze %get3A_1006 : memref<1x80x144xf32, #tpu.memory_space<vmem>> -> memref<80x144xf32, #tpu.memory_space<vmem>>
        %get3A_1008 = arith.index_cast %add3A_910 : i32 to index
        %get3A_1009 = arith.constant 64 : index
        %get3A_1010 = tpu.vector_load %get3A_1007[%get3A_1008, %get3A_1009] {strides = array<i32>} : memref<80x144xf32, #tpu.memory_space<vmem>>, vector<16xf32>,
        %mul3A_1011 = arith.mulf %get3A_1010, %gather3A_943 : vector<16xf32>
        %swap3A_1012 = arith.constant 0 : i32
        %swap3A_1013 = arith.constant 0 : i32
        %swap3A_1014 = tpu.memref_slice %arg9[%scan3A_388, %swap3A_1012, %swap3A_1013] : memref<2x80x144xf32, #tpu.memory_space<vmem>> -> memref<1x80x144xf32, #tpu.memory_space<vmem>>
        %swap3A_1015 = tpu.memref_squeeze %swap3A_1014 : memref<1x80x144xf32, #tpu.memory_space<vmem>> -> memref<80x144xf32, #tpu.memory_space<vmem>>
        %swap3A_1016 = arith.index_cast %add3A_910 : i32 to index
        %swap3A_1017 = arith.constant 64 : index
        %swap3A_1018 = tpu.vector_load %swap3A_1015[%swap3A_1016, %swap3A_1017] {strides = array<i32>} : memref<80x144xf32, #tpu.memory_space<vmem>>, vector<16xf32>,
        tpu.vector_store %swap3A_1015[%swap3A_1016, %swap3A_1017], %mul3A_1011 {strides = array<i32>} : memref<80x144xf32, #tpu.memory_space<vmem>>, vector<16xf32>,
        %get3A_1019 = arith.constant 0 : i32
        %get3A_1020 = arith.constant 0 : i32
        %get3A_1021 = tpu.memref_slice %arg9[%scan3A_388, %get3A_1019, %get3A_1020] : memref<2x80x144xf32, #tpu.memory_space<vmem>> -> memref<1x80x144xf32, #tpu.memory_space<vmem>>
        %get3A_1022 = tpu.memref_squeeze %get3A_1021 : memref<1x80x144xf32, #tpu.memory_space<vmem>> -> memref<80x144xf32, #tpu.memory_space<vmem>>
        %get3A_1023 = arith.index_cast %add3A_910 : i32 to index
        %get3A_1024 = arith.constant 80 : index
        %get3A_1025 = tpu.vector_load %get3A_1022[%get3A_1023, %get3A_1024] {strides = array<i32>} : memref<80x144xf32, #tpu.memory_space<vmem>>, vector<16xf32>,
        %mul3A_1026 = arith.mulf %get3A_1025, %gather3A_943 : vector<16xf32>
        %swap3A_1027 = arith.constant 0 : i32
        %swap3A_1028 = arith.constant 0 : i32
        %swap3A_1029 = tpu.memref_slice %arg9[%scan3A_388, %swap3A_1027, %swap3A_1028] : memref<2x80x144xf32, #tpu.memory_space<vmem>> -> memref<1x80x144xf32, #tpu.memory_space<vmem>>
        %swap3A_1030 = tpu.memref_squeeze %swap3A_1029 : memref<1x80x144xf32, #tpu.memory_space<vmem>> -> memref<80x144xf32, #tpu.memory_space<vmem>>
        %swap3A_1031 = arith.index_cast %add3A_910 : i32 to index
        %swap3A_1032 = arith.constant 80 : index
        %swap3A_1033 = tpu.vector_load %swap3A_1030[%swap3A_1031, %swap3A_1032] {strides = array<i32>} : memref<80x144xf32, #tpu.memory_space<vmem>>, vector<16xf32>,
        tpu.vector_store %swap3A_1030[%swap3A_1031, %swap3A_1032], %mul3A_1026 {strides = array<i32>} : memref<80x144xf32, #tpu.memory_space<vmem>>, vector<16xf32>,
        %get3A_1034 = arith.constant 0 : i32
        %get3A_1035 = arith.constant 0 : i32
        %get3A_1036 = tpu.memref_slice %arg9[%scan3A_388, %get3A_1034, %get3A_1035] : memref<2x80x144xf32, #tpu.memory_space<vmem>> -> memref<1x80x144xf32, #tpu.memory_space<vmem>>
        %get3A_1037 = tpu.memref_squeeze %get3A_1036 : memref<1x80x144xf32, #tpu.memory_space<vmem>> -> memref<80x144xf32, #tpu.memory_space<vmem>>
        %get3A_1038 = arith.index_cast %add3A_910 : i32 to index
        %get3A_1039 = arith.constant 96 : index
        %get3A_1040 = tpu.vector_load %get3A_1037[%get3A_1038, %get3A_1039] {strides = array<i32>} : memref<80x144xf32, #tpu.memory_space<vmem>>, vector<16xf32>,
        %mul3A_1041 = arith.mulf %get3A_1040, %gather3A_943 : vector<16xf32>
        %swap3A_1042 = arith.constant 0 : i32
        %swap3A_1043 = arith.constant 0 : i32
        %swap3A_1044 = tpu.memref_slice %arg9[%scan3A_388, %swap3A_1042, %swap3A_1043] : memref<2x80x144xf32, #tpu.memory_space<vmem>> -> memref<1x80x144xf32, #tpu.memory_space<vmem>>
        %swap3A_1045 = tpu.memref_squeeze %swap3A_1044 : memref<1x80x144xf32, #tpu.memory_space<vmem>> -> memref<80x144xf32, #tpu.memory_space<vmem>>
        %swap3A_1046 = arith.index_cast %add3A_910 : i32 to index
        %swap3A_1047 = arith.constant 96 : index
        %swap3A_1048 = tpu.vector_load %swap3A_1045[%swap3A_1046, %swap3A_1047] {strides = array<i32>} : memref<80x144xf32, #tpu.memory_space<vmem>>, vector<16xf32>,
        tpu.vector_store %swap3A_1045[%swap3A_1046, %swap3A_1047], %mul3A_1041 {strides = array<i32>} : memref<80x144xf32, #tpu.memory_space<vmem>>, vector<16xf32>,
        %get3A_1049 = arith.constant 0 : i32
        %get3A_1050 = arith.constant 0 : i32
        %get3A_1051 = tpu.memref_slice %arg9[%scan3A_388, %get3A_1049, %get3A_1050] : memref<2x80x144xf32, #tpu.memory_space<vmem>> -> memref<1x80x144xf32, #tpu.memory_space<vmem>>
        %get3A_1052 = tpu.memref_squeeze %get3A_1051 : memref<1x80x144xf32, #tpu.memory_space<vmem>> -> memref<80x144xf32, #tpu.memory_space<vmem>>
        %get3A_1053 = arith.index_cast %add3A_910 : i32 to index
        %get3A_1054 = arith.constant 112 : index
        %get3A_1055 = tpu.vector_load %get3A_1052[%get3A_1053, %get3A_1054] {strides = array<i32>} : memref<80x144xf32, #tpu.memory_space<vmem>>, vector<16xf32>,
        %mul3A_1056 = arith.mulf %get3A_1055, %gather3A_943 : vector<16xf32>
        %swap3A_1057 = arith.constant 0 : i32
        %swap3A_1058 = arith.constant 0 : i32
        %swap3A_1059 = tpu.memref_slice %arg9[%scan3A_388, %swap3A_1057, %swap3A_1058] : memref<2x80x144xf32, #tpu.memory_space<vmem>> -> memref<1x80x144xf32, #tpu.memory_space<vmem>>
        %swap3A_1060 = tpu.memref_squeeze %swap3A_1059 : memref<1x80x144xf32, #tpu.memory_space<vmem>> -> memref<80x144xf32, #tpu.memory_space<vmem>>
        %swap3A_1061 = arith.index_cast %add3A_910 : i32 to index
        %swap3A_1062 = arith.constant 112 : index
        %swap3A_1063 = tpu.vector_load %swap3A_1060[%swap3A_1061, %swap3A_1062] {strides = array<i32>} : memref<80x144xf32, #tpu.memory_space<vmem>>, vector<16xf32>,
        tpu.vector_store %swap3A_1060[%swap3A_1061, %swap3A_1062], %mul3A_1056 {strides = array<i32>} : memref<80x144xf32, #tpu.memory_space<vmem>>, vector<16xf32>,
      }
      %scan3A_394 = arith.constant 20 : i32
      %and3A_395 = arith.constant 3 : i32
      %and3A_396 = arith.andi %add3A_253, %and3A_395 : i32
      %mul3A_397 = arith.constant 2 : i32
      %mul3A_398 = arith.muli %mul3A_397, %and3A_396 : i32
      %add3A_399 = arith.constant 1 : i32
      %add3A_400 = arith.addi %mul3A_398, %add3A_399 : i32
      %dma_start3A_401 = arith.constant 1 : i32
      %dma_start3A_402 = arith.constant 0 : i32
      %dma_start3A_403 = arith.constant 0 : i32
      %dma_start3A_404 = tpu.memref_slice %arg9[%dma_start3A_401, %dma_start3A_402, %dma_start3A_403] : memref<2x80x144xf32, #tpu.memory_space<vmem>> -> memref<1x80x144xf32, #tpu.memory_space<vmem>>
      %dma_start3A_405 = tpu.memref_squeeze %dma_start3A_404 : memref<1x80x144xf32, #tpu.memory_space<vmem>> -> memref<80x144xf32, #tpu.memory_space<vmem>>
      %dma_start3A_406 = arith.constant 0 : i32
      %dma_start3A_407 = tpu.memref_slice %arg7[%add3A_400, %dma_start3A_406] : memref<8x80xi32, #tpu.memory_space<vmem>> -> memref<1x80xi32, #tpu.memory_space<vmem>>
      %dma_start3A_408 = tpu.memref_squeeze %dma_start3A_407 : memref<1x80xi32, #tpu.memory_space<vmem>> -> memref<80xi32, #tpu.memory_space<vmem>>
      %dma_start3A_409 = arith.constant 0 : i32
      %dma_start3A_410 = arith.constant 0 : i32
      %dma_start3A_411 = tpu.memref_slice %arg10[%dma_start3A_409, %dma_start3A_410] : memref<10000x144xf32, #tpu.memory_space<vmem_shared>> -> memref<10000x144xf32, #tpu.memory_space<vmem_shared>>
      tpu.enqueue_indirect_dma source(%dma_start3A_405 : memref<80x144xf32, #tpu.memory_space<vmem>>) target(%dma_start3A_411 : memref<10000x144xf32, #tpu.memory_space<vmem_shared>>) offsets(%dma_start3A_408 : memref<80xi32, #tpu.memory_space<vmem>>) semaphore(%arg14 : memref<!tpu.dma_semaphore, #tpu.memory_space<semaphore_mem>>) {add = true}
      %lt3A = arith.constant 61 : i32
      %lt3A_412 = arith.cmpi slt, %add3A_249, %lt3A : i32
      %convert_element_type3A = arith.extui %lt3A_412 : i1 to i32
      %cond3A = arith.constant 0 : i32
      %cond3A_413 = arith.cmpi ne, %convert_element_type3A, %cond3A : i32
      scf.if %cond3A_413 {
        %add3A_446 = arith.constant 2 : i32
        %add3A_447 = arith.addi %add3A_253, %add3A_446 : i32
        %and3A_448 = arith.constant 3 : i32
        %and3A_449 = arith.andi %add3A_447, %and3A_448 : i32
        %mul3A_450 = arith.constant 2 : i32
        %mul3A_451 = arith.muli %mul3A_450, %and3A_449 : i32
        %dma_wait3A_452 = arith.constant 0 : i32
        %dma_wait3A_453 = tpu.memref_slice %arg7[%mul3A_451, %dma_wait3A_452] : memref<8x80xi32, #tpu.memory_space<vmem>> -> memref<2x80xi32, #tpu.memory_space<vmem>>
        %dma_wait3A_454 = arith.constant 0 : i32
        %dma_wait3A_455 = arith.constant 0 : i32
        %dma_wait3A_456 = tpu.memref_slice %arg2[%add3A, %add3A_447, %dma_wait3A_454, %dma_wait3A_455] : memref<32x125x2x80xi32, #tpu.memory_space<hbm>> -> memref<1x1x2x80xi32, #tpu.memory_space<hbm>>
        %dma_wait3A_457 = tpu.memref_squeeze %dma_wait3A_456 : memref<1x1x2x80xi32, #tpu.memory_space<hbm>> -> memref<2x80xi32, #tpu.memory_space<hbm>>
        %dma_wait3A_458 = arith.constant 0 : i32
        %dma_wait3A_459 = tpu.memref_slice %arg7[%mul3A_451, %dma_wait3A_458] : memref<8x80xi32, #tpu.memory_space<vmem>> -> memref<2x80xi32, #tpu.memory_space<vmem>>
        %dma_wait3A_460 = arith.constant 0 : i32
        %dma_wait3A_461 = arith.constant 0 : i32
        %dma_wait3A_462 = tpu.memref_slice %arg2[%add3A, %add3A_447, %dma_wait3A_460, %dma_wait3A_461] : memref<32x125x2x80xi32, #tpu.memory_space<hbm>> -> memref<1x1x2x80xi32, #tpu.memory_space<hbm>>
        %dma_wait3A_463 = tpu.memref_squeeze %dma_wait3A_462 : memref<1x1x2x80xi32, #tpu.memory_space<hbm>> -> memref<2x80xi32, #tpu.memory_space<hbm>>
        tpu.wait_dma2 semaphore(%arg16 : memref<!tpu.dma_semaphore, #tpu.memory_space<semaphore_mem>>) src(%dma_wait3A_463 : memref<2x80xi32, #tpu.memory_space<hbm>>) dst(%dma_wait3A_459 : memref<2x80xi32, #tpu.memory_space<vmem>>)
        %add3A_464 = arith.constant 2 : i32
        %add3A_465 = arith.addi %add3A_253, %add3A_464 : i32
        %and3A_466 = arith.constant 3 : i32
        %and3A_467 = arith.andi %add3A_465, %and3A_466 : i32
        %mul3A_468 = arith.constant 2 : i32
        %mul3A_469 = arith.muli %mul3A_468, %and3A_467 : i32
        %mul3A_470 = arith.constant 2 : i32
        %mul3A_471 = arith.muli %mul3A_470, %and3A_467 : i32
        %add3A_472 = arith.constant 1 : i32
        %add3A_473 = arith.addi %mul3A_471, %add3A_472 : i32
        %dma_start3A_474 = arith.constant 1 : i32
        %dma_start3A_475 = arith.constant 0 : i32
        %dma_start3A_476 = arith.constant 0 : i32
        %dma_start3A_477 = tpu.memref_slice %arg8[%dma_start3A_474, %dma_start3A_475, %dma_start3A_476] : memref<2x80x16xf32, #tpu.memory_space<vmem>> -> memref<1x80x16xf32, #tpu.memory_space<vmem>>
        %dma_start3A_478 = tpu.memref_squeeze %dma_start3A_477 : memref<1x80x16xf32, #tpu.memory_space<vmem>> -> memref<80x16xf32, #tpu.memory_space<vmem>>
        %dma_start3A_479 = arith.constant 0 : i32
        %dma_start3A_480 = tpu.memref_slice %arg7[%add3A_473, %dma_start3A_479] : memref<8x80xi32, #tpu.memory_space<vmem>> -> memref<1x80xi32, #tpu.memory_space<vmem>>
        %dma_start3A_481 = tpu.memref_squeeze %dma_start3A_480 : memref<1x80xi32, #tpu.memory_space<vmem>> -> memref<80xi32, #tpu.memory_space<vmem>>
        %dma_start3A_482 = arith.constant 0 : i32
        %dma_start3A_483 = arith.constant 0 : i32
        %dma_start3A_484 = tpu.memref_slice %arg3[%dma_start3A_482, %dma_start3A_483] : memref<10000x16xf32, #tpu.memory_space<hbm>> -> memref<10000x16xf32, #tpu.memory_space<hbm>>
        tpu.enqueue_indirect_dma source(%dma_start3A_484 : memref<10000x16xf32, #tpu.memory_space<hbm>>) target(%dma_start3A_478 : memref<80x16xf32, #tpu.memory_space<vmem>>) offsets(%dma_start3A_481 : memref<80xi32, #tpu.memory_space<vmem>>) semaphore(%arg12 : memref<!tpu.dma_semaphore, #tpu.memory_space<semaphore_mem>>)
        %dma_start3A_485 = arith.constant 1 : i32
        %dma_start3A_486 = arith.constant 0 : i32
        %dma_start3A_487 = arith.constant 0 : i32
        %dma_start3A_488 = tpu.memref_slice %arg9[%dma_start3A_485, %dma_start3A_486, %dma_start3A_487] : memref<2x80x144xf32, #tpu.memory_space<vmem>> -> memref<1x80x144xf32, #tpu.memory_space<vmem>>
        %dma_start3A_489 = tpu.memref_squeeze %dma_start3A_488 : memref<1x80x144xf32, #tpu.memory_space<vmem>> -> memref<80x144xf32, #tpu.memory_space<vmem>>
        %dma_start3A_490 = arith.constant 0 : i32
        %dma_start3A_491 = tpu.memref_slice %arg7[%mul3A_469, %dma_start3A_490] : memref<8x80xi32, #tpu.memory_space<vmem>> -> memref<1x80xi32, #tpu.memory_space<vmem>>
        %dma_start3A_492 = tpu.memref_squeeze %dma_start3A_491 : memref<1x80xi32, #tpu.memory_space<vmem>> -> memref<80xi32, #tpu.memory_space<vmem>>
        %dma_start3A_493 = arith.constant 0 : i32
        %dma_start3A_494 = arith.constant 0 : i32
        %dma_start3A_495 = tpu.memref_slice %arg4[%dma_start3A_493, %dma_start3A_494] : memref<10000x144xf32, #tpu.memory_space<hbm>> -> memref<10000x144xf32, #tpu.memory_space<hbm>>
        tpu.enqueue_indirect_dma source(%dma_start3A_495 : memref<10000x144xf32, #tpu.memory_space<hbm>>) target(%dma_start3A_489 : memref<80x144xf32, #tpu.memory_space<vmem>>) offsets(%dma_start3A_492 : memref<80xi32, #tpu.memory_space<vmem>>) semaphore(%arg12 : memref<!tpu.dma_semaphore, #tpu.memory_space<semaphore_mem>>)
      } else {
      }
      %dma_wait3A_414 = arith.constant 0 : i32
      %dma_wait3A_415 = arith.constant 0 : i32
      %dma_wait3A_416 = arith.constant 0 : i32
      %dma_wait3A_417 = tpu.memref_slice %arg9[%dma_wait3A_414, %dma_wait3A_415, %dma_wait3A_416] : memref<2x80x144xf32, #tpu.memory_space<vmem>> -> memref<1x80x144xf32, #tpu.memory_space<vmem>>
      %dma_wait3A_418 = tpu.memref_squeeze %dma_wait3A_417 : memref<1x80x144xf32, #tpu.memory_space<vmem>> -> memref<80x144xf32, #tpu.memory_space<vmem>>
      %dma_wait3A_419 = arith.constant 0 : i32
      %dma_wait3A_420 = tpu.memref_slice %arg7[%add3A_296, %dma_wait3A_419] : memref<8x80xi32, #tpu.memory_space<vmem>> -> memref<1x80xi32, #tpu.memory_space<vmem>>
      %dma_wait3A_421 = tpu.memref_squeeze %dma_wait3A_420 : memref<1x80xi32, #tpu.memory_space<vmem>> -> memref<80xi32, #tpu.memory_space<vmem>>
      %dma_wait3A_422 = arith.constant 0 : i32
      %dma_wait3A_423 = arith.constant 0 : i32
      %dma_wait3A_424 = tpu.memref_slice %arg10[%dma_wait3A_422, %dma_wait3A_423] : memref<10000x144xf32, #tpu.memory_space<vmem_shared>> -> memref<10000x144xf32, #tpu.memory_space<vmem_shared>>
      tpu.wait_indirect_dma semaphore(%arg13 : memref<!tpu.dma_semaphore, #tpu.memory_space<semaphore_mem>>) src(%dma_wait3A_418 : memref<80x144xf32, #tpu.memory_space<vmem>>) dst(%dma_wait3A_424 : memref<10000x144xf32, #tpu.memory_space<vmem_shared>>)
      %dma_wait3A_425 = arith.constant 1 : i32
      %dma_wait3A_426 = arith.constant 0 : i32
      %dma_wait3A_427 = arith.constant 0 : i32
      %dma_wait3A_428 = tpu.memref_slice %arg9[%dma_wait3A_425, %dma_wait3A_426, %dma_wait3A_427] : memref<2x80x144xf32, #tpu.memory_space<vmem>> -> memref<1x80x144xf32, #tpu.memory_space<vmem>>
      %dma_wait3A_429 = tpu.memref_squeeze %dma_wait3A_428 : memref<1x80x144xf32, #tpu.memory_space<vmem>> -> memref<80x144xf32, #tpu.memory_space<vmem>>
      %dma_wait3A_430 = arith.constant 0 : i32
      %dma_wait3A_431 = tpu.memref_slice %arg7[%add3A_400, %dma_wait3A_430] : memref<8x80xi32, #tpu.memory_space<vmem>> -> memref<1x80xi32, #tpu.memory_space<vmem>>
      %dma_wait3A_432 = tpu.memref_squeeze %dma_wait3A_431 : memref<1x80xi32, #tpu.memory_space<vmem>> -> memref<80xi32, #tpu.memory_space<vmem>>
      %dma_wait3A_433 = arith.constant 0 : i32
      %dma_wait3A_434 = arith.constant 0 : i32
      %dma_wait3A_435 = tpu.memref_slice %arg10[%dma_wait3A_433, %dma_wait3A_434] : memref<10000x144xf32, #tpu.memory_space<vmem_shared>> -> memref<10000x144xf32, #tpu.memory_space<vmem_shared>>
      tpu.wait_indirect_dma semaphore(%arg14 : memref<!tpu.dma_semaphore, #tpu.memory_space<semaphore_mem>>) src(%dma_wait3A_429 : memref<80x144xf32, #tpu.memory_space<vmem>>) dst(%dma_wait3A_435 : memref<10000x144xf32, #tpu.memory_space<vmem_shared>>)
      %lt3A_436 = arith.constant 61 : i32
      %lt3A_437 = arith.cmpi slt, %add3A_249, %lt3A_436 : i32
      %convert_element_type3A_438 = arith.extui %lt3A_437 : i1 to i32
      %cond3A_439 = arith.constant 0 : i32
      %cond3A_440 = arith.cmpi ne, %convert_element_type3A_438, %cond3A_439 : i32
      scf.if %cond3A_440 {
        %add3A_446 = arith.constant 4 : i32
        %add3A_447 = arith.addi %mul3A_251, %add3A_446 : i32
        %and3A_448 = arith.constant 3 : i32
        %and3A_449 = arith.andi %add3A_447, %and3A_448 : i32
        %mul3A_450 = arith.constant 2 : i32
        %mul3A_451 = arith.muli %mul3A_450, %and3A_449 : i32
        %dma_start3A_452 = arith.constant 0 : i32
        %dma_start3A_453 = tpu.memref_slice %arg7[%mul3A_451, %dma_start3A_452] : memref<8x80xi32, #tpu.memory_space<vmem>> -> memref<2x80xi32, #tpu.memory_space<vmem>>
        %dma_start3A_454 = arith.constant 0 : i32
        %dma_start3A_455 = arith.constant 0 : i32
        %dma_start3A_456 = tpu.memref_slice %arg2[%add3A, %add3A_447, %dma_start3A_454, %dma_start3A_455] : memref<32x125x2x80xi32, #tpu.memory_space<hbm>> -> memref<1x1x2x80xi32, #tpu.memory_space<hbm>>
        %dma_start3A_457 = tpu.memref_squeeze %dma_start3A_456 : memref<1x1x2x80xi32, #tpu.memory_space<hbm>> -> memref<2x80xi32, #tpu.memory_space<hbm>>
        %dma_start3A_458 = arith.constant 0 : i32
        %dma_start3A_459 = tpu.memref_slice %arg7[%mul3A_451, %dma_start3A_458] : memref<8x80xi32, #tpu.memory_space<vmem>> -> memref<2x80xi32, #tpu.memory_space<vmem>>
        %dma_start3A_460 = arith.constant 0 : i32
        %dma_start3A_461 = arith.constant 0 : i32
        %dma_start3A_462 = tpu.memref_slice %arg2[%add3A, %add3A_447, %dma_start3A_460, %dma_start3A_461] : memref<32x125x2x80xi32, #tpu.memory_space<hbm>> -> memref<1x1x2x80xi32, #tpu.memory_space<hbm>>
        %dma_start3A_463 = tpu.memref_squeeze %dma_start3A_462 : memref<1x1x2x80xi32, #tpu.memory_space<hbm>> -> memref<2x80xi32, #tpu.memory_space<hbm>>
        tpu.enqueue_dma source(%dma_start3A_463 : memref<2x80xi32, #tpu.memory_space<hbm>>) target(%dma_start3A_459 : memref<2x80xi32, #tpu.memory_space<vmem>>) target_semaphore(%arg15 : memref<!tpu.dma_semaphore, #tpu.memory_space<semaphore_mem>>)
      } else {
      }
      %lt3A_441 = arith.constant 60 : i32
      %lt3A_442 = arith.cmpi slt, %add3A_249, %lt3A_441 : i32
      %convert_element_type3A_443 = arith.extui %lt3A_442 : i1 to i32
      %cond3A_444 = arith.constant 0 : i32
      %cond3A_445 = arith.cmpi ne, %convert_element_type3A_443, %cond3A_444 : i32
      scf.if %cond3A_445 {
        %add3A_446 = arith.constant 4 : i32
        %add3A_447 = arith.addi %add3A_253, %add3A_446 : i32
        %and3A_448 = arith.constant 3 : i32
        %and3A_449 = arith.andi %add3A_447, %and3A_448 : i32
        %mul3A_450 = arith.constant 2 : i32
        %mul3A_451 = arith.muli %mul3A_450, %and3A_449 : i32
        %dma_start3A_452 = arith.constant 0 : i32
        %dma_start3A_453 = tpu.memref_slice %arg7[%mul3A_451, %dma_start3A_452] : memref<8x80xi32, #tpu.memory_space<vmem>> -> memref<2x80xi32, #tpu.memory_space<vmem>>
        %dma_start3A_454 = arith.constant 0 : i32
        %dma_start3A_455 = arith.constant 0 : i32
        %dma_start3A_456 = tpu.memref_slice %arg2[%add3A, %add3A_447, %dma_start3A_454, %dma_start3A_455] : memref<32x125x2x80xi32, #tpu.memory_space<hbm>> -> memref<1x1x2x80xi32, #tpu.memory_space<hbm>>
        %dma_start3A_457 = tpu.memref_squeeze %dma_start3A_456 : memref<1x1x2x80xi32, #tpu.memory_space<hbm>> -> memref<2x80xi32, #tpu.memory_space<hbm>>
        %dma_start3A_458 = arith.constant 0 : i32
        %dma_start3A_459 = tpu.memref_slice %arg7[%mul3A_451, %dma_start3A_458] : memref<8x80xi32, #tpu.memory_space<vmem>> -> memref<2x80xi32, #tpu.memory_space<vmem>>
        %dma_start3A_460 = arith.constant 0 : i32
        %dma_start3A_461 = arith.constant 0 : i32
        %dma_start3A_462 = tpu.memref_slice %arg2[%add3A, %add3A_447, %dma_start3A_460, %dma_start3A_461] : memref<32x125x2x80xi32, #tpu.memory_space<hbm>> -> memref<1x1x2x80xi32, #tpu.memory_space<hbm>>
        %dma_start3A_463 = tpu.memref_squeeze %dma_start3A_462 : memref<1x1x2x80xi32, #tpu.memory_space<hbm>> -> memref<2x80xi32, #tpu.memory_space<hbm>>
        tpu.enqueue_dma source(%dma_start3A_463 : memref<2x80xi32, #tpu.memory_space<hbm>>) target(%dma_start3A_459 : memref<2x80xi32, #tpu.memory_space<vmem>>) target_semaphore(%arg16 : memref<!tpu.dma_semaphore, #tpu.memory_space<semaphore_mem>>)
      } else {
      }
    }
    %scan3A_176 = arith.constant 62 : i32
    %and3A_177 = arith.constant 124 : i32
    %and3A_178 = arith.constant 3 : i32
    %and3A_179 = arith.andi %and3A_177, %and3A_178 : i32
    %mul3A_180 = arith.constant 2 : i32
    %mul3A_181 = arith.muli %mul3A_180, %and3A_179 : i32
    %mul3A_182 = arith.constant 2 : i32
    %mul3A_183 = arith.muli %mul3A_182, %and3A_179 : i32
    %add3A_184 = arith.constant 1 : i32
    %add3A_185 = arith.addi %mul3A_183, %add3A_184 : i32
    %dma_wait3A_186 = arith.constant 0 : i32
    %dma_wait3A_187 = arith.constant 0 : i32
    %dma_wait3A_188 = arith.constant 0 : i32
    %dma_wait3A_189 = tpu.memref_slice %arg8[%dma_wait3A_186, %dma_wait3A_187, %dma_wait3A_188] : memref<2x80x16xf32, #tpu.memory_space<vmem>> -> memref<1x80x16xf32, #tpu.memory_space<vmem>>
    %dma_wait3A_190 = tpu.memref_squeeze %dma_wait3A_189 : memref<1x80x16xf32, #tpu.memory_space<vmem>> -> memref<80x16xf32, #tpu.memory_space<vmem>>
    %dma_wait3A_191 = arith.constant 0 : i32
    %dma_wait3A_192 = tpu.memref_slice %arg7[%add3A_185, %dma_wait3A_191] : memref<8x80xi32, #tpu.memory_space<vmem>> -> memref<1x80xi32, #tpu.memory_space<vmem>>
    %dma_wait3A_193 = tpu.memref_squeeze %dma_wait3A_192 : memref<1x80xi32, #tpu.memory_space<vmem>> -> memref<80xi32, #tpu.memory_space<vmem>>
    %dma_wait3A_194 = arith.constant 0 : i32
    %dma_wait3A_195 = arith.constant 0 : i32
    %dma_wait3A_196 = tpu.memref_slice %arg3[%dma_wait3A_194, %dma_wait3A_195] : memref<10000x16xf32, #tpu.memory_space<hbm>> -> memref<10000x16xf32, #tpu.memory_space<hbm>>
    tpu.wait_indirect_dma semaphore(%arg11 : memref<!tpu.dma_semaphore, #tpu.memory_space<semaphore_mem>>) src(%dma_wait3A_196 : memref<10000x16xf32, #tpu.memory_space<hbm>>) dst(%dma_wait3A_190 : memref<80x16xf32, #tpu.memory_space<vmem>>)
    %dma_wait3A_197 = arith.constant 0 : i32
    %dma_wait3A_198 = arith.constant 0 : i32
    %dma_wait3A_199 = arith.constant 0 : i32
    %dma_wait3A_200 = tpu.memref_slice %arg9[%dma_wait3A_197, %dma_wait3A_198, %dma_wait3A_199] : memref<2x80x144xf32, #tpu.memory_space<vmem>> -> memref<1x80x144xf32, #tpu.memory_space<vmem>>
    %dma_wait3A_201 = tpu.memref_squeeze %dma_wait3A_200 : memref<1x80x144xf32, #tpu.memory_space<vmem>> -> memref<80x144xf32, #tpu.memory_space<vmem>>
    %dma_wait3A_202 = arith.constant 0 : i32
    %dma_wait3A_203 = tpu.memref_slice %arg7[%mul3A_181, %dma_wait3A_202] : memref<8x80xi32, #tpu.memory_space<vmem>> -> memref<1x80xi32, #tpu.memory_space<vmem>>
    %dma_wait3A_204 = tpu.memref_squeeze %dma_wait3A_203 : memref<1x80xi32, #tpu.memory_space<vmem>> -> memref<80xi32, #tpu.memory_space<vmem>>
    %dma_wait3A_205 = arith.constant 0 : i32
    %dma_wait3A_206 = arith.constant 0 : i32
    %dma_wait3A_207 = tpu.memref_slice %arg4[%dma_wait3A_205, %dma_wait3A_206] : memref<10000x144xf32, #tpu.memory_space<hbm>> -> memref<10000x144xf32, #tpu.memory_space<hbm>>
    tpu.wait_indirect_dma semaphore(%arg11 : memref<!tpu.dma_semaphore, #tpu.memory_space<semaphore_mem>>) src(%dma_wait3A_207 : memref<10000x144xf32, #tpu.memory_space<hbm>>) dst(%dma_wait3A_201 : memref<80x144xf32, #tpu.memory_space<vmem>>)
    %scan3A_208 = arith.constant 0 : i32
    %scan3A_209 = arith.constant 0 : i32
    %scan3A_210 = arith.constant 0 : i32
    %scan3A_211 = arith.constant 20 : i32
    %scan3A_212 = arith.addi %scan3A_210, %scan3A_211 : i32
    %scan3A_213 = arith.constant 1 : i32
    scf.for %scan3A_245 = %scan3A_210 to %scan3A_212 step %scan3A_213  : i32 {
      %mul3A_246 = arith.constant 4 : i32
      %mul3A_247 = arith.muli %scan3A_245, %mul3A_246 : i32
      %add3A_248 = arith.constant 0 : i32
      %add3A_249 = arith.addi %add3A_248, %mul3A_247 : i32
      %add3A_250 = arith.constant 0 : i32
      %add3A_251 = arith.addi %add3A_249, %add3A_250 : i32
      %get3A = arith.constant 0 : i32
      %get3A_252 = arith.constant 0 : i32
      %get3A_253 = tpu.memref_slice %arg9[%scan3A_208, %get3A, %get3A_252] : memref<2x80x144xf32, #tpu.memory_space<vmem>> -> memref<1x80x144xf32, #tpu.memory_space<vmem>>
      %get3A_254 = tpu.memref_squeeze %get3A_253 : memref<1x80x144xf32, #tpu.memory_space<vmem>> -> memref<80x144xf32, #tpu.memory_space<vmem>>
      %get3A_255 = arith.index_cast %add3A_251 : i32 to index
      %get3A_256 = arith.constant 128 : index
      %get3A_257 = tpu.vector_load %get3A_254[%get3A_255, %get3A_256] {strides = array<i32>} : memref<80x144xf32, #tpu.memory_space<vmem>>, vector<16xf32>,
      %get3A_258 = arith.constant 0 : i32
      %get3A_259 = arith.constant 0 : i32
      %get3A_260 = tpu.memref_slice %arg8[%scan3A_209, %get3A_258, %get3A_259] : memref<2x80x16xf32, #tpu.memory_space<vmem>> -> memref<1x80x16xf32, #tpu.memory_space<vmem>>
      %get3A_261 = tpu.memref_squeeze %get3A_260 : memref<1x80x16xf32, #tpu.memory_space<vmem>> -> memref<80x16xf32, #tpu.memory_space<vmem>>
      %get3A_262 = arith.index_cast %add3A_251 : i32 to index
      %get3A_263 = arith.constant 0 : index
      %get3A_264 = tpu.vector_load %get3A_261[%get3A_262, %get3A_263] {strides = array<i32>} : memref<80x16xf32, #tpu.memory_space<vmem>>, vector<16xf32>,
      %add3A_265 = arith.addf %get3A_257, %get3A_264 : vector<16xf32>
      %gt3A = arith.constant 0.000000e+00 : f32
      %gt3A_266 = vector.broadcast %gt3A : f32 to vector<16xf32>
      %gt3A_267 = arith.cmpf ogt, %add3A_265, %gt3A_266 : vector<16xf32>
      %mul3A_268 = arith.constant 2.000000e-01 : f32
      %mul3A_269 = vector.broadcast %mul3A_268 : f32 to vector<16xf32>
      %mul3A_270 = arith.mulf %mul3A_269, %add3A_265 : vector<16xf32>
      %select_n3A = arith.select %gt3A_267, %add3A_265, %mul3A_270 : vector<16xi1>, vector<16xf32>
      %exp3A = math.exp %select_n3A : vector<16xf32>
      %swap3A = arith.constant 0 : i32
      %swap3A_271 = arith.constant 0 : i32
      %swap3A_272 = tpu.memref_slice %arg9[%scan3A_208, %swap3A, %swap3A_271] : memref<2x80x144xf32, #tpu.memory_space<vmem>> -> memref<1x80x144xf32, #tpu.memory_space<vmem>>
      %swap3A_273 = tpu.memref_squeeze %swap3A_272 : memref<1x80x144xf32, #tpu.memory_space<vmem>> -> memref<80x144xf32, #tpu.memory_space<vmem>>
      %swap3A_274 = arith.index_cast %add3A_251 : i32 to index
      %swap3A_275 = arith.constant 128 : index
      %swap3A_276 = tpu.vector_load %swap3A_273[%swap3A_274, %swap3A_275] {strides = array<i32>} : memref<80x144xf32, #tpu.memory_space<vmem>>, vector<16xf32>,
      tpu.vector_store %swap3A_273[%swap3A_274, %swap3A_275], %exp3A {strides = array<i32>} : memref<80x144xf32, #tpu.memory_space<vmem>>, vector<16xf32>,
      %broadcast_in_dim3A = vector.shape_cast %and3A_75 : vector<16xi32> to vector<16x1xi32>
      %gather3A = vector.shape_cast %broadcast_in_dim3A : vector<16x1xi32> to vector<16xi32>
      %gather3A_277 = tpu.dynamic_gather %exp3A[%gather3A] in [0] : vector<16xf32>, vector<16xi32> -> vector<16xf32>
      %get3A_278 = arith.constant 0 : i32
      %get3A_279 = arith.constant 0 : i32
      %get3A_280 = tpu.memref_slice %arg9[%scan3A_208, %get3A_278, %get3A_279] : memref<2x80x144xf32, #tpu.memory_space<vmem>> -> memref<1x80x144xf32, #tpu.memory_space<vmem>>
      %get3A_281 = tpu.memref_squeeze %get3A_280 : memref<1x80x144xf32, #tpu.memory_space<vmem>> -> memref<80x144xf32, #tpu.memory_space<vmem>>
      %get3A_282 = arith.index_cast %add3A_251 : i32 to index
      %get3A_283 = arith.constant 0 : index
      %get3A_284 = tpu.vector_load %get3A_281[%get3A_282, %get3A_283] {strides = array<i32>} : memref<80x144xf32, #tpu.memory_space<vmem>>, vector<16xf32>,
      %mul3A_285 = arith.mulf %get3A_284, %gather3A_277 : vector<16xf32>
      %swap3A_286 = arith.constant 0 : i32
      %swap3A_287 = arith.constant 0 : i32
      %swap3A_288 = tpu.memref_slice %arg9[%scan3A_208, %swap3A_286, %swap3A_287] : memref<2x80x144xf32, #tpu.memory_space<vmem>> -> memref<1x80x144xf32, #tpu.memory_space<vmem>>
      %swap3A_289 = tpu.memref_squeeze %swap3A_288 : memref<1x80x144xf32, #tpu.memory_space<vmem>> -> memref<80x144xf32, #tpu.memory_space<vmem>>
      %swap3A_290 = arith.index_cast %add3A_251 : i32 to index
      %swap3A_291 = arith.constant 0 : index
      %swap3A_292 = tpu.vector_load %swap3A_289[%swap3A_290, %swap3A_291] {strides = array<i32>} : memref<80x144xf32, #tpu.memory_space<vmem>>, vector<16xf32>,
      tpu.vector_store %swap3A_289[%swap3A_290, %swap3A_291], %mul3A_285 {strides = array<i32>} : memref<80x144xf32, #tpu.memory_space<vmem>>, vector<16xf32>,
      %get3A_293 = arith.constant 0 : i32
      %get3A_294 = arith.constant 0 : i32
      %get3A_295 = tpu.memref_slice %arg9[%scan3A_208, %get3A_293, %get3A_294] : memref<2x80x144xf32, #tpu.memory_space<vmem>> -> memref<1x80x144xf32, #tpu.memory_space<vmem>>
      %get3A_296 = tpu.memref_squeeze %get3A_295 : memref<1x80x144xf32, #tpu.memory_space<vmem>> -> memref<80x144xf32, #tpu.memory_space<vmem>>
      %get3A_297 = arith.index_cast %add3A_251 : i32 to index
      %get3A_298 = arith.constant 16 : index
      %get3A_299 = tpu.vector_load %get3A_296[%get3A_297, %get3A_298] {strides = array<i32>} : memref<80x144xf32, #tpu.memory_space<vmem>>, vector<16xf32>,
      %mul3A_300 = arith.mulf %get3A_299, %gather3A_277 : vector<16xf32>
      %swap3A_301 = arith.constant 0 : i32
      %swap3A_302 = arith.constant 0 : i32
      %swap3A_303 = tpu.memref_slice %arg9[%scan3A_208, %swap3A_301, %swap3A_302] : memref<2x80x144xf32, #tpu.memory_space<vmem>> -> memref<1x80x144xf32, #tpu.memory_space<vmem>>
      %swap3A_304 = tpu.memref_squeeze %swap3A_303 : memref<1x80x144xf32, #tpu.memory_space<vmem>> -> memref<80x144xf32, #tpu.memory_space<vmem>>
      %swap3A_305 = arith.index_cast %add3A_251 : i32 to index
      %swap3A_306 = arith.constant 16 : index
      %swap3A_307 = tpu.vector_load %swap3A_304[%swap3A_305, %swap3A_306] {strides = array<i32>} : memref<80x144xf32, #tpu.memory_space<vmem>>, vector<16xf32>,
      tpu.vector_store %swap3A_304[%swap3A_305, %swap3A_306], %mul3A_300 {strides = array<i32>} : memref<80x144xf32, #tpu.memory_space<vmem>>, vector<16xf32>,
      %get3A_308 = arith.constant 0 : i32
      %get3A_309 = arith.constant 0 : i32
      %get3A_310 = tpu.memref_slice %arg9[%scan3A_208, %get3A_308, %get3A_309] : memref<2x80x144xf32, #tpu.memory_space<vmem>> -> memref<1x80x144xf32, #tpu.memory_space<vmem>>
      %get3A_311 = tpu.memref_squeeze %get3A_310 : memref<1x80x144xf32, #tpu.memory_space<vmem>> -> memref<80x144xf32, #tpu.memory_space<vmem>>
      %get3A_312 = arith.index_cast %add3A_251 : i32 to index
      %get3A_313 = arith.constant 32 : index
      %get3A_314 = tpu.vector_load %get3A_311[%get3A_312, %get3A_313] {strides = array<i32>} : memref<80x144xf32, #tpu.memory_space<vmem>>, vector<16xf32>,
      %mul3A_315 = arith.mulf %get3A_314, %gather3A_277 : vector<16xf32>
      %swap3A_316 = arith.constant 0 : i32
      %swap3A_317 = arith.constant 0 : i32
      %swap3A_318 = tpu.memref_slice %arg9[%scan3A_208, %swap3A_316, %swap3A_317] : memref<2x80x144xf32, #tpu.memory_space<vmem>> -> memref<1x80x144xf32, #tpu.memory_space<vmem>>
      %swap3A_319 = tpu.memref_squeeze %swap3A_318 : memref<1x80x144xf32, #tpu.memory_space<vmem>> -> memref<80x144xf32, #tpu.memory_space<vmem>>
      %swap3A_320 = arith.index_cast %add3A_251 : i32 to index
      %swap3A_321 = arith.constant 32 : index
      %swap3A_322 = tpu.vector_load %swap3A_319[%swap3A_320, %swap3A_321] {strides = array<i32>} : memref<80x144xf32, #tpu.memory_space<vmem>>, vector<16xf32>,
      tpu.vector_store %swap3A_319[%swap3A_320, %swap3A_321], %mul3A_315 {strides = array<i32>} : memref<80x144xf32, #tpu.memory_space<vmem>>, vector<16xf32>,
      %get3A_323 = arith.constant 0 : i32
      %get3A_324 = arith.constant 0 : i32
      %get3A_325 = tpu.memref_slice %arg9[%scan3A_208, %get3A_323, %get3A_324] : memref<2x80x144xf32, #tpu.memory_space<vmem>> -> memref<1x80x144xf32, #tpu.memory_space<vmem>>
      %get3A_326 = tpu.memref_squeeze %get3A_325 : memref<1x80x144xf32, #tpu.memory_space<vmem>> -> memref<80x144xf32, #tpu.memory_space<vmem>>
      %get3A_327 = arith.index_cast %add3A_251 : i32 to index
      %get3A_328 = arith.constant 48 : index
      %get3A_329 = tpu.vector_load %get3A_326[%get3A_327, %get3A_328] {strides = array<i32>} : memref<80x144xf32, #tpu.memory_space<vmem>>, vector<16xf32>,
      %mul3A_330 = arith.mulf %get3A_329, %gather3A_277 : vector<16xf32>
      %swap3A_331 = arith.constant 0 : i32
      %swap3A_332 = arith.constant 0 : i32
      %swap3A_333 = tpu.memref_slice %arg9[%scan3A_208, %swap3A_331, %swap3A_332] : memref<2x80x144xf32, #tpu.memory_space<vmem>> -> memref<1x80x144xf32, #tpu.memory_space<vmem>>
      %swap3A_334 = tpu.memref_squeeze %swap3A_333 : memref<1x80x144xf32, #tpu.memory_space<vmem>> -> memref<80x144xf32, #tpu.memory_space<vmem>>
      %swap3A_335 = arith.index_cast %add3A_251 : i32 to index
      %swap3A_336 = arith.constant 48 : index
      %swap3A_337 = tpu.vector_load %swap3A_334[%swap3A_335, %swap3A_336] {strides = array<i32>} : memref<80x144xf32, #tpu.memory_space<vmem>>, vector<16xf32>,
      tpu.vector_store %swap3A_334[%swap3A_335, %swap3A_336], %mul3A_330 {strides = array<i32>} : memref<80x144xf32, #tpu.memory_space<vmem>>, vector<16xf32>,
      %get3A_338 = arith.constant 0 : i32
      %get3A_339 = arith.constant 0 : i32
      %get3A_340 = tpu.memref_slice %arg9[%scan3A_208, %get3A_338, %get3A_339] : memref<2x80x144xf32, #tpu.memory_space<vmem>> -> memref<1x80x144xf32, #tpu.memory_space<vmem>>
      %get3A_341 = tpu.memref_squeeze %get3A_340 : memref<1x80x144xf32, #tpu.memory_space<vmem>> -> memref<80x144xf32, #tpu.memory_space<vmem>>
      %get3A_342 = arith.index_cast %add3A_251 : i32 to index
      %get3A_343 = arith.constant 64 : index
      %get3A_344 = tpu.vector_load %get3A_341[%get3A_342, %get3A_343] {strides = array<i32>} : memref<80x144xf32, #tpu.memory_space<vmem>>, vector<16xf32>,
      %mul3A_345 = arith.mulf %get3A_344, %gather3A_277 : vector<16xf32>
      %swap3A_346 = arith.constant 0 : i32
      %swap3A_347 = arith.constant 0 : i32
      %swap3A_348 = tpu.memref_slice %arg9[%scan3A_208, %swap3A_346, %swap3A_347] : memref<2x80x144xf32, #tpu.memory_space<vmem>> -> memref<1x80x144xf32, #tpu.memory_space<vmem>>
      %swap3A_349 = tpu.memref_squeeze %swap3A_348 : memref<1x80x144xf32, #tpu.memory_space<vmem>> -> memref<80x144xf32, #tpu.memory_space<vmem>>
      %swap3A_350 = arith.index_cast %add3A_251 : i32 to index
      %swap3A_351 = arith.constant 64 : index
      %swap3A_352 = tpu.vector_load %swap3A_349[%swap3A_350, %swap3A_351] {strides = array<i32>} : memref<80x144xf32, #tpu.memory_space<vmem>>, vector<16xf32>,
      tpu.vector_store %swap3A_349[%swap3A_350, %swap3A_351], %mul3A_345 {strides = array<i32>} : memref<80x144xf32, #tpu.memory_space<vmem>>, vector<16xf32>,
      %get3A_353 = arith.constant 0 : i32
      %get3A_354 = arith.constant 0 : i32
      %get3A_355 = tpu.memref_slice %arg9[%scan3A_208, %get3A_353, %get3A_354] : memref<2x80x144xf32, #tpu.memory_space<vmem>> -> memref<1x80x144xf32, #tpu.memory_space<vmem>>
      %get3A_356 = tpu.memref_squeeze %get3A_355 : memref<1x80x144xf32, #tpu.memory_space<vmem>> -> memref<80x144xf32, #tpu.memory_space<vmem>>
      %get3A_357 = arith.index_cast %add3A_251 : i32 to index
      %get3A_358 = arith.constant 80 : index
      %get3A_359 = tpu.vector_load %get3A_356[%get3A_357, %get3A_358] {strides = array<i32>} : memref<80x144xf32, #tpu.memory_space<vmem>>, vector<16xf32>,
      %mul3A_360 = arith.mulf %get3A_359, %gather3A_277 : vector<16xf32>
      %swap3A_361 = arith.constant 0 : i32
      %swap3A_362 = arith.constant 0 : i32
      %swap3A_363 = tpu.memref_slice %arg9[%scan3A_208, %swap3A_361, %swap3A_362] : memref<2x80x144xf32, #tpu.memory_space<vmem>> -> memref<1x80x144xf32, #tpu.memory_space<vmem>>
      %swap3A_364 = tpu.memref_squeeze %swap3A_363 : memref<1x80x144xf32, #tpu.memory_space<vmem>> -> memref<80x144xf32, #tpu.memory_space<vmem>>
      %swap3A_365 = arith.index_cast %add3A_251 : i32 to index
      %swap3A_366 = arith.constant 80 : index
      %swap3A_367 = tpu.vector_load %swap3A_364[%swap3A_365, %swap3A_366] {strides = array<i32>} : memref<80x144xf32, #tpu.memory_space<vmem>>, vector<16xf32>,
      tpu.vector_store %swap3A_364[%swap3A_365, %swap3A_366], %mul3A_360 {strides = array<i32>} : memref<80x144xf32, #tpu.memory_space<vmem>>, vector<16xf32>,
      %get3A_368 = arith.constant 0 : i32
      %get3A_369 = arith.constant 0 : i32
      %get3A_370 = tpu.memref_slice %arg9[%scan3A_208, %get3A_368, %get3A_369] : memref<2x80x144xf32, #tpu.memory_space<vmem>> -> memref<1x80x144xf32, #tpu.memory_space<vmem>>
      %get3A_371 = tpu.memref_squeeze %get3A_370 : memref<1x80x144xf32, #tpu.memory_space<vmem>> -> memref<80x144xf32, #tpu.memory_space<vmem>>
      %get3A_372 = arith.index_cast %add3A_251 : i32 to index
      %get3A_373 = arith.constant 96 : index
      %get3A_374 = tpu.vector_load %get3A_371[%get3A_372, %get3A_373] {strides = array<i32>} : memref<80x144xf32, #tpu.memory_space<vmem>>, vector<16xf32>,
      %mul3A_375 = arith.mulf %get3A_374, %gather3A_277 : vector<16xf32>
      %swap3A_376 = arith.constant 0 : i32
      %swap3A_377 = arith.constant 0 : i32
      %swap3A_378 = tpu.memref_slice %arg9[%scan3A_208, %swap3A_376, %swap3A_377] : memref<2x80x144xf32, #tpu.memory_space<vmem>> -> memref<1x80x144xf32, #tpu.memory_space<vmem>>
      %swap3A_379 = tpu.memref_squeeze %swap3A_378 : memref<1x80x144xf32, #tpu.memory_space<vmem>> -> memref<80x144xf32, #tpu.memory_space<vmem>>
      %swap3A_380 = arith.index_cast %add3A_251 : i32 to index
      %swap3A_381 = arith.constant 96 : index
      %swap3A_382 = tpu.vector_load %swap3A_379[%swap3A_380, %swap3A_381] {strides = array<i32>} : memref<80x144xf32, #tpu.memory_space<vmem>>, vector<16xf32>,
      tpu.vector_store %swap3A_379[%swap3A_380, %swap3A_381], %mul3A_375 {strides = array<i32>} : memref<80x144xf32, #tpu.memory_space<vmem>>, vector<16xf32>,
      %get3A_383 = arith.constant 0 : i32
      %get3A_384 = arith.constant 0 : i32
      %get3A_385 = tpu.memref_slice %arg9[%scan3A_208, %get3A_383, %get3A_384] : memref<2x80x144xf32, #tpu.memory_space<vmem>> -> memref<1x80x144xf32, #tpu.memory_space<vmem>>
      %get3A_386 = tpu.memref_squeeze %get3A_385 : memref<1x80x144xf32, #tpu.memory_space<vmem>> -> memref<80x144xf32, #tpu.memory_space<vmem>>
      %get3A_387 = arith.index_cast %add3A_251 : i32 to index
      %get3A_388 = arith.constant 112 : index
      %get3A_389 = tpu.vector_load %get3A_386[%get3A_387, %get3A_388] {strides = array<i32>} : memref<80x144xf32, #tpu.memory_space<vmem>>, vector<16xf32>,
      %mul3A_390 = arith.mulf %get3A_389, %gather3A_277 : vector<16xf32>
      %swap3A_391 = arith.constant 0 : i32
      %swap3A_392 = arith.constant 0 : i32
      %swap3A_393 = tpu.memref_slice %arg9[%scan3A_208, %swap3A_391, %swap3A_392] : memref<2x80x144xf32, #tpu.memory_space<vmem>> -> memref<1x80x144xf32, #tpu.memory_space<vmem>>
      %swap3A_394 = tpu.memref_squeeze %swap3A_393 : memref<1x80x144xf32, #tpu.memory_space<vmem>> -> memref<80x144xf32, #tpu.memory_space<vmem>>
      %swap3A_395 = arith.index_cast %add3A_251 : i32 to index
      %swap3A_396 = arith.constant 112 : index
      %swap3A_397 = tpu.vector_load %swap3A_394[%swap3A_395, %swap3A_396] {strides = array<i32>} : memref<80x144xf32, #tpu.memory_space<vmem>>, vector<16xf32>,
      tpu.vector_store %swap3A_394[%swap3A_395, %swap3A_396], %mul3A_390 {strides = array<i32>} : memref<80x144xf32, #tpu.memory_space<vmem>>, vector<16xf32>,
      %add3A_398 = arith.constant 1 : i32
      %add3A_399 = arith.addi %add3A_249, %add3A_398 : i32
      %get3A_400 = arith.constant 0 : i32
      %get3A_401 = arith.constant 0 : i32
      %get3A_402 = tpu.memref_slice %arg9[%scan3A_208, %get3A_400, %get3A_401] : memref<2x80x144xf32, #tpu.memory_space<vmem>> -> memref<1x80x144xf32, #tpu.memory_space<vmem>>
      %get3A_403 = tpu.memref_squeeze %get3A_402 : memref<1x80x144xf32, #tpu.memory_space<vmem>> -> memref<80x144xf32, #tpu.memory_space<vmem>>
      %get3A_404 = arith.index_cast %add3A_399 : i32 to index
      %get3A_405 = arith.constant 128 : index
      %get3A_406 = tpu.vector_load %get3A_403[%get3A_404, %get3A_405] {strides = array<i32>} : memref<80x144xf32, #tpu.memory_space<vmem>>, vector<16xf32>,
      %get3A_407 = arith.constant 0 : i32
      %get3A_408 = arith.constant 0 : i32
      %get3A_409 = tpu.memref_slice %arg8[%scan3A_209, %get3A_407, %get3A_408] : memref<2x80x16xf32, #tpu.memory_space<vmem>> -> memref<1x80x16xf32, #tpu.memory_space<vmem>>
      %get3A_410 = tpu.memref_squeeze %get3A_409 : memref<1x80x16xf32, #tpu.memory_space<vmem>> -> memref<80x16xf32, #tpu.memory_space<vmem>>
      %get3A_411 = arith.index_cast %add3A_399 : i32 to index
      %get3A_412 = arith.constant 0 : index
      %get3A_413 = tpu.vector_load %get3A_410[%get3A_411, %get3A_412] {strides = array<i32>} : memref<80x16xf32, #tpu.memory_space<vmem>>, vector<16xf32>,
      %add3A_414 = arith.addf %get3A_406, %get3A_413 : vector<16xf32>
      %gt3A_415 = arith.constant 0.000000e+00 : f32
      %gt3A_416 = vector.broadcast %gt3A_415 : f32 to vector<16xf32>
      %gt3A_417 = arith.cmpf ogt, %add3A_414, %gt3A_416 : vector<16xf32>
      %mul3A_418 = arith.constant 2.000000e-01 : f32
      %mul3A_419 = vector.broadcast %mul3A_418 : f32 to vector<16xf32>
      %mul3A_420 = arith.mulf %mul3A_419, %add3A_414 : vector<16xf32>
      %select_n3A_421 = arith.select %gt3A_417, %add3A_414, %mul3A_420 : vector<16xi1>, vector<16xf32>
      %exp3A_422 = math.exp %select_n3A_421 : vector<16xf32>
      %swap3A_423 = arith.constant 0 : i32
      %swap3A_424 = arith.constant 0 : i32
      %swap3A_425 = tpu.memref_slice %arg9[%scan3A_208, %swap3A_423, %swap3A_424] : memref<2x80x144xf32, #tpu.memory_space<vmem>> -> memref<1x80x144xf32, #tpu.memory_space<vmem>>
      %swap3A_426 = tpu.memref_squeeze %swap3A_425 : memref<1x80x144xf32, #tpu.memory_space<vmem>> -> memref<80x144xf32, #tpu.memory_space<vmem>>
      %swap3A_427 = arith.index_cast %add3A_399 : i32 to index
      %swap3A_428 = arith.constant 128 : index
      %swap3A_429 = tpu.vector_load %swap3A_426[%swap3A_427, %swap3A_428] {strides = array<i32>} : memref<80x144xf32, #tpu.memory_space<vmem>>, vector<16xf32>,
      tpu.vector_store %swap3A_426[%swap3A_427, %swap3A_428], %exp3A_422 {strides = array<i32>} : memref<80x144xf32, #tpu.memory_space<vmem>>, vector<16xf32>,
      %broadcast_in_dim3A_430 = vector.shape_cast %and3A_75 : vector<16xi32> to vector<16x1xi32>
      %gather3A_431 = vector.shape_cast %broadcast_in_dim3A_430 : vector<16x1xi32> to vector<16xi32>
      %gather3A_432 = tpu.dynamic_gather %exp3A_422[%gather3A_431] in [0] : vector<16xf32>, vector<16xi32> -> vector<16xf32>
      %get3A_433 = arith.constant 0 : i32
      %get3A_434 = arith.constant 0 : i32
      %get3A_435 = tpu.memref_slice %arg9[%scan3A_208, %get3A_433, %get3A_434] : memref<2x80x144xf32, #tpu.memory_space<vmem>> -> memref<1x80x144xf32, #tpu.memory_space<vmem>>
      %get3A_436 = tpu.memref_squeeze %get3A_435 : memref<1x80x144xf32, #tpu.memory_space<vmem>> -> memref<80x144xf32, #tpu.memory_space<vmem>>
      %get3A_437 = arith.index_cast %add3A_399 : i32 to index
      %get3A_438 = arith.constant 0 : index
      %get3A_439 = tpu.vector_load %get3A_436[%get3A_437, %get3A_438] {strides = array<i32>} : memref<80x144xf32, #tpu.memory_space<vmem>>, vector<16xf32>,
      %mul3A_440 = arith.mulf %get3A_439, %gather3A_432 : vector<16xf32>
      %swap3A_441 = arith.constant 0 : i32
      %swap3A_442 = arith.constant 0 : i32
      %swap3A_443 = tpu.memref_slice %arg9[%scan3A_208, %swap3A_441, %swap3A_442] : memref<2x80x144xf32, #tpu.memory_space<vmem>> -> memref<1x80x144xf32, #tpu.memory_space<vmem>>
      %swap3A_444 = tpu.memref_squeeze %swap3A_443 : memref<1x80x144xf32, #tpu.memory_space<vmem>> -> memref<80x144xf32, #tpu.memory_space<vmem>>
      %swap3A_445 = arith.index_cast %add3A_399 : i32 to index
      %swap3A_446 = arith.constant 0 : index
      %swap3A_447 = tpu.vector_load %swap3A_444[%swap3A_445, %swap3A_446] {strides = array<i32>} : memref<80x144xf32, #tpu.memory_space<vmem>>, vector<16xf32>,
      tpu.vector_store %swap3A_444[%swap3A_445, %swap3A_446], %mul3A_440 {strides = array<i32>} : memref<80x144xf32, #tpu.memory_space<vmem>>, vector<16xf32>,
      %get3A_448 = arith.constant 0 : i32
      %get3A_449 = arith.constant 0 : i32
      %get3A_450 = tpu.memref_slice %arg9[%scan3A_208, %get3A_448, %get3A_449] : memref<2x80x144xf32, #tpu.memory_space<vmem>> -> memref<1x80x144xf32, #tpu.memory_space<vmem>>
      %get3A_451 = tpu.memref_squeeze %get3A_450 : memref<1x80x144xf32, #tpu.memory_space<vmem>> -> memref<80x144xf32, #tpu.memory_space<vmem>>
      %get3A_452 = arith.index_cast %add3A_399 : i32 to index
      %get3A_453 = arith.constant 16 : index
      %get3A_454 = tpu.vector_load %get3A_451[%get3A_452, %get3A_453] {strides = array<i32>} : memref<80x144xf32, #tpu.memory_space<vmem>>, vector<16xf32>,
      %mul3A_455 = arith.mulf %get3A_454, %gather3A_432 : vector<16xf32>
      %swap3A_456 = arith.constant 0 : i32
      %swap3A_457 = arith.constant 0 : i32
      %swap3A_458 = tpu.memref_slice %arg9[%scan3A_208, %swap3A_456, %swap3A_457] : memref<2x80x144xf32, #tpu.memory_space<vmem>> -> memref<1x80x144xf32, #tpu.memory_space<vmem>>
      %swap3A_459 = tpu.memref_squeeze %swap3A_458 : memref<1x80x144xf32, #tpu.memory_space<vmem>> -> memref<80x144xf32, #tpu.memory_space<vmem>>
      %swap3A_460 = arith.index_cast %add3A_399 : i32 to index
      %swap3A_461 = arith.constant 16 : index
      %swap3A_462 = tpu.vector_load %swap3A_459[%swap3A_460, %swap3A_461] {strides = array<i32>} : memref<80x144xf32, #tpu.memory_space<vmem>>, vector<16xf32>,
      tpu.vector_store %swap3A_459[%swap3A_460, %swap3A_461], %mul3A_455 {strides = array<i32>} : memref<80x144xf32, #tpu.memory_space<vmem>>, vector<16xf32>,
      %get3A_463 = arith.constant 0 : i32
      %get3A_464 = arith.constant 0 : i32
      %get3A_465 = tpu.memref_slice %arg9[%scan3A_208, %get3A_463, %get3A_464] : memref<2x80x144xf32, #tpu.memory_space<vmem>> -> memref<1x80x144xf32, #tpu.memory_space<vmem>>
      %get3A_466 = tpu.memref_squeeze %get3A_465 : memref<1x80x144xf32, #tpu.memory_space<vmem>> -> memref<80x144xf32, #tpu.memory_space<vmem>>
      %get3A_467 = arith.index_cast %add3A_399 : i32 to index
      %get3A_468 = arith.constant 32 : index
      %get3A_469 = tpu.vector_load %get3A_466[%get3A_467, %get3A_468] {strides = array<i32>} : memref<80x144xf32, #tpu.memory_space<vmem>>, vector<16xf32>,
      %mul3A_470 = arith.mulf %get3A_469, %gather3A_432 : vector<16xf32>
      %swap3A_471 = arith.constant 0 : i32
      %swap3A_472 = arith.constant 0 : i32
      %swap3A_473 = tpu.memref_slice %arg9[%scan3A_208, %swap3A_471, %swap3A_472] : memref<2x80x144xf32, #tpu.memory_space<vmem>> -> memref<1x80x144xf32, #tpu.memory_space<vmem>>
      %swap3A_474 = tpu.memref_squeeze %swap3A_473 : memref<1x80x144xf32, #tpu.memory_space<vmem>> -> memref<80x144xf32, #tpu.memory_space<vmem>>
      %swap3A_475 = arith.index_cast %add3A_399 : i32 to index
      %swap3A_476 = arith.constant 32 : index
      %swap3A_477 = tpu.vector_load %swap3A_474[%swap3A_475, %swap3A_476] {strides = array<i32>} : memref<80x144xf32, #tpu.memory_space<vmem>>, vector<16xf32>,
      tpu.vector_store %swap3A_474[%swap3A_475, %swap3A_476], %mul3A_470 {strides = array<i32>} : memref<80x144xf32, #tpu.memory_space<vmem>>, vector<16xf32>,
      %get3A_478 = arith.constant 0 : i32
      %get3A_479 = arith.constant 0 : i32
      %get3A_480 = tpu.memref_slice %arg9[%scan3A_208, %get3A_478, %get3A_479] : memref<2x80x144xf32, #tpu.memory_space<vmem>> -> memref<1x80x144xf32, #tpu.memory_space<vmem>>
      %get3A_481 = tpu.memref_squeeze %get3A_480 : memref<1x80x144xf32, #tpu.memory_space<vmem>> -> memref<80x144xf32, #tpu.memory_space<vmem>>
      %get3A_482 = arith.index_cast %add3A_399 : i32 to index
      %get3A_483 = arith.constant 48 : index
      %get3A_484 = tpu.vector_load %get3A_481[%get3A_482, %get3A_483] {strides = array<i32>} : memref<80x144xf32, #tpu.memory_space<vmem>>, vector<16xf32>,
      %mul3A_485 = arith.mulf %get3A_484, %gather3A_432 : vector<16xf32>
      %swap3A_486 = arith.constant 0 : i32
      %swap3A_487 = arith.constant 0 : i32
      %swap3A_488 = tpu.memref_slice %arg9[%scan3A_208, %swap3A_486, %swap3A_487] : memref<2x80x144xf32, #tpu.memory_space<vmem>> -> memref<1x80x144xf32, #tpu.memory_space<vmem>>
      %swap3A_489 = tpu.memref_squeeze %swap3A_488 : memref<1x80x144xf32, #tpu.memory_space<vmem>> -> memref<80x144xf32, #tpu.memory_space<vmem>>
      %swap3A_490 = arith.index_cast %add3A_399 : i32 to index
      %swap3A_491 = arith.constant 48 : index
      %swap3A_492 = tpu.vector_load %swap3A_489[%swap3A_490, %swap3A_491] {strides = array<i32>} : memref<80x144xf32, #tpu.memory_space<vmem>>, vector<16xf32>,
      tpu.vector_store %swap3A_489[%swap3A_490, %swap3A_491], %mul3A_485 {strides = array<i32>} : memref<80x144xf32, #tpu.memory_space<vmem>>, vector<16xf32>,
      %get3A_493 = arith.constant 0 : i32
      %get3A_494 = arith.constant 0 : i32
      %get3A_495 = tpu.memref_slice %arg9[%scan3A_208, %get3A_493, %get3A_494] : memref<2x80x144xf32, #tpu.memory_space<vmem>> -> memref<1x80x144xf32, #tpu.memory_space<vmem>>
      %get3A_496 = tpu.memref_squeeze %get3A_495 : memref<1x80x144xf32, #tpu.memory_space<vmem>> -> memref<80x144xf32, #tpu.memory_space<vmem>>
      %get3A_497 = arith.index_cast %add3A_399 : i32 to index
      %get3A_498 = arith.constant 64 : index
      %get3A_499 = tpu.vector_load %get3A_496[%get3A_497, %get3A_498] {strides = array<i32>} : memref<80x144xf32, #tpu.memory_space<vmem>>, vector<16xf32>,
      %mul3A_500 = arith.mulf %get3A_499, %gather3A_432 : vector<16xf32>
      %swap3A_501 = arith.constant 0 : i32
      %swap3A_502 = arith.constant 0 : i32
      %swap3A_503 = tpu.memref_slice %arg9[%scan3A_208, %swap3A_501, %swap3A_502] : memref<2x80x144xf32, #tpu.memory_space<vmem>> -> memref<1x80x144xf32, #tpu.memory_space<vmem>>
      %swap3A_504 = tpu.memref_squeeze %swap3A_503 : memref<1x80x144xf32, #tpu.memory_space<vmem>> -> memref<80x144xf32, #tpu.memory_space<vmem>>
      %swap3A_505 = arith.index_cast %add3A_399 : i32 to index
      %swap3A_506 = arith.constant 64 : index
      %swap3A_507 = tpu.vector_load %swap3A_504[%swap3A_505, %swap3A_506] {strides = array<i32>} : memref<80x144xf32, #tpu.memory_space<vmem>>, vector<16xf32>,
      tpu.vector_store %swap3A_504[%swap3A_505, %swap3A_506], %mul3A_500 {strides = array<i32>} : memref<80x144xf32, #tpu.memory_space<vmem>>, vector<16xf32>,
      %get3A_508 = arith.constant 0 : i32
      %get3A_509 = arith.constant 0 : i32
      %get3A_510 = tpu.memref_slice %arg9[%scan3A_208, %get3A_508, %get3A_509] : memref<2x80x144xf32, #tpu.memory_space<vmem>> -> memref<1x80x144xf32, #tpu.memory_space<vmem>>
      %get3A_511 = tpu.memref_squeeze %get3A_510 : memref<1x80x144xf32, #tpu.memory_space<vmem>> -> memref<80x144xf32, #tpu.memory_space<vmem>>
      %get3A_512 = arith.index_cast %add3A_399 : i32 to index
      %get3A_513 = arith.constant 80 : index
      %get3A_514 = tpu.vector_load %get3A_511[%get3A_512, %get3A_513] {strides = array<i32>} : memref<80x144xf32, #tpu.memory_space<vmem>>, vector<16xf32>,
      %mul3A_515 = arith.mulf %get3A_514, %gather3A_432 : vector<16xf32>
      %swap3A_516 = arith.constant 0 : i32
      %swap3A_517 = arith.constant 0 : i32
      %swap3A_518 = tpu.memref_slice %arg9[%scan3A_208, %swap3A_516, %swap3A_517] : memref<2x80x144xf32, #tpu.memory_space<vmem>> -> memref<1x80x144xf32, #tpu.memory_space<vmem>>
      %swap3A_519 = tpu.memref_squeeze %swap3A_518 : memref<1x80x144xf32, #tpu.memory_space<vmem>> -> memref<80x144xf32, #tpu.memory_space<vmem>>
      %swap3A_520 = arith.index_cast %add3A_399 : i32 to index
      %swap3A_521 = arith.constant 80 : index
      %swap3A_522 = tpu.vector_load %swap3A_519[%swap3A_520, %swap3A_521] {strides = array<i32>} : memref<80x144xf32, #tpu.memory_space<vmem>>, vector<16xf32>,
      tpu.vector_store %swap3A_519[%swap3A_520, %swap3A_521], %mul3A_515 {strides = array<i32>} : memref<80x144xf32, #tpu.memory_space<vmem>>, vector<16xf32>,
      %get3A_523 = arith.constant 0 : i32
      %get3A_524 = arith.constant 0 : i32
      %get3A_525 = tpu.memref_slice %arg9[%scan3A_208, %get3A_523, %get3A_524] : memref<2x80x144xf32, #tpu.memory_space<vmem>> -> memref<1x80x144xf32, #tpu.memory_space<vmem>>
      %get3A_526 = tpu.memref_squeeze %get3A_525 : memref<1x80x144xf32, #tpu.memory_space<vmem>> -> memref<80x144xf32, #tpu.memory_space<vmem>>
      %get3A_527 = arith.index_cast %add3A_399 : i32 to index
      %get3A_528 = arith.constant 96 : index
      %get3A_529 = tpu.vector_load %get3A_526[%get3A_527, %get3A_528] {strides = array<i32>} : memref<80x144xf32, #tpu.memory_space<vmem>>, vector<16xf32>,
      %mul3A_530 = arith.mulf %get3A_529, %gather3A_432 : vector<16xf32>
      %swap3A_531 = arith.constant 0 : i32
      %swap3A_532 = arith.constant 0 : i32
      %swap3A_533 = tpu.memref_slice %arg9[%scan3A_208, %swap3A_531, %swap3A_532] : memref<2x80x144xf32, #tpu.memory_space<vmem>> -> memref<1x80x144xf32, #tpu.memory_space<vmem>>
      %swap3A_534 = tpu.memref_squeeze %swap3A_533 : memref<1x80x144xf32, #tpu.memory_space<vmem>> -> memref<80x144xf32, #tpu.memory_space<vmem>>
      %swap3A_535 = arith.index_cast %add3A_399 : i32 to index
      %swap3A_536 = arith.constant 96 : index
      %swap3A_537 = tpu.vector_load %swap3A_534[%swap3A_535, %swap3A_536] {strides = array<i32>} : memref<80x144xf32, #tpu.memory_space<vmem>>, vector<16xf32>,
      tpu.vector_store %swap3A_534[%swap3A_535, %swap3A_536], %mul3A_530 {strides = array<i32>} : memref<80x144xf32, #tpu.memory_space<vmem>>, vector<16xf32>,
      %get3A_538 = arith.constant 0 : i32
      %get3A_539 = arith.constant 0 : i32
      %get3A_540 = tpu.memref_slice %arg9[%scan3A_208, %get3A_538, %get3A_539] : memref<2x80x144xf32, #tpu.memory_space<vmem>> -> memref<1x80x144xf32, #tpu.memory_space<vmem>>
      %get3A_541 = tpu.memref_squeeze %get3A_540 : memref<1x80x144xf32, #tpu.memory_space<vmem>> -> memref<80x144xf32, #tpu.memory_space<vmem>>
      %get3A_542 = arith.index_cast %add3A_399 : i32 to index
      %get3A_543 = arith.constant 112 : index
      %get3A_544 = tpu.vector_load %get3A_541[%get3A_542, %get3A_543] {strides = array<i32>} : memref<80x144xf32, #tpu.memory_space<vmem>>, vector<16xf32>,
      %mul3A_545 = arith.mulf %get3A_544, %gather3A_432 : vector<16xf32>
      %swap3A_546 = arith.constant 0 : i32
      %swap3A_547 = arith.constant 0 : i32
      %swap3A_548 = tpu.memref_slice %arg9[%scan3A_208, %swap3A_546, %swap3A_547] : memref<2x80x144xf32, #tpu.memory_space<vmem>> -> memref<1x80x144xf32, #tpu.memory_space<vmem>>
      %swap3A_549 = tpu.memref_squeeze %swap3A_548 : memref<1x80x144xf32, #tpu.memory_space<vmem>> -> memref<80x144xf32, #tpu.memory_space<vmem>>
      %swap3A_550 = arith.index_cast %add3A_399 : i32 to index
      %swap3A_551 = arith.constant 112 : index
      %swap3A_552 = tpu.vector_load %swap3A_549[%swap3A_550, %swap3A_551] {strides = array<i32>} : memref<80x144xf32, #tpu.memory_space<vmem>>, vector<16xf32>,
      tpu.vector_store %swap3A_549[%swap3A_550, %swap3A_551], %mul3A_545 {strides = array<i32>} : memref<80x144xf32, #tpu.memory_space<vmem>>, vector<16xf32>,
      %add3A_553 = arith.constant 2 : i32
      %add3A_554 = arith.addi %add3A_249, %add3A_553 : i32
      %get3A_555 = arith.constant 0 : i32
      %get3A_556 = arith.constant 0 : i32
      %get3A_557 = tpu.memref_slice %arg9[%scan3A_208, %get3A_555, %get3A_556] : memref<2x80x144xf32, #tpu.memory_space<vmem>> -> memref<1x80x144xf32, #tpu.memory_space<vmem>>
      %get3A_558 = tpu.memref_squeeze %get3A_557 : memref<1x80x144xf32, #tpu.memory_space<vmem>> -> memref<80x144xf32, #tpu.memory_space<vmem>>
      %get3A_559 = arith.index_cast %add3A_554 : i32 to index
      %get3A_560 = arith.constant 128 : index
      %get3A_561 = tpu.vector_load %get3A_558[%get3A_559, %get3A_560] {strides = array<i32>} : memref<80x144xf32, #tpu.memory_space<vmem>>, vector<16xf32>,
      %get3A_562 = arith.constant 0 : i32
      %get3A_563 = arith.constant 0 : i32
      %get3A_564 = tpu.memref_slice %arg8[%scan3A_209, %get3A_562, %get3A_563] : memref<2x80x16xf32, #tpu.memory_space<vmem>> -> memref<1x80x16xf32, #tpu.memory_space<vmem>>
      %get3A_565 = tpu.memref_squeeze %get3A_564 : memref<1x80x16xf32, #tpu.memory_space<vmem>> -> memref<80x16xf32, #tpu.memory_space<vmem>>
      %get3A_566 = arith.index_cast %add3A_554 : i32 to index
      %get3A_567 = arith.constant 0 : index
      %get3A_568 = tpu.vector_load %get3A_565[%get3A_566, %get3A_567] {strides = array<i32>} : memref<80x16xf32, #tpu.memory_space<vmem>>, vector<16xf32>,
      %add3A_569 = arith.addf %get3A_561, %get3A_568 : vector<16xf32>
      %gt3A_570 = arith.constant 0.000000e+00 : f32
      %gt3A_571 = vector.broadcast %gt3A_570 : f32 to vector<16xf32>
      %gt3A_572 = arith.cmpf ogt, %add3A_569, %gt3A_571 : vector<16xf32>
      %mul3A_573 = arith.constant 2.000000e-01 : f32
      %mul3A_574 = vector.broadcast %mul3A_573 : f32 to vector<16xf32>
      %mul3A_575 = arith.mulf %mul3A_574, %add3A_569 : vector<16xf32>
      %select_n3A_576 = arith.select %gt3A_572, %add3A_569, %mul3A_575 : vector<16xi1>, vector<16xf32>
      %exp3A_577 = math.exp %select_n3A_576 : vector<16xf32>
      %swap3A_578 = arith.constant 0 : i32
      %swap3A_579 = arith.constant 0 : i32
      %swap3A_580 = tpu.memref_slice %arg9[%scan3A_208, %swap3A_578, %swap3A_579] : memref<2x80x144xf32, #tpu.memory_space<vmem>> -> memref<1x80x144xf32, #tpu.memory_space<vmem>>
      %swap3A_581 = tpu.memref_squeeze %swap3A_580 : memref<1x80x144xf32, #tpu.memory_space<vmem>> -> memref<80x144xf32, #tpu.memory_space<vmem>>
      %swap3A_582 = arith.index_cast %add3A_554 : i32 to index
      %swap3A_583 = arith.constant 128 : index
      %swap3A_584 = tpu.vector_load %swap3A_581[%swap3A_582, %swap3A_583] {strides = array<i32>} : memref<80x144xf32, #tpu.memory_space<vmem>>, vector<16xf32>,
      tpu.vector_store %swap3A_581[%swap3A_582, %swap3A_583], %exp3A_577 {strides = array<i32>} : memref<80x144xf32, #tpu.memory_space<vmem>>, vector<16xf32>,
      %broadcast_in_dim3A_585 = vector.shape_cast %and3A_75 : vector<16xi32> to vector<16x1xi32>
      %gather3A_586 = vector.shape_cast %broadcast_in_dim3A_585 : vector<16x1xi32> to vector<16xi32>
      %gather3A_587 = tpu.dynamic_gather %exp3A_577[%gather3A_586] in [0] : vector<16xf32>, vector<16xi32> -> vector<16xf32>
      %get3A_588 = arith.constant 0 : i32
      %get3A_589 = arith.constant 0 : i32
      %get3A_590 = tpu.memref_slice %arg9[%scan3A_208, %get3A_588, %get3A_589] : memref<2x80x144xf32, #tpu.memory_space<vmem>> -> memref<1x80x144xf32, #tpu.memory_space<vmem>>
      %get3A_591 = tpu.memref_squeeze %get3A_590 : memref<1x80x144xf32, #tpu.memory_space<vmem>> -> memref<80x144xf32, #tpu.memory_space<vmem>>
      %get3A_592 = arith.index_cast %add3A_554 : i32 to index
      %get3A_593 = arith.constant 0 : index
      %get3A_594 = tpu.vector_load %get3A_591[%get3A_592, %get3A_593] {strides = array<i32>} : memref<80x144xf32, #tpu.memory_space<vmem>>, vector<16xf32>,
      %mul3A_595 = arith.mulf %get3A_594, %gather3A_587 : vector<16xf32>
      %swap3A_596 = arith.constant 0 : i32
      %swap3A_597 = arith.constant 0 : i32
      %swap3A_598 = tpu.memref_slice %arg9[%scan3A_208, %swap3A_596, %swap3A_597] : memref<2x80x144xf32, #tpu.memory_space<vmem>> -> memref<1x80x144xf32, #tpu.memory_space<vmem>>
      %swap3A_599 = tpu.memref_squeeze %swap3A_598 : memref<1x80x144xf32, #tpu.memory_space<vmem>> -> memref<80x144xf32, #tpu.memory_space<vmem>>
      %swap3A_600 = arith.index_cast %add3A_554 : i32 to index
      %swap3A_601 = arith.constant 0 : index
      %swap3A_602 = tpu.vector_load %swap3A_599[%swap3A_600, %swap3A_601] {strides = array<i32>} : memref<80x144xf32, #tpu.memory_space<vmem>>, vector<16xf32>,
      tpu.vector_store %swap3A_599[%swap3A_600, %swap3A_601], %mul3A_595 {strides = array<i32>} : memref<80x144xf32, #tpu.memory_space<vmem>>, vector<16xf32>,
      %get3A_603 = arith.constant 0 : i32
      %get3A_604 = arith.constant 0 : i32
      %get3A_605 = tpu.memref_slice %arg9[%scan3A_208, %get3A_603, %get3A_604] : memref<2x80x144xf32, #tpu.memory_space<vmem>> -> memref<1x80x144xf32, #tpu.memory_space<vmem>>
      %get3A_606 = tpu.memref_squeeze %get3A_605 : memref<1x80x144xf32, #tpu.memory_space<vmem>> -> memref<80x144xf32, #tpu.memory_space<vmem>>
      %get3A_607 = arith.index_cast %add3A_554 : i32 to index
      %get3A_608 = arith.constant 16 : index
      %get3A_609 = tpu.vector_load %get3A_606[%get3A_607, %get3A_608] {strides = array<i32>} : memref<80x144xf32, #tpu.memory_space<vmem>>, vector<16xf32>,
      %mul3A_610 = arith.mulf %get3A_609, %gather3A_587 : vector<16xf32>
      %swap3A_611 = arith.constant 0 : i32
      %swap3A_612 = arith.constant 0 : i32
      %swap3A_613 = tpu.memref_slice %arg9[%scan3A_208, %swap3A_611, %swap3A_612] : memref<2x80x144xf32, #tpu.memory_space<vmem>> -> memref<1x80x144xf32, #tpu.memory_space<vmem>>
      %swap3A_614 = tpu.memref_squeeze %swap3A_613 : memref<1x80x144xf32, #tpu.memory_space<vmem>> -> memref<80x144xf32, #tpu.memory_space<vmem>>
      %swap3A_615 = arith.index_cast %add3A_554 : i32 to index
      %swap3A_616 = arith.constant 16 : index
      %swap3A_617 = tpu.vector_load %swap3A_614[%swap3A_615, %swap3A_616] {strides = array<i32>} : memref<80x144xf32, #tpu.memory_space<vmem>>, vector<16xf32>,
      tpu.vector_store %swap3A_614[%swap3A_615, %swap3A_616], %mul3A_610 {strides = array<i32>} : memref<80x144xf32, #tpu.memory_space<vmem>>, vector<16xf32>,
      %get3A_618 = arith.constant 0 : i32
      %get3A_619 = arith.constant 0 : i32
      %get3A_620 = tpu.memref_slice %arg9[%scan3A_208, %get3A_618, %get3A_619] : memref<2x80x144xf32, #tpu.memory_space<vmem>> -> memref<1x80x144xf32, #tpu.memory_space<vmem>>
      %get3A_621 = tpu.memref_squeeze %get3A_620 : memref<1x80x144xf32, #tpu.memory_space<vmem>> -> memref<80x144xf32, #tpu.memory_space<vmem>>
      %get3A_622 = arith.index_cast %add3A_554 : i32 to index
      %get3A_623 = arith.constant 32 : index
      %get3A_624 = tpu.vector_load %get3A_621[%get3A_622, %get3A_623] {strides = array<i32>} : memref<80x144xf32, #tpu.memory_space<vmem>>, vector<16xf32>,
      %mul3A_625 = arith.mulf %get3A_624, %gather3A_587 : vector<16xf32>
      %swap3A_626 = arith.constant 0 : i32
      %swap3A_627 = arith.constant 0 : i32
      %swap3A_628 = tpu.memref_slice %arg9[%scan3A_208, %swap3A_626, %swap3A_627] : memref<2x80x144xf32, #tpu.memory_space<vmem>> -> memref<1x80x144xf32, #tpu.memory_space<vmem>>
      %swap3A_629 = tpu.memref_squeeze %swap3A_628 : memref<1x80x144xf32, #tpu.memory_space<vmem>> -> memref<80x144xf32, #tpu.memory_space<vmem>>
      %swap3A_630 = arith.index_cast %add3A_554 : i32 to index
      %swap3A_631 = arith.constant 32 : index
      %swap3A_632 = tpu.vector_load %swap3A_629[%swap3A_630, %swap3A_631] {strides = array<i32>} : memref<80x144xf32, #tpu.memory_space<vmem>>, vector<16xf32>,
      tpu.vector_store %swap3A_629[%swap3A_630, %swap3A_631], %mul3A_625 {strides = array<i32>} : memref<80x144xf32, #tpu.memory_space<vmem>>, vector<16xf32>,
      %get3A_633 = arith.constant 0 : i32
      %get3A_634 = arith.constant 0 : i32
      %get3A_635 = tpu.memref_slice %arg9[%scan3A_208, %get3A_633, %get3A_634] : memref<2x80x144xf32, #tpu.memory_space<vmem>> -> memref<1x80x144xf32, #tpu.memory_space<vmem>>
      %get3A_636 = tpu.memref_squeeze %get3A_635 : memref<1x80x144xf32, #tpu.memory_space<vmem>> -> memref<80x144xf32, #tpu.memory_space<vmem>>
      %get3A_637 = arith.index_cast %add3A_554 : i32 to index
      %get3A_638 = arith.constant 48 : index
      %get3A_639 = tpu.vector_load %get3A_636[%get3A_637, %get3A_638] {strides = array<i32>} : memref<80x144xf32, #tpu.memory_space<vmem>>, vector<16xf32>,
      %mul3A_640 = arith.mulf %get3A_639, %gather3A_587 : vector<16xf32>
      %swap3A_641 = arith.constant 0 : i32
      %swap3A_642 = arith.constant 0 : i32
      %swap3A_643 = tpu.memref_slice %arg9[%scan3A_208, %swap3A_641, %swap3A_642] : memref<2x80x144xf32, #tpu.memory_space<vmem>> -> memref<1x80x144xf32, #tpu.memory_space<vmem>>
      %swap3A_644 = tpu.memref_squeeze %swap3A_643 : memref<1x80x144xf32, #tpu.memory_space<vmem>> -> memref<80x144xf32, #tpu.memory_space<vmem>>
      %swap3A_645 = arith.index_cast %add3A_554 : i32 to index
      %swap3A_646 = arith.constant 48 : index
      %swap3A_647 = tpu.vector_load %swap3A_644[%swap3A_645, %swap3A_646] {strides = array<i32>} : memref<80x144xf32, #tpu.memory_space<vmem>>, vector<16xf32>,
      tpu.vector_store %swap3A_644[%swap3A_645, %swap3A_646], %mul3A_640 {strides = array<i32>} : memref<80x144xf32, #tpu.memory_space<vmem>>, vector<16xf32>,
      %get3A_648 = arith.constant 0 : i32
      %get3A_649 = arith.constant 0 : i32
      %get3A_650 = tpu.memref_slice %arg9[%scan3A_208, %get3A_648, %get3A_649] : memref<2x80x144xf32, #tpu.memory_space<vmem>> -> memref<1x80x144xf32, #tpu.memory_space<vmem>>
      %get3A_651 = tpu.memref_squeeze %get3A_650 : memref<1x80x144xf32, #tpu.memory_space<vmem>> -> memref<80x144xf32, #tpu.memory_space<vmem>>
      %get3A_652 = arith.index_cast %add3A_554 : i32 to index
      %get3A_653 = arith.constant 64 : index
      %get3A_654 = tpu.vector_load %get3A_651[%get3A_652, %get3A_653] {strides = array<i32>} : memref<80x144xf32, #tpu.memory_space<vmem>>, vector<16xf32>,
      %mul3A_655 = arith.mulf %get3A_654, %gather3A_587 : vector<16xf32>
      %swap3A_656 = arith.constant 0 : i32
      %swap3A_657 = arith.constant 0 : i32
      %swap3A_658 = tpu.memref_slice %arg9[%scan3A_208, %swap3A_656, %swap3A_657] : memref<2x80x144xf32, #tpu.memory_space<vmem>> -> memref<1x80x144xf32, #tpu.memory_space<vmem>>
      %swap3A_659 = tpu.memref_squeeze %swap3A_658 : memref<1x80x144xf32, #tpu.memory_space<vmem>> -> memref<80x144xf32, #tpu.memory_space<vmem>>
      %swap3A_660 = arith.index_cast %add3A_554 : i32 to index
      %swap3A_661 = arith.constant 64 : index
      %swap3A_662 = tpu.vector_load %swap3A_659[%swap3A_660, %swap3A_661] {strides = array<i32>} : memref<80x144xf32, #tpu.memory_space<vmem>>, vector<16xf32>,
      tpu.vector_store %swap3A_659[%swap3A_660, %swap3A_661], %mul3A_655 {strides = array<i32>} : memref<80x144xf32, #tpu.memory_space<vmem>>, vector<16xf32>,
      %get3A_663 = arith.constant 0 : i32
      %get3A_664 = arith.constant 0 : i32
      %get3A_665 = tpu.memref_slice %arg9[%scan3A_208, %get3A_663, %get3A_664] : memref<2x80x144xf32, #tpu.memory_space<vmem>> -> memref<1x80x144xf32, #tpu.memory_space<vmem>>
      %get3A_666 = tpu.memref_squeeze %get3A_665 : memref<1x80x144xf32, #tpu.memory_space<vmem>> -> memref<80x144xf32, #tpu.memory_space<vmem>>
      %get3A_667 = arith.index_cast %add3A_554 : i32 to index
      %get3A_668 = arith.constant 80 : index
      %get3A_669 = tpu.vector_load %get3A_666[%get3A_667, %get3A_668] {strides = array<i32>} : memref<80x144xf32, #tpu.memory_space<vmem>>, vector<16xf32>,
      %mul3A_670 = arith.mulf %get3A_669, %gather3A_587 : vector<16xf32>
      %swap3A_671 = arith.constant 0 : i32
      %swap3A_672 = arith.constant 0 : i32
      %swap3A_673 = tpu.memref_slice %arg9[%scan3A_208, %swap3A_671, %swap3A_672] : memref<2x80x144xf32, #tpu.memory_space<vmem>> -> memref<1x80x144xf32, #tpu.memory_space<vmem>>
      %swap3A_674 = tpu.memref_squeeze %swap3A_673 : memref<1x80x144xf32, #tpu.memory_space<vmem>> -> memref<80x144xf32, #tpu.memory_space<vmem>>
      %swap3A_675 = arith.index_cast %add3A_554 : i32 to index
      %swap3A_676 = arith.constant 80 : index
      %swap3A_677 = tpu.vector_load %swap3A_674[%swap3A_675, %swap3A_676] {strides = array<i32>} : memref<80x144xf32, #tpu.memory_space<vmem>>, vector<16xf32>,
      tpu.vector_store %swap3A_674[%swap3A_675, %swap3A_676], %mul3A_670 {strides = array<i32>} : memref<80x144xf32, #tpu.memory_space<vmem>>, vector<16xf32>,
      %get3A_678 = arith.constant 0 : i32
      %get3A_679 = arith.constant 0 : i32
      %get3A_680 = tpu.memref_slice %arg9[%scan3A_208, %get3A_678, %get3A_679] : memref<2x80x144xf32, #tpu.memory_space<vmem>> -> memref<1x80x144xf32, #tpu.memory_space<vmem>>
      %get3A_681 = tpu.memref_squeeze %get3A_680 : memref<1x80x144xf32, #tpu.memory_space<vmem>> -> memref<80x144xf32, #tpu.memory_space<vmem>>
      %get3A_682 = arith.index_cast %add3A_554 : i32 to index
      %get3A_683 = arith.constant 96 : index
      %get3A_684 = tpu.vector_load %get3A_681[%get3A_682, %get3A_683] {strides = array<i32>} : memref<80x144xf32, #tpu.memory_space<vmem>>, vector<16xf32>,
      %mul3A_685 = arith.mulf %get3A_684, %gather3A_587 : vector<16xf32>
      %swap3A_686 = arith.constant 0 : i32
      %swap3A_687 = arith.constant 0 : i32
      %swap3A_688 = tpu.memref_slice %arg9[%scan3A_208, %swap3A_686, %swap3A_687] : memref<2x80x144xf32, #tpu.memory_space<vmem>> -> memref<1x80x144xf32, #tpu.memory_space<vmem>>
      %swap3A_689 = tpu.memref_squeeze %swap3A_688 : memref<1x80x144xf32, #tpu.memory_space<vmem>> -> memref<80x144xf32, #tpu.memory_space<vmem>>
      %swap3A_690 = arith.index_cast %add3A_554 : i32 to index
      %swap3A_691 = arith.constant 96 : index
      %swap3A_692 = tpu.vector_load %swap3A_689[%swap3A_690, %swap3A_691] {strides = array<i32>} : memref<80x144xf32, #tpu.memory_space<vmem>>, vector<16xf32>,
      tpu.vector_store %swap3A_689[%swap3A_690, %swap3A_691], %mul3A_685 {strides = array<i32>} : memref<80x144xf32, #tpu.memory_space<vmem>>, vector<16xf32>,
      %get3A_693 = arith.constant 0 : i32
      %get3A_694 = arith.constant 0 : i32
      %get3A_695 = tpu.memref_slice %arg9[%scan3A_208, %get3A_693, %get3A_694] : memref<2x80x144xf32, #tpu.memory_space<vmem>> -> memref<1x80x144xf32, #tpu.memory_space<vmem>>
      %get3A_696 = tpu.memref_squeeze %get3A_695 : memref<1x80x144xf32, #tpu.memory_space<vmem>> -> memref<80x144xf32, #tpu.memory_space<vmem>>
      %get3A_697 = arith.index_cast %add3A_554 : i32 to index
      %get3A_698 = arith.constant 112 : index
      %get3A_699 = tpu.vector_load %get3A_696[%get3A_697, %get3A_698] {strides = array<i32>} : memref<80x144xf32, #tpu.memory_space<vmem>>, vector<16xf32>,
      %mul3A_700 = arith.mulf %get3A_699, %gather3A_587 : vector<16xf32>
      %swap3A_701 = arith.constant 0 : i32
      %swap3A_702 = arith.constant 0 : i32
      %swap3A_703 = tpu.memref_slice %arg9[%scan3A_208, %swap3A_701, %swap3A_702] : memref<2x80x144xf32, #tpu.memory_space<vmem>> -> memref<1x80x144xf32, #tpu.memory_space<vmem>>
      %swap3A_704 = tpu.memref_squeeze %swap3A_703 : memref<1x80x144xf32, #tpu.memory_space<vmem>> -> memref<80x144xf32, #tpu.memory_space<vmem>>
      %swap3A_705 = arith.index_cast %add3A_554 : i32 to index
      %swap3A_706 = arith.constant 112 : index
      %swap3A_707 = tpu.vector_load %swap3A_704[%swap3A_705, %swap3A_706] {strides = array<i32>} : memref<80x144xf32, #tpu.memory_space<vmem>>, vector<16xf32>,
      tpu.vector_store %swap3A_704[%swap3A_705, %swap3A_706], %mul3A_700 {strides = array<i32>} : memref<80x144xf32, #tpu.memory_space<vmem>>, vector<16xf32>,
      %add3A_708 = arith.constant 3 : i32
      %add3A_709 = arith.addi %add3A_249, %add3A_708 : i32
      %get3A_710 = arith.constant 0 : i32
      %get3A_711 = arith.constant 0 : i32
      %get3A_712 = tpu.memref_slice %arg9[%scan3A_208, %get3A_710, %get3A_711] : memref<2x80x144xf32, #tpu.memory_space<vmem>> -> memref<1x80x144xf32, #tpu.memory_space<vmem>>
      %get3A_713 = tpu.memref_squeeze %get3A_712 : memref<1x80x144xf32, #tpu.memory_space<vmem>> -> memref<80x144xf32, #tpu.memory_space<vmem>>
      %get3A_714 = arith.index_cast %add3A_709 : i32 to index
      %get3A_715 = arith.constant 128 : index
      %get3A_716 = tpu.vector_load %get3A_713[%get3A_714, %get3A_715] {strides = array<i32>} : memref<80x144xf32, #tpu.memory_space<vmem>>, vector<16xf32>,
      %get3A_717 = arith.constant 0 : i32
      %get3A_718 = arith.constant 0 : i32
      %get3A_719 = tpu.memref_slice %arg8[%scan3A_209, %get3A_717, %get3A_718] : memref<2x80x16xf32, #tpu.memory_space<vmem>> -> memref<1x80x16xf32, #tpu.memory_space<vmem>>
      %get3A_720 = tpu.memref_squeeze %get3A_719 : memref<1x80x16xf32, #tpu.memory_space<vmem>> -> memref<80x16xf32, #tpu.memory_space<vmem>>
      %get3A_721 = arith.index_cast %add3A_709 : i32 to index
      %get3A_722 = arith.constant 0 : index
      %get3A_723 = tpu.vector_load %get3A_720[%get3A_721, %get3A_722] {strides = array<i32>} : memref<80x16xf32, #tpu.memory_space<vmem>>, vector<16xf32>,
      %add3A_724 = arith.addf %get3A_716, %get3A_723 : vector<16xf32>
      %gt3A_725 = arith.constant 0.000000e+00 : f32
      %gt3A_726 = vector.broadcast %gt3A_725 : f32 to vector<16xf32>
      %gt3A_727 = arith.cmpf ogt, %add3A_724, %gt3A_726 : vector<16xf32>
      %mul3A_728 = arith.constant 2.000000e-01 : f32
      %mul3A_729 = vector.broadcast %mul3A_728 : f32 to vector<16xf32>
      %mul3A_730 = arith.mulf %mul3A_729, %add3A_724 : vector<16xf32>
      %select_n3A_731 = arith.select %gt3A_727, %add3A_724, %mul3A_730 : vector<16xi1>, vector<16xf32>
      %exp3A_732 = math.exp %select_n3A_731 : vector<16xf32>
      %swap3A_733 = arith.constant 0 : i32
      %swap3A_734 = arith.constant 0 : i32
      %swap3A_735 = tpu.memref_slice %arg9[%scan3A_208, %swap3A_733, %swap3A_734] : memref<2x80x144xf32, #tpu.memory_space<vmem>> -> memref<1x80x144xf32, #tpu.memory_space<vmem>>
      %swap3A_736 = tpu.memref_squeeze %swap3A_735 : memref<1x80x144xf32, #tpu.memory_space<vmem>> -> memref<80x144xf32, #tpu.memory_space<vmem>>
      %swap3A_737 = arith.index_cast %add3A_709 : i32 to index
      %swap3A_738 = arith.constant 128 : index
      %swap3A_739 = tpu.vector_load %swap3A_736[%swap3A_737, %swap3A_738] {strides = array<i32>} : memref<80x144xf32, #tpu.memory_space<vmem>>, vector<16xf32>,
      tpu.vector_store %swap3A_736[%swap3A_737, %swap3A_738], %exp3A_732 {strides = array<i32>} : memref<80x144xf32, #tpu.memory_space<vmem>>, vector<16xf32>,
      %broadcast_in_dim3A_740 = vector.shape_cast %and3A_75 : vector<16xi32> to vector<16x1xi32>
      %gather3A_741 = vector.shape_cast %broadcast_in_dim3A_740 : vector<16x1xi32> to vector<16xi32>
      %gather3A_742 = tpu.dynamic_gather %exp3A_732[%gather3A_741] in [0] : vector<16xf32>, vector<16xi32> -> vector<16xf32>
      %get3A_743 = arith.constant 0 : i32
      %get3A_744 = arith.constant 0 : i32
      %get3A_745 = tpu.memref_slice %arg9[%scan3A_208, %get3A_743, %get3A_744] : memref<2x80x144xf32, #tpu.memory_space<vmem>> -> memref<1x80x144xf32, #tpu.memory_space<vmem>>
      %get3A_746 = tpu.memref_squeeze %get3A_745 : memref<1x80x144xf32, #tpu.memory_space<vmem>> -> memref<80x144xf32, #tpu.memory_space<vmem>>
      %get3A_747 = arith.index_cast %add3A_709 : i32 to index
      %get3A_748 = arith.constant 0 : index
      %get3A_749 = tpu.vector_load %get3A_746[%get3A_747, %get3A_748] {strides = array<i32>} : memref<80x144xf32, #tpu.memory_space<vmem>>, vector<16xf32>,
      %mul3A_750 = arith.mulf %get3A_749, %gather3A_742 : vector<16xf32>
      %swap3A_751 = arith.constant 0 : i32
      %swap3A_752 = arith.constant 0 : i32
      %swap3A_753 = tpu.memref_slice %arg9[%scan3A_208, %swap3A_751, %swap3A_752] : memref<2x80x144xf32, #tpu.memory_space<vmem>> -> memref<1x80x144xf32, #tpu.memory_space<vmem>>
      %swap3A_754 = tpu.memref_squeeze %swap3A_753 : memref<1x80x144xf32, #tpu.memory_space<vmem>> -> memref<80x144xf32, #tpu.memory_space<vmem>>
      %swap3A_755 = arith.index_cast %add3A_709 : i32 to index
      %swap3A_756 = arith.constant 0 : index
      %swap3A_757 = tpu.vector_load %swap3A_754[%swap3A_755, %swap3A_756] {strides = array<i32>} : memref<80x144xf32, #tpu.memory_space<vmem>>, vector<16xf32>,
      tpu.vector_store %swap3A_754[%swap3A_755, %swap3A_756], %mul3A_750 {strides = array<i32>} : memref<80x144xf32, #tpu.memory_space<vmem>>, vector<16xf32>,
      %get3A_758 = arith.constant 0 : i32
      %get3A_759 = arith.constant 0 : i32
      %get3A_760 = tpu.memref_slice %arg9[%scan3A_208, %get3A_758, %get3A_759] : memref<2x80x144xf32, #tpu.memory_space<vmem>> -> memref<1x80x144xf32, #tpu.memory_space<vmem>>
      %get3A_761 = tpu.memref_squeeze %get3A_760 : memref<1x80x144xf32, #tpu.memory_space<vmem>> -> memref<80x144xf32, #tpu.memory_space<vmem>>
      %get3A_762 = arith.index_cast %add3A_709 : i32 to index
      %get3A_763 = arith.constant 16 : index
      %get3A_764 = tpu.vector_load %get3A_761[%get3A_762, %get3A_763] {strides = array<i32>} : memref<80x144xf32, #tpu.memory_space<vmem>>, vector<16xf32>,
      %mul3A_765 = arith.mulf %get3A_764, %gather3A_742 : vector<16xf32>
      %swap3A_766 = arith.constant 0 : i32
      %swap3A_767 = arith.constant 0 : i32
      %swap3A_768 = tpu.memref_slice %arg9[%scan3A_208, %swap3A_766, %swap3A_767] : memref<2x80x144xf32, #tpu.memory_space<vmem>> -> memref<1x80x144xf32, #tpu.memory_space<vmem>>
      %swap3A_769 = tpu.memref_squeeze %swap3A_768 : memref<1x80x144xf32, #tpu.memory_space<vmem>> -> memref<80x144xf32, #tpu.memory_space<vmem>>
      %swap3A_770 = arith.index_cast %add3A_709 : i32 to index
      %swap3A_771 = arith.constant 16 : index
      %swap3A_772 = tpu.vector_load %swap3A_769[%swap3A_770, %swap3A_771] {strides = array<i32>} : memref<80x144xf32, #tpu.memory_space<vmem>>, vector<16xf32>,
      tpu.vector_store %swap3A_769[%swap3A_770, %swap3A_771], %mul3A_765 {strides = array<i32>} : memref<80x144xf32, #tpu.memory_space<vmem>>, vector<16xf32>,
      %get3A_773 = arith.constant 0 : i32
      %get3A_774 = arith.constant 0 : i32
      %get3A_775 = tpu.memref_slice %arg9[%scan3A_208, %get3A_773, %get3A_774] : memref<2x80x144xf32, #tpu.memory_space<vmem>> -> memref<1x80x144xf32, #tpu.memory_space<vmem>>
      %get3A_776 = tpu.memref_squeeze %get3A_775 : memref<1x80x144xf32, #tpu.memory_space<vmem>> -> memref<80x144xf32, #tpu.memory_space<vmem>>
      %get3A_777 = arith.index_cast %add3A_709 : i32 to index
      %get3A_778 = arith.constant 32 : index
      %get3A_779 = tpu.vector_load %get3A_776[%get3A_777, %get3A_778] {strides = array<i32>} : memref<80x144xf32, #tpu.memory_space<vmem>>, vector<16xf32>,
      %mul3A_780 = arith.mulf %get3A_779, %gather3A_742 : vector<16xf32>
      %swap3A_781 = arith.constant 0 : i32
      %swap3A_782 = arith.constant 0 : i32
      %swap3A_783 = tpu.memref_slice %arg9[%scan3A_208, %swap3A_781, %swap3A_782] : memref<2x80x144xf32, #tpu.memory_space<vmem>> -> memref<1x80x144xf32, #tpu.memory_space<vmem>>
      %swap3A_784 = tpu.memref_squeeze %swap3A_783 : memref<1x80x144xf32, #tpu.memory_space<vmem>> -> memref<80x144xf32, #tpu.memory_space<vmem>>
      %swap3A_785 = arith.index_cast %add3A_709 : i32 to index
      %swap3A_786 = arith.constant 32 : index
      %swap3A_787 = tpu.vector_load %swap3A_784[%swap3A_785, %swap3A_786] {strides = array<i32>} : memref<80x144xf32, #tpu.memory_space<vmem>>, vector<16xf32>,
      tpu.vector_store %swap3A_784[%swap3A_785, %swap3A_786], %mul3A_780 {strides = array<i32>} : memref<80x144xf32, #tpu.memory_space<vmem>>, vector<16xf32>,
      %get3A_788 = arith.constant 0 : i32
      %get3A_789 = arith.constant 0 : i32
      %get3A_790 = tpu.memref_slice %arg9[%scan3A_208, %get3A_788, %get3A_789] : memref<2x80x144xf32, #tpu.memory_space<vmem>> -> memref<1x80x144xf32, #tpu.memory_space<vmem>>
      %get3A_791 = tpu.memref_squeeze %get3A_790 : memref<1x80x144xf32, #tpu.memory_space<vmem>> -> memref<80x144xf32, #tpu.memory_space<vmem>>
      %get3A_792 = arith.index_cast %add3A_709 : i32 to index
      %get3A_793 = arith.constant 48 : index
      %get3A_794 = tpu.vector_load %get3A_791[%get3A_792, %get3A_793] {strides = array<i32>} : memref<80x144xf32, #tpu.memory_space<vmem>>, vector<16xf32>,
      %mul3A_795 = arith.mulf %get3A_794, %gather3A_742 : vector<16xf32>
      %swap3A_796 = arith.constant 0 : i32
      %swap3A_797 = arith.constant 0 : i32
      %swap3A_798 = tpu.memref_slice %arg9[%scan3A_208, %swap3A_796, %swap3A_797] : memref<2x80x144xf32, #tpu.memory_space<vmem>> -> memref<1x80x144xf32, #tpu.memory_space<vmem>>
      %swap3A_799 = tpu.memref_squeeze %swap3A_798 : memref<1x80x144xf32, #tpu.memory_space<vmem>> -> memref<80x144xf32, #tpu.memory_space<vmem>>
      %swap3A_800 = arith.index_cast %add3A_709 : i32 to index
      %swap3A_801 = arith.constant 48 : index
      %swap3A_802 = tpu.vector_load %swap3A_799[%swap3A_800, %swap3A_801] {strides = array<i32>} : memref<80x144xf32, #tpu.memory_space<vmem>>, vector<16xf32>,
      tpu.vector_store %swap3A_799[%swap3A_800, %swap3A_801], %mul3A_795 {strides = array<i32>} : memref<80x144xf32, #tpu.memory_space<vmem>>, vector<16xf32>,
      %get3A_803 = arith.constant 0 : i32
      %get3A_804 = arith.constant 0 : i32
      %get3A_805 = tpu.memref_slice %arg9[%scan3A_208, %get3A_803, %get3A_804] : memref<2x80x144xf32, #tpu.memory_space<vmem>> -> memref<1x80x144xf32, #tpu.memory_space<vmem>>
      %get3A_806 = tpu.memref_squeeze %get3A_805 : memref<1x80x144xf32, #tpu.memory_space<vmem>> -> memref<80x144xf32, #tpu.memory_space<vmem>>
      %get3A_807 = arith.index_cast %add3A_709 : i32 to index
      %get3A_808 = arith.constant 64 : index
      %get3A_809 = tpu.vector_load %get3A_806[%get3A_807, %get3A_808] {strides = array<i32>} : memref<80x144xf32, #tpu.memory_space<vmem>>, vector<16xf32>,
      %mul3A_810 = arith.mulf %get3A_809, %gather3A_742 : vector<16xf32>
      %swap3A_811 = arith.constant 0 : i32
      %swap3A_812 = arith.constant 0 : i32
      %swap3A_813 = tpu.memref_slice %arg9[%scan3A_208, %swap3A_811, %swap3A_812] : memref<2x80x144xf32, #tpu.memory_space<vmem>> -> memref<1x80x144xf32, #tpu.memory_space<vmem>>
      %swap3A_814 = tpu.memref_squeeze %swap3A_813 : memref<1x80x144xf32, #tpu.memory_space<vmem>> -> memref<80x144xf32, #tpu.memory_space<vmem>>
      %swap3A_815 = arith.index_cast %add3A_709 : i32 to index
      %swap3A_816 = arith.constant 64 : index
      %swap3A_817 = tpu.vector_load %swap3A_814[%swap3A_815, %swap3A_816] {strides = array<i32>} : memref<80x144xf32, #tpu.memory_space<vmem>>, vector<16xf32>,
      tpu.vector_store %swap3A_814[%swap3A_815, %swap3A_816], %mul3A_810 {strides = array<i32>} : memref<80x144xf32, #tpu.memory_space<vmem>>, vector<16xf32>,
      %get3A_818 = arith.constant 0 : i32
      %get3A_819 = arith.constant 0 : i32
      %get3A_820 = tpu.memref_slice %arg9[%scan3A_208, %get3A_818, %get3A_819] : memref<2x80x144xf32, #tpu.memory_space<vmem>> -> memref<1x80x144xf32, #tpu.memory_space<vmem>>
      %get3A_821 = tpu.memref_squeeze %get3A_820 : memref<1x80x144xf32, #tpu.memory_space<vmem>> -> memref<80x144xf32, #tpu.memory_space<vmem>>
      %get3A_822 = arith.index_cast %add3A_709 : i32 to index
      %get3A_823 = arith.constant 80 : index
      %get3A_824 = tpu.vector_load %get3A_821[%get3A_822, %get3A_823] {strides = array<i32>} : memref<80x144xf32, #tpu.memory_space<vmem>>, vector<16xf32>,
      %mul3A_825 = arith.mulf %get3A_824, %gather3A_742 : vector<16xf32>
      %swap3A_826 = arith.constant 0 : i32
      %swap3A_827 = arith.constant 0 : i32
      %swap3A_828 = tpu.memref_slice %arg9[%scan3A_208, %swap3A_826, %swap3A_827] : memref<2x80x144xf32, #tpu.memory_space<vmem>> -> memref<1x80x144xf32, #tpu.memory_space<vmem>>
      %swap3A_829 = tpu.memref_squeeze %swap3A_828 : memref<1x80x144xf32, #tpu.memory_space<vmem>> -> memref<80x144xf32, #tpu.memory_space<vmem>>
      %swap3A_830 = arith.index_cast %add3A_709 : i32 to index
      %swap3A_831 = arith.constant 80 : index
      %swap3A_832 = tpu.vector_load %swap3A_829[%swap3A_830, %swap3A_831] {strides = array<i32>} : memref<80x144xf32, #tpu.memory_space<vmem>>, vector<16xf32>,
      tpu.vector_store %swap3A_829[%swap3A_830, %swap3A_831], %mul3A_825 {strides = array<i32>} : memref<80x144xf32, #tpu.memory_space<vmem>>, vector<16xf32>,
      %get3A_833 = arith.constant 0 : i32
      %get3A_834 = arith.constant 0 : i32
      %get3A_835 = tpu.memref_slice %arg9[%scan3A_208, %get3A_833, %get3A_834] : memref<2x80x144xf32, #tpu.memory_space<vmem>> -> memref<1x80x144xf32, #tpu.memory_space<vmem>>
      %get3A_836 = tpu.memref_squeeze %get3A_835 : memref<1x80x144xf32, #tpu.memory_space<vmem>> -> memref<80x144xf32, #tpu.memory_space<vmem>>
      %get3A_837 = arith.index_cast %add3A_709 : i32 to index
      %get3A_838 = arith.constant 96 : index
      %get3A_839 = tpu.vector_load %get3A_836[%get3A_837, %get3A_838] {strides = array<i32>} : memref<80x144xf32, #tpu.memory_space<vmem>>, vector<16xf32>,
      %mul3A_840 = arith.mulf %get3A_839, %gather3A_742 : vector<16xf32>
      %swap3A_841 = arith.constant 0 : i32
      %swap3A_842 = arith.constant 0 : i32
      %swap3A_843 = tpu.memref_slice %arg9[%scan3A_208, %swap3A_841, %swap3A_842] : memref<2x80x144xf32, #tpu.memory_space<vmem>> -> memref<1x80x144xf32, #tpu.memory_space<vmem>>
      %swap3A_844 = tpu.memref_squeeze %swap3A_843 : memref<1x80x144xf32, #tpu.memory_space<vmem>> -> memref<80x144xf32, #tpu.memory_space<vmem>>
      %swap3A_845 = arith.index_cast %add3A_709 : i32 to index
      %swap3A_846 = arith.constant 96 : index
      %swap3A_847 = tpu.vector_load %swap3A_844[%swap3A_845, %swap3A_846] {strides = array<i32>} : memref<80x144xf32, #tpu.memory_space<vmem>>, vector<16xf32>,
      tpu.vector_store %swap3A_844[%swap3A_845, %swap3A_846], %mul3A_840 {strides = array<i32>} : memref<80x144xf32, #tpu.memory_space<vmem>>, vector<16xf32>,
      %get3A_848 = arith.constant 0 : i32
      %get3A_849 = arith.constant 0 : i32
      %get3A_850 = tpu.memref_slice %arg9[%scan3A_208, %get3A_848, %get3A_849] : memref<2x80x144xf32, #tpu.memory_space<vmem>> -> memref<1x80x144xf32, #tpu.memory_space<vmem>>
      %get3A_851 = tpu.memref_squeeze %get3A_850 : memref<1x80x144xf32, #tpu.memory_space<vmem>> -> memref<80x144xf32, #tpu.memory_space<vmem>>
      %get3A_852 = arith.index_cast %add3A_709 : i32 to index
      %get3A_853 = arith.constant 112 : index
      %get3A_854 = tpu.vector_load %get3A_851[%get3A_852, %get3A_853] {strides = array<i32>} : memref<80x144xf32, #tpu.memory_space<vmem>>, vector<16xf32>,
      %mul3A_855 = arith.mulf %get3A_854, %gather3A_742 : vector<16xf32>
      %swap3A_856 = arith.constant 0 : i32
      %swap3A_857 = arith.constant 0 : i32
      %swap3A_858 = tpu.memref_slice %arg9[%scan3A_208, %swap3A_856, %swap3A_857] : memref<2x80x144xf32, #tpu.memory_space<vmem>> -> memref<1x80x144xf32, #tpu.memory_space<vmem>>
      %swap3A_859 = tpu.memref_squeeze %swap3A_858 : memref<1x80x144xf32, #tpu.memory_space<vmem>> -> memref<80x144xf32, #tpu.memory_space<vmem>>
      %swap3A_860 = arith.index_cast %add3A_709 : i32 to index
      %swap3A_861 = arith.constant 112 : index
      %swap3A_862 = tpu.vector_load %swap3A_859[%swap3A_860, %swap3A_861] {strides = array<i32>} : memref<80x144xf32, #tpu.memory_space<vmem>>, vector<16xf32>,
      tpu.vector_store %swap3A_859[%swap3A_860, %swap3A_861], %mul3A_855 {strides = array<i32>} : memref<80x144xf32, #tpu.memory_space<vmem>>, vector<16xf32>,
    }
    %scan3A_214 = arith.constant 20 : i32
    %and3A_215 = arith.constant 124 : i32
    %and3A_216 = arith.constant 3 : i32
    %and3A_217 = arith.andi %and3A_215, %and3A_216 : i32
    %mul3A_218 = arith.constant 2 : i32
    %mul3A_219 = arith.muli %mul3A_218, %and3A_217 : i32
    %add3A_220 = arith.constant 1 : i32
    %add3A_221 = arith.addi %mul3A_219, %add3A_220 : i32
    %dma_start3A_222 = arith.constant 0 : i32
    %dma_start3A_223 = arith.constant 0 : i32
    %dma_start3A_224 = arith.constant 0 : i32
    %dma_start3A_225 = tpu.memref_slice %arg9[%dma_start3A_222, %dma_start3A_223, %dma_start3A_224] : memref<2x80x144xf32, #tpu.memory_space<vmem>> -> memref<1x80x144xf32, #tpu.memory_space<vmem>>
    %dma_start3A_226 = tpu.memref_squeeze %dma_start3A_225 : memref<1x80x144xf32, #tpu.memory_space<vmem>> -> memref<80x144xf32, #tpu.memory_space<vmem>>
    %dma_start3A_227 = arith.constant 0 : i32
    %dma_start3A_228 = tpu.memref_slice %arg7[%add3A_221, %dma_start3A_227] : memref<8x80xi32, #tpu.memory_space<vmem>> -> memref<1x80xi32, #tpu.memory_space<vmem>>
    %dma_start3A_229 = tpu.memref_squeeze %dma_start3A_228 : memref<1x80xi32, #tpu.memory_space<vmem>> -> memref<80xi32, #tpu.memory_space<vmem>>
    %dma_start3A_230 = arith.constant 0 : i32
    %dma_start3A_231 = arith.constant 0 : i32
    %dma_start3A_232 = tpu.memref_slice %arg10[%dma_start3A_230, %dma_start3A_231] : memref<10000x144xf32, #tpu.memory_space<vmem_shared>> -> memref<10000x144xf32, #tpu.memory_space<vmem_shared>>
    tpu.enqueue_indirect_dma source(%dma_start3A_226 : memref<80x144xf32, #tpu.memory_space<vmem>>) target(%dma_start3A_232 : memref<10000x144xf32, #tpu.memory_space<vmem_shared>>) offsets(%dma_start3A_229 : memref<80xi32, #tpu.memory_space<vmem>>) semaphore(%arg13 : memref<!tpu.dma_semaphore, #tpu.memory_space<semaphore_mem>>) {add = true}
    %dma_wait3A_233 = arith.constant 0 : i32
    %dma_wait3A_234 = arith.constant 0 : i32
    %dma_wait3A_235 = arith.constant 0 : i32
    %dma_wait3A_236 = tpu.memref_slice %arg9[%dma_wait3A_233, %dma_wait3A_234, %dma_wait3A_235] : memref<2x80x144xf32, #tpu.memory_space<vmem>> -> memref<1x80x144xf32, #tpu.memory_space<vmem>>
    %dma_wait3A_237 = tpu.memref_squeeze %dma_wait3A_236 : memref<1x80x144xf32, #tpu.memory_space<vmem>> -> memref<80x144xf32, #tpu.memory_space<vmem>>
    %dma_wait3A_238 = arith.constant 0 : i32
    %dma_wait3A_239 = tpu.memref_slice %arg7[%add3A_221, %dma_wait3A_238] : memref<8x80xi32, #tpu.memory_space<vmem>> -> memref<1x80xi32, #tpu.memory_space<vmem>>
    %dma_wait3A_240 = tpu.memref_squeeze %dma_wait3A_239 : memref<1x80xi32, #tpu.memory_space<vmem>> -> memref<80xi32, #tpu.memory_space<vmem>>
    %dma_wait3A_241 = arith.constant 0 : i32
    %dma_wait3A_242 = arith.constant 0 : i32
    %dma_wait3A_243 = tpu.memref_slice %arg10[%dma_wait3A_241, %dma_wait3A_242] : memref<10000x144xf32, #tpu.memory_space<vmem_shared>> -> memref<10000x144xf32, #tpu.memory_space<vmem_shared>>
    tpu.wait_indirect_dma semaphore(%arg13 : memref<!tpu.dma_semaphore, #tpu.memory_space<semaphore_mem>>) src(%dma_wait3A_237 : memref<80x144xf32, #tpu.memory_space<vmem>>) dst(%dma_wait3A_243 : memref<10000x144xf32, #tpu.memory_space<vmem_shared>>)
    %barrier3A_244 = arith.constant 0 : index
    tpu.barrier barrier_id(%barrier3A_244)
    "tpu.region"() ({
      %run_scoped3A = tpu.sem_alloc : memref<!tpu.dma_semaphore, #tpu.memory_space<semaphore_mem>>
      %dma_start3A_245 = arith.constant 0 : i32
      %dma_start3A_246 = arith.constant 0 : i32
      %dma_start3A_247 = tpu.memref_slice %arg6[%arg0, %dma_start3A_245, %dma_start3A_246] : memref<2x10000x144xf32, #tpu.memory_space<hbm>> -> memref<1x10000x144xf32, #tpu.memory_space<hbm>>
      %dma_start3A_248 = tpu.memref_squeeze %dma_start3A_247 : memref<1x10000x144xf32, #tpu.memory_space<hbm>> -> memref<10000x144xf32, #tpu.memory_space<hbm>>
      %dma_start3A_249 = arith.constant 0 : i32
      %dma_start3A_250 = tpu.memref_slice %dma_start3A_248[%mul3A_2, %dma_start3A_249] : memref<10000x144xf32, #tpu.memory_space<hbm>> -> memref<625x144xf32, #tpu.memory_space<hbm>>
      %dma_start3A_251 = arith.constant 0 : i32
      %dma_start3A_252 = tpu.memref_slice %arg10[%mul3A_2, %dma_start3A_251] : memref<10000x144xf32, #tpu.memory_space<vmem_shared>> -> memref<625x144xf32, #tpu.memory_space<vmem_shared>>
      tpu.enqueue_dma source(%dma_start3A_252 : memref<625x144xf32, #tpu.memory_space<vmem_shared>>) target(%dma_start3A_250 : memref<625x144xf32, #tpu.memory_space<hbm>>) target_semaphore(%run_scoped3A : memref<!tpu.dma_semaphore, #tpu.memory_space<semaphore_mem>>)
      %dma_wait3A_253 = arith.constant 0 : i32
      %dma_wait3A_254 = arith.constant 0 : i32
      %dma_wait3A_255 = tpu.memref_slice %arg6[%arg0, %dma_wait3A_253, %dma_wait3A_254] : memref<2x10000x144xf32, #tpu.memory_space<hbm>> -> memref<1x10000x144xf32, #tpu.memory_space<hbm>>
      %dma_wait3A_256 = tpu.memref_squeeze %dma_wait3A_255 : memref<1x10000x144xf32, #tpu.memory_space<hbm>> -> memref<10000x144xf32, #tpu.memory_space<hbm>>
      %dma_wait3A_257 = arith.constant 0 : i32
      %dma_wait3A_258 = tpu.memref_slice %dma_wait3A_256[%mul3A_2, %dma_wait3A_257] : memref<10000x144xf32, #tpu.memory_space<hbm>> -> memref<625x144xf32, #tpu.memory_space<hbm>>
      %dma_wait3A_259 = arith.constant 0 : i32
      %dma_wait3A_260 = tpu.memref_slice %arg10[%mul3A_2, %dma_wait3A_259] : memref<10000x144xf32, #tpu.memory_space<vmem_shared>> -> memref<625x144xf32, #tpu.memory_space<vmem_shared>>
      tpu.wait_dma2 semaphore(%run_scoped3A : memref<!tpu.dma_semaphore, #tpu.memory_space<semaphore_mem>>) src(%dma_wait3A_260 : memref<625x144xf32, #tpu.memory_space<vmem_shared>>) dst(%dma_wait3A_258 : memref<625x144xf32, #tpu.memory_space<hbm>>)
      tpu.yield
    }) : () -> ()
    return
  }
}

module attributes {stable_mosaic.version = 14 : i64} {
  func.func @_proj_body(%arg0: i32, %arg1: memref<1000x128xf32, #tpu.memory_space<vmem>>, %arg2: memref<128x128xf32, #tpu.memory_space<vmem>>, %arg3: memref<1x128xf32, #tpu.memory_space<vmem>>, %arg4: memref<128x16xf32, #tpu.memory_space<vmem>>, %arg5: memref<1x16xf32, #tpu.memory_space<vmem>>, %arg6: memref<128x16xf32, #tpu.memory_space<vmem>>, %arg7: memref<1x16xf32, #tpu.memory_space<vmem>>, %arg8: memref<1000x144xf32, #tpu.memory_space<vmem>>, %arg9: memref<1000x16xf32, #tpu.memory_space<vmem>>) attributes {dimension_semantics = [#tpu.dimension_semantics<arbitrary>], iteration_bounds = array<i64: 10>, scalar_prefetch = 0 : i64, scratch_operands = 0 : i64, tpu.core_type = #tpu.core_type<tc>, window_params = [{transform_indices = @transform_0, window_bounds = array<i64: 1000, 128>}, {pipeline_mode = #tpu.pipeline_mode<synchronous>, transform_indices = @transform_1, window_bounds = array<i64: 128, 128>}, {pipeline_mode = #tpu.pipeline_mode<synchronous>, transform_indices = @transform_2, window_bounds = array<i64: 1, 128>}, {pipeline_mode = #tpu.pipeline_mode<synchronous>, transform_indices = @transform_3, window_bounds = array<i64: 128, 16>}, {pipeline_mode = #tpu.pipeline_mode<synchronous>, transform_indices = @transform_4, window_bounds = array<i64: 1, 16>}, {pipeline_mode = #tpu.pipeline_mode<synchronous>, transform_indices = @transform_5, window_bounds = array<i64: 128, 16>}, {pipeline_mode = #tpu.pipeline_mode<synchronous>, transform_indices = @transform_6, window_bounds = array<i64: 1, 16>}, {transform_indices = @transform_7, window_bounds = array<i64: 1000, 144>}, {transform_indices = @transform_8, window_bounds = array<i64: 1000, 16>}]} {
    %get3A = arith.constant 0 : index
    %get3A_0 = arith.constant 0 : index
    %get3A_1 = vector.load %arg1[%get3A, %get3A_0] : memref<1000x128xf32, #tpu.memory_space<vmem>>, vector<1000x128xf32>
    %get3A_2 = arith.constant 0 : index
    %get3A_3 = arith.constant 0 : index
    %get3A_4 = vector.load %arg2[%get3A_2, %get3A_3] : memref<128x128xf32, #tpu.memory_space<vmem>>, vector<128x128xf32>
    %dot_general3A = arith.constant dense<0.000000e+00> : vector<1000x128xf32>
    %dot_general3A_5 = tpu.matmul %get3A_1, %get3A_4, %dot_general3A {dimension_numbers = #tpu.dot_dimension_numbers<[1], [0], [0], [1], [0, 0, 1, 1], [], []>, precision = #tpu.contract_precision<fp32>, transpose_lhs_hint = false} : vector<1000x128xf32>, vector<128x128xf32>, vector<1000x128xf32> -> vector<1000x128xf32>
    %get3A_6 = arith.constant 0 : index
    %get3A_7 = arith.constant 0 : index
    %get3A_8 = vector.load %arg3[%get3A_6, %get3A_7] : memref<1x128xf32, #tpu.memory_space<vmem>>, vector<1x128xf32>
    %add3A = vector.broadcast %get3A_8 : vector<1x128xf32> to vector<1000x128xf32>
    %add3A_9 = arith.addf %dot_general3A_5, %add3A : vector<1000x128xf32>
    %get3A_10 = arith.constant 0 : index
    %get3A_11 = arith.constant 0 : index
    %get3A_12 = vector.load %arg4[%get3A_10, %get3A_11] : memref<128x16xf32, #tpu.memory_space<vmem>>, vector<128x16xf32>
    %dot_general3A_13 = arith.constant dense<0.000000e+00> : vector<1000x16xf32>
    %dot_general3A_14 = tpu.matmul %add3A_9, %get3A_12, %dot_general3A_13 {dimension_numbers = #tpu.dot_dimension_numbers<[1], [0], [0], [1], [0, 0, 1, 1], [], []>, precision = #tpu.contract_precision<fp32>, transpose_lhs_hint = false} : vector<1000x128xf32>, vector<128x16xf32>, vector<1000x16xf32> -> vector<1000x16xf32>
    %get3A_15 = arith.constant 0 : index
    %get3A_16 = arith.constant 0 : index
    %get3A_17 = vector.load %arg5[%get3A_15, %get3A_16] : memref<1x16xf32, #tpu.memory_space<vmem>>, vector<1x16xf32>
    %add3A_18 = vector.broadcast %get3A_17 : vector<1x16xf32> to vector<1000x16xf32>
    %add3A_19 = arith.addf %dot_general3A_14, %add3A_18 : vector<1000x16xf32>
    %concatenate3A = tpu.concatenate %add3A_9, %add3A_19 in 1 : vector<1000x128xf32>, vector<1000x16xf32> -> vector<1000x144xf32>
    %swap3A = arith.constant 0 : index
    %swap3A_20 = arith.constant 0 : index
    %swap3A_21 = vector.load %arg8[%swap3A, %swap3A_20] : memref<1000x144xf32, #tpu.memory_space<vmem>>, vector<1000x144xf32>
    tpu.vector_store %arg8[%swap3A, %swap3A_20], %concatenate3A {strides = array<i32>} : memref<1000x144xf32, #tpu.memory_space<vmem>>, vector<1000x144xf32>,
    %get3A_22 = arith.constant 0 : index
    %get3A_23 = arith.constant 0 : index
    %get3A_24 = vector.load %arg6[%get3A_22, %get3A_23] : memref<128x16xf32, #tpu.memory_space<vmem>>, vector<128x16xf32>
    %dot_general3A_25 = arith.constant dense<0.000000e+00> : vector<1000x16xf32>
    %dot_general3A_26 = tpu.matmul %add3A_9, %get3A_24, %dot_general3A_25 {dimension_numbers = #tpu.dot_dimension_numbers<[1], [0], [0], [1], [0, 0, 1, 1], [], []>, precision = #tpu.contract_precision<fp32>, transpose_lhs_hint = false} : vector<1000x128xf32>, vector<128x16xf32>, vector<1000x16xf32> -> vector<1000x16xf32>
    %get3A_27 = arith.constant 0 : index
    %get3A_28 = arith.constant 0 : index
    %get3A_29 = vector.load %arg7[%get3A_27, %get3A_28] : memref<1x16xf32, #tpu.memory_space<vmem>>, vector<1x16xf32>
    %add3A_30 = vector.broadcast %get3A_29 : vector<1x16xf32> to vector<1000x16xf32>
    %add3A_31 = arith.addf %dot_general3A_26, %add3A_30 : vector<1000x16xf32>
    %swap3A_32 = arith.constant 0 : index
    %swap3A_33 = arith.constant 0 : index
    %swap3A_34 = vector.load %arg9[%swap3A_32, %swap3A_33] : memref<1000x16xf32, #tpu.memory_space<vmem>>, vector<1000x16xf32>
    tpu.vector_store %arg9[%swap3A_32, %swap3A_33], %add3A_31 {strides = array<i32>} : memref<1000x16xf32, #tpu.memory_space<vmem>>, vector<1000x16xf32>,
    return
  }
  func.func @transform_0(%arg0: i32) -> (i32, i32) {
    %c0_i32 = arith.constant 0 : i32
    %c0_i32_0 = arith.constant 0 : i32
    return %arg0, %c0_i32 : i32, i32
  }
  func.func @transform_1(%arg0: i32) -> (i32, i32) {
    %c0_i32 = arith.constant 0 : i32
    %c0_i32_0 = arith.constant 0 : i32
    %c0_i32_1 = arith.constant 0 : i32
    return %c0_i32, %c0_i32_0 : i32, i32
  }
  func.func @transform_2(%arg0: i32) -> (i32, i32) {
    %c0_i32 = arith.constant 0 : i32
    %c0_i32_0 = arith.constant 0 : i32
    %c0_i32_1 = arith.constant 0 : i32
    return %c0_i32, %c0_i32_0 : i32, i32
  }
  func.func @transform_3(%arg0: i32) -> (i32, i32) {
    %c0_i32 = arith.constant 0 : i32
    %c0_i32_0 = arith.constant 0 : i32
    %c0_i32_1 = arith.constant 0 : i32
    return %c0_i32, %c0_i32_0 : i32, i32
  }
  func.func @transform_4(%arg0: i32) -> (i32, i32) {
    %c0_i32 = arith.constant 0 : i32
    %c0_i32_0 = arith.constant 0 : i32
    %c0_i32_1 = arith.constant 0 : i32
    return %c0_i32, %c0_i32_0 : i32, i32
  }
  func.func @transform_5(%arg0: i32) -> (i32, i32) {
    %c0_i32 = arith.constant 0 : i32
    %c0_i32_0 = arith.constant 0 : i32
    %c0_i32_1 = arith.constant 0 : i32
    return %c0_i32, %c0_i32_0 : i32, i32
  }
  func.func @transform_6(%arg0: i32) -> (i32, i32) {
    %c0_i32 = arith.constant 0 : i32
    %c0_i32_0 = arith.constant 0 : i32
    %c0_i32_1 = arith.constant 0 : i32
    return %c0_i32, %c0_i32_0 : i32, i32
  }
  func.func @transform_7(%arg0: i32) -> (i32, i32) {
    %c0_i32 = arith.constant 0 : i32
    %c0_i32_0 = arith.constant 0 : i32
    return %arg0, %c0_i32 : i32, i32
  }
  func.func @transform_8(%arg0: i32) -> (i32, i32) {
    %c0_i32 = arith.constant 0 : i32
    %c0_i32_0 = arith.constant 0 : i32
    return %arg0, %c0_i32 : i32, i32
  }
}

module attributes {stable_mosaic.version = 14 : i64} {
  func.func @_combine_body(%arg0: i32, %arg1: memref<2x1000x144xf32, #tpu.memory_space<vmem>>, %arg2: memref<16x128xf32, #tpu.memory_space<vmem>>, %arg3: memref<128x128xf32, #tpu.memory_space<vmem>>, %arg4: memref<1000x128xf32, #tpu.memory_space<vmem>>) attributes {dimension_semantics = [#tpu.dimension_semantics<arbitrary>], iteration_bounds = array<i64: 10>, scalar_prefetch = 0 : i64, scratch_operands = 0 : i64, tpu.core_type = #tpu.core_type<tc>, window_params = [{transform_indices = @transform_0, window_bounds = array<i64: 2, 1000, 144>}, {pipeline_mode = #tpu.pipeline_mode<synchronous>, transform_indices = @transform_1, window_bounds = array<i64: 16, 128>}, {pipeline_mode = #tpu.pipeline_mode<synchronous>, transform_indices = @transform_2, window_bounds = array<i64: 128, 128>}, {transform_indices = @transform_3, window_bounds = array<i64: 1000, 128>}]} {
    %get3A = arith.constant 0 : index
    %get3A_0 = arith.constant 0 : index
    %get3A_1 = arith.constant 0 : index
    %get3A_2 = vector.load %arg1[%get3A, %get3A_0, %get3A_1] : memref<2x1000x144xf32, #tpu.memory_space<vmem>>, vector<1x1000x144xf32>
    %get3A_3 = vector.shape_cast %get3A_2 : vector<1x1000x144xf32> to vector<1000x144xf32>
    %get3A_4 = arith.constant 1 : index
    %get3A_5 = arith.constant 0 : index
    %get3A_6 = arith.constant 0 : index
    %get3A_7 = vector.load %arg1[%get3A_4, %get3A_5, %get3A_6] : memref<2x1000x144xf32, #tpu.memory_space<vmem>>, vector<1x1000x144xf32>
    %get3A_8 = vector.shape_cast %get3A_7 : vector<1x1000x144xf32> to vector<1000x144xf32>
    %add3A = arith.addf %get3A_3, %get3A_8 : vector<1000x144xf32>
    %slice3A = vector.extract_strided_slice %add3A {offsets = [0, 0], sizes = [1000, 128], strides = [1, 1]} : vector<1000x144xf32> to vector<1000x128xf32>
    %slice3A_9 = vector.extract_strided_slice %add3A {offsets = [0, 128], sizes = [1000, 16], strides = [1, 1]} : vector<1000x144xf32> to vector<1000x16xf32>
    %eq3A = arith.constant 0.000000e+00 : f32
    %eq3A_10 = vector.broadcast %eq3A : f32 to vector<1000x16xf32>
    %eq3A_11 = arith.cmpf oeq, %slice3A_9, %eq3A_10 : vector<1000x16xf32>
    %jit3A = arith.constant 1.000000e+00 : f32
    %broadcast_in_dim3A = vector.broadcast %jit3A : f32 to vector<1000x16xf32>
    %select_n3A = arith.select %eq3A_11, %broadcast_in_dim3A, %slice3A_9 : vector<1000x16xi1>, vector<1000x16xf32>
    %div3A = arith.constant 1.000000e+00 : f32
    %div3A_12 = vector.broadcast %div3A : f32 to vector<1000x16xf32>
    %div3A_13 = arith.divf %div3A_12, %select_n3A : vector<1000x16xf32>
    %get3A_14 = arith.constant 0 : index
    %get3A_15 = arith.constant 0 : index
    %get3A_16 = vector.load %arg2[%get3A_14, %get3A_15] : memref<16x128xf32, #tpu.memory_space<vmem>>, vector<16x128xf32>
    %dot_general3A = arith.constant dense<0.000000e+00> : vector<1000x128xf32>
    %dot_general3A_17 = tpu.matmul %div3A_13, %get3A_16, %dot_general3A {dimension_numbers = #tpu.dot_dimension_numbers<[1], [0], [0], [1], [0, 0, 1, 1], [], []>, precision = #tpu.contract_precision<fp32>, transpose_lhs_hint = false} : vector<1000x16xf32>, vector<16x128xf32>, vector<1000x128xf32> -> vector<1000x128xf32>
    %mul3A = arith.mulf %slice3A, %dot_general3A_17 : vector<1000x128xf32>
    %get3A_18 = arith.constant 0 : index
    %get3A_19 = arith.constant 0 : index
    %get3A_20 = vector.load %arg3[%get3A_18, %get3A_19] : memref<128x128xf32, #tpu.memory_space<vmem>>, vector<128x128xf32>
    %dot_general3A_21 = arith.constant dense<0.000000e+00> : vector<1000x128xf32>
    %dot_general3A_22 = tpu.matmul %mul3A, %get3A_20, %dot_general3A_21 {dimension_numbers = #tpu.dot_dimension_numbers<[1], [0], [0], [1], [0, 0, 1, 1], [], []>, precision = #tpu.contract_precision<fp32>, transpose_lhs_hint = false} : vector<1000x128xf32>, vector<128x128xf32>, vector<1000x128xf32> -> vector<1000x128xf32>
    %swap3A = arith.constant 0 : index
    %swap3A_23 = arith.constant 0 : index
    %swap3A_24 = vector.load %arg4[%swap3A, %swap3A_23] : memref<1000x128xf32, #tpu.memory_space<vmem>>, vector<1000x128xf32>
    tpu.vector_store %arg4[%swap3A, %swap3A_23], %dot_general3A_22 {strides = array<i32>} : memref<1000x128xf32, #tpu.memory_space<vmem>>, vector<1000x128xf32>,
    return
  }
  func.func @transform_0(%arg0: i32) -> (i32, i32, i32) {
    %c0_i32 = arith.constant 0 : i32
    %c0_i32_0 = arith.constant 0 : i32
    %c0_i32_1 = arith.constant 0 : i32
    return %c0_i32, %arg0, %c0_i32_0 : i32, i32, i32
  }
  func.func @transform_1(%arg0: i32) -> (i32, i32) {
    %c0_i32 = arith.constant 0 : i32
    %c0_i32_0 = arith.constant 0 : i32
    %c0_i32_1 = arith.constant 0 : i32
    return %c0_i32, %c0_i32_0 : i32, i32
  }
  func.func @transform_2(%arg0: i32) -> (i32, i32) {
    %c0_i32 = arith.constant 0 : i32
    %c0_i32_0 = arith.constant 0 : i32
    %c0_i32_1 = arith.constant 0 : i32
    return %c0_i32, %c0_i32_0 : i32, i32
  }
  func.func @transform_3(%arg0: i32) -> (i32, i32) {
    %c0_i32 = arith.constant 0 : i32
    %c0_i32_0 = arith.constant 0 : i32
    return %arg0, %c0_i32 : i32, i32
  }
}

</mosaic_0001>

<sc_bundles>
// kernel: kernel.5.cloned.1.call-start
scs
__scs_entry_jumppad:
0x0: {  	(pc) =	sbr.rel $0x88, $3  }
0x1: {  	(tag) =	ssettag $0x0;
	lr =	simm.s32 $0x1  }
0x2: {  	[smem:$0x3F9B] =	sst lr;
	_ =	strace $0xD0000000  }
0x3: {  	_ = 	snop  }
0x4: {  	_ = 	snop  }
0x5: {  	_ = 	snop  }
0x6: {  	_ = 	snop  }
0x7: {  	_ = 	snop  }
__scs_overlays_trampoline_lowered:
0x8: {  	[smem:$0x3FAA] =	sst s0  }
0x9: {  	[smem:$0x3FAB] =	sst s1  }
0xa: {  	[smem:$0x3FAC] =	sst s2  }
0xb: {  	[smem:$0x3FAD] =	sst s3  }
0xc: {  	[smem:$0x3FAE] =	sst s4  }
0xd: {  	[smem:$0x3FAF] =	sst s5  }
0xe: {  	[smem:$0x3FB0] =	sst s6  }
0xf: {  	[smem:$0x3FB1] =	sst s7  }
0x10: {  	[smem:$0x3FB2] =	sst s8  }
0x11: {  	[smem:$0x3FB3] =	sst s9;
	s0 =	simm.s32 @!p0 $0x0  }
0x12: {  	s1 =	sld [smem:$0x3F99];
	s0 =	simm.s32 @p0 $0x1  }
0x13: {  	[smem:$0x3FB4] =	sst s0;
	s0 =	simm.s32 @!p1 $0x0  }
0x14: {  	s2 =	sld [smem:$0x3F98];
	s0 =	simm.s32 @p1 $0x1  }
0x15: {  	[smem:$0x3FB5] =	sst s0;
	s0 =	simm.s32 @!p2 $0x0  }
0x16: {  	s3 =	sld [smem:$0x3FDB];
	s0 =	simm.s32 @p2 $0x1  }
0x17: {  	s4 =	simm.s32 $0x1BF5;
	[smem:$0x3FB7] =	sst s0  }
0x18: {  	s0 =	sld [smem:$0x3F9A];
	_ =	swait.ge [sflag:s4], $0x0  }
0x19: {  	s7 =	sld [smem:$0x3F9B]  }
0x1a: {  	s8 =	sadd.s32 $0xFFFFE003, lr  }
0x1b: {  	s9 =	sadd.s32 $0xFFFFFEF7, lr;
	s5 =	simm.s32 $0xFFFFFFFF;
	p2 =	slt.u32 s8, $0xFFFFF086  }
0x1c: {  	p1 =	slt.u32 s9, $0xF7A;
	s5 =	simm.s32 @!p2 $0x0  }
0x1d: {  	s5 =	simm.s32 @p1 $0x1;
	p0 =	seq.s32 s7, s2  }
0x1e: {  	s7 =	smul.u32 @!p0 $0xF7A, s2;
	p2 =	seq.s32 @!p0 s5, $0x0  }
0x1f: {  	s9 =	smul.u32 $0xF7A, s1;
	s8 =	simm.s32 @!p0 $0x1BF5;
	p2 =	por !p2, p0  }
0x20: {  	[sflag:s8] =	ssyncset.s32 @!p0 $0xFFFFF086;
	s6 =	sadd.s32 @!p0 s3, s7;
	s7 =	simm.s32 @!p0 $0x108  }
0x21: {  	s3 =	sadd.s32 s3, s9;
	s6 =	sadd.s32 @!p0 $0x88, s6;
	s7 =	simm.s32 @p2 $0x1082  }
0x22: {  	[simem:s7], [sflag:s8] =	dma.local @!p0 [hbm:s6], $0xF7A  }
0x23: {  	s9 =	sor.u32 $0xD0000000, s2;
	s6 =	simm.s32 $0x108;
	_ =	swait.ge @!p0 [sflag:s8], $0x0  }
0x24: {  	s3 =	sadd.s32 $0x88, s3;
	s6 =	simm.s32 @!p1 $0x1082;
	[sflag:s4] =	ssyncset.s32 $0xFFFFF086  }
0x25: {  	[simem:s6], [sflag:s4] =	dma.local [hbm:s3], $0xF7A  }
0x26: {  	[smem:$0x3F9B] =	sst s1;
	(tag) =	ssettag s2;
	_ =	strace s9  }
0x27: {  	s1 =	sld [smem:$0x3FAB]  }
0x28: {  	s2 =	sld [smem:$0x3FAC]  }
0x29: {  	s4 =	sld [smem:$0x3FAE]  }
0x2a: {  	p0 =	seq.s32 s5, $0x0;
	s5 =	sld [smem:$0x3FAF]  }
0x2b: {  	s6 =	sld [smem:$0x3FB0]  }
0x2c: {  	s7 =	sld [smem:$0x3FB1]  }
0x2d: {  	s3 =	simm.s32 $0x108;
	s8 =	sld [smem:$0x3FB2]  }
0x2e: {  	s3 =	simm.s32 @!p0 $0x1082;
	s9 =	sld [smem:$0x3FB3]  }
0x2f: {  	lr =	sadd.s32 s0, s3;
	s0 =	sld [smem:$0x3FAA]  }
0x30: {  	s3 =	sld [smem:$0x3FAD]  }
0x31: {  	[smem:$0x3FB6] =	sst s10  }
0x32: {  	s10 =	sld [smem:$0x3FB4];
	_ =	sdelay $0x3  }
0x33: {  	p0 =	seq.s32 s10, $0x1;
	s10 =	sld [smem:$0x3FB6];
	_ =	sdelay $0x3  }
0x34: {  	[smem:$0x3FB6] =	sst s10  }
0x35: {  	s10 =	sld [smem:$0x3FB5];
	_ =	sdelay $0x3  }
0x36: {  	p1 =	seq.s32 s10, $0x1;
	s10 =	sld [smem:$0x3FB6];
	_ =	sdelay $0x3  }
0x37: {  	[smem:$0x3FB6] =	sst s10  }
0x38: {  	s10 =	sld [smem:$0x3FB7]  }
0x39: {  	_ = 	snop;
	(pc) =	sbr.ind lr, $3  }
0x3a: {  	_ = 	snop  }
0x3b: {  	_ = 	snop  }
0x3c: {  	p2 =	seq.s32 s10, $0x1;
	s10 =	sld [smem:$0x3FB6]  }
0x3d: {  	_ =	shalt  }
0x3e: {  	_ =	shalt  }
0x3f: {  	_ =	shalt  }
0x40: {  	_ =	shalt  }
0x41: {  	_ =	shalt  }
0x42: {  	_ =	shalt  }
0x43: {  	_ =	shalt  }
0x44: {  	_ =	shalt  }
0x45: {  	_ =	shalt  }
0x46: {  	_ =	shalt  }
0x47: {  	_ =	shalt  }
0x48: {  	_ =	shalt  }
0x49: {  	_ =	shalt  }
0x4a: {  	_ =	shalt  }
0x4b: {  	_ =	shalt  }
0x4c: {  	_ =	shalt  }
0x4d: {  	_ =	shalt  }
0x4e: {  	_ =	shalt  }
0x4f: {  	_ =	shalt  }
0x50: {  	_ =	shalt  }
0x51: {  	_ =	shalt  }
0x52: {  	_ =	shalt  }
0x53: {  	_ =	shalt  }
0x54: {  	_ =	shalt  }
0x55: {  	_ =	shalt  }
0x56: {  	_ =	shalt  }
0x57: {  	_ =	shalt  }
0x58: {  	_ =	shalt  }
0x59: {  	_ =	shalt  }
0x5a: {  	_ =	shalt  }
0x5b: {  	_ =	shalt  }
0x5c: {  	_ =	shalt  }
0x5d: {  	_ =	shalt  }
0x5e: {  	_ =	shalt  }
0x5f: {  	_ =	shalt  }
0x60: {  	_ =	shalt  }
0x61: {  	_ =	shalt  }
0x62: {  	_ =	shalt  }
0x63: {  	_ =	shalt  }
0x64: {  	_ =	shalt  }
0x65: {  	_ =	shalt  }
0x66: {  	_ =	shalt  }
0x67: {  	_ =	shalt  }
0x68: {  	_ =	shalt  }
0x69: {  	_ =	shalt  }
0x6a: {  	_ =	shalt  }
0x6b: {  	_ =	shalt  }
0x6c: {  	_ =	shalt  }
0x6d: {  	_ =	shalt  }
0x6e: {  	_ =	shalt  }
0x6f: {  	_ =	shalt  }
0x70: {  	_ =	shalt  }
0x71: {  	_ =	shalt  }
0x72: {  	_ =	shalt  }
0x73: {  	_ =	shalt  }
0x74: {  	_ =	shalt  }
0x75: {  	_ =	shalt  }
0x76: {  	_ =	shalt  }
0x77: {  	_ =	shalt  }
0x78: {  	_ =	shalt  }
0x79: {  	_ =	shalt  }
0x7a: {  	_ =	shalt  }
0x7b: {  	_ =	shalt  }
0x7c: {  	_ =	shalt  }
0x7d: {  	_ =	shalt  }
0x7e: {  	_ =	shalt  }
0x7f: {  	_ =	shalt  }
0x80: {  	_ =	shalt  }
0x81: {  	_ =	shalt  }
0x82: {  	_ =	shalt  }
0x83: {  	_ =	shalt  }
0x84: {  	_ =	shalt  }
0x85: {  	_ =	shalt  }
0x86: {  	_ =	shalt  }
0x87: {  	_ =	shalt  }
.Lfunc_end0:
.L_simem_size_0:
called_computation_lowered:
.L_overlay_start_0:
0x88: {  	s2 =	sld [smem:$0x3FD9]  }
0x89: {  	s3 =	sld [smem:$0x3FFE];
	_ =	sdelay $0x1  }
0x8a: {  	s1 =	srdreg.scid  }
0x8b: {  	s0 =	sand.u32 $0x1, s1  }
0x8c: {  	s17 =	sshll.u32 s0, $0xA;
	s2 =	sadd.s32 s3, s2  }
0x8d: {  	s2 =	sadd.s32 s2, s17  }
0x8e: {  	[smem:$0x3FC2] =	sst s2  }
0x8f: {  	_ = 	snop  }
0x90: {  	s2 =	sld [smem:$0x3FD0];
	(tm) =	ssettm $0x1  }
0x91: {  	s18 =	sld [smem:$0x3FFB];
	_ =	sdelay $0x3  }
0x92: {  	_ =	strace s18  }
0x93: {  	s3 =	sld [smem:$0x3FFC];
	_ =	sdelay $0x3  }
0x94: {  	_ =	strace s3  }
0x95: {  	s3 =	sld [smem:$0x3FFD];
	_ =	sdelay $0x3  }
0x96: {  	_ =	strace s3  }
0x97: {  	_ =	strace $0x8FFFFFFF  }
0x98: {  	s19 =	sld [smem:$0x3FDB];
	_ =	sdelay $0x1  }
0x99: {  	s4 =	simm.s32 $_scs_section_size  }
0x9a: {  	s5 =	simm.s32 $_size__tile_overlayer_lowered;
	s6 =	simm.s32 $_tile_overlayer_lowered  }
0x9b: {  	s22 =	simm.s32 $0x1BFF;
	s21 =	sshll.u32 s6, $0x1;
	s3 =	sadd.s32 s4, s19  }
0x9c: {  	s7 =	simm.s32 $0x0;
	s20 =	sshll.u32 s5, $0x1;
	s5 =	sadd.s32 s21, s3  }
0x9d: {  	[timem:s7], [sflag:s22] =	dma.local [hbm:s5], s20  }
0x9e: {  	_ =	swait.ge [sflag:s22], s20  }
0x9f: {  	s4 =	ssub.s32 $0x0, s20;
	[sflag:s22] =	ssyncset.done $0x0  }
0xa0: {  	[sflag:s22] =	ssyncadd.s32 s4;
	_ =	sdelay $0x1  }
0xa1: {  	s23 =	simm.s32 $0x1B8B  }
0xa2: {  	_ =	swait.ge [sflag:s23], $0x1  }
0xa3: {  	[sflag:s23] =	ssyncset.done $0x0  }
0xa4: {  	s25 =	simm.s32 $0x1B8E;
	s24 =	sld [smem:$0x3FFE];
	[sflag:s23] =	ssyncadd.s32 $0xFFFFFFFF  }
0xa5: {  	s26 =	simm.s32 $execute0_lowered;
	[smem:$0x3FD2] =	sst s25  }
0xa6: {  	s5 =	sshll.u32 s26, $0x1;
	_ =	strace $0x80000046;
	[dreg:$0x1] =	wrdreg $0xFFFFFFFF  }
0xa7: {  	s28 =	simm.s32 $_size_execute0_lowered;
	s3 =	sadd.s32 s3, s5;
	[dreg:$0x0] =	wrdreg $0x0  }
0xa8: {  	s5 =	sshll.u32 s28, $0x1;
	[dreg:$0x2] =	wrdreg s3  }
0xa9: {  	[dreg:$0x3] =	wrdreg s5  }
0xaa: {  	[dreg:$0x4] =	wrdreg $0xC0  }
0xab: {  	_ =	task [dreg:s7], $0x5FFFF  }
0xac: {  	[dreg:$0x1] =	wrdreg $0xFFFFFFFF  }
0xad: {  	[dreg:$0x0] =	wrdreg $0x60  }
0xae: {  	[dreg:$0x2] =	wrdreg s2  }
0xaf: {  	[dreg:$0x3] =	wrdreg s24  }
0xb0: {  	[dreg:$0x4] =	wrdreg $0x66800  }
0xb1: {  	[dreg:$0x5] =	wrdreg $0x9  }
0xb2: {  	_ =	task.clear_ibuf [dreg:s7], $0x6FFFF;
	_ =	strace $0x90000046  }
0xb3: {  	s29 =	simm.s32 $0x9;
	_ =	strace $0x80000048  }
0xb4: {  	_ =	swait.ge [sflag:s29], $0x1  }
0xb5: {  	[sflag:s29] =	ssyncadd.s32 $0xFFFFFFFF  }
0xb6: {  	_ =	strace $0x90000048  }
0xb7: {  	_ =	sfence  }
0xb8: {  	s30 =	sld [smem:$0x0];
	_ =	sdelay $0x2  }
0xb9: {  	s31 =	sshll.u32 s1, $0xD;
	s1 =	sshrl.u32 s1, $0x2  }
0xba: {  	s3 =	sand.u32 $0x4000, s31;
	s1 =	sadd.s32 s1, s30  }
0xbb: {  	s0 =	sor.u32 s3, s0;
	s1 =	sshll.u32 s1, $0x11  }
0xbc: {  	s0 =	sor.u32 s1, s0  }
0xbd: {  	s0 =	sadd.s32 $0x8F2B, s0  }
0xbe: {  	[sflag:s0] =	ssyncadd.remote.s32 $0x1  }
0xbf: {  	_ =	sfence.sel $0xFFFF  }
0xc0: {  	[dreg:$0x0] =	wrdreg $0xFFFFFFFF;
	(pc) =	sbr.abs _section_cstart, $3  }
0xc1: {  	[dreg:$0x1] =	wrdreg $0xFFFFFFFF  }
0xc2: {  	_ =	task.clear_ibuf [dreg:s7], $0x2FFFF;
	_ =	strace $0x9FFFFFFF  }
0xc3: {  	(tm) =	ssettm $0x7FFFFFFF  }
tec
execute0_lowered:
.L_overlay_start_1:
0x0: {  	(tag) =	ssettag $0x1  }
0x1: {  	s1 =	rddreg [dreg:$0x0]  }
0x2: {  	s0 =	rddreg [dreg:$0x1]  }
0x3: {  	s2 =	rddreg [dreg:$0x2]  }
0x4: {  	s4 =	simm.s32 $0x0;
	s3 =	srdreg.scid;
	s13 =	stileid.u32  }
0x5: {  	s17 =	simm.s32 $0x7;
	s21 =	simm.s32 $0x5;
	s29 =	simm.s32 $0x780  }
0x6: {  	s30 =	simm.s32 $0x3980;
	s31 =	simm.s32 $0x1;
	s19 =	simm.s32 $0x4  }
0x7: {  	s20 =	simm.s32 $0x0;
	[smem:$0x7FF] =	sst s4;
	s3 =	sand.u32 $0x1, s3  }
0x8: {  	s8 =	smul.u32 $0x15F90, s13;
	s5 =	sadd.s32 $0x2CC00, s0;
	s7 =	sadd.s32 $0xC00, s0  }
0x9: {  	_ =	strace $0x80000047;
	s6 =	sshll.u32 s3, $0x4;
	s9 =	smul.u32 $0x2BF20, s3  }
0xa: {  	s3 =	ssub.s32 $0x2, s3;
	s6 =	sor.u32 s13, s6;
	s11 =	sshrl.u32 s8, $0x3  }
0xb: {  	s12 =	sshrl.u32 s3, $0x1;
	s23 =	sadd.s32 s8, s2;
	s13 =	sshll.u32 s13, $0x6  }
0xc: {  	s6 =	smul.u32 $0x4E20, s6;
	s10 =	sadd.s32 s11, s0;
	s0 =	sadd.s32 s9, s0  }
0xd: {  	s3 =	ssub.s32 s3, s12;
	s16 =	sshrl.u32 s23, $0x3;
	s23 =	simm.s32 $0x280  }
0xe: {  	s24 =	sadd.s32 $0x31C00, s10;
	s10 =	sor.u32 $0x1C07, s13;
	s0 =	sadd.s32 $0x5DC00, s0  }
0xf: {  	s3 =	smax.u32 s3, $0x1;
	s22 =	sshrl.u32 s6, $0x3;
	[dreg:$0x4] =	wrdreg s24  }
0x10: {  	s14 =	sadd.s32 $0x280, s6;
	[dreg:$0x8] =	wrdreg s3;
	s8 =	sadd.s32 s1, s22  }
0x11: {  	s24 =	sadd.s32 s11, s0;
	s0 =	simm.s32 $0x2;
	s25 =	sadd.s32 $0x14, s8  }
0x12: {  	s3 =	simm.s32 $0x3;
	s26 =	sadd.s32 $0x28, s8;
	[dreg:$0x5] =	wrdreg s25  }
0x13: {  	v0 =	vlaneseq.u32;
	s22 =	simm.s32 $0x50;
	s28 =	sadd.s32 $0x3C, s8;
	[dreg:$0x6] =	wrdreg s26  }
0x14: {  	v0 =	vand.u32 $0x7, v0;
	[dreg:$0x7] =	wrdreg s28;
	s25 =	simm.s32 $0xC80;
	s26 =	simm.s32 $0x6  }
.LBB2_1:
0x15: {  	s9 =	rddreg [dreg:$0x4]  }
0x16: {  	[spmem:s16], [sflag:s10] =	dma.local [hbm:s9], $0x2BF2  }
0x17: {  	_ =	swait.ge [sflag:s17], $0x2BF2  }
0x18: {  	[sflag:s17] =	ssyncset.done $0x0  }
0x19: {  	[sflag:s17] =	ssyncadd.s32 $0xFFFFD40E  }
0x1a: {  	[tilespmem:s4], [sflag:$0x5] =	stream.linear.gather [hbm4b:s8+s4], $0xA0, $0x38;
	[tilespmem:$0x1C610] =	vst v63  }
0x1b: {  	s11 =	simm.s32 $0xA0;
	s15 =	rddreg [dreg:$0x5]  }
0x1c: {  	[tilespmem:s11], [sflag:$0x6] =	stream.linear.gather [hbm4b:s15+s4], $0xA0, $0x38;
	[tilespmem:$0x1C610] =	vst v63  }
0x1d: {  	s12 =	simm.s32 $0x140;
	s18 =	rddreg [dreg:$0x6]  }
0x1e: {  	[tilespmem:s12], [sflag:$0x5] =	stream.linear.gather [hbm4b:s18+s4], $0xA0, $0x38;
	[tilespmem:$0x1C610] =	vst v63  }
0x1f: {  	s13 =	rddreg [dreg:$0x7];
	s15 =	simm.s32 $0x1E0  }
0x20: {  	[tilespmem:s15], [sflag:$0x6] =	stream.linear.gather [hbm4b:s13+s4], $0xA0, $0x38;
	[tilespmem:$0x1C610] =	vst v63  }
0x21: {  	[bflag:$0x0] =	sbarrier.arrive $0xFFFF  }
0x22: {  	_ =	swait.ge [sflag:s21], $0xA0  }
0x23: {  	[sflag:s21] =	ssyncset.done $0x0  }
0x24: {  	[sflag:s21] =	ssyncadd.s32 $0xFFFFFF60  }
0x25: {  	[tilespmem:s23], [sflag:$0x1] =	stream.indirect.gather [hbm4b:s5+s22], $0x10, s22, s22, $0xb8;
	[tilespmem:$0x1C610] =	vst v63  }
0x26: {  	_ = 	snop  }
0x27: {  	[tilespmem:s25], [sflag:$0x1] =	stream.indirect.gather [hbm4b:s7+s22], $0x90, s4, s22, $0xb8;
	[tilespmem:$0x1C610] =	vst v63  }
0x28: {  	_ =	swait.ge [sflag:s26], $0xA0  }
0x29: {  	[sflag:s26] =	ssyncset.done $0x0  }
0x2a: {  	s18 =	simm.s32 $0xF0;
	[sflag:s26] =	ssyncadd.s32 $0xFFFFFF60  }
0x2b: {  	[tilespmem:s29], [sflag:$0x2] =	stream.indirect.gather [hbm4b:s5+s22], $0x10, s18, s22, $0xb8;
	[tilespmem:$0x1C610] =	vst v63  }
0x2c: {  	s28 =	simm.s32 $0x0  }
0x2d: {  	[tilespmem:s30], [sflag:$0x2] =	stream.indirect.gather [hbm4b:s7+s22], $0x90, s11, s22, $0xb8;
	[tilespmem:$0x1C610] =	vst v63  }
.LBB2_2:
0x2e: {  	_ =	swait.ge [sflag:s31], $0x500  }
0x2f: {  	[sflag:s31] =	ssyncset.done $0x0  }
0x30: {  	[sflag:s31] =	ssyncadd.s32 $0xFFFFFB00  }
0x31: {  	_ =	swait.ge [sflag:s31], $0x2D00  }
0x32: {  	[sflag:s31] =	ssyncset.done $0x0  }
0x33: {  	s9 =	simm.s32 $0xDA0;
	[sflag:s31] =	ssyncadd.s32 $0xFFFFD300  }
0x34: {  	s11 =	simm.s32 $0x30;
	v1 =	vld [tilespmem:s9+$0xFFFFFF60]  }
0x35: {  	v2 =	vld [tilespmem:s11+$0x250];
	_ =	sdelay $0x4  }
0x36: {  	v1 =	vadd.f32 v2, v1;
	_ =	sdelay $0x1  }
0x37: {  	v2 =	vmul.f32 $2.000000030e-01, v1  }
0x38: {  	vm0 =	vgt.f32 v1, $0.0e+00  }
0x39: {  	v1 =	vsel vm0, v1, v2  }
0x3a: {  	v1 =	vmul.f32 $1.442695020e+00, v1;
	_ =	sdelay $0x1  }
0x3b: {  	(erf) = vpow2.f32 v1;
	_ =	sdelay $0x6  }
0x3c: {  	v2 =	vld [tilespmem:s9+$0xFFFFFEF0]  }
0x3d: {  	v3 =	vld [tilespmem:s9+$0xFFFFFF00]  }
0x3e: {  	v4 =	vld [tilespmem:s9+$0xFFFFFF10];
	v5 =	vpop (erf)  }
0x3f: {  	v1 =	vld [tilespmem:s9+$0xFFFFFF30];
	[tilespmem:s9+$0xFFFFFF60] =	vst v5;
	v5 =	vperm.xlane v5, v0  }
0x40: {  	v6 =	vld [tilespmem:s9+$0xFFFFFEE0]  }
0x41: {  	v7 =	vld [tilespmem:s9+$0xFFFFFF50];
	v2 =	vmul.f32 v2, v5  }
0x42: {  	v9 =	vld [tilespmem:s9+$0xFFFFFF40];
	v3 =	vmul.f32 v3, v5  }
0x43: {  	v8 =	vld [tilespmem:s9+$0xFFFFFF20];
	v4 =	vmul.f32 v4, v5;
	[tilespmem:s9+$0xFFFFFEF0] =	vst v2  }
0x44: {  	v1 =	vmul.f32 v1, v5;
	[tilespmem:s9+$0xFFFFFF00] =	vst v3  }
0x45: {  	v2 =	vmul.f32 v6, v5;
	[tilespmem:s9+$0xFFFFFF10] =	vst v4  }
0x46: {  	v3 =	vmul.f32 v7, v5;
	[tilespmem:s9+$0xFFFFFF30] =	vst v1  }
0x47: {  	[tilespmem:s9+$0xFFFFFEE0] =	vst v2;
	v2 =	vmul.f32 v9, v5  }
0x48: {  	[tilespmem:s9+$0xFFFFFF50] =	vst v3;
	v3 =	vmul.f32 v8, v5  }
0x49: {  	[tilespmem:s9+$0xFFFFFF40] =	vst v2  }
0x4a: {  	v1 =	vld [tilespmem:s9+$0xFFFFFFF0];
	[tilespmem:s9+$0xFFFFFF20] =	vst v3  }
0x4b: {  	v2 =	vld [tilespmem:s11+$0x260];
	_ =	sdelay $0x4  }
0x4c: {  	v1 =	vadd.f32 v2, v1;
	_ =	sdelay $0x1  }
0x4d: {  	v2 =	vmul.f32 $2.000000030e-01, v1  }
0x4e: {  	vm14 =	vgt.f32 v1, $0.0e+00  }
0x4f: {  	v1 =	vsel vm14, v1, v2  }
0x50: {  	v1 =	vmul.f32 $1.442695020e+00, v1;
	_ =	sdelay $0x1  }
0x51: {  	(erf) = vpow2.f32 v1;
	_ =	sdelay $0x6  }
0x52: {  	v2 =	vld [tilespmem:s9+$0xFFFFFF70]  }
0x53: {  	v3 =	vld [tilespmem:s9+$0xFFFFFF80]  }
0x54: {  	v1 =	vld [tilespmem:s9+$0xFFFFFFE0];
	v50 =	vpop (erf)  }
0x55: {  	v49 =	vld [tilespmem:s9+$0xFFFFFFB0];
	v52 =	vperm.xlane v50, v0  }
0x56: {  	v53 =	vld [tilespmem:s9+$0xFFFFFF90]  }
0x57: {  	v55 =	vld [tilespmem:s9+$0xFFFFFFD0];
	v2 =	vmul.f32 v2, v52  }
0x58: {  	v54 =	vld [tilespmem:s9+$0xFFFFFFA0];
	[tilespmem:s9+$0xFFFFFFF0] =	vst v50;
	v3 =	vmul.f32 v3, v52  }
0x59: {  	v51 =	vld [tilespmem:s9+$0xFFFFFFC0];
	v1 =	vmul.f32 v1, v52;
	[tilespmem:s9+$0xFFFFFF70] =	vst v2  }
0x5a: {  	v2 =	vmul.f32 v49, v52;
	[tilespmem:s9+$0xFFFFFF80] =	vst v3  }
0x5b: {  	v3 =	vmul.f32 v53, v52;
	[tilespmem:s9+$0xFFFFFFE0] =	vst v1  }
0x5c: {  	v1 =	vmul.f32 v55, v52;
	[tilespmem:s9+$0xFFFFFFB0] =	vst v2  }
0x5d: {  	v2 =	vmul.f32 v54, v52;
	[tilespmem:s9+$0xFFFFFF90] =	vst v3  }
0x5e: {  	v3 =	vmul.f32 v51, v52;
	[tilespmem:s9+$0xFFFFFFD0] =	vst v1  }
0x5f: {  	[tilespmem:s9+$0xFFFFFFA0] =	vst v2  }
0x60: {  	v1 =	vld [tilespmem:s9+$0x80];
	[tilespmem:s9+$0xFFFFFFC0] =	vst v3  }
0x61: {  	v2 =	vld [tilespmem:s11+$0x270];
	_ =	sdelay $0x4  }
0x62: {  	v1 =	vadd.f32 v2, v1;
	_ =	sdelay $0x1  }
0x63: {  	v2 =	vmul.f32 $2.000000030e-01, v1  }
0x64: {  	vm15 =	vgt.f32 v1, $0.0e+00  }
0x65: {  	v1 =	vsel vm15, v1, v2  }
0x66: {  	v1 =	vmul.f32 $1.442695020e+00, v1;
	_ =	sdelay $0x1  }
0x67: {  	(erf) = vpow2.f32 v1;
	_ =	sdelay $0x6  }
0x68: {  	v2 =	vld [tilespmem:s9+$0x0]  }
0x69: {  	v3 =	vld [tilespmem:s9+$0x30]  }
0x6a: {  	v58 =	vld [tilespmem:s9+$0x20];
	v57 =	vpop (erf)  }
0x6b: {  	v1 =	vld [tilespmem:s9+$0x70];
	v59 =	vperm.xlane v57, v0  }
0x6c: {  	v56 =	vld [tilespmem:s9+$0x40]  }
0x6d: {  	v60 =	vld [tilespmem:s9+$0x10];
	v2 =	vmul.f32 v2, v59  }
0x6e: {  	v61 =	vld [tilespmem:s9+$0x50];
	[tilespmem:s9+$0x80] =	vst v57;
	v3 =	vmul.f32 v3, v59  }
0x6f: {  	v62 =	vld [tilespmem:s9+$0x60];
	v63 =	vmul.f32 v58, v59;
	[tilespmem:s9+$0x0] =	vst v2  }
0x70: {  	v1 =	vmul.f32 v1, v59;
	[tilespmem:s9+$0x30] =	vst v3  }
0x71: {  	v2 =	vmul.f32 v56, v59;
	[tilespmem:s9+$0x20] =	vst v63  }
0x72: {  	v3 =	vmul.f32 v60, v59;
	[tilespmem:s9+$0x70] =	vst v1  }
0x73: {  	[tilespmem:s9+$0x40] =	vst v2;
	v2 =	vmul.f32 v61, v59  }
0x74: {  	[tilespmem:s9+$0x10] =	vst v3;
	v3 =	vmul.f32 v62, v59  }
0x75: {  	[tilespmem:s9+$0x50] =	vst v2  }
0x76: {  	v1 =	vld [tilespmem:s9+$0x110];
	[tilespmem:s9+$0x60] =	vst v3  }
0x77: {  	s12 =	simm.s32 $0x1C0;
	v2 =	vld [tilespmem:s11+$0x280];
	s11 =	simm.s32 $0xDA0  }
.LBB2_3:
0x78: {  	_ = 	snop  }
0x79: {  	p0 =	sne.s32 s12, $0x13C0  }
0x7a: {  	s9 =	sadd.s32 $0x240, s9;
	s13 =	smov.u32 s12;
	s12 =	sadd.s32 $0x100, s12  }
0x7b: {  	_ = 	snop  }
0x7c: {  	v1 =	vadd.f32 v2, v1;
	_ =	sdelay $0x1  }
0x7d: {  	v2 =	vmul.f32 $2.000000030e-01, v1  }
0x7e: {  	vm0 =	vgt.f32 v1, $0.0e+00  }
0x7f: {  	v1 =	vsel vm0, v1, v2  }
0x80: {  	v1 =	vmul.f32 $1.442695020e+00, v1;
	_ =	sdelay $0x1  }
0x81: {  	(erf) = vpow2.f32 v1;
	_ =	sdelay $0x2  }
0x82: {  	v1 =	vld [tilespmem:s11+$0x100]  }
0x83: {  	v2 =	vld [tilespmem:s11+$0xE0]  }
0x84: {  	v3 =	vld [tilespmem:s11+$0x90]  }
0x85: {  	v4 =	vld [tilespmem:s11+$0xC0]  }
0x86: {  	v5 =	vld [tilespmem:s11+$0xA0]  }
0x87: {  	v6 =	vld [tilespmem:s11+$0xB0]  }
0x88: {  	v7 =	vld [tilespmem:s11+$0xD0];
	v8 =	vpop (erf)  }
0x89: {  	[tilespmem:s11+$0x110] =	vst v8;
	v8 =	vperm.xlane v8, v0;
	v9 =	vld [tilespmem:s11+$0xF0];
	_ =	sdelay $0x1  }
0x8a: {  	v3 =	vmul.f32 v3, v8;
	v5 =	vmul.f32 v5, v8  }
0x8b: {  	v4 =	vmul.f32 v4, v8;
	v6 =	vmul.f32 v6, v8  }
0x8c: {  	v2 =	vmul.f32 v2, v8;
	[tilespmem:s11+$0x90] =	vst v3;
	v3 =	vmul.f32 v7, v8  }
0x8d: {  	v1 =	vmul.f32 v1, v8;
	[tilespmem:s11+$0xC0] =	vst v4;
	v4 =	vmul.f32 v9, v8  }
0x8e: {  	[tilespmem:s11+$0xD0] =	vst v3  }
0x8f: {  	[tilespmem:s11+$0xE0] =	vst v2  }
0x90: {  	[tilespmem:s11+$0xF0] =	vst v4  }
0x91: {  	s13 =	sshra.s32 s13, $0x2;
	[tilespmem:s11+$0x100] =	vst v1  }
0x92: {  	[tilespmem:s11+$0xA0] =	vst v5  }
0x93: {  	v1 =	vld [tilespmem:s9+$0xFFFFFF60];
	[tilespmem:s11+$0xB0] =	vst v6;
	s11 =	smov.u32 s9  }
0x94: {  	v2 =	vld [tilespmem:s13+$0x250];
	_ =	sdelay $0x4  }
0x95: {  	v1 =	vadd.f32 v2, v1;
	_ =	sdelay $0x1  }
0x96: {  	v2 =	vmul.f32 $2.000000030e-01, v1  }
0x97: {  	vm0 =	vgt.f32 v1, $0.0e+00  }
0x98: {  	v1 =	vsel vm0, v1, v2  }
0x99: {  	v1 =	vmul.f32 $1.442695020e+00, v1;
	_ =	sdelay $0x1  }
0x9a: {  	(erf) = vpow2.f32 v1;
	_ =	sdelay $0x3  }
0x9b: {  	v1 =	vld [tilespmem:s9+$0xFFFFFF30]  }
0x9c: {  	v2 =	vld [tilespmem:s9+$0xFFFFFF20]  }
0x9d: {  	v3 =	vld [tilespmem:s9+$0xFFFFFF10]  }
0x9e: {  	v4 =	vld [tilespmem:s9+$0xFFFFFEF0]  }
0x9f: {  	v5 =	vld [tilespmem:s9+$0xFFFFFF00]  }
0xa0: {  	v6 =	vld [tilespmem:s9+$0xFFFFFEE0];
	v7 =	vpop (erf)  }
0xa1: {  	[tilespmem:s9+$0xFFFFFF60] =	vst v7;
	v7 =	vperm.xlane v7, v0;
	v8 =	vld [tilespmem:s9+$0xFFFFFF50]  }
0xa2: {  	v9 =	vld [tilespmem:s9+$0xFFFFFF40]  }
0xa3: {  	v4 =	vmul.f32 v4, v7;
	v3 =	vmul.f32 v3, v7  }
0xa4: {  	v2 =	vmul.f32 v2, v7;
	v5 =	vmul.f32 v5, v7  }
0xa5: {  	v1 =	vmul.f32 v1, v7;
	v6 =	vmul.f32 v6, v7;
	[tilespmem:s9+$0xFFFFFEF0] =	vst v4  }
0xa6: {  	[tilespmem:s9+$0xFFFFFF00] =	vst v5;
	v4 =	vmul.f32 v8, v7  }
0xa7: {  	[tilespmem:s9+$0xFFFFFF10] =	vst v3;
	v3 =	vmul.f32 v9, v7  }
0xa8: {  	[tilespmem:s9+$0xFFFFFEE0] =	vst v6  }
0xa9: {  	[tilespmem:s9+$0xFFFFFF50] =	vst v4  }
0xaa: {  	[tilespmem:s9+$0xFFFFFF30] =	vst v1  }
0xab: {  	[tilespmem:s9+$0xFFFFFF40] =	vst v3  }
0xac: {  	[tilespmem:s9+$0xFFFFFF20] =	vst v2;
	v1 =	vld [tilespmem:s9+$0xFFFFFFF0]  }
0xad: {  	v2 =	vld [tilespmem:s13+$0x260];
	_ =	sdelay $0x4  }
0xae: {  	v1 =	vadd.f32 v2, v1;
	_ =	sdelay $0x1  }
0xaf: {  	v2 =	vmul.f32 $2.000000030e-01, v1  }
0xb0: {  	vm0 =	vgt.f32 v1, $0.0e+00  }
0xb1: {  	v1 =	vsel vm0, v1, v2  }
0xb2: {  	v1 =	vmul.f32 $1.442695020e+00, v1;
	_ =	sdelay $0x1  }
0xb3: {  	(erf) = vpow2.f32 v1;
	_ =	sdelay $0x2  }
0xb4: {  	v1 =	vld [tilespmem:s9+$0xFFFFFFE0]  }
0xb5: {  	v2 =	vld [tilespmem:s9+$0xFFFFFFC0]  }
0xb6: {  	v3 =	vld [tilespmem:s9+$0xFFFFFF90]  }
0xb7: {  	v4 =	vld [tilespmem:s9+$0xFFFFFFA0]  }
0xb8: {  	v5 =	vld [tilespmem:s9+$0xFFFFFF70]  }
0xb9: {  	v6 =	vld [tilespmem:s9+$0xFFFFFF80]  }
0xba: {  	v7 =	vld [tilespmem:s9+$0xFFFFFFB0];
	v8 =	vpop (erf)  }
0xbb: {  	[tilespmem:s9+$0xFFFFFFF0] =	vst v8;
	v8 =	vperm.xlane v8, v0;
	v9 =	vld [tilespmem:s9+$0xFFFFFFD0];
	_ =	sdelay $0x1  }
0xbc: {  	v5 =	vmul.f32 v5, v8;
	v4 =	vmul.f32 v4, v8  }
0xbd: {  	v3 =	vmul.f32 v3, v8;
	v6 =	vmul.f32 v6, v8  }
0xbe: {  	v2 =	vmul.f32 v2, v8;
	[tilespmem:s9+$0xFFFFFF70] =	vst v5;
	v5 =	vmul.f32 v7, v8  }
0xbf: {  	v1 =	vmul.f32 v1, v8;
	[tilespmem:s9+$0xFFFFFF80] =	vst v6;
	v6 =	vmul.f32 v9, v8  }
0xc0: {  	[tilespmem:s9+$0xFFFFFFB0] =	vst v5  }
0xc1: {  	[tilespmem:s9+$0xFFFFFFE0] =	vst v1  }
0xc2: {  	[tilespmem:s9+$0xFFFFFF90] =	vst v3  }
0xc3: {  	[tilespmem:s9+$0xFFFFFFA0] =	vst v4  }
0xc4: {  	[tilespmem:s9+$0xFFFFFFD0] =	vst v6  }
0xc5: {  	[tilespmem:s9+$0xFFFFFFC0] =	vst v2;
	v1 =	vld [tilespmem:s9+$0x80]  }
0xc6: {  	v2 =	vld [tilespmem:s13+$0x270];
	_ =	sdelay $0x4  }
0xc7: {  	v1 =	vadd.f32 v2, v1;
	_ =	sdelay $0x1  }
0xc8: {  	v2 =	vmul.f32 $2.000000030e-01, v1  }
0xc9: {  	vm0 =	vgt.f32 v1, $0.0e+00  }
0xca: {  	v1 =	vsel vm0, v1, v2  }
0xcb: {  	v1 =	vmul.f32 $1.442695020e+00, v1;
	_ =	sdelay $0x1  }
0xcc: {  	(erf) = vpow2.f32 v1;
	_ =	sdelay $0x2  }
0xcd: {  	v1 =	vld [tilespmem:s9+$0x70]  }
0xce: {  	v2 =	vld [tilespmem:s9+$0x50]  }
0xcf: {  	v3 =	vld [tilespmem:s9+$0x30]  }
0xd0: {  	v4 =	vld [tilespmem:s9+$0x10]  }
0xd1: {  	v5 =	vld [tilespmem:s9+$0x0]  }
0xd2: {  	v6 =	vld [tilespmem:s9+$0x20]  }
0xd3: {  	v7 =	vld [tilespmem:s9+$0x40];
	v8 =	vpop (erf)  }
0xd4: {  	[tilespmem:s9+$0x80] =	vst v8;
	v8 =	vperm.xlane v8, v0;
	v9 =	vld [tilespmem:s9+$0x60];
	_ =	sdelay $0x1  }
0xd5: {  	v5 =	vmul.f32 v5, v8;
	v4 =	vmul.f32 v4, v8  }
0xd6: {  	v3 =	vmul.f32 v3, v8;
	v6 =	vmul.f32 v6, v8  }
0xd7: {  	v2 =	vmul.f32 v2, v8;
	[tilespmem:s9+$0x0] =	vst v5;
	v5 =	vmul.f32 v7, v8  }
0xd8: {  	v1 =	vmul.f32 v1, v8;
	[tilespmem:s9+$0x30] =	vst v3;
	v3 =	vmul.f32 v9, v8  }
0xd9: {  	[tilespmem:s9+$0x40] =	vst v5  }
0xda: {  	[tilespmem:s9+$0x20] =	vst v6  }
.Ltmp0:
0xdb: {  	[tilespmem:s9+$0x10] =	vst v4;
	(pc) =	sbr.rel @p0 .LBB2_3-.Ltmp0, $4  }
0xdc: {  	[tilespmem:s9+$0x70] =	vst v1  }
0xdd: {  	[tilespmem:s9+$0x50] =	vst v2  }
0xde: {  	[tilespmem:s9+$0x60] =	vst v3;
	v1 =	vld [tilespmem:s9+$0x110]  }
0xdf: {  	v2 =	vld [tilespmem:s13+$0x280]  }
0xe0: {  	_ =	sdelay $0x3  }
0xe1: {  	v1 =	vadd.f32 v2, v1;
	_ =	sdelay $0x1  }
0xe2: {  	v2 =	vmul.f32 $2.000000030e-01, v1  }
0xe3: {  	vm0 =	vgt.f32 v1, $0.0e+00  }
0xe4: {  	v1 =	vsel vm0, v1, v2  }
0xe5: {  	v1 =	vmul.f32 $1.442695020e+00, v1;
	_ =	sdelay $0x1  }
0xe6: {  	(erf) = vpow2.f32 v1;
	_ =	sdelay $0x6  }
0xe7: {  	v3 =	vld [tilespmem:s11+$0x90]  }
0xe8: {  	v4 =	vld [tilespmem:s11+$0xC0]  }
0xe9: {  	v2 =	vld [tilespmem:s11+$0xE0];
	v6 =	vpop (erf)  }
0xea: {  	v7 =	vld [tilespmem:s11+$0xF0];
	[tilespmem:s11+$0x110] =	vst v6;
	v6 =	vperm.xlane v6, v0  }
0xeb: {  	v1 =	vld [tilespmem:s11+$0x100]  }
0xec: {  	v5 =	vld [tilespmem:s11+$0xD0];
	v3 =	vmul.f32 v3, v6  }
0xed: {  	v8 =	vld [tilespmem:s11+$0xA0];
	v4 =	vmul.f32 v4, v6  }
0xee: {  	v9 =	vld [tilespmem:s11+$0xB0];
	v2 =	vmul.f32 v2, v6;
	[tilespmem:s11+$0x90] =	vst v3  }
0xef: {  	v42 =	vmul.f32 v7, v6;
	[tilespmem:s11+$0xC0] =	vst v4  }
0xf0: {  	s9 =	sshll.u32 s28, $0x2;
	v1 =	vmul.f32 v1, v6;
	[tilespmem:s11+$0xE0] =	vst v2  }
0xf1: {  	s12 =	sand.u32 $0x4, s9;
	v3 =	vmul.f32 v5, v6;
	[tilespmem:s11+$0xF0] =	vst v42  }
0xf2: {  	s13 =	smul.u32 $0x140, s12;
	v2 =	vmul.f32 v8, v6;
	[tilespmem:s11+$0x100] =	vst v1  }
0xf3: {  	[tilespmem:s11+$0xD0] =	vst v3;
	v3 =	vmul.f32 v9, v6  }
0xf4: {  	s18 =	sshrl.u32 s13, $0x2;
	[tilespmem:s11+$0xA0] =	vst v2  }
0xf5: {  	s15 =	sxor.u32 $0x5, s12;
	s13 =	sadd.s32 $0x50, s18;
	[tilespmem:s11+$0xB0] =	vst v3  }
0xf6: {  	[spmem:s2] =	stream.indirect.scatter.add.f32 [tilespmem:s25], [sflag:$0x3], $0x90, s13, s22, $0xb8;
	[tilespmem:$0x1C610] =	vst v63  }
0xf7: {  	s11 =	smul.u32 $0x140, s15;
	_ =	swait.ge [sflag:s21], $0xA0  }
0xf8: {  	s12 =	sxor.u32 $0x4, s12;
	[sflag:s21] =	ssyncset.done $0x0  }
0xf9: {  	s12 =	smul.u32 $0x140, s12;
	s11 =	sshrl.u32 s11, $0x2;
	[sflag:s21] =	ssyncadd.s32 $0xFFFFFF60  }
0xfa: {  	[tilespmem:s23], [sflag:$0x1] =	stream.indirect.gather [hbm4b:s5+s22], $0x10, s11, s22, $0xb8;
	[tilespmem:$0x1C610] =	vst v63  }
0xfb: {  	s13 =	sshrl.u32 s12, $0x2  }
0xfc: {  	[tilespmem:s25], [sflag:$0x1] =	stream.indirect.gather [hbm4b:s7+s22], $0x90, s13, s22, $0xb8;
	[tilespmem:$0x1C610] =	vst v63  }
0xfd: {  	_ =	swait.ge [sflag:s0], $0x500  }
0xfe: {  	[sflag:s0] =	ssyncset.done $0x0  }
0xff: {  	[sflag:s0] =	ssyncadd.s32 $0xFFFFFB00  }
0x100: {  	_ =	swait.ge [sflag:s0], $0x2D00  }
0x101: {  	[sflag:s0] =	ssyncset.done $0x0  }
0x102: {  	s11 =	simm.s32 $0x3BB0;
	[sflag:s0] =	ssyncadd.s32 $0xFFFFD300  }
0x103: {  	s15 =	simm.s32 $0x0;
	v1 =	vld [tilespmem:s11+$0xFFFFFE50]  }
0x104: {  	v2 =	vld [tilespmem:s15+$0x780];
	_ =	sdelay $0x4  }
0x105: {  	v1 =	vadd.f32 v2, v1;
	_ =	sdelay $0x1  }
0x106: {  	v2 =	vmul.f32 $2.000000030e-01, v1  }
0x107: {  	vm13 =	vgt.f32 v1, $0.0e+00  }
0x108: {  	v1 =	vsel vm13, v1, v2  }
0x109: {  	v1 =	vmul.f32 $1.442695020e+00, v1;
	_ =	sdelay $0x1  }
0x10a: {  	(erf) = vpow2.f32 v1;
	_ =	sdelay $0x6  }
0x10b: {  	v2 =	vld [tilespmem:s11+$0xFFFFFDE0]  }
0x10c: {  	v3 =	vld [tilespmem:s11+$0xFFFFFDF0]  }
0x10d: {  	v43 =	vld [tilespmem:s11+$0xFFFFFE00];
	v44 =	vpop (erf)  }
0x10e: {  	v1 =	vld [tilespmem:s11+$0xFFFFFE20];
	v5 =	vperm.xlane v44, v0  }
0x10f: {  	v45 =	vld [tilespmem:s11+$0xFFFFFDD0]  }
0x110: {  	v46 =	vld [tilespmem:s11+$0xFFFFFE40];
	v2 =	vmul.f32 v2, v5  }
0x111: {  	v48 =	vld [tilespmem:s11+$0xFFFFFE30];
	[tilespmem:s11+$0xFFFFFE50] =	vst v44;
	v3 =	vmul.f32 v3, v5  }
0x112: {  	v47 =	vld [tilespmem:s11+$0xFFFFFE10];
	v4 =	vmul.f32 v43, v5;
	[tilespmem:s11+$0xFFFFFDE0] =	vst v2  }
0x113: {  	v1 =	vmul.f32 v1, v5;
	[tilespmem:s11+$0xFFFFFDF0] =	vst v3  }
0x114: {  	v2 =	vmul.f32 v45, v5;
	[tilespmem:s11+$0xFFFFFE00] =	vst v4  }
0x115: {  	v3 =	vmul.f32 v46, v5;
	[tilespmem:s11+$0xFFFFFE20] =	vst v1  }
0x116: {  	[tilespmem:s11+$0xFFFFFDD0] =	vst v2;
	v2 =	vmul.f32 v48, v5  }
0x117: {  	[tilespmem:s11+$0xFFFFFE40] =	vst v3;
	v3 =	vmul.f32 v47, v5  }
0x118: {  	[tilespmem:s11+$0xFFFFFE30] =	vst v2  }
0x119: {  	v1 =	vld [tilespmem:s11+$0xFFFFFEE0];
	[tilespmem:s11+$0xFFFFFE10] =	vst v3  }
0x11a: {  	v2 =	vld [tilespmem:s15+$0x790];
	_ =	sdelay $0x4  }
0x11b: {  	v1 =	vadd.f32 v2, v1;
	_ =	sdelay $0x1  }
0x11c: {  	v2 =	vmul.f32 $2.000000030e-01, v1  }
0x11d: {  	vm14 =	vgt.f32 v1, $0.0e+00  }
0x11e: {  	v1 =	vsel vm14, v1, v2  }
0x11f: {  	v1 =	vmul.f32 $1.442695020e+00, v1;
	_ =	sdelay $0x1  }
0x120: {  	(erf) = vpow2.f32 v1;
	_ =	sdelay $0x6  }
0x121: {  	v2 =	vld [tilespmem:s11+$0xFFFFFE60]  }
0x122: {  	v3 =	vld [tilespmem:s11+$0xFFFFFE70]  }
0x123: {  	v1 =	vld [tilespmem:s11+$0xFFFFFED0];
	v50 =	vpop (erf)  }
0x124: {  	v49 =	vld [tilespmem:s11+$0xFFFFFEA0];
	v52 =	vperm.xlane v50, v0  }
0x125: {  	v53 =	vld [tilespmem:s11+$0xFFFFFE80]  }
0x126: {  	v55 =	vld [tilespmem:s11+$0xFFFFFEC0];
	v2 =	vmul.f32 v2, v52  }
0x127: {  	v54 =	vld [tilespmem:s11+$0xFFFFFE90];
	[tilespmem:s11+$0xFFFFFEE0] =	vst v50;
	v3 =	vmul.f32 v3, v52  }
0x128: {  	v51 =	vld [tilespmem:s11+$0xFFFFFEB0];
	v1 =	vmul.f32 v1, v52;
	[tilespmem:s11+$0xFFFFFE60] =	vst v2  }
0x129: {  	v2 =	vmul.f32 v49, v52;
	[tilespmem:s11+$0xFFFFFE70] =	vst v3  }
0x12a: {  	v3 =	vmul.f32 v53, v52;
	[tilespmem:s11+$0xFFFFFED0] =	vst v1  }
0x12b: {  	v1 =	vmul.f32 v55, v52;
	[tilespmem:s11+$0xFFFFFEA0] =	vst v2  }
0x12c: {  	v2 =	vmul.f32 v54, v52;
	[tilespmem:s11+$0xFFFFFE80] =	vst v3  }
0x12d: {  	v3 =	vmul.f32 v51, v52;
	[tilespmem:s11+$0xFFFFFEC0] =	vst v1  }
0x12e: {  	[tilespmem:s11+$0xFFFFFE90] =	vst v2  }
0x12f: {  	v1 =	vld [tilespmem:s11+$0xFFFFFF70];
	[tilespmem:s11+$0xFFFFFEB0] =	vst v3  }
0x130: {  	v2 =	vld [tilespmem:s15+$0x7A0];
	_ =	sdelay $0x4  }
0x131: {  	v1 =	vadd.f32 v2, v1;
	_ =	sdelay $0x1  }
0x132: {  	v2 =	vmul.f32 $2.000000030e-01, v1  }
0x133: {  	vm15 =	vgt.f32 v1, $0.0e+00  }
0x134: {  	v1 =	vsel vm15, v1, v2  }
0x135: {  	v1 =	vmul.f32 $1.442695020e+00, v1;
	_ =	sdelay $0x1  }
0x136: {  	(erf) = vpow2.f32 v1;
	_ =	sdelay $0x6  }
0x137: {  	v2 =	vld [tilespmem:s11+$0xFFFFFEF0]  }
0x138: {  	v3 =	vld [tilespmem:s11+$0xFFFFFF20]  }
0x139: {  	v58 =	vld [tilespmem:s11+$0xFFFFFF10];
	v57 =	vpop (erf)  }
0x13a: {  	v1 =	vld [tilespmem:s11+$0xFFFFFF60];
	v59 =	vperm.xlane v57, v0  }
0x13b: {  	v56 =	vld [tilespmem:s11+$0xFFFFFF30]  }
0x13c: {  	v60 =	vld [tilespmem:s11+$0xFFFFFF00];
	v2 =	vmul.f32 v2, v59  }
0x13d: {  	v61 =	vld [tilespmem:s11+$0xFFFFFF40];
	[tilespmem:s11+$0xFFFFFF70] =	vst v57;
	v3 =	vmul.f32 v3, v59  }
0x13e: {  	v62 =	vld [tilespmem:s11+$0xFFFFFF50];
	v63 =	vmul.f32 v58, v59;
	[tilespmem:s11+$0xFFFFFEF0] =	vst v2  }
0x13f: {  	v1 =	vmul.f32 v1, v59;
	[tilespmem:s11+$0xFFFFFF20] =	vst v3  }
0x140: {  	v2 =	vmul.f32 v56, v59;
	[tilespmem:s11+$0xFFFFFF10] =	vst v63  }
0x141: {  	v3 =	vmul.f32 v60, v59;
	[tilespmem:s11+$0xFFFFFF60] =	vst v1  }
0x142: {  	[tilespmem:s11+$0xFFFFFF30] =	vst v2;
	v2 =	vmul.f32 v61, v59  }
0x143: {  	[tilespmem:s11+$0xFFFFFF00] =	vst v3;
	v3 =	vmul.f32 v62, v59  }
0x144: {  	[tilespmem:s11+$0xFFFFFF40] =	vst v2  }
0x145: {  	v1 =	vld [tilespmem:s11+$0x0];
	[tilespmem:s11+$0xFFFFFF50] =	vst v3  }
0x146: {  	s12 =	simm.s32 $0x3BB0;
	s13 =	simm.s32 $0x100;
	v2 =	vld [tilespmem:s15+$0x7B0]  }
.LBB2_5:
0x147: {  	_ = 	snop  }
0x148: {  	p0 =	sne.s32 s13, $0x1300  }
0x149: {  	s11 =	sadd.s32 $0x240, s11;
	s15 =	smov.u32 s13;
	s13 =	sadd.s32 $0x100, s13  }
0x14a: {  	_ = 	snop  }
0x14b: {  	v1 =	vadd.f32 v2, v1;
	_ =	sdelay $0x1  }
0x14c: {  	v2 =	vmul.f32 $2.000000030e-01, v1  }
0x14d: {  	vm0 =	vgt.f32 v1, $0.0e+00  }
0x14e: {  	v1 =	vsel vm0, v1, v2  }
0x14f: {  	v1 =	vmul.f32 $1.442695020e+00, v1;
	_ =	sdelay $0x1  }
0x150: {  	(erf) = vpow2.f32 v1;
	_ =	sdelay $0x2  }
0x151: {  	v1 =	vld [tilespmem:s12+$0xFFFFFFF0]  }
0x152: {  	v2 =	vld [tilespmem:s12+$0xFFFFFFD0]  }
0x153: {  	v3 =	vld [tilespmem:s12+$0xFFFFFF80]  }
0x154: {  	v4 =	vld [tilespmem:s12+$0xFFFFFFB0]  }
0x155: {  	v5 =	vld [tilespmem:s12+$0xFFFFFF90]  }
0x156: {  	v6 =	vld [tilespmem:s12+$0xFFFFFFA0]  }
0x157: {  	v7 =	vld [tilespmem:s12+$0xFFFFFFC0];
	v8 =	vpop (erf)  }
0x158: {  	[tilespmem:s12+$0x0] =	vst v8;
	v8 =	vperm.xlane v8, v0;
	v9 =	vld [tilespmem:s12+$0xFFFFFFE0];
	_ =	sdelay $0x1  }
0x159: {  	v3 =	vmul.f32 v3, v8;
	v5 =	vmul.f32 v5, v8  }
0x15a: {  	v4 =	vmul.f32 v4, v8;
	v6 =	vmul.f32 v6, v8  }
0x15b: {  	v2 =	vmul.f32 v2, v8;
	[tilespmem:s12+$0xFFFFFF80] =	vst v3;
	v3 =	vmul.f32 v7, v8  }
0x15c: {  	v1 =	vmul.f32 v1, v8;
	[tilespmem:s12+$0xFFFFFFB0] =	vst v4;
	v4 =	vmul.f32 v9, v8  }
0x15d: {  	[tilespmem:s12+$0xFFFFFFC0] =	vst v3  }
0x15e: {  	[tilespmem:s12+$0xFFFFFFD0] =	vst v2  }
0x15f: {  	[tilespmem:s12+$0xFFFFFFE0] =	vst v4  }
0x160: {  	s15 =	sshra.s32 s15, $0x2;
	[tilespmem:s12+$0xFFFFFFF0] =	vst v1  }
0x161: {  	[tilespmem:s12+$0xFFFFFF90] =	vst v5  }
0x162: {  	v1 =	vld [tilespmem:s11+$0xFFFFFE50];
	[tilespmem:s12+$0xFFFFFFA0] =	vst v6;
	s12 =	smov.u32 s11  }
0x163: {  	v2 =	vld [tilespmem:s15+$0x780];
	_ =	sdelay $0x4  }
0x164: {  	v1 =	vadd.f32 v2, v1;
	_ =	sdelay $0x1  }
0x165: {  	v2 =	vmul.f32 $2.000000030e-01, v1  }
0x166: {  	vm0 =	vgt.f32 v1, $0.0e+00  }
0x167: {  	v1 =	vsel vm0, v1, v2  }
0x168: {  	v1 =	vmul.f32 $1.442695020e+00, v1;
	_ =	sdelay $0x1  }
0x169: {  	(erf) = vpow2.f32 v1;
	_ =	sdelay $0x3  }
0x16a: {  	v1 =	vld [tilespmem:s11+$0xFFFFFE20]  }
0x16b: {  	v2 =	vld [tilespmem:s11+$0xFFFFFE10]  }
0x16c: {  	v3 =	vld [tilespmem:s11+$0xFFFFFE00]  }
0x16d: {  	v4 =	vld [tilespmem:s11+$0xFFFFFDE0]  }
0x16e: {  	v5 =	vld [tilespmem:s11+$0xFFFFFDF0]  }
0x16f: {  	v6 =	vld [tilespmem:s11+$0xFFFFFDD0];
	v7 =	vpop (erf)  }
0x170: {  	[tilespmem:s11+$0xFFFFFE50] =	vst v7;
	v7 =	vperm.xlane v7, v0;
	v8 =	vld [tilespmem:s11+$0xFFFFFE40]  }
0x171: {  	v9 =	vld [tilespmem:s11+$0xFFFFFE30]  }
0x172: {  	v4 =	vmul.f32 v4, v7;
	v3 =	vmul.f32 v3, v7  }
0x173: {  	v2 =	vmul.f32 v2, v7;
	v5 =	vmul.f32 v5, v7  }
0x174: {  	v1 =	vmul.f32 v1, v7;
	v6 =	vmul.f32 v6, v7;
	[tilespmem:s11+$0xFFFFFDE0] =	vst v4  }
0x175: {  	[tilespmem:s11+$0xFFFFFDF0] =	vst v5;
	v4 =	vmul.f32 v8, v7  }
0x176: {  	[tilespmem:s11+$0xFFFFFE00] =	vst v3;
	v3 =	vmul.f32 v9, v7  }
0x177: {  	[tilespmem:s11+$0xFFFFFDD0] =	vst v6  }
0x178: {  	[tilespmem:s11+$0xFFFFFE40] =	vst v4  }
0x179: {  	[tilespmem:s11+$0xFFFFFE20] =	vst v1  }
0x17a: {  	[tilespmem:s11+$0xFFFFFE30] =	vst v3  }
0x17b: {  	[tilespmem:s11+$0xFFFFFE10] =	vst v2;
	v1 =	vld [tilespmem:s11+$0xFFFFFEE0]  }
0x17c: {  	v2 =	vld [tilespmem:s15+$0x790];
	_ =	sdelay $0x4  }
0x17d: {  	v1 =	vadd.f32 v2, v1;
	_ =	sdelay $0x1  }
0x17e: {  	v2 =	vmul.f32 $2.000000030e-01, v1  }
0x17f: {  	vm0 =	vgt.f32 v1, $0.0e+00  }
0x180: {  	v1 =	vsel vm0, v1, v2  }
0x181: {  	v1 =	vmul.f32 $1.442695020e+00, v1;
	_ =	sdelay $0x1  }
0x182: {  	(erf) = vpow2.f32 v1;
	_ =	sdelay $0x2  }
0x183: {  	v1 =	vld [tilespmem:s11+$0xFFFFFED0]  }
0x184: {  	v2 =	vld [tilespmem:s11+$0xFFFFFEB0]  }
0x185: {  	v3 =	vld [tilespmem:s11+$0xFFFFFE80]  }
0x186: {  	v4 =	vld [tilespmem:s11+$0xFFFFFE90]  }
0x187: {  	v5 =	vld [tilespmem:s11+$0xFFFFFE60]  }
0x188: {  	v6 =	vld [tilespmem:s11+$0xFFFFFE70]  }
0x189: {  	v7 =	vld [tilespmem:s11+$0xFFFFFEA0];
	v8 =	vpop (erf)  }
0x18a: {  	[tilespmem:s11+$0xFFFFFEE0] =	vst v8;
	v8 =	vperm.xlane v8, v0;
	v9 =	vld [tilespmem:s11+$0xFFFFFEC0];
	_ =	sdelay $0x1  }
0x18b: {  	v5 =	vmul.f32 v5, v8;
	v4 =	vmul.f32 v4, v8  }
0x18c: {  	v3 =	vmul.f32 v3, v8;
	v6 =	vmul.f32 v6, v8  }
0x18d: {  	v2 =	vmul.f32 v2, v8;
	[tilespmem:s11+$0xFFFFFE60] =	vst v5;
	v5 =	vmul.f32 v7, v8  }
0x18e: {  	v1 =	vmul.f32 v1, v8;
	[tilespmem:s11+$0xFFFFFE70] =	vst v6;
	v6 =	vmul.f32 v9, v8  }
0x18f: {  	[tilespmem:s11+$0xFFFFFEA0] =	vst v5  }
0x190: {  	[tilespmem:s11+$0xFFFFFED0] =	vst v1  }
0x191: {  	[tilespmem:s11+$0xFFFFFE80] =	vst v3  }
0x192: {  	[tilespmem:s11+$0xFFFFFE90] =	vst v4  }
0x193: {  	[tilespmem:s11+$0xFFFFFEC0] =	vst v6  }
0x194: {  	[tilespmem:s11+$0xFFFFFEB0] =	vst v2;
	v1 =	vld [tilespmem:s11+$0xFFFFFF70]  }
0x195: {  	v2 =	vld [tilespmem:s15+$0x7A0];
	_ =	sdelay $0x4  }
0x196: {  	v1 =	vadd.f32 v2, v1;
	_ =	sdelay $0x1  }
0x197: {  	v2 =	vmul.f32 $2.000000030e-01, v1  }
0x198: {  	vm0 =	vgt.f32 v1, $0.0e+00  }
0x199: {  	v1 =	vsel vm0, v1, v2  }
0x19a: {  	v1 =	vmul.f32 $1.442695020e+00, v1;
	_ =	sdelay $0x1  }
0x19b: {  	(erf) = vpow2.f32 v1;
	_ =	sdelay $0x2  }
0x19c: {  	v1 =	vld [tilespmem:s11+$0xFFFFFF60]  }
0x19d: {  	v2 =	vld [tilespmem:s11+$0xFFFFFF40]  }
0x19e: {  	v3 =	vld [tilespmem:s11+$0xFFFFFF20]  }
0x19f: {  	v4 =	vld [tilespmem:s11+$0xFFFFFF00]  }
0x1a0: {  	v5 =	vld [tilespmem:s11+$0xFFFFFEF0]  }
0x1a1: {  	v6 =	vld [tilespmem:s11+$0xFFFFFF10]  }
0x1a2: {  	v7 =	vld [tilespmem:s11+$0xFFFFFF30];
	v8 =	vpop (erf)  }
0x1a3: {  	[tilespmem:s11+$0xFFFFFF70] =	vst v8;
	v8 =	vperm.xlane v8, v0;
	v9 =	vld [tilespmem:s11+$0xFFFFFF50];
	_ =	sdelay $0x1  }
0x1a4: {  	v5 =	vmul.f32 v5, v8;
	v4 =	vmul.f32 v4, v8  }
0x1a5: {  	v3 =	vmul.f32 v3, v8;
	v6 =	vmul.f32 v6, v8  }
0x1a6: {  	v2 =	vmul.f32 v2, v8;
	[tilespmem:s11+$0xFFFFFEF0] =	vst v5;
	v5 =	vmul.f32 v7, v8  }
0x1a7: {  	v1 =	vmul.f32 v1, v8;
	[tilespmem:s11+$0xFFFFFF20] =	vst v3;
	v3 =	vmul.f32 v9, v8  }
0x1a8: {  	[tilespmem:s11+$0xFFFFFF30] =	vst v5  }
0x1a9: {  	[tilespmem:s11+$0xFFFFFF10] =	vst v6  }
.Ltmp1:
0x1aa: {  	[tilespmem:s11+$0xFFFFFF00] =	vst v4;
	(pc) =	sbr.rel @p0 .LBB2_5-.Ltmp1, $4  }
0x1ab: {  	[tilespmem:s11+$0xFFFFFF60] =	vst v1  }
0x1ac: {  	[tilespmem:s11+$0xFFFFFF40] =	vst v2  }
0x1ad: {  	[tilespmem:s11+$0xFFFFFF50] =	vst v3;
	v1 =	vld [tilespmem:s11+$0x0]  }
0x1ae: {  	v2 =	vld [tilespmem:s15+$0x7B0]  }
0x1af: {  	_ =	sdelay $0x3  }
0x1b0: {  	v1 =	vadd.f32 v2, v1;
	_ =	sdelay $0x1  }
0x1b1: {  	v2 =	vmul.f32 $2.000000030e-01, v1  }
0x1b2: {  	vm0 =	vgt.f32 v1, $0.0e+00  }
0x1b3: {  	v1 =	vsel vm0, v1, v2  }
0x1b4: {  	v1 =	vmul.f32 $1.442695020e+00, v1;
	_ =	sdelay $0x1  }
0x1b5: {  	(erf) = vpow2.f32 v1;
	_ =	sdelay $0x6  }
0x1b6: {  	v3 =	vld [tilespmem:s12+$0xFFFFFF80]  }
0x1b7: {  	v4 =	vld [tilespmem:s12+$0xFFFFFFB0]  }
0x1b8: {  	v2 =	vld [tilespmem:s12+$0xFFFFFFD0];
	v6 =	vpop (erf)  }
0x1b9: {  	v7 =	vld [tilespmem:s12+$0xFFFFFFE0];
	[tilespmem:s12+$0x0] =	vst v6;
	v6 =	vperm.xlane v6, v0  }
0x1ba: {  	v1 =	vld [tilespmem:s12+$0xFFFFFFF0]  }
0x1bb: {  	v5 =	vld [tilespmem:s12+$0xFFFFFFC0];
	v3 =	vmul.f32 v3, v6  }
0x1bc: {  	v8 =	vld [tilespmem:s12+$0xFFFFFF90];
	v4 =	vmul.f32 v4, v6  }
0x1bd: {  	v9 =	vld [tilespmem:s12+$0xFFFFFFA0];
	v2 =	vmul.f32 v2, v6;
	[tilespmem:s12+$0xFFFFFF80] =	vst v3  }
0x1be: {  	v63 =	vmul.f32 v7, v6;
	[tilespmem:s12+$0xFFFFFFB0] =	vst v4  }
0x1bf: {  	v1 =	vmul.f32 v1, v6;
	[tilespmem:s12+$0xFFFFFFD0] =	vst v2  }
0x1c0: {  	p0 =	sne.s32 s28, $0x3D;
	v3 =	vmul.f32 v5, v6;
	[tilespmem:s12+$0xFFFFFFE0] =	vst v63  }
.Ltmp2:
0x1c1: {  	v2 =	vmul.f32 v8, v6;
	[tilespmem:s12+$0xFFFFFFF0] =	vst v1;
	(pc) =	sbr.rel @!p0 .LBB2_7-.Ltmp2, $4  }
0x1c2: {  	[tilespmem:s12+$0xFFFFFFC0] =	vst v3;
	v3 =	vmul.f32 v9, v6  }
0x1c3: {  	[tilespmem:s12+$0xFFFFFF90] =	vst v2  }
0x1c4: {  	s11 =	sadd.s32 $0xF0, s18;
	[tilespmem:s12+$0xFFFFFFA0] =	vst v3  }
0x1c5: {  	[spmem:s2] =	stream.indirect.scatter.add.f32 [tilespmem:s30], [sflag:$0x4], $0x90, s11, s22, $0xb8;
	[tilespmem:$0x1C610] =	vst v63  }
0x1c6: {  	s9 =	sadd.s32 $0x6, s9  }
0x1c7: {  	s9 =	sand.u32 $0x6, s9  }
0x1c8: {  	s9 =	smul.u32 $0x140, s9  }
0x1c9: {  	_ =	swait.ge [sflag:s26], $0xA0  }
0x1ca: {  	[sflag:s26] =	ssyncset.done $0x0;
	s9 =	sshrl.u32 s9, $0x2  }
0x1cb: {  	[sflag:s26] =	ssyncadd.s32 $0xFFFFFF60;
	s11 =	sadd.s32 $0x50, s9  }
0x1cc: {  	[tilespmem:s29], [sflag:$0x2] =	stream.indirect.gather [hbm4b:s5+s22], $0x10, s11, s22, $0xb8;
	[tilespmem:$0x1C610] =	vst v63  }
0x1cd: {  	_ = 	snop  }
0x1ce: {  	[tilespmem:s30], [sflag:$0x2] =	stream.indirect.gather [hbm4b:s7+s22], $0x90, s9, s22, $0xb8;
	[tilespmem:$0x1C610] =	vst v63  }
0x1cf: {  	_ =	swait.ge [sflag:s3], $0x2D00  }
0x1d0: {  	s15 =	smul.u32 $0x140, s28;
	[sflag:s3] =	ssyncset.done $0x0  }
0x1d1: {  	[sflag:s3] =	ssyncadd.s32 $0xFFFFD300  }
0x1d2: {  	s9 =	sadd.s32 s15, s14;
	_ =	swait.ge [sflag:s19], $0x2D00  }
0x1d3: {  	s9 =	sshrl.u32 s9, $0x3;
	[sflag:s19] =	ssyncset.done $0x0  }
0x1d4: {  	s9 =	sadd.s32 s1, s9;
	[sflag:s19] =	ssyncadd.s32 $0xFFFFD300  }
0x1d5: {  	[tilespmem:s18], [sflag:$0x5] =	stream.linear.gather [hbm4b:s9+s4], $0xA0, $0x38;
	[tilespmem:$0x1C610] =	vst v63  }
0x1d6: {  	p0 =	sgt.u32 s28, $0x3B;
	s9 =	sshll.u32 s28, $0x1  }
0x1d7: {  	s9 =	sadd.s32 @!p0 $0x5, s9  }
0x1d8: {  	s11 =	smul.u32 @!p0 $0xA0, s9;
	s9 =	sshll.u32 @!p0 s9, $0x1  }
0x1d9: {  	s9 =	sand.u32 @!p0 $0x6, s9  }
0x1da: {  	s11 =	sadd.s32 @!p0 s6, s11;
	s9 =	smul.u32 @!p0 $0x140, s9  }
0x1db: {  	s12 =	simm.s32 @!p0 $0x0;
	s11 =	sshrl.u32 @!p0 s11, $0x3  }
0x1dc: {  	s28 =	sadd.s32 $0x1, s28;
	s9 =	sshrl.u32 @!p0 s9, $0x2;
	s11 =	sadd.s32 @!p0 s1, s11  }
0x1dd: {  	[tilespmem:s9], [sflag:$0x6] =	stream.linear.gather @!p0 [hbm4b:s11+s12], $0xA0, $0x38;
	[tilespmem:$0x1C610] =	vst v63  }
0x1de: {  	p0 =	sne.s32 s28, $0x3E  }
.Ltmp3:
0x1df: {  	_ = 	snop;
	(pc) =	sbr.rel @p0 .LBB2_2-.Ltmp3, $4  }
.Ltmp4:
0x1e0: {  	_ = 	snop;
	(pc) =	sbr.rel @!p0 .LBB2_9-.Ltmp4, $4  }
0x1e1: {  	_ = 	snop  }
0x1e2: {  	_ = 	snop  }
0x1e3: {  	_ = 	snop  }
0x1e4: {  	_ = 	snop  }
.LBB2_7:
0x1e5: {  	_ =	swait.ge [sflag:s3], $0x2D00  }
0x1e6: {  	[sflag:s3] =	ssyncset.done $0x0  }
0x1e7: {  	[sflag:s3] =	ssyncadd.s32 $0xFFFFD300  }
0x1e8: {  	_ =	swait.ge [sflag:s19], $0x2D00  }
0x1e9: {  	[sflag:s19] =	ssyncset.done $0x0  }
0x1ea: {  	[sflag:s19] =	ssyncadd.s32 $0xFFFFD300  }
.LBB2_9:
0x1eb: {  	_ =	swait.ge [sflag:s31], $0x500  }
0x1ec: {  	[sflag:s31] =	ssyncset.done $0x0  }
0x1ed: {  	[sflag:s31] =	ssyncadd.s32 $0xFFFFFB00  }
0x1ee: {  	_ =	swait.ge [sflag:s31], $0x2D00  }
0x1ef: {  	[sflag:s31] =	ssyncset.done $0x0  }
0x1f0: {  	s9 =	simm.s32 $0xDA0;
	[sflag:s31] =	ssyncadd.s32 $0xFFFFD300  }
0x1f1: {  	s11 =	simm.s32 $0x30;
	v1 =	vld [tilespmem:s9+$0xFFFFFF60]  }
0x1f2: {  	v2 =	vld [tilespmem:s11+$0x250];
	_ =	sdelay $0x4  }
0x1f3: {  	v1 =	vadd.f32 v2, v1;
	_ =	sdelay $0x1  }
0x1f4: {  	v2 =	vmul.f32 $2.000000030e-01, v1  }
0x1f5: {  	vm0 =	vgt.f32 v1, $0.0e+00  }
0x1f6: {  	v1 =	vsel vm0, v1, v2  }
0x1f7: {  	v1 =	vmul.f32 $1.442695020e+00, v1;
	_ =	sdelay $0x1  }
0x1f8: {  	(erf) = vpow2.f32 v1;
	_ =	sdelay $0x6  }
0x1f9: {  	v2 =	vld [tilespmem:s9+$0xFFFFFEF0]  }
0x1fa: {  	v3 =	vld [tilespmem:s9+$0xFFFFFF00]  }
0x1fb: {  	v4 =	vld [tilespmem:s9+$0xFFFFFF10];
	v5 =	vpop (erf)  }
0x1fc: {  	v1 =	vld [tilespmem:s9+$0xFFFFFF30];
	[tilespmem:s9+$0xFFFFFF60] =	vst v5;
	v5 =	vperm.xlane v5, v0  }
0x1fd: {  	v6 =	vld [tilespmem:s9+$0xFFFFFEE0]  }
0x1fe: {  	v7 =	vld [tilespmem:s9+$0xFFFFFF50];
	v2 =	vmul.f32 v2, v5  }
0x1ff: {  	v9 =	vld [tilespmem:s9+$0xFFFFFF40];
	v3 =	vmul.f32 v3, v5  }
0x200: {  	v8 =	vld [tilespmem:s9+$0xFFFFFF20];
	v4 =	vmul.f32 v4, v5;
	[tilespmem:s9+$0xFFFFFEF0] =	vst v2  }
0x201: {  	v1 =	vmul.f32 v1, v5;
	[tilespmem:s9+$0xFFFFFF00] =	vst v3  }
0x202: {  	v2 =	vmul.f32 v6, v5;
	[tilespmem:s9+$0xFFFFFF10] =	vst v4  }
0x203: {  	v3 =	vmul.f32 v7, v5;
	[tilespmem:s9+$0xFFFFFF30] =	vst v1  }
0x204: {  	[tilespmem:s9+$0xFFFFFEE0] =	vst v2;
	v2 =	vmul.f32 v9, v5  }
0x205: {  	[tilespmem:s9+$0xFFFFFF50] =	vst v3;
	v3 =	vmul.f32 v8, v5  }
0x206: {  	[tilespmem:s9+$0xFFFFFF40] =	vst v2  }
0x207: {  	v1 =	vld [tilespmem:s9+$0xFFFFFFF0];
	[tilespmem:s9+$0xFFFFFF20] =	vst v3  }
0x208: {  	v2 =	vld [tilespmem:s11+$0x260];
	_ =	sdelay $0x4  }
0x209: {  	v1 =	vadd.f32 v2, v1;
	_ =	sdelay $0x1  }
0x20a: {  	v2 =	vmul.f32 $2.000000030e-01, v1  }
0x20b: {  	vm14 =	vgt.f32 v1, $0.0e+00  }
0x20c: {  	v1 =	vsel vm14, v1, v2  }
0x20d: {  	v1 =	vmul.f32 $1.442695020e+00, v1;
	_ =	sdelay $0x1  }
0x20e: {  	(erf) = vpow2.f32 v1;
	_ =	sdelay $0x6  }
0x20f: {  	v2 =	vld [tilespmem:s9+$0xFFFFFF70]  }
0x210: {  	v3 =	vld [tilespmem:s9+$0xFFFFFF80]  }
0x211: {  	v1 =	vld [tilespmem:s9+$0xFFFFFFE0];
	v50 =	vpop (erf)  }
0x212: {  	v49 =	vld [tilespmem:s9+$0xFFFFFFB0];
	v52 =	vperm.xlane v50, v0  }
0x213: {  	v53 =	vld [tilespmem:s9+$0xFFFFFF90]  }
0x214: {  	v55 =	vld [tilespmem:s9+$0xFFFFFFD0];
	v2 =	vmul.f32 v2, v52  }
0x215: {  	v54 =	vld [tilespmem:s9+$0xFFFFFFA0];
	[tilespmem:s9+$0xFFFFFFF0] =	vst v50;
	v3 =	vmul.f32 v3, v52  }
0x216: {  	v51 =	vld [tilespmem:s9+$0xFFFFFFC0];
	v1 =	vmul.f32 v1, v52;
	[tilespmem:s9+$0xFFFFFF70] =	vst v2  }
0x217: {  	v2 =	vmul.f32 v49, v52;
	[tilespmem:s9+$0xFFFFFF80] =	vst v3  }
0x218: {  	v3 =	vmul.f32 v53, v52;
	[tilespmem:s9+$0xFFFFFFE0] =	vst v1  }
0x219: {  	v1 =	vmul.f32 v55, v52;
	[tilespmem:s9+$0xFFFFFFB0] =	vst v2  }
0x21a: {  	v2 =	vmul.f32 v54, v52;
	[tilespmem:s9+$0xFFFFFF90] =	vst v3  }
0x21b: {  	v3 =	vmul.f32 v51, v52;
	[tilespmem:s9+$0xFFFFFFD0] =	vst v1  }
0x21c: {  	[tilespmem:s9+$0xFFFFFFA0] =	vst v2  }
0x21d: {  	v1 =	vld [tilespmem:s9+$0x80];
	[tilespmem:s9+$0xFFFFFFC0] =	vst v3  }
0x21e: {  	v2 =	vld [tilespmem:s11+$0x270];
	_ =	sdelay $0x4  }
0x21f: {  	v1 =	vadd.f32 v2, v1;
	_ =	sdelay $0x1  }
0x220: {  	v2 =	vmul.f32 $2.000000030e-01, v1  }
0x221: {  	vm15 =	vgt.f32 v1, $0.0e+00  }
0x222: {  	v1 =	vsel vm15, v1, v2  }
0x223: {  	v1 =	vmul.f32 $1.442695020e+00, v1;
	_ =	sdelay $0x1  }
0x224: {  	(erf) = vpow2.f32 v1;
	_ =	sdelay $0x6  }
0x225: {  	v2 =	vld [tilespmem:s9+$0x0]  }
0x226: {  	v3 =	vld [tilespmem:s9+$0x30]  }
0x227: {  	v58 =	vld [tilespmem:s9+$0x20];
	v57 =	vpop (erf)  }
0x228: {  	v1 =	vld [tilespmem:s9+$0x70];
	v59 =	vperm.xlane v57, v0  }
0x229: {  	v56 =	vld [tilespmem:s9+$0x40]  }
0x22a: {  	v60 =	vld [tilespmem:s9+$0x10];
	v2 =	vmul.f32 v2, v59  }
0x22b: {  	v61 =	vld [tilespmem:s9+$0x50];
	[tilespmem:s9+$0x80] =	vst v57;
	v3 =	vmul.f32 v3, v59  }
0x22c: {  	v62 =	vld [tilespmem:s9+$0x60];
	v63 =	vmul.f32 v58, v59;
	[tilespmem:s9+$0x0] =	vst v2  }
0x22d: {  	v1 =	vmul.f32 v1, v59;
	[tilespmem:s9+$0x30] =	vst v3  }
0x22e: {  	v2 =	vmul.f32 v56, v59;
	[tilespmem:s9+$0x20] =	vst v63  }
0x22f: {  	v3 =	vmul.f32 v60, v59;
	[tilespmem:s9+$0x70] =	vst v1  }
0x230: {  	[tilespmem:s9+$0x40] =	vst v2;
	v2 =	vmul.f32 v61, v59  }
0x231: {  	[tilespmem:s9+$0x10] =	vst v3;
	v3 =	vmul.f32 v62, v59  }
0x232: {  	[tilespmem:s9+$0x50] =	vst v2  }
0x233: {  	v1 =	vld [tilespmem:s9+$0x110];
	[tilespmem:s9+$0x60] =	vst v3  }
0x234: {  	s12 =	simm.s32 $0x1C0;
	v2 =	vld [tilespmem:s11+$0x280];
	s11 =	simm.s32 $0xDA0  }
.LBB2_10:
0x235: {  	_ = 	snop  }
0x236: {  	p0 =	sne.s32 s12, $0x13C0  }
0x237: {  	s9 =	sadd.s32 $0x240, s9;
	s13 =	smov.u32 s12;
	s12 =	sadd.s32 $0x100, s12  }
0x238: {  	_ = 	snop  }
0x239: {  	v1 =	vadd.f32 v2, v1;
	_ =	sdelay $0x1  }
0x23a: {  	v2 =	vmul.f32 $2.000000030e-01, v1  }
0x23b: {  	vm0 =	vgt.f32 v1, $0.0e+00  }
0x23c: {  	v1 =	vsel vm0, v1, v2  }
0x23d: {  	v1 =	vmul.f32 $1.442695020e+00, v1;
	_ =	sdelay $0x1  }
0x23e: {  	(erf) = vpow2.f32 v1;
	_ =	sdelay $0x2  }
0x23f: {  	v1 =	vld [tilespmem:s11+$0x100]  }
0x240: {  	v2 =	vld [tilespmem:s11+$0xE0]  }
0x241: {  	v3 =	vld [tilespmem:s11+$0x90]  }
0x242: {  	v4 =	vld [tilespmem:s11+$0xC0]  }
0x243: {  	v5 =	vld [tilespmem:s11+$0xA0]  }
0x244: {  	v6 =	vld [tilespmem:s11+$0xB0]  }
0x245: {  	v7 =	vld [tilespmem:s11+$0xD0];
	v8 =	vpop (erf)  }
0x246: {  	[tilespmem:s11+$0x110] =	vst v8;
	v8 =	vperm.xlane v8, v0;
	v9 =	vld [tilespmem:s11+$0xF0];
	_ =	sdelay $0x1  }
0x247: {  	v3 =	vmul.f32 v3, v8;
	v5 =	vmul.f32 v5, v8  }
0x248: {  	v4 =	vmul.f32 v4, v8;
	v6 =	vmul.f32 v6, v8  }
0x249: {  	v2 =	vmul.f32 v2, v8;
	[tilespmem:s11+$0x90] =	vst v3;
	v3 =	vmul.f32 v7, v8  }
0x24a: {  	v1 =	vmul.f32 v1, v8;
	[tilespmem:s11+$0xC0] =	vst v4;
	v4 =	vmul.f32 v9, v8  }
0x24b: {  	[tilespmem:s11+$0xD0] =	vst v3  }
0x24c: {  	[tilespmem:s11+$0xE0] =	vst v2  }
0x24d: {  	[tilespmem:s11+$0xF0] =	vst v4  }
0x24e: {  	s13 =	sshra.s32 s13, $0x2;
	[tilespmem:s11+$0x100] =	vst v1  }
0x24f: {  	[tilespmem:s11+$0xA0] =	vst v5  }
0x250: {  	v1 =	vld [tilespmem:s9+$0xFFFFFF60];
	[tilespmem:s11+$0xB0] =	vst v6;
	s11 =	smov.u32 s9  }
0x251: {  	v2 =	vld [tilespmem:s13+$0x250];
	_ =	sdelay $0x4  }
0x252: {  	v1 =	vadd.f32 v2, v1;
	_ =	sdelay $0x1  }
0x253: {  	v2 =	vmul.f32 $2.000000030e-01, v1  }
0x254: {  	vm0 =	vgt.f32 v1, $0.0e+00  }
0x255: {  	v1 =	vsel vm0, v1, v2  }
0x256: {  	v1 =	vmul.f32 $1.442695020e+00, v1;
	_ =	sdelay $0x1  }
0x257: {  	(erf) = vpow2.f32 v1;
	_ =	sdelay $0x3  }
0x258: {  	v1 =	vld [tilespmem:s9+$0xFFFFFF30]  }
0x259: {  	v2 =	vld [tilespmem:s9+$0xFFFFFF20]  }
0x25a: {  	v3 =	vld [tilespmem:s9+$0xFFFFFF10]  }
0x25b: {  	v4 =	vld [tilespmem:s9+$0xFFFFFEF0]  }
0x25c: {  	v5 =	vld [tilespmem:s9+$0xFFFFFF00]  }
0x25d: {  	v6 =	vld [tilespmem:s9+$0xFFFFFEE0];
	v7 =	vpop (erf)  }
0x25e: {  	[tilespmem:s9+$0xFFFFFF60] =	vst v7;
	v7 =	vperm.xlane v7, v0;
	v8 =	vld [tilespmem:s9+$0xFFFFFF50]  }
0x25f: {  	v9 =	vld [tilespmem:s9+$0xFFFFFF40]  }
0x260: {  	v4 =	vmul.f32 v4, v7;
	v3 =	vmul.f32 v3, v7  }
0x261: {  	v2 =	vmul.f32 v2, v7;
	v5 =	vmul.f32 v5, v7  }
0x262: {  	v1 =	vmul.f32 v1, v7;
	v6 =	vmul.f32 v6, v7;
	[tilespmem:s9+$0xFFFFFEF0] =	vst v4  }
0x263: {  	[tilespmem:s9+$0xFFFFFF00] =	vst v5;
	v4 =	vmul.f32 v8, v7  }
0x264: {  	[tilespmem:s9+$0xFFFFFF10] =	vst v3;
	v3 =	vmul.f32 v9, v7  }
0x265: {  	[tilespmem:s9+$0xFFFFFEE0] =	vst v6  }
0x266: {  	[tilespmem:s9+$0xFFFFFF50] =	vst v4  }
0x267: {  	[tilespmem:s9+$0xFFFFFF30] =	vst v1  }
0x268: {  	[tilespmem:s9+$0xFFFFFF40] =	vst v3  }
0x269: {  	[tilespmem:s9+$0xFFFFFF20] =	vst v2;
	v1 =	vld [tilespmem:s9+$0xFFFFFFF0]  }
0x26a: {  	v2 =	vld [tilespmem:s13+$0x260];
	_ =	sdelay $0x4  }
0x26b: {  	v1 =	vadd.f32 v2, v1;
	_ =	sdelay $0x1  }
0x26c: {  	v2 =	vmul.f32 $2.000000030e-01, v1  }
0x26d: {  	vm0 =	vgt.f32 v1, $0.0e+00  }
0x26e: {  	v1 =	vsel vm0, v1, v2  }
0x26f: {  	v1 =	vmul.f32 $1.442695020e+00, v1;
	_ =	sdelay $0x1  }
0x270: {  	(erf) = vpow2.f32 v1;
	_ =	sdelay $0x2  }
0x271: {  	v1 =	vld [tilespmem:s9+$0xFFFFFFE0]  }
0x272: {  	v2 =	vld [tilespmem:s9+$0xFFFFFFC0]  }
0x273: {  	v3 =	vld [tilespmem:s9+$0xFFFFFF90]  }
0x274: {  	v4 =	vld [tilespmem:s9+$0xFFFFFFA0]  }
0x275: {  	v5 =	vld [tilespmem:s9+$0xFFFFFF70]  }
0x276: {  	v6 =	vld [tilespmem:s9+$0xFFFFFF80]  }
0x277: {  	v7 =	vld [tilespmem:s9+$0xFFFFFFB0];
	v8 =	vpop (erf)  }
0x278: {  	[tilespmem:s9+$0xFFFFFFF0] =	vst v8;
	v8 =	vperm.xlane v8, v0;
	v9 =	vld [tilespmem:s9+$0xFFFFFFD0];
	_ =	sdelay $0x1  }
0x279: {  	v5 =	vmul.f32 v5, v8;
	v4 =	vmul.f32 v4, v8  }
0x27a: {  	v3 =	vmul.f32 v3, v8;
	v6 =	vmul.f32 v6, v8  }
0x27b: {  	v2 =	vmul.f32 v2, v8;
	[tilespmem:s9+$0xFFFFFF70] =	vst v5;
	v5 =	vmul.f32 v7, v8  }
0x27c: {  	v1 =	vmul.f32 v1, v8;
	[tilespmem:s9+$0xFFFFFF80] =	vst v6;
	v6 =	vmul.f32 v9, v8  }
0x27d: {  	[tilespmem:s9+$0xFFFFFFB0] =	vst v5  }
0x27e: {  	[tilespmem:s9+$0xFFFFFFE0] =	vst v1  }
0x27f: {  	[tilespmem:s9+$0xFFFFFF90] =	vst v3  }
0x280: {  	[tilespmem:s9+$0xFFFFFFA0] =	vst v4  }
0x281: {  	[tilespmem:s9+$0xFFFFFFD0] =	vst v6  }
0x282: {  	[tilespmem:s9+$0xFFFFFFC0] =	vst v2;
	v1 =	vld [tilespmem:s9+$0x80]  }
0x283: {  	v2 =	vld [tilespmem:s13+$0x270];
	_ =	sdelay $0x4  }
0x284: {  	v1 =	vadd.f32 v2, v1;
	_ =	sdelay $0x1  }
0x285: {  	v2 =	vmul.f32 $2.000000030e-01, v1  }
0x286: {  	vm0 =	vgt.f32 v1, $0.0e+00  }
0x287: {  	v1 =	vsel vm0, v1, v2  }
0x288: {  	v1 =	vmul.f32 $1.442695020e+00, v1;
	_ =	sdelay $0x1  }
0x289: {  	(erf) = vpow2.f32 v1;
	_ =	sdelay $0x2  }
0x28a: {  	v1 =	vld [tilespmem:s9+$0x70]  }
0x28b: {  	v2 =	vld [tilespmem:s9+$0x50]  }
0x28c: {  	v3 =	vld [tilespmem:s9+$0x30]  }
0x28d: {  	v4 =	vld [tilespmem:s9+$0x10]  }
0x28e: {  	v5 =	vld [tilespmem:s9+$0x0]  }
0x28f: {  	v6 =	vld [tilespmem:s9+$0x20]  }
0x290: {  	v7 =	vld [tilespmem:s9+$0x40];
	v8 =	vpop (erf)  }
0x291: {  	[tilespmem:s9+$0x80] =	vst v8;
	v8 =	vperm.xlane v8, v0;
	v9 =	vld [tilespmem:s9+$0x60];
	_ =	sdelay $0x1  }
0x292: {  	v5 =	vmul.f32 v5, v8;
	v4 =	vmul.f32 v4, v8  }
0x293: {  	v3 =	vmul.f32 v3, v8;
	v6 =	vmul.f32 v6, v8  }
0x294: {  	v2 =	vmul.f32 v2, v8;
	[tilespmem:s9+$0x0] =	vst v5;
	v5 =	vmul.f32 v7, v8  }
0x295: {  	v1 =	vmul.f32 v1, v8;
	[tilespmem:s9+$0x30] =	vst v3;
	v3 =	vmul.f32 v9, v8  }
0x296: {  	[tilespmem:s9+$0x40] =	vst v5  }
0x297: {  	[tilespmem:s9+$0x20] =	vst v6  }
.Ltmp5:
0x298: {  	[tilespmem:s9+$0x10] =	vst v4;
	(pc) =	sbr.rel @p0 .LBB2_10-.Ltmp5, $4  }
0x299: {  	[tilespmem:s9+$0x70] =	vst v1  }
0x29a: {  	[tilespmem:s9+$0x50] =	vst v2  }
0x29b: {  	[tilespmem:s9+$0x60] =	vst v3;
	v1 =	vld [tilespmem:s9+$0x110]  }
0x29c: {  	v2 =	vld [tilespmem:s13+$0x280]  }
0x29d: {  	_ =	sdelay $0x3  }
0x29e: {  	v1 =	vadd.f32 v2, v1;
	_ =	sdelay $0x1  }
0x29f: {  	v2 =	vmul.f32 $2.000000030e-01, v1  }
0x2a0: {  	vm0 =	vgt.f32 v1, $0.0e+00  }
0x2a1: {  	v1 =	vsel vm0, v1, v2  }
0x2a2: {  	v1 =	vmul.f32 $1.442695020e+00, v1;
	_ =	sdelay $0x1  }
0x2a3: {  	(erf) = vpow2.f32 v1;
	_ =	sdelay $0x6  }
0x2a4: {  	v3 =	vld [tilespmem:s11+$0x90]  }
0x2a5: {  	v4 =	vld [tilespmem:s11+$0xC0]  }
0x2a6: {  	v2 =	vld [tilespmem:s11+$0xE0];
	v6 =	vpop (erf)  }
0x2a7: {  	v7 =	vld [tilespmem:s11+$0xF0];
	[tilespmem:s11+$0x110] =	vst v6;
	v6 =	vperm.xlane v6, v0  }
0x2a8: {  	v1 =	vld [tilespmem:s11+$0x100]  }
0x2a9: {  	v5 =	vld [tilespmem:s11+$0xD0];
	v3 =	vmul.f32 v3, v6  }
0x2aa: {  	v8 =	vld [tilespmem:s11+$0xA0];
	v4 =	vmul.f32 v4, v6  }
0x2ab: {  	v9 =	vld [tilespmem:s11+$0xB0];
	v2 =	vmul.f32 v2, v6;
	[tilespmem:s11+$0x90] =	vst v3  }
0x2ac: {  	v63 =	vmul.f32 v7, v6;
	[tilespmem:s11+$0xC0] =	vst v4  }
0x2ad: {  	v1 =	vmul.f32 v1, v6;
	[tilespmem:s11+$0xE0] =	vst v2  }
0x2ae: {  	v3 =	vmul.f32 v5, v6;
	[tilespmem:s11+$0xF0] =	vst v63  }
0x2af: {  	v2 =	vmul.f32 v8, v6;
	[tilespmem:s11+$0x100] =	vst v1  }
0x2b0: {  	[tilespmem:s11+$0xD0] =	vst v3;
	v3 =	vmul.f32 v9, v6  }
0x2b1: {  	[tilespmem:s11+$0xA0] =	vst v2  }
0x2b2: {  	[tilespmem:s11+$0xB0] =	vst v3  }
0x2b3: {  	[spmem:s2] =	stream.indirect.scatter.add.f32 [tilespmem:s25], [sflag:$0x3], $0x90, s22, s22, $0xb8;
	[tilespmem:$0x1C610] =	vst v63  }
0x2b4: {  	_ =	swait.ge [sflag:s3], $0x2D00  }
0x2b5: {  	[sflag:s3] =	ssyncset.done $0x0  }
0x2b6: {  	[sflag:s3] =	ssyncadd.s32 $0xFFFFD300  }
0x2b7: {  	[bflag:$0x0] =	sbarrier.arrive $0xFFFF  }
0x2b8: {  	[hbm:s24], [sflag:s10] =	dma.local [spmem:s16], $0x2BF2  }
0x2b9: {  	_ =	swait.ge [sflag:s17], $0x2BF2  }
0x2ba: {  	s20 =	sadd.s32 $0x1, s20;
	s9 =	rddreg [dreg:$0x8]  }
0x2bb: {  	p0 =	sne.s32 s20, s9  }
.Ltmp6:
0x2bc: {  	_ = 	snop;
	(pc) =	sbr.rel @p0 .LBB2_1-.Ltmp6, $3  }
0x2bd: {  	_ =	sdelay $0x1  }
0x2be: {  	[sflag:s17] =	ssyncset.done $0x0  }
0x2bf: {  	[sflag:s17] =	ssyncadd.s32 $0xFFFFD40E  }
0x2c0: {  	_ =	sfence.sel $0x180000  }
0x2c1: {  	[bflag:$0x0] =	sbarrier.arrive $0xFFFF  }
0x2c2: {  	_ =	strace $0x90000047  }
0x2c3: {  	s0 =	stileid.u32;
	[bflag:$0x2] =	sbarrier.arrive $0xFFFF  }
0x2c4: {  	p0 =	sne.s32 s0, $0x0;
	s0 =	rddreg [dreg:$0x3]  }
0x2c5: {  	s0 =	sadd.s32 @!p0 $0x100000, s0  }
0x2c6: {  	[sflag:s0] =	ssyncadd.tile.s32 @!p0 $0x1;
	_ =	shalt  }
.Lfunc_end2:
_tile_overlayer_lowered:
.L_overlay_start_2:
0x2c7: {  	(tag) =	ssettag $0x2  }
0x2c8: {  	s0 =	rddreg [dreg:$0x0];
	s2 =	stileid.u32  }
0x2c9: {  	s1 =	rddreg [dreg:$0x1];
	p0 =	sne.s32 s2, $0x0  }
0x2ca: {  	s3 =	rddreg [dreg:$0x2];
	[bflag:$0x3] =	sbarrier.arrive $0xFFFF;
	s2 =	simm.s32 @!p0 $0x1C07  }
0x2cb: {  	[timem:s3], [sflag:s2] =	dma.local @!p0 [hbm:s0], s1  }
0x2cc: {  	s0 =	simm.s32 @!p0 $0x7  }
0x2cd: {  	_ =	swait.ge @!p0 [sflag:s0], s1  }
0x2ce: {  	s1 =	ssub.s32 @!p0 $0x0, s1;
	[sflag:s0] =	ssyncset.done @!p0 $0x0  }
0x2cf: {  	[sflag:s0] =	ssyncadd.s32 @!p0 s1  }
0x2d0: {  	[bflag:$0x3] =	sbarrier.arrive $0xFFFF  }
0x2d1: {  	_ =	shalt  }

</sc_bundles>
